<compile_context>
chip_gen: v7x
topology: tpu7x:2x2x1
jax: 0.10.2.dev20260603
libtpu: 0.0.44.dev20260713+nightly
codegen_flags: <defaults>
</compile_context>

<pallas_src>
import jax
import jax.numpy as jnp
from jax import lax
from jax.experimental import pallas as pl
from jax.experimental.pallas import tpu as pltpu
from jax.experimental.pallas import tpu_sc as plsc

VOCAB = 100000
HID = 768
B = 4
S = 4096
N = B * S
EPS = 1e-12

NC = 2
NS = 16
NW = NC * NS
TPW = N // NW
C = 32
NCH = TPW // C
HC = HID // 16

TB = 2048


def _sc_body(ids, pids, wtab, ptab, out,
             idx_v, pidx_v, xw0, xp0, xw1, xp1, obuf,
             semg0, semg1, semo):
    wid = lax.axis_index("s") * NC + lax.axis_index("c")
    base = pl.multiple_of(wid * TPW, TPW)
    pltpu.sync_copy(ids.at[pl.ds(base, TPW)], idx_v)
    pltpu.sync_copy(pids.at[pl.ds(base, TPW)], pidx_v)

    bufs = ((xw0, xp0, semg0), (xw1, xp1, semg1))

    def issue_gathers(g, xw, xp, semg):
        off = pl.multiple_of(g * C, C)
        pltpu.async_copy(wtab.at[idx_v.at[pl.ds(off, C)]], xw, semg)
        pltpu.async_copy(ptab.at[pidx_v.at[pl.ds(off, C)]], xp, semg)

    issue_gathers(0, xw0, xp0, semg0)

    def pair_body(i, carry):
        for par in (0, 1):
            g = i * 2 + par
            xw_c, xp_c, semg_c = bufs[par]
            xw_n, xp_n, semg_n = bufs[1 - par]

            @pl.when(g + 1 < NCH)
            def _():
                issue_gathers(g + 1, xw_n, xp_n, semg_n)

            pltpu.make_async_copy(wtab.at[pl.ds(0, C)], xw_c, semg_c).wait()
            pltpu.make_async_copy(wtab.at[pl.ds(0, C)], xp_c, semg_c).wait()

            @pl.when(g >= 1)
            def _():
                pltpu.make_async_copy(obuf, out.at[pl.ds(0, C)],
                                      semo).wait()

            off = pl.multiple_of(g * C, C)

            def sum_body(ti, carry2):
                for k in range(2):
                    t = ti * 2 + k
                    for q in range(HC // 2):
                        sla = pl.ds(q * 16, 16)
                        slb = pl.ds(HID // 2 + q * 16, 16)
                        a = xw_c[t, sla] + xp_c[t, sla]
                        b = xw_c[t, slb] + xp_c[t, slb]
                        ai = lax.bitcast_convert_type(a, jnp.int32)
                        bi = lax.bitcast_convert_type(b, jnp.int32)
                        wq = (lax.shift_right_logical(ai, 16)
                              | (bi & jnp.int32(-65536)))
                        obuf[t, pl.ds(q * 16, 16)] = wq
                return carry2

            lax.fori_loop(0, C // 2, sum_body, 0)
            pltpu.async_copy(obuf, out.at[pl.ds(base + off, C)], semo)
        return carry

    lax.fori_loop(0, NCH // 2, pair_body, 0)
    pltpu.make_async_copy(obuf, out.at[pl.ds(0, C)], semo).wait()


def _tc_ln_body(x_ref, tt_ref, ttab_ref, g_ref, b_ref, o_ref):
    w = x_ref[...]
    H2 = HID // 2
    xa = lax.bitcast_convert_type(w << 16, jnp.float32)
    xb = lax.bitcast_convert_type(w & jnp.int32(-65536), jnp.float32)
    mf = tt_ref[0, 0, :].astype(jnp.float32)[:, None]
    t0 = ttab_ref[0, :]
    d = ttab_ref[1, :] - t0
    xa = xa + t0[None, :H2] + mf * d[None, :H2]
    xb = xb + t0[None, H2:] + mf * d[None, H2:]
    mean = (jnp.sum(xa, axis=-1, keepdims=True)
            + jnp.sum(xb, axis=-1, keepdims=True)) * (1.0 / HID)
    xa = xa - mean
    xb = xb - mean
    var = (jnp.sum(xa * xa, axis=-1, keepdims=True)
           + jnp.sum(xb * xb, axis=-1, keepdims=True)) * (1.0 / HID)
    r = lax.rsqrt(var + EPS)
    g = g_ref[0, :]
    bb = b_ref[0, :]
    oa = xa * r * g[None, :H2] + bb[None, :H2]
    ob = xb * r * g[None, H2:] + bb[None, H2:]
    o_ref[...] = jnp.concatenate([oa, ob], axis=-1)


def kernel(input_ids, token_type_ids, turn_type_ids, word_table, type_table,
           pos_table, ln_gamma, ln_beta):
    ids = input_ids.reshape(-1)
    tts = token_type_ids.reshape(-1)
    pids = turn_type_ids.reshape(-1)

    mesh = plsc.VectorSubcoreMesh(core_axis_name="c", subcore_axis_name="s")
    sc = pl.kernel(
        _sc_body,
        out_type=jax.ShapeDtypeStruct((N, HID // 2), jnp.int32),
        mesh=mesh,
        scratch_types=[
            pltpu.VMEM((TPW,), jnp.int32),
            pltpu.VMEM((TPW,), jnp.int32),
            pltpu.VMEM((C, HID), jnp.float32),
            pltpu.VMEM((C, HID), jnp.float32),
            pltpu.VMEM((C, HID), jnp.float32),
            pltpu.VMEM((C, HID), jnp.float32),
            pltpu.VMEM((C, HID // 2), jnp.int32),
            pltpu.SemaphoreType.DMA,
            pltpu.SemaphoreType.DMA,
            pltpu.SemaphoreType.DMA,
        ],
    )
    x = sc(ids, pids, word_table, pos_table)

    nb = N // TB
    out = pl.pallas_call(
        _tc_ln_body,
        out_shape=jax.ShapeDtypeStruct((N, HID), jnp.float32),
        grid=(nb,),
        in_specs=[
            pl.BlockSpec((TB, HID // 2), lambda i: (i, 0)),
            pl.BlockSpec((1, 1, TB), lambda i: (i, 0, 0)),
            pl.BlockSpec((2, HID), lambda i: (0, 0)),
            pl.BlockSpec((1, HID), lambda i: (0, 0)),
            pl.BlockSpec((1, HID), lambda i: (0, 0)),
        ],
        out_specs=pl.BlockSpec((TB, HID), lambda i: (i, 0)),
    )(x, tts.reshape(nb, 1, TB), type_table, ln_gamma.reshape(1, HID),
      ln_beta.reshape(1, HID))
    return out.reshape(B, S, HID)

# --- scband reference (transcript-rebuilt; emitter-appended) ---
"""Pipeline reference for scband-bert-embedding-38843684225939 (READ-ONLY COPY).

The authoritative reference and input builder live on the scoring server;
editing this copy changes nothing except your own understanding.
"""

import jax, jax.numpy as jnp
import numpy as np

VOCAB = 100000
HIDDEN = 768
TYPE_VOCAB = 2
MAX_POS = 4096
B = 4
S = 4096
EPS = 1e-12


def setup_inputs(seed: int = 0) -> dict:
    key = jax.random.key(seed)
    k1, k2, k3, k4, k5, k6 = jax.random.split(key, 6)
    input_ids = jax.random.randint(k1, (B, S), 0, VOCAB, dtype=jnp.int64 if jax.config.jax_enable_x64 else jnp.int32).astype(jnp.int32)
    token_type_ids = jax.random.randint(k2, (B, S), 0, TYPE_VOCAB).astype(jnp.int32)
    turn_type_ids = jax.random.randint(k3, (B, S), 0, MAX_POS).astype(jnp.int32)
    word_table = jax.random.normal(k4, (VOCAB, HIDDEN), dtype=jnp.float32) * 0.02
    type_table = jax.random.normal(k5, (TYPE_VOCAB, HIDDEN), dtype=jnp.float32) * 0.02
    pos_table = jax.random.normal(k6, (MAX_POS, HIDDEN), dtype=jnp.float32) * 0.02
    ln_gamma = jnp.ones((HIDDEN,), dtype=jnp.float32)
    ln_beta = jnp.zeros((HIDDEN,), dtype=jnp.float32)
    return {
        "input_ids": input_ids,
        "token_type_ids": token_type_ids,
        "turn_type_ids": turn_type_ids,
        "word_table": word_table,
        "type_table": type_table,
        "pos_table": pos_table,
        "ln_gamma": ln_gamma,
        "ln_beta": ln_beta,
    }


def _layer_norm(x, gamma, beta, eps=EPS):
    mean = jnp.mean(x, axis=-1, keepdims=True)
    var = jnp.mean(jnp.square(x - mean), axis=-1, keepdims=True)
    xhat = (x - mean) / jnp.sqrt(var + eps)
    return xhat * gamma + beta


def reference(input_ids, token_type_ids, turn_type_ids, word_table, type_table, pos_table, ln_gamma, ln_beta):
    word_embeds = jnp.take(word_table, input_ids, axis=0)
    token_type_embeds = jnp.take(type_table, token_type_ids, axis=0)
    position_embed = jnp.take(pos_table, turn_type_ids, axis=0)
    embed_output = word_embeds + token_type_embeds + position_embed
    embed_output = _layer_norm(embed_output, ln_gamma, ln_beta)
    # dropout is identity in eval mode
    return embed_output

if __name__ == "__main__":
    import jax
    _d = setup_inputs()
    print(jax.jit(kernel)(*tuple(_d.values())))

</pallas_src>

<mosaic_0001>
#map = affine_map<(d0, d1) -> (0)>
#map1 = affine_map<(d0, d1) -> (0, 0)>
module attributes {stable_mosaic.version = 14 : i64} {
  func.func @_sc_body(%arg0: i32, %arg1: i32, %arg2: memref<16384xi32, #tpu.memory_space<hbm>>, %arg3: memref<16384xi32, #tpu.memory_space<hbm>>, %arg4: memref<100000x768xf32, #tpu.memory_space<hbm>>, %arg5: memref<4096x768xf32, #tpu.memory_space<hbm>>, %arg6: memref<16384x384xi32, #tpu.memory_space<hbm>>, %arg7: memref<512xi32, #tpu.memory_space<vmem>>, %arg8: memref<512xi32, #tpu.memory_space<vmem>>, %arg9: memref<32x768xf32, #tpu.memory_space<vmem>>, %arg10: memref<32x768xf32, #tpu.memory_space<vmem>>, %arg11: memref<32x768xf32, #tpu.memory_space<vmem>>, %arg12: memref<32x768xf32, #tpu.memory_space<vmem>>, %arg13: memref<32x384xi32, #tpu.memory_space<vmem>>, %arg14: memref<!tpu.dma_semaphore, #tpu.memory_space<semaphore_mem>>, %arg15: memref<!tpu.dma_semaphore, #tpu.memory_space<semaphore_mem>>, %arg16: memref<!tpu.dma_semaphore, #tpu.memory_space<semaphore_mem>>) attributes {dimension_semantics = [#tpu.dimension_semantics<core_parallel>, #tpu.dimension_semantics<subcore_parallel>], iteration_bounds = array<i64: 2, 16>, scalar_prefetch = 0 : i64, scratch_operands = 10 : i64, tpu.core_type = #tpu.core_type<sc_vector_subcore>, window_params = [{transform_indices = #map}, {transform_indices = #map}, {transform_indices = #map1}, {transform_indices = #map1}, {transform_indices = #map1}]} {
    %mul3A = arith.constant 2 : i32
    %mul3A_0 = arith.muli %arg1, %mul3A : i32
    %add3A = arith.addi %mul3A_0, %arg0 : i32
    %mul3A_1 = arith.constant 512 : i32
    %mul3A_2 = arith.muli %add3A, %mul3A_1 : i32
    %multiple_of3A = tpu.assume_multiple %mul3A_2, 512 : i32
    "tpu.region"() ({
      %run_scoped3A = tpu.sem_alloc : memref<!tpu.dma_semaphore, #tpu.memory_space<semaphore_mem>>
      %dma_start3A_22 = tpu.memref_slice %arg2[%multiple_of3A] : memref<16384xi32, #tpu.memory_space<hbm>> -> memref<512xi32, #tpu.memory_space<hbm>>
      %dma_start3A_23 = tpu.memref_slice %arg2[%multiple_of3A] : memref<16384xi32, #tpu.memory_space<hbm>> -> memref<512xi32, #tpu.memory_space<hbm>>
      tpu.enqueue_dma source(%dma_start3A_23 : memref<512xi32, #tpu.memory_space<hbm>>) target(%arg7 : memref<512xi32, #tpu.memory_space<vmem>>) target_semaphore(%run_scoped3A : memref<!tpu.dma_semaphore, #tpu.memory_space<semaphore_mem>>)
      %dma_wait3A_24 = tpu.memref_slice %arg2[%multiple_of3A] : memref<16384xi32, #tpu.memory_space<hbm>> -> memref<512xi32, #tpu.memory_space<hbm>>
      %dma_wait3A_25 = tpu.memref_slice %arg2[%multiple_of3A] : memref<16384xi32, #tpu.memory_space<hbm>> -> memref<512xi32, #tpu.memory_space<hbm>>
      tpu.wait_dma2 semaphore(%run_scoped3A : memref<!tpu.dma_semaphore, #tpu.memory_space<semaphore_mem>>) src(%dma_wait3A_25 : memref<512xi32, #tpu.memory_space<hbm>>) dst(%arg7 : memref<512xi32, #tpu.memory_space<vmem>>)
      tpu.yield
    }) : () -> ()
    "tpu.region"() ({
      %run_scoped3A = tpu.sem_alloc : memref<!tpu.dma_semaphore, #tpu.memory_space<semaphore_mem>>
      %dma_start3A_22 = tpu.memref_slice %arg3[%multiple_of3A] : memref<16384xi32, #tpu.memory_space<hbm>> -> memref<512xi32, #tpu.memory_space<hbm>>
      %dma_start3A_23 = tpu.memref_slice %arg3[%multiple_of3A] : memref<16384xi32, #tpu.memory_space<hbm>> -> memref<512xi32, #tpu.memory_space<hbm>>
      tpu.enqueue_dma source(%dma_start3A_23 : memref<512xi32, #tpu.memory_space<hbm>>) target(%arg8 : memref<512xi32, #tpu.memory_space<vmem>>) target_semaphore(%run_scoped3A : memref<!tpu.dma_semaphore, #tpu.memory_space<semaphore_mem>>)
      %dma_wait3A_24 = tpu.memref_slice %arg3[%multiple_of3A] : memref<16384xi32, #tpu.memory_space<hbm>> -> memref<512xi32, #tpu.memory_space<hbm>>
      %dma_wait3A_25 = tpu.memref_slice %arg3[%multiple_of3A] : memref<16384xi32, #tpu.memory_space<hbm>> -> memref<512xi32, #tpu.memory_space<hbm>>
      tpu.wait_dma2 semaphore(%run_scoped3A : memref<!tpu.dma_semaphore, #tpu.memory_space<semaphore_mem>>) src(%dma_wait3A_25 : memref<512xi32, #tpu.memory_space<hbm>>) dst(%arg8 : memref<512xi32, #tpu.memory_space<vmem>>)
      tpu.yield
    }) : () -> ()
    %multiple_of3A_3 = arith.constant 0 : i32
    %multiple_of3A_4 = tpu.assume_multiple %multiple_of3A_3, 32 : i32
    %dma_start3A = tpu.memref_slice %arg7[%multiple_of3A_4] : memref<512xi32, #tpu.memory_space<vmem>> -> memref<32xi32, #tpu.memory_space<vmem>>
    %dma_start3A_5 = arith.constant 0 : i32
    %dma_start3A_6 = arith.constant 0 : i32
    %dma_start3A_7 = tpu.memref_slice %arg4[%dma_start3A_5, %dma_start3A_6] : memref<100000x768xf32, #tpu.memory_space<hbm>> -> memref<100000x768xf32, #tpu.memory_space<hbm>>
    tpu.enqueue_indirect_dma source(%dma_start3A_7 : memref<100000x768xf32, #tpu.memory_space<hbm>>) target(%arg9 : memref<32x768xf32, #tpu.memory_space<vmem>>) offsets(%dma_start3A : memref<32xi32, #tpu.memory_space<vmem>>) semaphore(%arg14 : memref<!tpu.dma_semaphore, #tpu.memory_space<semaphore_mem>>)
    %dma_start3A_8 = tpu.memref_slice %arg8[%multiple_of3A_4] : memref<512xi32, #tpu.memory_space<vmem>> -> memref<32xi32, #tpu.memory_space<vmem>>
    %dma_start3A_9 = arith.constant 0 : i32
    %dma_start3A_10 = arith.constant 0 : i32
    %dma_start3A_11 = tpu.memref_slice %arg5[%dma_start3A_9, %dma_start3A_10] : memref<4096x768xf32, #tpu.memory_space<hbm>> -> memref<4096x768xf32, #tpu.memory_space<hbm>>
    tpu.enqueue_indirect_dma source(%dma_start3A_11 : memref<4096x768xf32, #tpu.memory_space<hbm>>) target(%arg10 : memref<32x768xf32, #tpu.memory_space<vmem>>) offsets(%dma_start3A_8 : memref<32xi32, #tpu.memory_space<vmem>>) semaphore(%arg14 : memref<!tpu.dma_semaphore, #tpu.memory_space<semaphore_mem>>)
    %scan3A = arith.constant 0 : i32
    %scan3A_12 = arith.constant 0 : i32
    %scan3A_13 = arith.constant 8 : i32
    %scan3A_14 = arith.addi %scan3A_12, %scan3A_13 : i32
    %scan3A_15 = arith.constant 1 : i32
    scf.for %scan3A_22 = %scan3A_12 to %scan3A_14 step %scan3A_15  : i32 {
      %mul3A_23 = arith.constant 2 : i32
      %mul3A_24 = arith.muli %scan3A_22, %mul3A_23 : i32
      %add3A_25 = arith.constant 0 : i32
      %add3A_26 = arith.addi %mul3A_24, %add3A_25 : i32
      %add3A_27 = arith.constant 1 : i32
      %add3A_28 = arith.addi %add3A_26, %add3A_27 : i32
      %lt3A = arith.constant 16 : i32
      %lt3A_29 = arith.cmpi slt, %add3A_28, %lt3A : i32
      %convert_element_type3A = arith.extui %lt3A_29 : i1 to i32
      %cond3A = arith.constant 0 : i32
      %cond3A_30 = arith.cmpi ne, %convert_element_type3A, %cond3A : i32
      scf.if %cond3A_30 {
        %add3A_103 = arith.constant 1 : i32
        %add3A_104 = arith.addi %add3A_26, %add3A_103 : i32
        %mul3A_105 = arith.constant 32 : i32
        %mul3A_106 = arith.muli %add3A_104, %mul3A_105 : i32
        %multiple_of3A_107 = tpu.assume_multiple %mul3A_106, 32 : i32
        %dma_start3A_108 = tpu.memref_slice %arg7[%multiple_of3A_107] : memref<512xi32, #tpu.memory_space<vmem>> -> memref<32xi32, #tpu.memory_space<vmem>>
        %dma_start3A_109 = arith.constant 0 : i32
        %dma_start3A_110 = arith.constant 0 : i32
        %dma_start3A_111 = tpu.memref_slice %arg4[%dma_start3A_109, %dma_start3A_110] : memref<100000x768xf32, #tpu.memory_space<hbm>> -> memref<100000x768xf32, #tpu.memory_space<hbm>>
        tpu.enqueue_indirect_dma source(%dma_start3A_111 : memref<100000x768xf32, #tpu.memory_space<hbm>>) target(%arg11 : memref<32x768xf32, #tpu.memory_space<vmem>>) offsets(%dma_start3A_108 : memref<32xi32, #tpu.memory_space<vmem>>) semaphore(%arg15 : memref<!tpu.dma_semaphore, #tpu.memory_space<semaphore_mem>>)
        %dma_start3A_112 = tpu.memref_slice %arg8[%multiple_of3A_107] : memref<512xi32, #tpu.memory_space<vmem>> -> memref<32xi32, #tpu.memory_space<vmem>>
        %dma_start3A_113 = arith.constant 0 : i32
        %dma_start3A_114 = arith.constant 0 : i32
        %dma_start3A_115 = tpu.memref_slice %arg5[%dma_start3A_113, %dma_start3A_114] : memref<4096x768xf32, #tpu.memory_space<hbm>> -> memref<4096x768xf32, #tpu.memory_space<hbm>>
        tpu.enqueue_indirect_dma source(%dma_start3A_115 : memref<4096x768xf32, #tpu.memory_space<hbm>>) target(%arg12 : memref<32x768xf32, #tpu.memory_space<vmem>>) offsets(%dma_start3A_112 : memref<32xi32, #tpu.memory_space<vmem>>) semaphore(%arg15 : memref<!tpu.dma_semaphore, #tpu.memory_space<semaphore_mem>>)
      } else {
      }
      %dma_wait3A_31 = arith.constant 0 : i32
      %dma_wait3A_32 = arith.constant 0 : i32
      %dma_wait3A_33 = tpu.memref_slice %arg4[%dma_wait3A_31, %dma_wait3A_32] : memref<100000x768xf32, #tpu.memory_space<hbm>> -> memref<32x768xf32, #tpu.memory_space<hbm>>
      %dma_wait3A_34 = arith.constant 0 : i32
      %dma_wait3A_35 = arith.constant 0 : i32
      %dma_wait3A_36 = tpu.memref_slice %arg4[%dma_wait3A_34, %dma_wait3A_35] : memref<100000x768xf32, #tpu.memory_space<hbm>> -> memref<32x768xf32, #tpu.memory_space<hbm>>
      tpu.wait_dma2 semaphore(%arg14 : memref<!tpu.dma_semaphore, #tpu.memory_space<semaphore_mem>>) src(%dma_wait3A_36 : memref<32x768xf32, #tpu.memory_space<hbm>>) dst(%arg9 : memref<32x768xf32, #tpu.memory_space<vmem>>)
      %dma_wait3A_37 = arith.constant 0 : i32
      %dma_wait3A_38 = arith.constant 0 : i32
      %dma_wait3A_39 = tpu.memref_slice %arg4[%dma_wait3A_37, %dma_wait3A_38] : memref<100000x768xf32, #tpu.memory_space<hbm>> -> memref<32x768xf32, #tpu.memory_space<hbm>>
      %dma_wait3A_40 = arith.constant 0 : i32
      %dma_wait3A_41 = arith.constant 0 : i32
      %dma_wait3A_42 = tpu.memref_slice %arg4[%dma_wait3A_40, %dma_wait3A_41] : memref<100000x768xf32, #tpu.memory_space<hbm>> -> memref<32x768xf32, #tpu.memory_space<hbm>>
      tpu.wait_dma2 semaphore(%arg14 : memref<!tpu.dma_semaphore, #tpu.memory_space<semaphore_mem>>) src(%dma_wait3A_42 : memref<32x768xf32, #tpu.memory_space<hbm>>) dst(%arg10 : memref<32x768xf32, #tpu.memory_space<vmem>>)
      %ge3A = arith.constant 1 : i32
      %ge3A_43 = arith.cmpi sge, %add3A_26, %ge3A : i32
      %convert_element_type3A_44 = arith.extui %ge3A_43 : i1 to i32
      %cond3A_45 = arith.constant 0 : i32
      %cond3A_46 = arith.cmpi ne, %convert_element_type3A_44, %cond3A_45 : i32
      scf.if %cond3A_46 {
        %dma_wait3A_103 = arith.constant 0 : i32
        %dma_wait3A_104 = arith.constant 0 : i32
        %dma_wait3A_105 = tpu.memref_slice %arg6[%dma_wait3A_103, %dma_wait3A_104] : memref<16384x384xi32, #tpu.memory_space<hbm>> -> memref<32x384xi32, #tpu.memory_space<hbm>>
        %dma_wait3A_106 = arith.constant 0 : i32
        %dma_wait3A_107 = arith.constant 0 : i32
        %dma_wait3A_108 = tpu.memref_slice %arg6[%dma_wait3A_106, %dma_wait3A_107] : memref<16384x384xi32, #tpu.memory_space<hbm>> -> memref<32x384xi32, #tpu.memory_space<hbm>>
        tpu.wait_dma2 semaphore(%arg16 : memref<!tpu.dma_semaphore, #tpu.memory_space<semaphore_mem>>) src(%arg13 : memref<32x384xi32, #tpu.memory_space<vmem>>) dst(%dma_wait3A_108 : memref<32x384xi32, #tpu.memory_space<hbm>>)
      } else {
      }
      %mul3A_47 = arith.constant 32 : i32
      %mul3A_48 = arith.muli %add3A_26, %mul3A_47 : i32
      %multiple_of3A_49 = tpu.assume_multiple %mul3A_48, 32 : i32
      %scan3A_50 = arith.constant 0 : i32
      %scan3A_51 = arith.constant 0 : i32
      %scan3A_52 = arith.constant 16 : i32
      %scan3A_53 = arith.addi %scan3A_51, %scan3A_52 : i32
      %scan3A_54 = arith.constant 1 : i32
      scf.for %scan3A_103 = %scan3A_51 to %scan3A_53 step %scan3A_54  : i32 {
        %mul3A_104 = arith.constant 2 : i32
        %mul3A_105 = arith.muli %scan3A_103, %mul3A_104 : i32
        %add3A_106 = arith.constant 0 : i32
        %add3A_107 = arith.addi %mul3A_105, %add3A_106 : i32
        %get3A = arith.index_cast %add3A_107 : i32 to index
        %get3A_108 = arith.constant 0 : index
        %get3A_109 = tpu.vector_load %arg9[%get3A, %get3A_108] {strides = array<i32>} : memref<32x768xf32, #tpu.memory_space<vmem>>, vector<1x16xf32>,
        %get3A_110 = vector.shape_cast %get3A_109 : vector<1x16xf32> to vector<16xf32>
        %get3A_111 = arith.index_cast %add3A_107 : i32 to index
        %get3A_112 = arith.constant 0 : index
        %get3A_113 = tpu.vector_load %arg10[%get3A_111, %get3A_112] {strides = array<i32>} : memref<32x768xf32, #tpu.memory_space<vmem>>, vector<1x16xf32>,
        %get3A_114 = vector.shape_cast %get3A_113 : vector<1x16xf32> to vector<16xf32>
        %add3A_115 = arith.addf %get3A_110, %get3A_114 : vector<16xf32>
        %get3A_116 = arith.index_cast %add3A_107 : i32 to index
        %get3A_117 = arith.constant 384 : index
        %get3A_118 = tpu.vector_load %arg9[%get3A_116, %get3A_117] {strides = array<i32>} : memref<32x768xf32, #tpu.memory_space<vmem>>, vector<1x16xf32>,
        %get3A_119 = vector.shape_cast %get3A_118 : vector<1x16xf32> to vector<16xf32>
        %get3A_120 = arith.index_cast %add3A_107 : i32 to index
        %get3A_121 = arith.constant 384 : index
        %get3A_122 = tpu.vector_load %arg10[%get3A_120, %get3A_121] {strides = array<i32>} : memref<32x768xf32, #tpu.memory_space<vmem>>, vector<1x16xf32>,
        %get3A_123 = vector.shape_cast %get3A_122 : vector<1x16xf32> to vector<16xf32>
        %add3A_124 = arith.addf %get3A_119, %get3A_123 : vector<16xf32>
        %bitcast_convert_type3A = tpu.bitcast %add3A_115 : vector<16xf32> -> vector<16xi32>
        %bitcast_convert_type3A_125 = tpu.bitcast %add3A_124 : vector<16xf32> -> vector<16xi32>
        %shift_right_logical3A = arith.constant 16 : i32
        %shift_right_logical3A_126 = vector.broadcast %shift_right_logical3A : i32 to vector<16xi32>
        %shift_right_logical3A_127 = arith.shrui %bitcast_convert_type3A, %shift_right_logical3A_126 : vector<16xi32>
        %and3A = arith.constant -65536 : i32
        %and3A_128 = vector.broadcast %and3A : i32 to vector<16xi32>
        %and3A_129 = arith.andi %bitcast_convert_type3A_125, %and3A_128 : vector<16xi32>
        %or3A = arith.ori %shift_right_logical3A_127, %and3A_129 : vector<16xi32>
        %swap3A = arith.index_cast %add3A_107 : i32 to index
        %swap3A_130 = arith.constant 0 : index
        %swap3A_131 = tpu.vector_load %arg13[%swap3A, %swap3A_130] {strides = array<i32>} : memref<32x384xi32, #tpu.memory_space<vmem>>, vector<1x16xi32>,
        %swap3A_132 = vector.shape_cast %swap3A_131 : vector<1x16xi32> to vector<16xi32>
        %swap3A_133 = vector.shape_cast %or3A : vector<16xi32> to vector<1x16xi32>
        tpu.vector_store %arg13[%swap3A, %swap3A_130], %swap3A_133 {strides = array<i32>} : memref<32x384xi32, #tpu.memory_space<vmem>>, vector<1x16xi32>,
        %get3A_134 = arith.index_cast %add3A_107 : i32 to index
        %get3A_135 = arith.constant 16 : index
        %get3A_136 = tpu.vector_load %arg9[%get3A_134, %get3A_135] {strides = array<i32>} : memref<32x768xf32, #tpu.memory_space<vmem>>, vector<1x16xf32>,
        %get3A_137 = vector.shape_cast %get3A_136 : vector<1x16xf32> to vector<16xf32>
        %get3A_138 = arith.index_cast %add3A_107 : i32 to index
        %get3A_139 = arith.constant 16 : index
        %get3A_140 = tpu.vector_load %arg10[%get3A_138, %get3A_139] {strides = array<i32>} : memref<32x768xf32, #tpu.memory_space<vmem>>, vector<1x16xf32>,
        %get3A_141 = vector.shape_cast %get3A_140 : vector<1x16xf32> to vector<16xf32>
        %add3A_142 = arith.addf %get3A_137, %get3A_141 : vector<16xf32>
        %get3A_143 = arith.index_cast %add3A_107 : i32 to index
        %get3A_144 = arith.constant 400 : index
        %get3A_145 = tpu.vector_load %arg9[%get3A_143, %get3A_144] {strides = array<i32>} : memref<32x768xf32, #tpu.memory_space<vmem>>, vector<1x16xf32>,
        %get3A_146 = vector.shape_cast %get3A_145 : vector<1x16xf32> to vector<16xf32>
        %get3A_147 = arith.index_cast %add3A_107 : i32 to index
        %get3A_148 = arith.constant 400 : index
        %get3A_149 = tpu.vector_load %arg10[%get3A_147, %get3A_148] {strides = array<i32>} : memref<32x768xf32, #tpu.memory_space<vmem>>, vector<1x16xf32>,
        %get3A_150 = vector.shape_cast %get3A_149 : vector<1x16xf32> to vector<16xf32>
        %add3A_151 = arith.addf %get3A_146, %get3A_150 : vector<16xf32>
        %bitcast_convert_type3A_152 = tpu.bitcast %add3A_142 : vector<16xf32> -> vector<16xi32>
        %bitcast_convert_type3A_153 = tpu.bitcast %add3A_151 : vector<16xf32> -> vector<16xi32>
        %shift_right_logical3A_154 = arith.constant 16 : i32
        %shift_right_logical3A_155 = vector.broadcast %shift_right_logical3A_154 : i32 to vector<16xi32>
        %shift_right_logical3A_156 = arith.shrui %bitcast_convert_type3A_152, %shift_right_logical3A_155 : vector<16xi32>
        %and3A_157 = arith.constant -65536 : i32
        %and3A_158 = vector.broadcast %and3A_157 : i32 to vector<16xi32>
        %and3A_159 = arith.andi %bitcast_convert_type3A_153, %and3A_158 : vector<16xi32>
        %or3A_160 = arith.ori %shift_right_logical3A_156, %and3A_159 : vector<16xi32>
        %swap3A_161 = arith.index_cast %add3A_107 : i32 to index
        %swap3A_162 = arith.constant 16 : index
        %swap3A_163 = tpu.vector_load %arg13[%swap3A_161, %swap3A_162] {strides = array<i32>} : memref<32x384xi32, #tpu.memory_space<vmem>>, vector<1x16xi32>,
        %swap3A_164 = vector.shape_cast %swap3A_163 : vector<1x16xi32> to vector<16xi32>
        %swap3A_165 = vector.shape_cast %or3A_160 : vector<16xi32> to vector<1x16xi32>
        tpu.vector_store %arg13[%swap3A_161, %swap3A_162], %swap3A_165 {strides = array<i32>} : memref<32x384xi32, #tpu.memory_space<vmem>>, vector<1x16xi32>,
        %get3A_166 = arith.index_cast %add3A_107 : i32 to index
        %get3A_167 = arith.constant 32 : index
        %get3A_168 = tpu.vector_load %arg9[%get3A_166, %get3A_167] {strides = array<i32>} : memref<32x768xf32, #tpu.memory_space<vmem>>, vector<1x16xf32>,
        %get3A_169 = vector.shape_cast %get3A_168 : vector<1x16xf32> to vector<16xf32>
        %get3A_170 = arith.index_cast %add3A_107 : i32 to index
        %get3A_171 = arith.constant 32 : index
        %get3A_172 = tpu.vector_load %arg10[%get3A_170, %get3A_171] {strides = array<i32>} : memref<32x768xf32, #tpu.memory_space<vmem>>, vector<1x16xf32>,
        %get3A_173 = vector.shape_cast %get3A_172 : vector<1x16xf32> to vector<16xf32>
        %add3A_174 = arith.addf %get3A_169, %get3A_173 : vector<16xf32>
        %get3A_175 = arith.index_cast %add3A_107 : i32 to index
        %get3A_176 = arith.constant 416 : index
        %get3A_177 = tpu.vector_load %arg9[%get3A_175, %get3A_176] {strides = array<i32>} : memref<32x768xf32, #tpu.memory_space<vmem>>, vector<1x16xf32>,
        %get3A_178 = vector.shape_cast %get3A_177 : vector<1x16xf32> to vector<16xf32>
        %get3A_179 = arith.index_cast %add3A_107 : i32 to index
        %get3A_180 = arith.constant 416 : index
        %get3A_181 = tpu.vector_load %arg10[%get3A_179, %get3A_180] {strides = array<i32>} : memref<32x768xf32, #tpu.memory_space<vmem>>, vector<1x16xf32>,
        %get3A_182 = vector.shape_cast %get3A_181 : vector<1x16xf32> to vector<16xf32>
        %add3A_183 = arith.addf %get3A_178, %get3A_182 : vector<16xf32>
        %bitcast_convert_type3A_184 = tpu.bitcast %add3A_174 : vector<16xf32> -> vector<16xi32>
        %bitcast_convert_type3A_185 = tpu.bitcast %add3A_183 : vector<16xf32> -> vector<16xi32>
        %shift_right_logical3A_186 = arith.constant 16 : i32
        %shift_right_logical3A_187 = vector.broadcast %shift_right_logical3A_186 : i32 to vector<16xi32>
        %shift_right_logical3A_188 = arith.shrui %bitcast_convert_type3A_184, %shift_right_logical3A_187 : vector<16xi32>
        %and3A_189 = arith.constant -65536 : i32
        %and3A_190 = vector.broadcast %and3A_189 : i32 to vector<16xi32>
        %and3A_191 = arith.andi %bitcast_convert_type3A_185, %and3A_190 : vector<16xi32>
        %or3A_192 = arith.ori %shift_right_logical3A_188, %and3A_191 : vector<16xi32>
        %swap3A_193 = arith.index_cast %add3A_107 : i32 to index
        %swap3A_194 = arith.constant 32 : index
        %swap3A_195 = tpu.vector_load %arg13[%swap3A_193, %swap3A_194] {strides = array<i32>} : memref<32x384xi32, #tpu.memory_space<vmem>>, vector<1x16xi32>,
        %swap3A_196 = vector.shape_cast %swap3A_195 : vector<1x16xi32> to vector<16xi32>
        %swap3A_197 = vector.shape_cast %or3A_192 : vector<16xi32> to vector<1x16xi32>
        tpu.vector_store %arg13[%swap3A_193, %swap3A_194], %swap3A_197 {strides = array<i32>} : memref<32x384xi32, #tpu.memory_space<vmem>>, vector<1x16xi32>,
        %get3A_198 = arith.index_cast %add3A_107 : i32 to index
        %get3A_199 = arith.constant 48 : index
        %get3A_200 = tpu.vector_load %arg9[%get3A_198, %get3A_199] {strides = array<i32>} : memref<32x768xf32, #tpu.memory_space<vmem>>, vector<1x16xf32>,
        %get3A_201 = vector.shape_cast %get3A_200 : vector<1x16xf32> to vector<16xf32>
        %get3A_202 = arith.index_cast %add3A_107 : i32 to index
        %get3A_203 = arith.constant 48 : index
        %get3A_204 = tpu.vector_load %arg10[%get3A_202, %get3A_203] {strides = array<i32>} : memref<32x768xf32, #tpu.memory_space<vmem>>, vector<1x16xf32>,
        %get3A_205 = vector.shape_cast %get3A_204 : vector<1x16xf32> to vector<16xf32>
        %add3A_206 = arith.addf %get3A_201, %get3A_205 : vector<16xf32>
        %get3A_207 = arith.index_cast %add3A_107 : i32 to index
        %get3A_208 = arith.constant 432 : index
        %get3A_209 = tpu.vector_load %arg9[%get3A_207, %get3A_208] {strides = array<i32>} : memref<32x768xf32, #tpu.memory_space<vmem>>, vector<1x16xf32>,
        %get3A_210 = vector.shape_cast %get3A_209 : vector<1x16xf32> to vector<16xf32>
        %get3A_211 = arith.index_cast %add3A_107 : i32 to index
        %get3A_212 = arith.constant 432 : index
        %get3A_213 = tpu.vector_load %arg10[%get3A_211, %get3A_212] {strides = array<i32>} : memref<32x768xf32, #tpu.memory_space<vmem>>, vector<1x16xf32>,
        %get3A_214 = vector.shape_cast %get3A_213 : vector<1x16xf32> to vector<16xf32>
        %add3A_215 = arith.addf %get3A_210, %get3A_214 : vector<16xf32>
        %bitcast_convert_type3A_216 = tpu.bitcast %add3A_206 : vector<16xf32> -> vector<16xi32>
        %bitcast_convert_type3A_217 = tpu.bitcast %add3A_215 : vector<16xf32> -> vector<16xi32>
        %shift_right_logical3A_218 = arith.constant 16 : i32
        %shift_right_logical3A_219 = vector.broadcast %shift_right_logical3A_218 : i32 to vector<16xi32>
        %shift_right_logical3A_220 = arith.shrui %bitcast_convert_type3A_216, %shift_right_logical3A_219 : vector<16xi32>
        %and3A_221 = arith.constant -65536 : i32
        %and3A_222 = vector.broadcast %and3A_221 : i32 to vector<16xi32>
        %and3A_223 = arith.andi %bitcast_convert_type3A_217, %and3A_222 : vector<16xi32>
        %or3A_224 = arith.ori %shift_right_logical3A_220, %and3A_223 : vector<16xi32>
        %swap3A_225 = arith.index_cast %add3A_107 : i32 to index
        %swap3A_226 = arith.constant 48 : index
        %swap3A_227 = tpu.vector_load %arg13[%swap3A_225, %swap3A_226] {strides = array<i32>} : memref<32x384xi32, #tpu.memory_space<vmem>>, vector<1x16xi32>,
        %swap3A_228 = vector.shape_cast %swap3A_227 : vector<1x16xi32> to vector<16xi32>
        %swap3A_229 = vector.shape_cast %or3A_224 : vector<16xi32> to vector<1x16xi32>
        tpu.vector_store %arg13[%swap3A_225, %swap3A_226], %swap3A_229 {strides = array<i32>} : memref<32x384xi32, #tpu.memory_space<vmem>>, vector<1x16xi32>,
        %get3A_230 = arith.index_cast %add3A_107 : i32 to index
        %get3A_231 = arith.constant 64 : index
        %get3A_232 = tpu.vector_load %arg9[%get3A_230, %get3A_231] {strides = array<i32>} : memref<32x768xf32, #tpu.memory_space<vmem>>, vector<1x16xf32>,
        %get3A_233 = vector.shape_cast %get3A_232 : vector<1x16xf32> to vector<16xf32>
        %get3A_234 = arith.index_cast %add3A_107 : i32 to index
        %get3A_235 = arith.constant 64 : index
        %get3A_236 = tpu.vector_load %arg10[%get3A_234, %get3A_235] {strides = array<i32>} : memref<32x768xf32, #tpu.memory_space<vmem>>, vector<1x16xf32>,
        %get3A_237 = vector.shape_cast %get3A_236 : vector<1x16xf32> to vector<16xf32>
        %add3A_238 = arith.addf %get3A_233, %get3A_237 : vector<16xf32>
        %get3A_239 = arith.index_cast %add3A_107 : i32 to index
        %get3A_240 = arith.constant 448 : index
        %get3A_241 = tpu.vector_load %arg9[%get3A_239, %get3A_240] {strides = array<i32>} : memref<32x768xf32, #tpu.memory_space<vmem>>, vector<1x16xf32>,
        %get3A_242 = vector.shape_cast %get3A_241 : vector<1x16xf32> to vector<16xf32>
        %get3A_243 = arith.index_cast %add3A_107 : i32 to index
        %get3A_244 = arith.constant 448 : index
        %get3A_245 = tpu.vector_load %arg10[%get3A_243, %get3A_244] {strides = array<i32>} : memref<32x768xf32, #tpu.memory_space<vmem>>, vector<1x16xf32>,
        %get3A_246 = vector.shape_cast %get3A_245 : vector<1x16xf32> to vector<16xf32>
        %add3A_247 = arith.addf %get3A_242, %get3A_246 : vector<16xf32>
        %bitcast_convert_type3A_248 = tpu.bitcast %add3A_238 : vector<16xf32> -> vector<16xi32>
        %bitcast_convert_type3A_249 = tpu.bitcast %add3A_247 : vector<16xf32> -> vector<16xi32>
        %shift_right_logical3A_250 = arith.constant 16 : i32
        %shift_right_logical3A_251 = vector.broadcast %shift_right_logical3A_250 : i32 to vector<16xi32>
        %shift_right_logical3A_252 = arith.shrui %bitcast_convert_type3A_248, %shift_right_logical3A_251 : vector<16xi32>
        %and3A_253 = arith.constant -65536 : i32
        %and3A_254 = vector.broadcast %and3A_253 : i32 to vector<16xi32>
        %and3A_255 = arith.andi %bitcast_convert_type3A_249, %and3A_254 : vector<16xi32>
        %or3A_256 = arith.ori %shift_right_logical3A_252, %and3A_255 : vector<16xi32>
        %swap3A_257 = arith.index_cast %add3A_107 : i32 to index
        %swap3A_258 = arith.constant 64 : index
        %swap3A_259 = tpu.vector_load %arg13[%swap3A_257, %swap3A_258] {strides = array<i32>} : memref<32x384xi32, #tpu.memory_space<vmem>>, vector<1x16xi32>,
        %swap3A_260 = vector.shape_cast %swap3A_259 : vector<1x16xi32> to vector<16xi32>
        %swap3A_261 = vector.shape_cast %or3A_256 : vector<16xi32> to vector<1x16xi32>
        tpu.vector_store %arg13[%swap3A_257, %swap3A_258], %swap3A_261 {strides = array<i32>} : memref<32x384xi32, #tpu.memory_space<vmem>>, vector<1x16xi32>,
        %get3A_262 = arith.index_cast %add3A_107 : i32 to index
        %get3A_263 = arith.constant 80 : index
        %get3A_264 = tpu.vector_load %arg9[%get3A_262, %get3A_263] {strides = array<i32>} : memref<32x768xf32, #tpu.memory_space<vmem>>, vector<1x16xf32>,
        %get3A_265 = vector.shape_cast %get3A_264 : vector<1x16xf32> to vector<16xf32>
        %get3A_266 = arith.index_cast %add3A_107 : i32 to index
        %get3A_267 = arith.constant 80 : index
        %get3A_268 = tpu.vector_load %arg10[%get3A_266, %get3A_267] {strides = array<i32>} : memref<32x768xf32, #tpu.memory_space<vmem>>, vector<1x16xf32>,
        %get3A_269 = vector.shape_cast %get3A_268 : vector<1x16xf32> to vector<16xf32>
        %add3A_270 = arith.addf %get3A_265, %get3A_269 : vector<16xf32>
        %get3A_271 = arith.index_cast %add3A_107 : i32 to index
        %get3A_272 = arith.constant 464 : index
        %get3A_273 = tpu.vector_load %arg9[%get3A_271, %get3A_272] {strides = array<i32>} : memref<32x768xf32, #tpu.memory_space<vmem>>, vector<1x16xf32>,
        %get3A_274 = vector.shape_cast %get3A_273 : vector<1x16xf32> to vector<16xf32>
        %get3A_275 = arith.index_cast %add3A_107 : i32 to index
        %get3A_276 = arith.constant 464 : index
        %get3A_277 = tpu.vector_load %arg10[%get3A_275, %get3A_276] {strides = array<i32>} : memref<32x768xf32, #tpu.memory_space<vmem>>, vector<1x16xf32>,
        %get3A_278 = vector.shape_cast %get3A_277 : vector<1x16xf32> to vector<16xf32>
        %add3A_279 = arith.addf %get3A_274, %get3A_278 : vector<16xf32>
        %bitcast_convert_type3A_280 = tpu.bitcast %add3A_270 : vector<16xf32> -> vector<16xi32>
        %bitcast_convert_type3A_281 = tpu.bitcast %add3A_279 : vector<16xf32> -> vector<16xi32>
        %shift_right_logical3A_282 = arith.constant 16 : i32
        %shift_right_logical3A_283 = vector.broadcast %shift_right_logical3A_282 : i32 to vector<16xi32>
        %shift_right_logical3A_284 = arith.shrui %bitcast_convert_type3A_280, %shift_right_logical3A_283 : vector<16xi32>
        %and3A_285 = arith.constant -65536 : i32
        %and3A_286 = vector.broadcast %and3A_285 : i32 to vector<16xi32>
        %and3A_287 = arith.andi %bitcast_convert_type3A_281, %and3A_286 : vector<16xi32>
        %or3A_288 = arith.ori %shift_right_logical3A_284, %and3A_287 : vector<16xi32>
        %swap3A_289 = arith.index_cast %add3A_107 : i32 to index
        %swap3A_290 = arith.constant 80 : index
        %swap3A_291 = tpu.vector_load %arg13[%swap3A_289, %swap3A_290] {strides = array<i32>} : memref<32x384xi32, #tpu.memory_space<vmem>>, vector<1x16xi32>,
        %swap3A_292 = vector.shape_cast %swap3A_291 : vector<1x16xi32> to vector<16xi32>
        %swap3A_293 = vector.shape_cast %or3A_288 : vector<16xi32> to vector<1x16xi32>
        tpu.vector_store %arg13[%swap3A_289, %swap3A_290], %swap3A_293 {strides = array<i32>} : memref<32x384xi32, #tpu.memory_space<vmem>>, vector<1x16xi32>,
        %get3A_294 = arith.index_cast %add3A_107 : i32 to index
        %get3A_295 = arith.constant 96 : index
        %get3A_296 = tpu.vector_load %arg9[%get3A_294, %get3A_295] {strides = array<i32>} : memref<32x768xf32, #tpu.memory_space<vmem>>, vector<1x16xf32>,
        %get3A_297 = vector.shape_cast %get3A_296 : vector<1x16xf32> to vector<16xf32>
        %get3A_298 = arith.index_cast %add3A_107 : i32 to index
        %get3A_299 = arith.constant 96 : index
        %get3A_300 = tpu.vector_load %arg10[%get3A_298, %get3A_299] {strides = array<i32>} : memref<32x768xf32, #tpu.memory_space<vmem>>, vector<1x16xf32>,
        %get3A_301 = vector.shape_cast %get3A_300 : vector<1x16xf32> to vector<16xf32>
        %add3A_302 = arith.addf %get3A_297, %get3A_301 : vector<16xf32>
        %get3A_303 = arith.index_cast %add3A_107 : i32 to index
        %get3A_304 = arith.constant 480 : index
        %get3A_305 = tpu.vector_load %arg9[%get3A_303, %get3A_304] {strides = array<i32>} : memref<32x768xf32, #tpu.memory_space<vmem>>, vector<1x16xf32>,
        %get3A_306 = vector.shape_cast %get3A_305 : vector<1x16xf32> to vector<16xf32>
        %get3A_307 = arith.index_cast %add3A_107 : i32 to index
        %get3A_308 = arith.constant 480 : index
        %get3A_309 = tpu.vector_load %arg10[%get3A_307, %get3A_308] {strides = array<i32>} : memref<32x768xf32, #tpu.memory_space<vmem>>, vector<1x16xf32>,
        %get3A_310 = vector.shape_cast %get3A_309 : vector<1x16xf32> to vector<16xf32>
        %add3A_311 = arith.addf %get3A_306, %get3A_310 : vector<16xf32>
        %bitcast_convert_type3A_312 = tpu.bitcast %add3A_302 : vector<16xf32> -> vector<16xi32>
        %bitcast_convert_type3A_313 = tpu.bitcast %add3A_311 : vector<16xf32> -> vector<16xi32>
        %shift_right_logical3A_314 = arith.constant 16 : i32
        %shift_right_logical3A_315 = vector.broadcast %shift_right_logical3A_314 : i32 to vector<16xi32>
        %shift_right_logical3A_316 = arith.shrui %bitcast_convert_type3A_312, %shift_right_logical3A_315 : vector<16xi32>
        %and3A_317 = arith.constant -65536 : i32
        %and3A_318 = vector.broadcast %and3A_317 : i32 to vector<16xi32>
        %and3A_319 = arith.andi %bitcast_convert_type3A_313, %and3A_318 : vector<16xi32>
        %or3A_320 = arith.ori %shift_right_logical3A_316, %and3A_319 : vector<16xi32>
        %swap3A_321 = arith.index_cast %add3A_107 : i32 to index
        %swap3A_322 = arith.constant 96 : index
        %swap3A_323 = tpu.vector_load %arg13[%swap3A_321, %swap3A_322] {strides = array<i32>} : memref<32x384xi32, #tpu.memory_space<vmem>>, vector<1x16xi32>,
        %swap3A_324 = vector.shape_cast %swap3A_323 : vector<1x16xi32> to vector<16xi32>
        %swap3A_325 = vector.shape_cast %or3A_320 : vector<16xi32> to vector<1x16xi32>
        tpu.vector_store %arg13[%swap3A_321, %swap3A_322], %swap3A_325 {strides = array<i32>} : memref<32x384xi32, #tpu.memory_space<vmem>>, vector<1x16xi32>,
        %get3A_326 = arith.index_cast %add3A_107 : i32 to index
        %get3A_327 = arith.constant 112 : index
        %get3A_328 = tpu.vector_load %arg9[%get3A_326, %get3A_327] {strides = array<i32>} : memref<32x768xf32, #tpu.memory_space<vmem>>, vector<1x16xf32>,
        %get3A_329 = vector.shape_cast %get3A_328 : vector<1x16xf32> to vector<16xf32>
        %get3A_330 = arith.index_cast %add3A_107 : i32 to index
        %get3A_331 = arith.constant 112 : index
        %get3A_332 = tpu.vector_load %arg10[%get3A_330, %get3A_331] {strides = array<i32>} : memref<32x768xf32, #tpu.memory_space<vmem>>, vector<1x16xf32>,
        %get3A_333 = vector.shape_cast %get3A_332 : vector<1x16xf32> to vector<16xf32>
        %add3A_334 = arith.addf %get3A_329, %get3A_333 : vector<16xf32>
        %get3A_335 = arith.index_cast %add3A_107 : i32 to index
        %get3A_336 = arith.constant 496 : index
        %get3A_337 = tpu.vector_load %arg9[%get3A_335, %get3A_336] {strides = array<i32>} : memref<32x768xf32, #tpu.memory_space<vmem>>, vector<1x16xf32>,
        %get3A_338 = vector.shape_cast %get3A_337 : vector<1x16xf32> to vector<16xf32>
        %get3A_339 = arith.index_cast %add3A_107 : i32 to index
        %get3A_340 = arith.constant 496 : index
        %get3A_341 = tpu.vector_load %arg10[%get3A_339, %get3A_340] {strides = array<i32>} : memref<32x768xf32, #tpu.memory_space<vmem>>, vector<1x16xf32>,
        %get3A_342 = vector.shape_cast %get3A_341 : vector<1x16xf32> to vector<16xf32>
        %add3A_343 = arith.addf %get3A_338, %get3A_342 : vector<16xf32>
        %bitcast_convert_type3A_344 = tpu.bitcast %add3A_334 : vector<16xf32> -> vector<16xi32>
        %bitcast_convert_type3A_345 = tpu.bitcast %add3A_343 : vector<16xf32> -> vector<16xi32>
        %shift_right_logical3A_346 = arith.constant 16 : i32
        %shift_right_logical3A_347 = vector.broadcast %shift_right_logical3A_346 : i32 to vector<16xi32>
        %shift_right_logical3A_348 = arith.shrui %bitcast_convert_type3A_344, %shift_right_logical3A_347 : vector<16xi32>
        %and3A_349 = arith.constant -65536 : i32
        %and3A_350 = vector.broadcast %and3A_349 : i32 to vector<16xi32>
        %and3A_351 = arith.andi %bitcast_convert_type3A_345, %and3A_350 : vector<16xi32>
        %or3A_352 = arith.ori %shift_right_logical3A_348, %and3A_351 : vector<16xi32>
        %swap3A_353 = arith.index_cast %add3A_107 : i32 to index
        %swap3A_354 = arith.constant 112 : index
        %swap3A_355 = tpu.vector_load %arg13[%swap3A_353, %swap3A_354] {strides = array<i32>} : memref<32x384xi32, #tpu.memory_space<vmem>>, vector<1x16xi32>,
        %swap3A_356 = vector.shape_cast %swap3A_355 : vector<1x16xi32> to vector<16xi32>
        %swap3A_357 = vector.shape_cast %or3A_352 : vector<16xi32> to vector<1x16xi32>
        tpu.vector_store %arg13[%swap3A_353, %swap3A_354], %swap3A_357 {strides = array<i32>} : memref<32x384xi32, #tpu.memory_space<vmem>>, vector<1x16xi32>,
        %get3A_358 = arith.index_cast %add3A_107 : i32 to index
        %get3A_359 = arith.constant 128 : index
        %get3A_360 = tpu.vector_load %arg9[%get3A_358, %get3A_359] {strides = array<i32>} : memref<32x768xf32, #tpu.memory_space<vmem>>, vector<1x16xf32>,
        %get3A_361 = vector.shape_cast %get3A_360 : vector<1x16xf32> to vector<16xf32>
        %get3A_362 = arith.index_cast %add3A_107 : i32 to index
        %get3A_363 = arith.constant 128 : index
        %get3A_364 = tpu.vector_load %arg10[%get3A_362, %get3A_363] {strides = array<i32>} : memref<32x768xf32, #tpu.memory_space<vmem>>, vector<1x16xf32>,
        %get3A_365 = vector.shape_cast %get3A_364 : vector<1x16xf32> to vector<16xf32>
        %add3A_366 = arith.addf %get3A_361, %get3A_365 : vector<16xf32>
        %get3A_367 = arith.index_cast %add3A_107 : i32 to index
        %get3A_368 = arith.constant 512 : index
        %get3A_369 = tpu.vector_load %arg9[%get3A_367, %get3A_368] {strides = array<i32>} : memref<32x768xf32, #tpu.memory_space<vmem>>, vector<1x16xf32>,
        %get3A_370 = vector.shape_cast %get3A_369 : vector<1x16xf32> to vector<16xf32>
        %get3A_371 = arith.index_cast %add3A_107 : i32 to index
        %get3A_372 = arith.constant 512 : index
        %get3A_373 = tpu.vector_load %arg10[%get3A_371, %get3A_372] {strides = array<i32>} : memref<32x768xf32, #tpu.memory_space<vmem>>, vector<1x16xf32>,
        %get3A_374 = vector.shape_cast %get3A_373 : vector<1x16xf32> to vector<16xf32>
        %add3A_375 = arith.addf %get3A_370, %get3A_374 : vector<16xf32>
        %bitcast_convert_type3A_376 = tpu.bitcast %add3A_366 : vector<16xf32> -> vector<16xi32>
        %bitcast_convert_type3A_377 = tpu.bitcast %add3A_375 : vector<16xf32> -> vector<16xi32>
        %shift_right_logical3A_378 = arith.constant 16 : i32
        %shift_right_logical3A_379 = vector.broadcast %shift_right_logical3A_378 : i32 to vector<16xi32>
        %shift_right_logical3A_380 = arith.shrui %bitcast_convert_type3A_376, %shift_right_logical3A_379 : vector<16xi32>
        %and3A_381 = arith.constant -65536 : i32
        %and3A_382 = vector.broadcast %and3A_381 : i32 to vector<16xi32>
        %and3A_383 = arith.andi %bitcast_convert_type3A_377, %and3A_382 : vector<16xi32>
        %or3A_384 = arith.ori %shift_right_logical3A_380, %and3A_383 : vector<16xi32>
        %swap3A_385 = arith.index_cast %add3A_107 : i32 to index
        %swap3A_386 = arith.constant 128 : index
        %swap3A_387 = tpu.vector_load %arg13[%swap3A_385, %swap3A_386] {strides = array<i32>} : memref<32x384xi32, #tpu.memory_space<vmem>>, vector<1x16xi32>,
        %swap3A_388 = vector.shape_cast %swap3A_387 : vector<1x16xi32> to vector<16xi32>
        %swap3A_389 = vector.shape_cast %or3A_384 : vector<16xi32> to vector<1x16xi32>
        tpu.vector_store %arg13[%swap3A_385, %swap3A_386], %swap3A_389 {strides = array<i32>} : memref<32x384xi32, #tpu.memory_space<vmem>>, vector<1x16xi32>,
        %get3A_390 = arith.index_cast %add3A_107 : i32 to index
        %get3A_391 = arith.constant 144 : index
        %get3A_392 = tpu.vector_load %arg9[%get3A_390, %get3A_391] {strides = array<i32>} : memref<32x768xf32, #tpu.memory_space<vmem>>, vector<1x16xf32>,
        %get3A_393 = vector.shape_cast %get3A_392 : vector<1x16xf32> to vector<16xf32>
        %get3A_394 = arith.index_cast %add3A_107 : i32 to index
        %get3A_395 = arith.constant 144 : index
        %get3A_396 = tpu.vector_load %arg10[%get3A_394, %get3A_395] {strides = array<i32>} : memref<32x768xf32, #tpu.memory_space<vmem>>, vector<1x16xf32>,
        %get3A_397 = vector.shape_cast %get3A_396 : vector<1x16xf32> to vector<16xf32>
        %add3A_398 = arith.addf %get3A_393, %get3A_397 : vector<16xf32>
        %get3A_399 = arith.index_cast %add3A_107 : i32 to index
        %get3A_400 = arith.constant 528 : index
        %get3A_401 = tpu.vector_load %arg9[%get3A_399, %get3A_400] {strides = array<i32>} : memref<32x768xf32, #tpu.memory_space<vmem>>, vector<1x16xf32>,
        %get3A_402 = vector.shape_cast %get3A_401 : vector<1x16xf32> to vector<16xf32>
        %get3A_403 = arith.index_cast %add3A_107 : i32 to index
        %get3A_404 = arith.constant 528 : index
        %get3A_405 = tpu.vector_load %arg10[%get3A_403, %get3A_404] {strides = array<i32>} : memref<32x768xf32, #tpu.memory_space<vmem>>, vector<1x16xf32>,
        %get3A_406 = vector.shape_cast %get3A_405 : vector<1x16xf32> to vector<16xf32>
        %add3A_407 = arith.addf %get3A_402, %get3A_406 : vector<16xf32>
        %bitcast_convert_type3A_408 = tpu.bitcast %add3A_398 : vector<16xf32> -> vector<16xi32>
        %bitcast_convert_type3A_409 = tpu.bitcast %add3A_407 : vector<16xf32> -> vector<16xi32>
        %shift_right_logical3A_410 = arith.constant 16 : i32
        %shift_right_logical3A_411 = vector.broadcast %shift_right_logical3A_410 : i32 to vector<16xi32>
        %shift_right_logical3A_412 = arith.shrui %bitcast_convert_type3A_408, %shift_right_logical3A_411 : vector<16xi32>
        %and3A_413 = arith.constant -65536 : i32
        %and3A_414 = vector.broadcast %and3A_413 : i32 to vector<16xi32>
        %and3A_415 = arith.andi %bitcast_convert_type3A_409, %and3A_414 : vector<16xi32>
        %or3A_416 = arith.ori %shift_right_logical3A_412, %and3A_415 : vector<16xi32>
        %swap3A_417 = arith.index_cast %add3A_107 : i32 to index
        %swap3A_418 = arith.constant 144 : index
        %swap3A_419 = tpu.vector_load %arg13[%swap3A_417, %swap3A_418] {strides = array<i32>} : memref<32x384xi32, #tpu.memory_space<vmem>>, vector<1x16xi32>,
        %swap3A_420 = vector.shape_cast %swap3A_419 : vector<1x16xi32> to vector<16xi32>
        %swap3A_421 = vector.shape_cast %or3A_416 : vector<16xi32> to vector<1x16xi32>
        tpu.vector_store %arg13[%swap3A_417, %swap3A_418], %swap3A_421 {strides = array<i32>} : memref<32x384xi32, #tpu.memory_space<vmem>>, vector<1x16xi32>,
        %get3A_422 = arith.index_cast %add3A_107 : i32 to index
        %get3A_423 = arith.constant 160 : index
        %get3A_424 = tpu.vector_load %arg9[%get3A_422, %get3A_423] {strides = array<i32>} : memref<32x768xf32, #tpu.memory_space<vmem>>, vector<1x16xf32>,
        %get3A_425 = vector.shape_cast %get3A_424 : vector<1x16xf32> to vector<16xf32>
        %get3A_426 = arith.index_cast %add3A_107 : i32 to index
        %get3A_427 = arith.constant 160 : index
        %get3A_428 = tpu.vector_load %arg10[%get3A_426, %get3A_427] {strides = array<i32>} : memref<32x768xf32, #tpu.memory_space<vmem>>, vector<1x16xf32>,
        %get3A_429 = vector.shape_cast %get3A_428 : vector<1x16xf32> to vector<16xf32>
        %add3A_430 = arith.addf %get3A_425, %get3A_429 : vector<16xf32>
        %get3A_431 = arith.index_cast %add3A_107 : i32 to index
        %get3A_432 = arith.constant 544 : index
        %get3A_433 = tpu.vector_load %arg9[%get3A_431, %get3A_432] {strides = array<i32>} : memref<32x768xf32, #tpu.memory_space<vmem>>, vector<1x16xf32>,
        %get3A_434 = vector.shape_cast %get3A_433 : vector<1x16xf32> to vector<16xf32>
        %get3A_435 = arith.index_cast %add3A_107 : i32 to index
        %get3A_436 = arith.constant 544 : index
        %get3A_437 = tpu.vector_load %arg10[%get3A_435, %get3A_436] {strides = array<i32>} : memref<32x768xf32, #tpu.memory_space<vmem>>, vector<1x16xf32>,
        %get3A_438 = vector.shape_cast %get3A_437 : vector<1x16xf32> to vector<16xf32>
        %add3A_439 = arith.addf %get3A_434, %get3A_438 : vector<16xf32>
        %bitcast_convert_type3A_440 = tpu.bitcast %add3A_430 : vector<16xf32> -> vector<16xi32>
        %bitcast_convert_type3A_441 = tpu.bitcast %add3A_439 : vector<16xf32> -> vector<16xi32>
        %shift_right_logical3A_442 = arith.constant 16 : i32
        %shift_right_logical3A_443 = vector.broadcast %shift_right_logical3A_442 : i32 to vector<16xi32>
        %shift_right_logical3A_444 = arith.shrui %bitcast_convert_type3A_440, %shift_right_logical3A_443 : vector<16xi32>
        %and3A_445 = arith.constant -65536 : i32
        %and3A_446 = vector.broadcast %and3A_445 : i32 to vector<16xi32>
        %and3A_447 = arith.andi %bitcast_convert_type3A_441, %and3A_446 : vector<16xi32>
        %or3A_448 = arith.ori %shift_right_logical3A_444, %and3A_447 : vector<16xi32>
        %swap3A_449 = arith.index_cast %add3A_107 : i32 to index
        %swap3A_450 = arith.constant 160 : index
        %swap3A_451 = tpu.vector_load %arg13[%swap3A_449, %swap3A_450] {strides = array<i32>} : memref<32x384xi32, #tpu.memory_space<vmem>>, vector<1x16xi32>,
        %swap3A_452 = vector.shape_cast %swap3A_451 : vector<1x16xi32> to vector<16xi32>
        %swap3A_453 = vector.shape_cast %or3A_448 : vector<16xi32> to vector<1x16xi32>
        tpu.vector_store %arg13[%swap3A_449, %swap3A_450], %swap3A_453 {strides = array<i32>} : memref<32x384xi32, #tpu.memory_space<vmem>>, vector<1x16xi32>,
        %get3A_454 = arith.index_cast %add3A_107 : i32 to index
        %get3A_455 = arith.constant 176 : index
        %get3A_456 = tpu.vector_load %arg9[%get3A_454, %get3A_455] {strides = array<i32>} : memref<32x768xf32, #tpu.memory_space<vmem>>, vector<1x16xf32>,
        %get3A_457 = vector.shape_cast %get3A_456 : vector<1x16xf32> to vector<16xf32>
        %get3A_458 = arith.index_cast %add3A_107 : i32 to index
        %get3A_459 = arith.constant 176 : index
        %get3A_460 = tpu.vector_load %arg10[%get3A_458, %get3A_459] {strides = array<i32>} : memref<32x768xf32, #tpu.memory_space<vmem>>, vector<1x16xf32>,
        %get3A_461 = vector.shape_cast %get3A_460 : vector<1x16xf32> to vector<16xf32>
        %add3A_462 = arith.addf %get3A_457, %get3A_461 : vector<16xf32>
        %get3A_463 = arith.index_cast %add3A_107 : i32 to index
        %get3A_464 = arith.constant 560 : index
        %get3A_465 = tpu.vector_load %arg9[%get3A_463, %get3A_464] {strides = array<i32>} : memref<32x768xf32, #tpu.memory_space<vmem>>, vector<1x16xf32>,
        %get3A_466 = vector.shape_cast %get3A_465 : vector<1x16xf32> to vector<16xf32>
        %get3A_467 = arith.index_cast %add3A_107 : i32 to index
        %get3A_468 = arith.constant 560 : index
        %get3A_469 = tpu.vector_load %arg10[%get3A_467, %get3A_468] {strides = array<i32>} : memref<32x768xf32, #tpu.memory_space<vmem>>, vector<1x16xf32>,
        %get3A_470 = vector.shape_cast %get3A_469 : vector<1x16xf32> to vector<16xf32>
        %add3A_471 = arith.addf %get3A_466, %get3A_470 : vector<16xf32>
        %bitcast_convert_type3A_472 = tpu.bitcast %add3A_462 : vector<16xf32> -> vector<16xi32>
        %bitcast_convert_type3A_473 = tpu.bitcast %add3A_471 : vector<16xf32> -> vector<16xi32>
        %shift_right_logical3A_474 = arith.constant 16 : i32
        %shift_right_logical3A_475 = vector.broadcast %shift_right_logical3A_474 : i32 to vector<16xi32>
        %shift_right_logical3A_476 = arith.shrui %bitcast_convert_type3A_472, %shift_right_logical3A_475 : vector<16xi32>
        %and3A_477 = arith.constant -65536 : i32
        %and3A_478 = vector.broadcast %and3A_477 : i32 to vector<16xi32>
        %and3A_479 = arith.andi %bitcast_convert_type3A_473, %and3A_478 : vector<16xi32>
        %or3A_480 = arith.ori %shift_right_logical3A_476, %and3A_479 : vector<16xi32>
        %swap3A_481 = arith.index_cast %add3A_107 : i32 to index
        %swap3A_482 = arith.constant 176 : index
        %swap3A_483 = tpu.vector_load %arg13[%swap3A_481, %swap3A_482] {strides = array<i32>} : memref<32x384xi32, #tpu.memory_space<vmem>>, vector<1x16xi32>,
        %swap3A_484 = vector.shape_cast %swap3A_483 : vector<1x16xi32> to vector<16xi32>
        %swap3A_485 = vector.shape_cast %or3A_480 : vector<16xi32> to vector<1x16xi32>
        tpu.vector_store %arg13[%swap3A_481, %swap3A_482], %swap3A_485 {strides = array<i32>} : memref<32x384xi32, #tpu.memory_space<vmem>>, vector<1x16xi32>,
        %get3A_486 = arith.index_cast %add3A_107 : i32 to index
        %get3A_487 = arith.constant 192 : index
        %get3A_488 = tpu.vector_load %arg9[%get3A_486, %get3A_487] {strides = array<i32>} : memref<32x768xf32, #tpu.memory_space<vmem>>, vector<1x16xf32>,
        %get3A_489 = vector.shape_cast %get3A_488 : vector<1x16xf32> to vector<16xf32>
        %get3A_490 = arith.index_cast %add3A_107 : i32 to index
        %get3A_491 = arith.constant 192 : index
        %get3A_492 = tpu.vector_load %arg10[%get3A_490, %get3A_491] {strides = array<i32>} : memref<32x768xf32, #tpu.memory_space<vmem>>, vector<1x16xf32>,
        %get3A_493 = vector.shape_cast %get3A_492 : vector<1x16xf32> to vector<16xf32>
        %add3A_494 = arith.addf %get3A_489, %get3A_493 : vector<16xf32>
        %get3A_495 = arith.index_cast %add3A_107 : i32 to index
        %get3A_496 = arith.constant 576 : index
        %get3A_497 = tpu.vector_load %arg9[%get3A_495, %get3A_496] {strides = array<i32>} : memref<32x768xf32, #tpu.memory_space<vmem>>, vector<1x16xf32>,
        %get3A_498 = vector.shape_cast %get3A_497 : vector<1x16xf32> to vector<16xf32>
        %get3A_499 = arith.index_cast %add3A_107 : i32 to index
        %get3A_500 = arith.constant 576 : index
        %get3A_501 = tpu.vector_load %arg10[%get3A_499, %get3A_500] {strides = array<i32>} : memref<32x768xf32, #tpu.memory_space<vmem>>, vector<1x16xf32>,
        %get3A_502 = vector.shape_cast %get3A_501 : vector<1x16xf32> to vector<16xf32>
        %add3A_503 = arith.addf %get3A_498, %get3A_502 : vector<16xf32>
        %bitcast_convert_type3A_504 = tpu.bitcast %add3A_494 : vector<16xf32> -> vector<16xi32>
        %bitcast_convert_type3A_505 = tpu.bitcast %add3A_503 : vector<16xf32> -> vector<16xi32>
        %shift_right_logical3A_506 = arith.constant 16 : i32
        %shift_right_logical3A_507 = vector.broadcast %shift_right_logical3A_506 : i32 to vector<16xi32>
        %shift_right_logical3A_508 = arith.shrui %bitcast_convert_type3A_504, %shift_right_logical3A_507 : vector<16xi32>
        %and3A_509 = arith.constant -65536 : i32
        %and3A_510 = vector.broadcast %and3A_509 : i32 to vector<16xi32>
        %and3A_511 = arith.andi %bitcast_convert_type3A_505, %and3A_510 : vector<16xi32>
        %or3A_512 = arith.ori %shift_right_logical3A_508, %and3A_511 : vector<16xi32>
        %swap3A_513 = arith.index_cast %add3A_107 : i32 to index
        %swap3A_514 = arith.constant 192 : index
        %swap3A_515 = tpu.vector_load %arg13[%swap3A_513, %swap3A_514] {strides = array<i32>} : memref<32x384xi32, #tpu.memory_space<vmem>>, vector<1x16xi32>,
        %swap3A_516 = vector.shape_cast %swap3A_515 : vector<1x16xi32> to vector<16xi32>
        %swap3A_517 = vector.shape_cast %or3A_512 : vector<16xi32> to vector<1x16xi32>
        tpu.vector_store %arg13[%swap3A_513, %swap3A_514], %swap3A_517 {strides = array<i32>} : memref<32x384xi32, #tpu.memory_space<vmem>>, vector<1x16xi32>,
        %get3A_518 = arith.index_cast %add3A_107 : i32 to index
        %get3A_519 = arith.constant 208 : index
        %get3A_520 = tpu.vector_load %arg9[%get3A_518, %get3A_519] {strides = array<i32>} : memref<32x768xf32, #tpu.memory_space<vmem>>, vector<1x16xf32>,
        %get3A_521 = vector.shape_cast %get3A_520 : vector<1x16xf32> to vector<16xf32>
        %get3A_522 = arith.index_cast %add3A_107 : i32 to index
        %get3A_523 = arith.constant 208 : index
        %get3A_524 = tpu.vector_load %arg10[%get3A_522, %get3A_523] {strides = array<i32>} : memref<32x768xf32, #tpu.memory_space<vmem>>, vector<1x16xf32>,
        %get3A_525 = vector.shape_cast %get3A_524 : vector<1x16xf32> to vector<16xf32>
        %add3A_526 = arith.addf %get3A_521, %get3A_525 : vector<16xf32>
        %get3A_527 = arith.index_cast %add3A_107 : i32 to index
        %get3A_528 = arith.constant 592 : index
        %get3A_529 = tpu.vector_load %arg9[%get3A_527, %get3A_528] {strides = array<i32>} : memref<32x768xf32, #tpu.memory_space<vmem>>, vector<1x16xf32>,
        %get3A_530 = vector.shape_cast %get3A_529 : vector<1x16xf32> to vector<16xf32>
        %get3A_531 = arith.index_cast %add3A_107 : i32 to index
        %get3A_532 = arith.constant 592 : index
        %get3A_533 = tpu.vector_load %arg10[%get3A_531, %get3A_532] {strides = array<i32>} : memref<32x768xf32, #tpu.memory_space<vmem>>, vector<1x16xf32>,
        %get3A_534 = vector.shape_cast %get3A_533 : vector<1x16xf32> to vector<16xf32>
        %add3A_535 = arith.addf %get3A_530, %get3A_534 : vector<16xf32>
        %bitcast_convert_type3A_536 = tpu.bitcast %add3A_526 : vector<16xf32> -> vector<16xi32>
        %bitcast_convert_type3A_537 = tpu.bitcast %add3A_535 : vector<16xf32> -> vector<16xi32>
        %shift_right_logical3A_538 = arith.constant 16 : i32
        %shift_right_logical3A_539 = vector.broadcast %shift_right_logical3A_538 : i32 to vector<16xi32>
        %shift_right_logical3A_540 = arith.shrui %bitcast_convert_type3A_536, %shift_right_logical3A_539 : vector<16xi32>
        %and3A_541 = arith.constant -65536 : i32
        %and3A_542 = vector.broadcast %and3A_541 : i32 to vector<16xi32>
        %and3A_543 = arith.andi %bitcast_convert_type3A_537, %and3A_542 : vector<16xi32>
        %or3A_544 = arith.ori %shift_right_logical3A_540, %and3A_543 : vector<16xi32>
        %swap3A_545 = arith.index_cast %add3A_107 : i32 to index
        %swap3A_546 = arith.constant 208 : index
        %swap3A_547 = tpu.vector_load %arg13[%swap3A_545, %swap3A_546] {strides = array<i32>} : memref<32x384xi32, #tpu.memory_space<vmem>>, vector<1x16xi32>,
        %swap3A_548 = vector.shape_cast %swap3A_547 : vector<1x16xi32> to vector<16xi32>
        %swap3A_549 = vector.shape_cast %or3A_544 : vector<16xi32> to vector<1x16xi32>
        tpu.vector_store %arg13[%swap3A_545, %swap3A_546], %swap3A_549 {strides = array<i32>} : memref<32x384xi32, #tpu.memory_space<vmem>>, vector<1x16xi32>,
        %get3A_550 = arith.index_cast %add3A_107 : i32 to index
        %get3A_551 = arith.constant 224 : index
        %get3A_552 = tpu.vector_load %arg9[%get3A_550, %get3A_551] {strides = array<i32>} : memref<32x768xf32, #tpu.memory_space<vmem>>, vector<1x16xf32>,
        %get3A_553 = vector.shape_cast %get3A_552 : vector<1x16xf32> to vector<16xf32>
        %get3A_554 = arith.index_cast %add3A_107 : i32 to index
        %get3A_555 = arith.constant 224 : index
        %get3A_556 = tpu.vector_load %arg10[%get3A_554, %get3A_555] {strides = array<i32>} : memref<32x768xf32, #tpu.memory_space<vmem>>, vector<1x16xf32>,
        %get3A_557 = vector.shape_cast %get3A_556 : vector<1x16xf32> to vector<16xf32>
        %add3A_558 = arith.addf %get3A_553, %get3A_557 : vector<16xf32>
        %get3A_559 = arith.index_cast %add3A_107 : i32 to index
        %get3A_560 = arith.constant 608 : index
        %get3A_561 = tpu.vector_load %arg9[%get3A_559, %get3A_560] {strides = array<i32>} : memref<32x768xf32, #tpu.memory_space<vmem>>, vector<1x16xf32>,
        %get3A_562 = vector.shape_cast %get3A_561 : vector<1x16xf32> to vector<16xf32>
        %get3A_563 = arith.index_cast %add3A_107 : i32 to index
        %get3A_564 = arith.constant 608 : index
        %get3A_565 = tpu.vector_load %arg10[%get3A_563, %get3A_564] {strides = array<i32>} : memref<32x768xf32, #tpu.memory_space<vmem>>, vector<1x16xf32>,
        %get3A_566 = vector.shape_cast %get3A_565 : vector<1x16xf32> to vector<16xf32>
        %add3A_567 = arith.addf %get3A_562, %get3A_566 : vector<16xf32>
        %bitcast_convert_type3A_568 = tpu.bitcast %add3A_558 : vector<16xf32> -> vector<16xi32>
        %bitcast_convert_type3A_569 = tpu.bitcast %add3A_567 : vector<16xf32> -> vector<16xi32>
        %shift_right_logical3A_570 = arith.constant 16 : i32
        %shift_right_logical3A_571 = vector.broadcast %shift_right_logical3A_570 : i32 to vector<16xi32>
        %shift_right_logical3A_572 = arith.shrui %bitcast_convert_type3A_568, %shift_right_logical3A_571 : vector<16xi32>
        %and3A_573 = arith.constant -65536 : i32
        %and3A_574 = vector.broadcast %and3A_573 : i32 to vector<16xi32>
        %and3A_575 = arith.andi %bitcast_convert_type3A_569, %and3A_574 : vector<16xi32>
        %or3A_576 = arith.ori %shift_right_logical3A_572, %and3A_575 : vector<16xi32>
        %swap3A_577 = arith.index_cast %add3A_107 : i32 to index
        %swap3A_578 = arith.constant 224 : index
        %swap3A_579 = tpu.vector_load %arg13[%swap3A_577, %swap3A_578] {strides = array<i32>} : memref<32x384xi32, #tpu.memory_space<vmem>>, vector<1x16xi32>,
        %swap3A_580 = vector.shape_cast %swap3A_579 : vector<1x16xi32> to vector<16xi32>
        %swap3A_581 = vector.shape_cast %or3A_576 : vector<16xi32> to vector<1x16xi32>
        tpu.vector_store %arg13[%swap3A_577, %swap3A_578], %swap3A_581 {strides = array<i32>} : memref<32x384xi32, #tpu.memory_space<vmem>>, vector<1x16xi32>,
        %get3A_582 = arith.index_cast %add3A_107 : i32 to index
        %get3A_583 = arith.constant 240 : index
        %get3A_584 = tpu.vector_load %arg9[%get3A_582, %get3A_583] {strides = array<i32>} : memref<32x768xf32, #tpu.memory_space<vmem>>, vector<1x16xf32>,
        %get3A_585 = vector.shape_cast %get3A_584 : vector<1x16xf32> to vector<16xf32>
        %get3A_586 = arith.index_cast %add3A_107 : i32 to index
        %get3A_587 = arith.constant 240 : index
        %get3A_588 = tpu.vector_load %arg10[%get3A_586, %get3A_587] {strides = array<i32>} : memref<32x768xf32, #tpu.memory_space<vmem>>, vector<1x16xf32>,
        %get3A_589 = vector.shape_cast %get3A_588 : vector<1x16xf32> to vector<16xf32>
        %add3A_590 = arith.addf %get3A_585, %get3A_589 : vector<16xf32>
        %get3A_591 = arith.index_cast %add3A_107 : i32 to index
        %get3A_592 = arith.constant 624 : index
        %get3A_593 = tpu.vector_load %arg9[%get3A_591, %get3A_592] {strides = array<i32>} : memref<32x768xf32, #tpu.memory_space<vmem>>, vector<1x16xf32>,
        %get3A_594 = vector.shape_cast %get3A_593 : vector<1x16xf32> to vector<16xf32>
        %get3A_595 = arith.index_cast %add3A_107 : i32 to index
        %get3A_596 = arith.constant 624 : index
        %get3A_597 = tpu.vector_load %arg10[%get3A_595, %get3A_596] {strides = array<i32>} : memref<32x768xf32, #tpu.memory_space<vmem>>, vector<1x16xf32>,
        %get3A_598 = vector.shape_cast %get3A_597 : vector<1x16xf32> to vector<16xf32>
        %add3A_599 = arith.addf %get3A_594, %get3A_598 : vector<16xf32>
        %bitcast_convert_type3A_600 = tpu.bitcast %add3A_590 : vector<16xf32> -> vector<16xi32>
        %bitcast_convert_type3A_601 = tpu.bitcast %add3A_599 : vector<16xf32> -> vector<16xi32>
        %shift_right_logical3A_602 = arith.constant 16 : i32
        %shift_right_logical3A_603 = vector.broadcast %shift_right_logical3A_602 : i32 to vector<16xi32>
        %shift_right_logical3A_604 = arith.shrui %bitcast_convert_type3A_600, %shift_right_logical3A_603 : vector<16xi32>
        %and3A_605 = arith.constant -65536 : i32
        %and3A_606 = vector.broadcast %and3A_605 : i32 to vector<16xi32>
        %and3A_607 = arith.andi %bitcast_convert_type3A_601, %and3A_606 : vector<16xi32>
        %or3A_608 = arith.ori %shift_right_logical3A_604, %and3A_607 : vector<16xi32>
        %swap3A_609 = arith.index_cast %add3A_107 : i32 to index
        %swap3A_610 = arith.constant 240 : index
        %swap3A_611 = tpu.vector_load %arg13[%swap3A_609, %swap3A_610] {strides = array<i32>} : memref<32x384xi32, #tpu.memory_space<vmem>>, vector<1x16xi32>,
        %swap3A_612 = vector.shape_cast %swap3A_611 : vector<1x16xi32> to vector<16xi32>
        %swap3A_613 = vector.shape_cast %or3A_608 : vector<16xi32> to vector<1x16xi32>
        tpu.vector_store %arg13[%swap3A_609, %swap3A_610], %swap3A_613 {strides = array<i32>} : memref<32x384xi32, #tpu.memory_space<vmem>>, vector<1x16xi32>,
        %get3A_614 = arith.index_cast %add3A_107 : i32 to index
        %get3A_615 = arith.constant 256 : index
        %get3A_616 = tpu.vector_load %arg9[%get3A_614, %get3A_615] {strides = array<i32>} : memref<32x768xf32, #tpu.memory_space<vmem>>, vector<1x16xf32>,
        %get3A_617 = vector.shape_cast %get3A_616 : vector<1x16xf32> to vector<16xf32>
        %get3A_618 = arith.index_cast %add3A_107 : i32 to index
        %get3A_619 = arith.constant 256 : index
        %get3A_620 = tpu.vector_load %arg10[%get3A_618, %get3A_619] {strides = array<i32>} : memref<32x768xf32, #tpu.memory_space<vmem>>, vector<1x16xf32>,
        %get3A_621 = vector.shape_cast %get3A_620 : vector<1x16xf32> to vector<16xf32>
        %add3A_622 = arith.addf %get3A_617, %get3A_621 : vector<16xf32>
        %get3A_623 = arith.index_cast %add3A_107 : i32 to index
        %get3A_624 = arith.constant 640 : index
        %get3A_625 = tpu.vector_load %arg9[%get3A_623, %get3A_624] {strides = array<i32>} : memref<32x768xf32, #tpu.memory_space<vmem>>, vector<1x16xf32>,
        %get3A_626 = vector.shape_cast %get3A_625 : vector<1x16xf32> to vector<16xf32>
        %get3A_627 = arith.index_cast %add3A_107 : i32 to index
        %get3A_628 = arith.constant 640 : index
        %get3A_629 = tpu.vector_load %arg10[%get3A_627, %get3A_628] {strides = array<i32>} : memref<32x768xf32, #tpu.memory_space<vmem>>, vector<1x16xf32>,
        %get3A_630 = vector.shape_cast %get3A_629 : vector<1x16xf32> to vector<16xf32>
        %add3A_631 = arith.addf %get3A_626, %get3A_630 : vector<16xf32>
        %bitcast_convert_type3A_632 = tpu.bitcast %add3A_622 : vector<16xf32> -> vector<16xi32>
        %bitcast_convert_type3A_633 = tpu.bitcast %add3A_631 : vector<16xf32> -> vector<16xi32>
        %shift_right_logical3A_634 = arith.constant 16 : i32
        %shift_right_logical3A_635 = vector.broadcast %shift_right_logical3A_634 : i32 to vector<16xi32>
        %shift_right_logical3A_636 = arith.shrui %bitcast_convert_type3A_632, %shift_right_logical3A_635 : vector<16xi32>
        %and3A_637 = arith.constant -65536 : i32
        %and3A_638 = vector.broadcast %and3A_637 : i32 to vector<16xi32>
        %and3A_639 = arith.andi %bitcast_convert_type3A_633, %and3A_638 : vector<16xi32>
        %or3A_640 = arith.ori %shift_right_logical3A_636, %and3A_639 : vector<16xi32>
        %swap3A_641 = arith.index_cast %add3A_107 : i32 to index
        %swap3A_642 = arith.constant 256 : index
        %swap3A_643 = tpu.vector_load %arg13[%swap3A_641, %swap3A_642] {strides = array<i32>} : memref<32x384xi32, #tpu.memory_space<vmem>>, vector<1x16xi32>,
        %swap3A_644 = vector.shape_cast %swap3A_643 : vector<1x16xi32> to vector<16xi32>
        %swap3A_645 = vector.shape_cast %or3A_640 : vector<16xi32> to vector<1x16xi32>
        tpu.vector_store %arg13[%swap3A_641, %swap3A_642], %swap3A_645 {strides = array<i32>} : memref<32x384xi32, #tpu.memory_space<vmem>>, vector<1x16xi32>,
        %get3A_646 = arith.index_cast %add3A_107 : i32 to index
        %get3A_647 = arith.constant 272 : index
        %get3A_648 = tpu.vector_load %arg9[%get3A_646, %get3A_647] {strides = array<i32>} : memref<32x768xf32, #tpu.memory_space<vmem>>, vector<1x16xf32>,
        %get3A_649 = vector.shape_cast %get3A_648 : vector<1x16xf32> to vector<16xf32>
        %get3A_650 = arith.index_cast %add3A_107 : i32 to index
        %get3A_651 = arith.constant 272 : index
        %get3A_652 = tpu.vector_load %arg10[%get3A_650, %get3A_651] {strides = array<i32>} : memref<32x768xf32, #tpu.memory_space<vmem>>, vector<1x16xf32>,
        %get3A_653 = vector.shape_cast %get3A_652 : vector<1x16xf32> to vector<16xf32>
        %add3A_654 = arith.addf %get3A_649, %get3A_653 : vector<16xf32>
        %get3A_655 = arith.index_cast %add3A_107 : i32 to index
        %get3A_656 = arith.constant 656 : index
        %get3A_657 = tpu.vector_load %arg9[%get3A_655, %get3A_656] {strides = array<i32>} : memref<32x768xf32, #tpu.memory_space<vmem>>, vector<1x16xf32>,
        %get3A_658 = vector.shape_cast %get3A_657 : vector<1x16xf32> to vector<16xf32>
        %get3A_659 = arith.index_cast %add3A_107 : i32 to index
        %get3A_660 = arith.constant 656 : index
        %get3A_661 = tpu.vector_load %arg10[%get3A_659, %get3A_660] {strides = array<i32>} : memref<32x768xf32, #tpu.memory_space<vmem>>, vector<1x16xf32>,
        %get3A_662 = vector.shape_cast %get3A_661 : vector<1x16xf32> to vector<16xf32>
        %add3A_663 = arith.addf %get3A_658, %get3A_662 : vector<16xf32>
        %bitcast_convert_type3A_664 = tpu.bitcast %add3A_654 : vector<16xf32> -> vector<16xi32>
        %bitcast_convert_type3A_665 = tpu.bitcast %add3A_663 : vector<16xf32> -> vector<16xi32>
        %shift_right_logical3A_666 = arith.constant 16 : i32
        %shift_right_logical3A_667 = vector.broadcast %shift_right_logical3A_666 : i32 to vector<16xi32>
        %shift_right_logical3A_668 = arith.shrui %bitcast_convert_type3A_664, %shift_right_logical3A_667 : vector<16xi32>
        %and3A_669 = arith.constant -65536 : i32
        %and3A_670 = vector.broadcast %and3A_669 : i32 to vector<16xi32>
        %and3A_671 = arith.andi %bitcast_convert_type3A_665, %and3A_670 : vector<16xi32>
        %or3A_672 = arith.ori %shift_right_logical3A_668, %and3A_671 : vector<16xi32>
        %swap3A_673 = arith.index_cast %add3A_107 : i32 to index
        %swap3A_674 = arith.constant 272 : index
        %swap3A_675 = tpu.vector_load %arg13[%swap3A_673, %swap3A_674] {strides = array<i32>} : memref<32x384xi32, #tpu.memory_space<vmem>>, vector<1x16xi32>,
        %swap3A_676 = vector.shape_cast %swap3A_675 : vector<1x16xi32> to vector<16xi32>
        %swap3A_677 = vector.shape_cast %or3A_672 : vector<16xi32> to vector<1x16xi32>
        tpu.vector_store %arg13[%swap3A_673, %swap3A_674], %swap3A_677 {strides = array<i32>} : memref<32x384xi32, #tpu.memory_space<vmem>>, vector<1x16xi32>,
        %get3A_678 = arith.index_cast %add3A_107 : i32 to index
        %get3A_679 = arith.constant 288 : index
        %get3A_680 = tpu.vector_load %arg9[%get3A_678, %get3A_679] {strides = array<i32>} : memref<32x768xf32, #tpu.memory_space<vmem>>, vector<1x16xf32>,
        %get3A_681 = vector.shape_cast %get3A_680 : vector<1x16xf32> to vector<16xf32>
        %get3A_682 = arith.index_cast %add3A_107 : i32 to index
        %get3A_683 = arith.constant 288 : index
        %get3A_684 = tpu.vector_load %arg10[%get3A_682, %get3A_683] {strides = array<i32>} : memref<32x768xf32, #tpu.memory_space<vmem>>, vector<1x16xf32>,
        %get3A_685 = vector.shape_cast %get3A_684 : vector<1x16xf32> to vector<16xf32>
        %add3A_686 = arith.addf %get3A_681, %get3A_685 : vector<16xf32>
        %get3A_687 = arith.index_cast %add3A_107 : i32 to index
        %get3A_688 = arith.constant 672 : index
        %get3A_689 = tpu.vector_load %arg9[%get3A_687, %get3A_688] {strides = array<i32>} : memref<32x768xf32, #tpu.memory_space<vmem>>, vector<1x16xf32>,
        %get3A_690 = vector.shape_cast %get3A_689 : vector<1x16xf32> to vector<16xf32>
        %get3A_691 = arith.index_cast %add3A_107 : i32 to index
        %get3A_692 = arith.constant 672 : index
        %get3A_693 = tpu.vector_load %arg10[%get3A_691, %get3A_692] {strides = array<i32>} : memref<32x768xf32, #tpu.memory_space<vmem>>, vector<1x16xf32>,
        %get3A_694 = vector.shape_cast %get3A_693 : vector<1x16xf32> to vector<16xf32>
        %add3A_695 = arith.addf %get3A_690, %get3A_694 : vector<16xf32>
        %bitcast_convert_type3A_696 = tpu.bitcast %add3A_686 : vector<16xf32> -> vector<16xi32>
        %bitcast_convert_type3A_697 = tpu.bitcast %add3A_695 : vector<16xf32> -> vector<16xi32>
        %shift_right_logical3A_698 = arith.constant 16 : i32
        %shift_right_logical3A_699 = vector.broadcast %shift_right_logical3A_698 : i32 to vector<16xi32>
        %shift_right_logical3A_700 = arith.shrui %bitcast_convert_type3A_696, %shift_right_logical3A_699 : vector<16xi32>
        %and3A_701 = arith.constant -65536 : i32
        %and3A_702 = vector.broadcast %and3A_701 : i32 to vector<16xi32>
        %and3A_703 = arith.andi %bitcast_convert_type3A_697, %and3A_702 : vector<16xi32>
        %or3A_704 = arith.ori %shift_right_logical3A_700, %and3A_703 : vector<16xi32>
        %swap3A_705 = arith.index_cast %add3A_107 : i32 to index
        %swap3A_706 = arith.constant 288 : index
        %swap3A_707 = tpu.vector_load %arg13[%swap3A_705, %swap3A_706] {strides = array<i32>} : memref<32x384xi32, #tpu.memory_space<vmem>>, vector<1x16xi32>,
        %swap3A_708 = vector.shape_cast %swap3A_707 : vector<1x16xi32> to vector<16xi32>
        %swap3A_709 = vector.shape_cast %or3A_704 : vector<16xi32> to vector<1x16xi32>
        tpu.vector_store %arg13[%swap3A_705, %swap3A_706], %swap3A_709 {strides = array<i32>} : memref<32x384xi32, #tpu.memory_space<vmem>>, vector<1x16xi32>,
        %get3A_710 = arith.index_cast %add3A_107 : i32 to index
        %get3A_711 = arith.constant 304 : index
        %get3A_712 = tpu.vector_load %arg9[%get3A_710, %get3A_711] {strides = array<i32>} : memref<32x768xf32, #tpu.memory_space<vmem>>, vector<1x16xf32>,
        %get3A_713 = vector.shape_cast %get3A_712 : vector<1x16xf32> to vector<16xf32>
        %get3A_714 = arith.index_cast %add3A_107 : i32 to index
        %get3A_715 = arith.constant 304 : index
        %get3A_716 = tpu.vector_load %arg10[%get3A_714, %get3A_715] {strides = array<i32>} : memref<32x768xf32, #tpu.memory_space<vmem>>, vector<1x16xf32>,
        %get3A_717 = vector.shape_cast %get3A_716 : vector<1x16xf32> to vector<16xf32>
        %add3A_718 = arith.addf %get3A_713, %get3A_717 : vector<16xf32>
        %get3A_719 = arith.index_cast %add3A_107 : i32 to index
        %get3A_720 = arith.constant 688 : index
        %get3A_721 = tpu.vector_load %arg9[%get3A_719, %get3A_720] {strides = array<i32>} : memref<32x768xf32, #tpu.memory_space<vmem>>, vector<1x16xf32>,
        %get3A_722 = vector.shape_cast %get3A_721 : vector<1x16xf32> to vector<16xf32>
        %get3A_723 = arith.index_cast %add3A_107 : i32 to index
        %get3A_724 = arith.constant 688 : index
        %get3A_725 = tpu.vector_load %arg10[%get3A_723, %get3A_724] {strides = array<i32>} : memref<32x768xf32, #tpu.memory_space<vmem>>, vector<1x16xf32>,
        %get3A_726 = vector.shape_cast %get3A_725 : vector<1x16xf32> to vector<16xf32>
        %add3A_727 = arith.addf %get3A_722, %get3A_726 : vector<16xf32>
        %bitcast_convert_type3A_728 = tpu.bitcast %add3A_718 : vector<16xf32> -> vector<16xi32>
        %bitcast_convert_type3A_729 = tpu.bitcast %add3A_727 : vector<16xf32> -> vector<16xi32>
        %shift_right_logical3A_730 = arith.constant 16 : i32
        %shift_right_logical3A_731 = vector.broadcast %shift_right_logical3A_730 : i32 to vector<16xi32>
        %shift_right_logical3A_732 = arith.shrui %bitcast_convert_type3A_728, %shift_right_logical3A_731 : vector<16xi32>
        %and3A_733 = arith.constant -65536 : i32
        %and3A_734 = vector.broadcast %and3A_733 : i32 to vector<16xi32>
        %and3A_735 = arith.andi %bitcast_convert_type3A_729, %and3A_734 : vector<16xi32>
        %or3A_736 = arith.ori %shift_right_logical3A_732, %and3A_735 : vector<16xi32>
        %swap3A_737 = arith.index_cast %add3A_107 : i32 to index
        %swap3A_738 = arith.constant 304 : index
        %swap3A_739 = tpu.vector_load %arg13[%swap3A_737, %swap3A_738] {strides = array<i32>} : memref<32x384xi32, #tpu.memory_space<vmem>>, vector<1x16xi32>,
        %swap3A_740 = vector.shape_cast %swap3A_739 : vector<1x16xi32> to vector<16xi32>
        %swap3A_741 = vector.shape_cast %or3A_736 : vector<16xi32> to vector<1x16xi32>
        tpu.vector_store %arg13[%swap3A_737, %swap3A_738], %swap3A_741 {strides = array<i32>} : memref<32x384xi32, #tpu.memory_space<vmem>>, vector<1x16xi32>,
        %get3A_742 = arith.index_cast %add3A_107 : i32 to index
        %get3A_743 = arith.constant 320 : index
        %get3A_744 = tpu.vector_load %arg9[%get3A_742, %get3A_743] {strides = array<i32>} : memref<32x768xf32, #tpu.memory_space<vmem>>, vector<1x16xf32>,
        %get3A_745 = vector.shape_cast %get3A_744 : vector<1x16xf32> to vector<16xf32>
        %get3A_746 = arith.index_cast %add3A_107 : i32 to index
        %get3A_747 = arith.constant 320 : index
        %get3A_748 = tpu.vector_load %arg10[%get3A_746, %get3A_747] {strides = array<i32>} : memref<32x768xf32, #tpu.memory_space<vmem>>, vector<1x16xf32>,
        %get3A_749 = vector.shape_cast %get3A_748 : vector<1x16xf32> to vector<16xf32>
        %add3A_750 = arith.addf %get3A_745, %get3A_749 : vector<16xf32>
        %get3A_751 = arith.index_cast %add3A_107 : i32 to index
        %get3A_752 = arith.constant 704 : index
        %get3A_753 = tpu.vector_load %arg9[%get3A_751, %get3A_752] {strides = array<i32>} : memref<32x768xf32, #tpu.memory_space<vmem>>, vector<1x16xf32>,
        %get3A_754 = vector.shape_cast %get3A_753 : vector<1x16xf32> to vector<16xf32>
        %get3A_755 = arith.index_cast %add3A_107 : i32 to index
        %get3A_756 = arith.constant 704 : index
        %get3A_757 = tpu.vector_load %arg10[%get3A_755, %get3A_756] {strides = array<i32>} : memref<32x768xf32, #tpu.memory_space<vmem>>, vector<1x16xf32>,
        %get3A_758 = vector.shape_cast %get3A_757 : vector<1x16xf32> to vector<16xf32>
        %add3A_759 = arith.addf %get3A_754, %get3A_758 : vector<16xf32>
        %bitcast_convert_type3A_760 = tpu.bitcast %add3A_750 : vector<16xf32> -> vector<16xi32>
        %bitcast_convert_type3A_761 = tpu.bitcast %add3A_759 : vector<16xf32> -> vector<16xi32>
        %shift_right_logical3A_762 = arith.constant 16 : i32
        %shift_right_logical3A_763 = vector.broadcast %shift_right_logical3A_762 : i32 to vector<16xi32>
        %shift_right_logical3A_764 = arith.shrui %bitcast_convert_type3A_760, %shift_right_logical3A_763 : vector<16xi32>
        %and3A_765 = arith.constant -65536 : i32
        %and3A_766 = vector.broadcast %and3A_765 : i32 to vector<16xi32>
        %and3A_767 = arith.andi %bitcast_convert_type3A_761, %and3A_766 : vector<16xi32>
        %or3A_768 = arith.ori %shift_right_logical3A_764, %and3A_767 : vector<16xi32>
        %swap3A_769 = arith.index_cast %add3A_107 : i32 to index
        %swap3A_770 = arith.constant 320 : index
        %swap3A_771 = tpu.vector_load %arg13[%swap3A_769, %swap3A_770] {strides = array<i32>} : memref<32x384xi32, #tpu.memory_space<vmem>>, vector<1x16xi32>,
        %swap3A_772 = vector.shape_cast %swap3A_771 : vector<1x16xi32> to vector<16xi32>
        %swap3A_773 = vector.shape_cast %or3A_768 : vector<16xi32> to vector<1x16xi32>
        tpu.vector_store %arg13[%swap3A_769, %swap3A_770], %swap3A_773 {strides = array<i32>} : memref<32x384xi32, #tpu.memory_space<vmem>>, vector<1x16xi32>,
        %get3A_774 = arith.index_cast %add3A_107 : i32 to index
        %get3A_775 = arith.constant 336 : index
        %get3A_776 = tpu.vector_load %arg9[%get3A_774, %get3A_775] {strides = array<i32>} : memref<32x768xf32, #tpu.memory_space<vmem>>, vector<1x16xf32>,
        %get3A_777 = vector.shape_cast %get3A_776 : vector<1x16xf32> to vector<16xf32>
        %get3A_778 = arith.index_cast %add3A_107 : i32 to index
        %get3A_779 = arith.constant 336 : index
        %get3A_780 = tpu.vector_load %arg10[%get3A_778, %get3A_779] {strides = array<i32>} : memref<32x768xf32, #tpu.memory_space<vmem>>, vector<1x16xf32>,
        %get3A_781 = vector.shape_cast %get3A_780 : vector<1x16xf32> to vector<16xf32>
        %add3A_782 = arith.addf %get3A_777, %get3A_781 : vector<16xf32>
        %get3A_783 = arith.index_cast %add3A_107 : i32 to index
        %get3A_784 = arith.constant 720 : index
        %get3A_785 = tpu.vector_load %arg9[%get3A_783, %get3A_784] {strides = array<i32>} : memref<32x768xf32, #tpu.memory_space<vmem>>, vector<1x16xf32>,
        %get3A_786 = vector.shape_cast %get3A_785 : vector<1x16xf32> to vector<16xf32>
        %get3A_787 = arith.index_cast %add3A_107 : i32 to index
        %get3A_788 = arith.constant 720 : index
        %get3A_789 = tpu.vector_load %arg10[%get3A_787, %get3A_788] {strides = array<i32>} : memref<32x768xf32, #tpu.memory_space<vmem>>, vector<1x16xf32>,
        %get3A_790 = vector.shape_cast %get3A_789 : vector<1x16xf32> to vector<16xf32>
        %add3A_791 = arith.addf %get3A_786, %get3A_790 : vector<16xf32>
        %bitcast_convert_type3A_792 = tpu.bitcast %add3A_782 : vector<16xf32> -> vector<16xi32>
        %bitcast_convert_type3A_793 = tpu.bitcast %add3A_791 : vector<16xf32> -> vector<16xi32>
        %shift_right_logical3A_794 = arith.constant 16 : i32
        %shift_right_logical3A_795 = vector.broadcast %shift_right_logical3A_794 : i32 to vector<16xi32>
        %shift_right_logical3A_796 = arith.shrui %bitcast_convert_type3A_792, %shift_right_logical3A_795 : vector<16xi32>
        %and3A_797 = arith.constant -65536 : i32
        %and3A_798 = vector.broadcast %and3A_797 : i32 to vector<16xi32>
        %and3A_799 = arith.andi %bitcast_convert_type3A_793, %and3A_798 : vector<16xi32>
        %or3A_800 = arith.ori %shift_right_logical3A_796, %and3A_799 : vector<16xi32>
        %swap3A_801 = arith.index_cast %add3A_107 : i32 to index
        %swap3A_802 = arith.constant 336 : index
        %swap3A_803 = tpu.vector_load %arg13[%swap3A_801, %swap3A_802] {strides = array<i32>} : memref<32x384xi32, #tpu.memory_space<vmem>>, vector<1x16xi32>,
        %swap3A_804 = vector.shape_cast %swap3A_803 : vector<1x16xi32> to vector<16xi32>
        %swap3A_805 = vector.shape_cast %or3A_800 : vector<16xi32> to vector<1x16xi32>
        tpu.vector_store %arg13[%swap3A_801, %swap3A_802], %swap3A_805 {strides = array<i32>} : memref<32x384xi32, #tpu.memory_space<vmem>>, vector<1x16xi32>,
        %get3A_806 = arith.index_cast %add3A_107 : i32 to index
        %get3A_807 = arith.constant 352 : index
        %get3A_808 = tpu.vector_load %arg9[%get3A_806, %get3A_807] {strides = array<i32>} : memref<32x768xf32, #tpu.memory_space<vmem>>, vector<1x16xf32>,
        %get3A_809 = vector.shape_cast %get3A_808 : vector<1x16xf32> to vector<16xf32>
        %get3A_810 = arith.index_cast %add3A_107 : i32 to index
        %get3A_811 = arith.constant 352 : index
        %get3A_812 = tpu.vector_load %arg10[%get3A_810, %get3A_811] {strides = array<i32>} : memref<32x768xf32, #tpu.memory_space<vmem>>, vector<1x16xf32>,
        %get3A_813 = vector.shape_cast %get3A_812 : vector<1x16xf32> to vector<16xf32>
        %add3A_814 = arith.addf %get3A_809, %get3A_813 : vector<16xf32>
        %get3A_815 = arith.index_cast %add3A_107 : i32 to index
        %get3A_816 = arith.constant 736 : index
        %get3A_817 = tpu.vector_load %arg9[%get3A_815, %get3A_816] {strides = array<i32>} : memref<32x768xf32, #tpu.memory_space<vmem>>, vector<1x16xf32>,
        %get3A_818 = vector.shape_cast %get3A_817 : vector<1x16xf32> to vector<16xf32>
        %get3A_819 = arith.index_cast %add3A_107 : i32 to index
        %get3A_820 = arith.constant 736 : index
        %get3A_821 = tpu.vector_load %arg10[%get3A_819, %get3A_820] {strides = array<i32>} : memref<32x768xf32, #tpu.memory_space<vmem>>, vector<1x16xf32>,
        %get3A_822 = vector.shape_cast %get3A_821 : vector<1x16xf32> to vector<16xf32>
        %add3A_823 = arith.addf %get3A_818, %get3A_822 : vector<16xf32>
        %bitcast_convert_type3A_824 = tpu.bitcast %add3A_814 : vector<16xf32> -> vector<16xi32>
        %bitcast_convert_type3A_825 = tpu.bitcast %add3A_823 : vector<16xf32> -> vector<16xi32>
        %shift_right_logical3A_826 = arith.constant 16 : i32
        %shift_right_logical3A_827 = vector.broadcast %shift_right_logical3A_826 : i32 to vector<16xi32>
        %shift_right_logical3A_828 = arith.shrui %bitcast_convert_type3A_824, %shift_right_logical3A_827 : vector<16xi32>
        %and3A_829 = arith.constant -65536 : i32
        %and3A_830 = vector.broadcast %and3A_829 : i32 to vector<16xi32>
        %and3A_831 = arith.andi %bitcast_convert_type3A_825, %and3A_830 : vector<16xi32>
        %or3A_832 = arith.ori %shift_right_logical3A_828, %and3A_831 : vector<16xi32>
        %swap3A_833 = arith.index_cast %add3A_107 : i32 to index
        %swap3A_834 = arith.constant 352 : index
        %swap3A_835 = tpu.vector_load %arg13[%swap3A_833, %swap3A_834] {strides = array<i32>} : memref<32x384xi32, #tpu.memory_space<vmem>>, vector<1x16xi32>,
        %swap3A_836 = vector.shape_cast %swap3A_835 : vector<1x16xi32> to vector<16xi32>
        %swap3A_837 = vector.shape_cast %or3A_832 : vector<16xi32> to vector<1x16xi32>
        tpu.vector_store %arg13[%swap3A_833, %swap3A_834], %swap3A_837 {strides = array<i32>} : memref<32x384xi32, #tpu.memory_space<vmem>>, vector<1x16xi32>,
        %get3A_838 = arith.index_cast %add3A_107 : i32 to index
        %get3A_839 = arith.constant 368 : index
        %get3A_840 = tpu.vector_load %arg9[%get3A_838, %get3A_839] {strides = array<i32>} : memref<32x768xf32, #tpu.memory_space<vmem>>, vector<1x16xf32>,
        %get3A_841 = vector.shape_cast %get3A_840 : vector<1x16xf32> to vector<16xf32>
        %get3A_842 = arith.index_cast %add3A_107 : i32 to index
        %get3A_843 = arith.constant 368 : index
        %get3A_844 = tpu.vector_load %arg10[%get3A_842, %get3A_843] {strides = array<i32>} : memref<32x768xf32, #tpu.memory_space<vmem>>, vector<1x16xf32>,
        %get3A_845 = vector.shape_cast %get3A_844 : vector<1x16xf32> to vector<16xf32>
        %add3A_846 = arith.addf %get3A_841, %get3A_845 : vector<16xf32>
        %get3A_847 = arith.index_cast %add3A_107 : i32 to index
        %get3A_848 = arith.constant 752 : index
        %get3A_849 = tpu.vector_load %arg9[%get3A_847, %get3A_848] {strides = array<i32>} : memref<32x768xf32, #tpu.memory_space<vmem>>, vector<1x16xf32>,
        %get3A_850 = vector.shape_cast %get3A_849 : vector<1x16xf32> to vector<16xf32>
        %get3A_851 = arith.index_cast %add3A_107 : i32 to index
        %get3A_852 = arith.constant 752 : index
        %get3A_853 = tpu.vector_load %arg10[%get3A_851, %get3A_852] {strides = array<i32>} : memref<32x768xf32, #tpu.memory_space<vmem>>, vector<1x16xf32>,
        %get3A_854 = vector.shape_cast %get3A_853 : vector<1x16xf32> to vector<16xf32>
        %add3A_855 = arith.addf %get3A_850, %get3A_854 : vector<16xf32>
        %bitcast_convert_type3A_856 = tpu.bitcast %add3A_846 : vector<16xf32> -> vector<16xi32>
        %bitcast_convert_type3A_857 = tpu.bitcast %add3A_855 : vector<16xf32> -> vector<16xi32>
        %shift_right_logical3A_858 = arith.constant 16 : i32
        %shift_right_logical3A_859 = vector.broadcast %shift_right_logical3A_858 : i32 to vector<16xi32>
        %shift_right_logical3A_860 = arith.shrui %bitcast_convert_type3A_856, %shift_right_logical3A_859 : vector<16xi32>
        %and3A_861 = arith.constant -65536 : i32
        %and3A_862 = vector.broadcast %and3A_861 : i32 to vector<16xi32>
        %and3A_863 = arith.andi %bitcast_convert_type3A_857, %and3A_862 : vector<16xi32>
        %or3A_864 = arith.ori %shift_right_logical3A_860, %and3A_863 : vector<16xi32>
        %swap3A_865 = arith.index_cast %add3A_107 : i32 to index
        %swap3A_866 = arith.constant 368 : index
        %swap3A_867 = tpu.vector_load %arg13[%swap3A_865, %swap3A_866] {strides = array<i32>} : memref<32x384xi32, #tpu.memory_space<vmem>>, vector<1x16xi32>,
        %swap3A_868 = vector.shape_cast %swap3A_867 : vector<1x16xi32> to vector<16xi32>
        %swap3A_869 = vector.shape_cast %or3A_864 : vector<16xi32> to vector<1x16xi32>
        tpu.vector_store %arg13[%swap3A_865, %swap3A_866], %swap3A_869 {strides = array<i32>} : memref<32x384xi32, #tpu.memory_space<vmem>>, vector<1x16xi32>,
        %mul3A_870 = arith.constant 2 : i32
        %mul3A_871 = arith.muli %scan3A_103, %mul3A_870 : i32
        %add3A_872 = arith.constant 1 : i32
        %add3A_873 = arith.addi %mul3A_871, %add3A_872 : i32
        %get3A_874 = arith.index_cast %add3A_873 : i32 to index
        %get3A_875 = arith.constant 0 : index
        %get3A_876 = tpu.vector_load %arg9[%get3A_874, %get3A_875] {strides = array<i32>} : memref<32x768xf32, #tpu.memory_space<vmem>>, vector<1x16xf32>,
        %get3A_877 = vector.shape_cast %get3A_876 : vector<1x16xf32> to vector<16xf32>
        %get3A_878 = arith.index_cast %add3A_873 : i32 to index
        %get3A_879 = arith.constant 0 : index
        %get3A_880 = tpu.vector_load %arg10[%get3A_878, %get3A_879] {strides = array<i32>} : memref<32x768xf32, #tpu.memory_space<vmem>>, vector<1x16xf32>,
        %get3A_881 = vector.shape_cast %get3A_880 : vector<1x16xf32> to vector<16xf32>
        %add3A_882 = arith.addf %get3A_877, %get3A_881 : vector<16xf32>
        %get3A_883 = arith.index_cast %add3A_873 : i32 to index
        %get3A_884 = arith.constant 384 : index
        %get3A_885 = tpu.vector_load %arg9[%get3A_883, %get3A_884] {strides = array<i32>} : memref<32x768xf32, #tpu.memory_space<vmem>>, vector<1x16xf32>,
        %get3A_886 = vector.shape_cast %get3A_885 : vector<1x16xf32> to vector<16xf32>
        %get3A_887 = arith.index_cast %add3A_873 : i32 to index
        %get3A_888 = arith.constant 384 : index
        %get3A_889 = tpu.vector_load %arg10[%get3A_887, %get3A_888] {strides = array<i32>} : memref<32x768xf32, #tpu.memory_space<vmem>>, vector<1x16xf32>,
        %get3A_890 = vector.shape_cast %get3A_889 : vector<1x16xf32> to vector<16xf32>
        %add3A_891 = arith.addf %get3A_886, %get3A_890 : vector<16xf32>
        %bitcast_convert_type3A_892 = tpu.bitcast %add3A_882 : vector<16xf32> -> vector<16xi32>
        %bitcast_convert_type3A_893 = tpu.bitcast %add3A_891 : vector<16xf32> -> vector<16xi32>
        %shift_right_logical3A_894 = arith.constant 16 : i32
        %shift_right_logical3A_895 = vector.broadcast %shift_right_logical3A_894 : i32 to vector<16xi32>
        %shift_right_logical3A_896 = arith.shrui %bitcast_convert_type3A_892, %shift_right_logical3A_895 : vector<16xi32>
        %and3A_897 = arith.constant -65536 : i32
        %and3A_898 = vector.broadcast %and3A_897 : i32 to vector<16xi32>
        %and3A_899 = arith.andi %bitcast_convert_type3A_893, %and3A_898 : vector<16xi32>
        %or3A_900 = arith.ori %shift_right_logical3A_896, %and3A_899 : vector<16xi32>
        %swap3A_901 = arith.index_cast %add3A_873 : i32 to index
        %swap3A_902 = arith.constant 0 : index
        %swap3A_903 = tpu.vector_load %arg13[%swap3A_901, %swap3A_902] {strides = array<i32>} : memref<32x384xi32, #tpu.memory_space<vmem>>, vector<1x16xi32>,
        %swap3A_904 = vector.shape_cast %swap3A_903 : vector<1x16xi32> to vector<16xi32>
        %swap3A_905 = vector.shape_cast %or3A_900 : vector<16xi32> to vector<1x16xi32>
        tpu.vector_store %arg13[%swap3A_901, %swap3A_902], %swap3A_905 {strides = array<i32>} : memref<32x384xi32, #tpu.memory_space<vmem>>, vector<1x16xi32>,
        %get3A_906 = arith.index_cast %add3A_873 : i32 to index
        %get3A_907 = arith.constant 16 : index
        %get3A_908 = tpu.vector_load %arg9[%get3A_906, %get3A_907] {strides = array<i32>} : memref<32x768xf32, #tpu.memory_space<vmem>>, vector<1x16xf32>,
        %get3A_909 = vector.shape_cast %get3A_908 : vector<1x16xf32> to vector<16xf32>
        %get3A_910 = arith.index_cast %add3A_873 : i32 to index
        %get3A_911 = arith.constant 16 : index
        %get3A_912 = tpu.vector_load %arg10[%get3A_910, %get3A_911] {strides = array<i32>} : memref<32x768xf32, #tpu.memory_space<vmem>>, vector<1x16xf32>,
        %get3A_913 = vector.shape_cast %get3A_912 : vector<1x16xf32> to vector<16xf32>
        %add3A_914 = arith.addf %get3A_909, %get3A_913 : vector<16xf32>
        %get3A_915 = arith.index_cast %add3A_873 : i32 to index
        %get3A_916 = arith.constant 400 : index
        %get3A_917 = tpu.vector_load %arg9[%get3A_915, %get3A_916] {strides = array<i32>} : memref<32x768xf32, #tpu.memory_space<vmem>>, vector<1x16xf32>,
        %get3A_918 = vector.shape_cast %get3A_917 : vector<1x16xf32> to vector<16xf32>
        %get3A_919 = arith.index_cast %add3A_873 : i32 to index
        %get3A_920 = arith.constant 400 : index
        %get3A_921 = tpu.vector_load %arg10[%get3A_919, %get3A_920] {strides = array<i32>} : memref<32x768xf32, #tpu.memory_space<vmem>>, vector<1x16xf32>,
        %get3A_922 = vector.shape_cast %get3A_921 : vector<1x16xf32> to vector<16xf32>
        %add3A_923 = arith.addf %get3A_918, %get3A_922 : vector<16xf32>
        %bitcast_convert_type3A_924 = tpu.bitcast %add3A_914 : vector<16xf32> -> vector<16xi32>
        %bitcast_convert_type3A_925 = tpu.bitcast %add3A_923 : vector<16xf32> -> vector<16xi32>
        %shift_right_logical3A_926 = arith.constant 16 : i32
        %shift_right_logical3A_927 = vector.broadcast %shift_right_logical3A_926 : i32 to vector<16xi32>
        %shift_right_logical3A_928 = arith.shrui %bitcast_convert_type3A_924, %shift_right_logical3A_927 : vector<16xi32>
        %and3A_929 = arith.constant -65536 : i32
        %and3A_930 = vector.broadcast %and3A_929 : i32 to vector<16xi32>
        %and3A_931 = arith.andi %bitcast_convert_type3A_925, %and3A_930 : vector<16xi32>
        %or3A_932 = arith.ori %shift_right_logical3A_928, %and3A_931 : vector<16xi32>
        %swap3A_933 = arith.index_cast %add3A_873 : i32 to index
        %swap3A_934 = arith.constant 16 : index
        %swap3A_935 = tpu.vector_load %arg13[%swap3A_933, %swap3A_934] {strides = array<i32>} : memref<32x384xi32, #tpu.memory_space<vmem>>, vector<1x16xi32>,
        %swap3A_936 = vector.shape_cast %swap3A_935 : vector<1x16xi32> to vector<16xi32>
        %swap3A_937 = vector.shape_cast %or3A_932 : vector<16xi32> to vector<1x16xi32>
        tpu.vector_store %arg13[%swap3A_933, %swap3A_934], %swap3A_937 {strides = array<i32>} : memref<32x384xi32, #tpu.memory_space<vmem>>, vector<1x16xi32>,
        %get3A_938 = arith.index_cast %add3A_873 : i32 to index
        %get3A_939 = arith.constant 32 : index
        %get3A_940 = tpu.vector_load %arg9[%get3A_938, %get3A_939] {strides = array<i32>} : memref<32x768xf32, #tpu.memory_space<vmem>>, vector<1x16xf32>,
        %get3A_941 = vector.shape_cast %get3A_940 : vector<1x16xf32> to vector<16xf32>
        %get3A_942 = arith.index_cast %add3A_873 : i32 to index
        %get3A_943 = arith.constant 32 : index
        %get3A_944 = tpu.vector_load %arg10[%get3A_942, %get3A_943] {strides = array<i32>} : memref<32x768xf32, #tpu.memory_space<vmem>>, vector<1x16xf32>,
        %get3A_945 = vector.shape_cast %get3A_944 : vector<1x16xf32> to vector<16xf32>
        %add3A_946 = arith.addf %get3A_941, %get3A_945 : vector<16xf32>
        %get3A_947 = arith.index_cast %add3A_873 : i32 to index
        %get3A_948 = arith.constant 416 : index
        %get3A_949 = tpu.vector_load %arg9[%get3A_947, %get3A_948] {strides = array<i32>} : memref<32x768xf32, #tpu.memory_space<vmem>>, vector<1x16xf32>,
        %get3A_950 = vector.shape_cast %get3A_949 : vector<1x16xf32> to vector<16xf32>
        %get3A_951 = arith.index_cast %add3A_873 : i32 to index
        %get3A_952 = arith.constant 416 : index
        %get3A_953 = tpu.vector_load %arg10[%get3A_951, %get3A_952] {strides = array<i32>} : memref<32x768xf32, #tpu.memory_space<vmem>>, vector<1x16xf32>,
        %get3A_954 = vector.shape_cast %get3A_953 : vector<1x16xf32> to vector<16xf32>
        %add3A_955 = arith.addf %get3A_950, %get3A_954 : vector<16xf32>
        %bitcast_convert_type3A_956 = tpu.bitcast %add3A_946 : vector<16xf32> -> vector<16xi32>
        %bitcast_convert_type3A_957 = tpu.bitcast %add3A_955 : vector<16xf32> -> vector<16xi32>
        %shift_right_logical3A_958 = arith.constant 16 : i32
        %shift_right_logical3A_959 = vector.broadcast %shift_right_logical3A_958 : i32 to vector<16xi32>
        %shift_right_logical3A_960 = arith.shrui %bitcast_convert_type3A_956, %shift_right_logical3A_959 : vector<16xi32>
        %and3A_961 = arith.constant -65536 : i32
        %and3A_962 = vector.broadcast %and3A_961 : i32 to vector<16xi32>
        %and3A_963 = arith.andi %bitcast_convert_type3A_957, %and3A_962 : vector<16xi32>
        %or3A_964 = arith.ori %shift_right_logical3A_960, %and3A_963 : vector<16xi32>
        %swap3A_965 = arith.index_cast %add3A_873 : i32 to index
        %swap3A_966 = arith.constant 32 : index
        %swap3A_967 = tpu.vector_load %arg13[%swap3A_965, %swap3A_966] {strides = array<i32>} : memref<32x384xi32, #tpu.memory_space<vmem>>, vector<1x16xi32>,
        %swap3A_968 = vector.shape_cast %swap3A_967 : vector<1x16xi32> to vector<16xi32>
        %swap3A_969 = vector.shape_cast %or3A_964 : vector<16xi32> to vector<1x16xi32>
        tpu.vector_store %arg13[%swap3A_965, %swap3A_966], %swap3A_969 {strides = array<i32>} : memref<32x384xi32, #tpu.memory_space<vmem>>, vector<1x16xi32>,
        %get3A_970 = arith.index_cast %add3A_873 : i32 to index
        %get3A_971 = arith.constant 48 : index
        %get3A_972 = tpu.vector_load %arg9[%get3A_970, %get3A_971] {strides = array<i32>} : memref<32x768xf32, #tpu.memory_space<vmem>>, vector<1x16xf32>,
        %get3A_973 = vector.shape_cast %get3A_972 : vector<1x16xf32> to vector<16xf32>
        %get3A_974 = arith.index_cast %add3A_873 : i32 to index
        %get3A_975 = arith.constant 48 : index
        %get3A_976 = tpu.vector_load %arg10[%get3A_974, %get3A_975] {strides = array<i32>} : memref<32x768xf32, #tpu.memory_space<vmem>>, vector<1x16xf32>,
        %get3A_977 = vector.shape_cast %get3A_976 : vector<1x16xf32> to vector<16xf32>
        %add3A_978 = arith.addf %get3A_973, %get3A_977 : vector<16xf32>
        %get3A_979 = arith.index_cast %add3A_873 : i32 to index
        %get3A_980 = arith.constant 432 : index
        %get3A_981 = tpu.vector_load %arg9[%get3A_979, %get3A_980] {strides = array<i32>} : memref<32x768xf32, #tpu.memory_space<vmem>>, vector<1x16xf32>,
        %get3A_982 = vector.shape_cast %get3A_981 : vector<1x16xf32> to vector<16xf32>
        %get3A_983 = arith.index_cast %add3A_873 : i32 to index
        %get3A_984 = arith.constant 432 : index
        %get3A_985 = tpu.vector_load %arg10[%get3A_983, %get3A_984] {strides = array<i32>} : memref<32x768xf32, #tpu.memory_space<vmem>>, vector<1x16xf32>,
        %get3A_986 = vector.shape_cast %get3A_985 : vector<1x16xf32> to vector<16xf32>
        %add3A_987 = arith.addf %get3A_982, %get3A_986 : vector<16xf32>
        %bitcast_convert_type3A_988 = tpu.bitcast %add3A_978 : vector<16xf32> -> vector<16xi32>
        %bitcast_convert_type3A_989 = tpu.bitcast %add3A_987 : vector<16xf32> -> vector<16xi32>
        %shift_right_logical3A_990 = arith.constant 16 : i32
        %shift_right_logical3A_991 = vector.broadcast %shift_right_logical3A_990 : i32 to vector<16xi32>
        %shift_right_logical3A_992 = arith.shrui %bitcast_convert_type3A_988, %shift_right_logical3A_991 : vector<16xi32>
        %and3A_993 = arith.constant -65536 : i32
        %and3A_994 = vector.broadcast %and3A_993 : i32 to vector<16xi32>
        %and3A_995 = arith.andi %bitcast_convert_type3A_989, %and3A_994 : vector<16xi32>
        %or3A_996 = arith.ori %shift_right_logical3A_992, %and3A_995 : vector<16xi32>
        %swap3A_997 = arith.index_cast %add3A_873 : i32 to index
        %swap3A_998 = arith.constant 48 : index
        %swap3A_999 = tpu.vector_load %arg13[%swap3A_997, %swap3A_998] {strides = array<i32>} : memref<32x384xi32, #tpu.memory_space<vmem>>, vector<1x16xi32>,
        %swap3A_1000 = vector.shape_cast %swap3A_999 : vector<1x16xi32> to vector<16xi32>
        %swap3A_1001 = vector.shape_cast %or3A_996 : vector<16xi32> to vector<1x16xi32>
        tpu.vector_store %arg13[%swap3A_997, %swap3A_998], %swap3A_1001 {strides = array<i32>} : memref<32x384xi32, #tpu.memory_space<vmem>>, vector<1x16xi32>,
        %get3A_1002 = arith.index_cast %add3A_873 : i32 to index
        %get3A_1003 = arith.constant 64 : index
        %get3A_1004 = tpu.vector_load %arg9[%get3A_1002, %get3A_1003] {strides = array<i32>} : memref<32x768xf32, #tpu.memory_space<vmem>>, vector<1x16xf32>,
        %get3A_1005 = vector.shape_cast %get3A_1004 : vector<1x16xf32> to vector<16xf32>
        %get3A_1006 = arith.index_cast %add3A_873 : i32 to index
        %get3A_1007 = arith.constant 64 : index
        %get3A_1008 = tpu.vector_load %arg10[%get3A_1006, %get3A_1007] {strides = array<i32>} : memref<32x768xf32, #tpu.memory_space<vmem>>, vector<1x16xf32>,
        %get3A_1009 = vector.shape_cast %get3A_1008 : vector<1x16xf32> to vector<16xf32>
        %add3A_1010 = arith.addf %get3A_1005, %get3A_1009 : vector<16xf32>
        %get3A_1011 = arith.index_cast %add3A_873 : i32 to index
        %get3A_1012 = arith.constant 448 : index
        %get3A_1013 = tpu.vector_load %arg9[%get3A_1011, %get3A_1012] {strides = array<i32>} : memref<32x768xf32, #tpu.memory_space<vmem>>, vector<1x16xf32>,
        %get3A_1014 = vector.shape_cast %get3A_1013 : vector<1x16xf32> to vector<16xf32>
        %get3A_1015 = arith.index_cast %add3A_873 : i32 to index
        %get3A_1016 = arith.constant 448 : index
        %get3A_1017 = tpu.vector_load %arg10[%get3A_1015, %get3A_1016] {strides = array<i32>} : memref<32x768xf32, #tpu.memory_space<vmem>>, vector<1x16xf32>,
        %get3A_1018 = vector.shape_cast %get3A_1017 : vector<1x16xf32> to vector<16xf32>
        %add3A_1019 = arith.addf %get3A_1014, %get3A_1018 : vector<16xf32>
        %bitcast_convert_type3A_1020 = tpu.bitcast %add3A_1010 : vector<16xf32> -> vector<16xi32>
        %bitcast_convert_type3A_1021 = tpu.bitcast %add3A_1019 : vector<16xf32> -> vector<16xi32>
        %shift_right_logical3A_1022 = arith.constant 16 : i32
        %shift_right_logical3A_1023 = vector.broadcast %shift_right_logical3A_1022 : i32 to vector<16xi32>
        %shift_right_logical3A_1024 = arith.shrui %bitcast_convert_type3A_1020, %shift_right_logical3A_1023 : vector<16xi32>
        %and3A_1025 = arith.constant -65536 : i32
        %and3A_1026 = vector.broadcast %and3A_1025 : i32 to vector<16xi32>
        %and3A_1027 = arith.andi %bitcast_convert_type3A_1021, %and3A_1026 : vector<16xi32>
        %or3A_1028 = arith.ori %shift_right_logical3A_1024, %and3A_1027 : vector<16xi32>
        %swap3A_1029 = arith.index_cast %add3A_873 : i32 to index
        %swap3A_1030 = arith.constant 64 : index
        %swap3A_1031 = tpu.vector_load %arg13[%swap3A_1029, %swap3A_1030] {strides = array<i32>} : memref<32x384xi32, #tpu.memory_space<vmem>>, vector<1x16xi32>,
        %swap3A_1032 = vector.shape_cast %swap3A_1031 : vector<1x16xi32> to vector<16xi32>
        %swap3A_1033 = vector.shape_cast %or3A_1028 : vector<16xi32> to vector<1x16xi32>
        tpu.vector_store %arg13[%swap3A_1029, %swap3A_1030], %swap3A_1033 {strides = array<i32>} : memref<32x384xi32, #tpu.memory_space<vmem>>, vector<1x16xi32>,
        %get3A_1034 = arith.index_cast %add3A_873 : i32 to index
        %get3A_1035 = arith.constant 80 : index
        %get3A_1036 = tpu.vector_load %arg9[%get3A_1034, %get3A_1035] {strides = array<i32>} : memref<32x768xf32, #tpu.memory_space<vmem>>, vector<1x16xf32>,
        %get3A_1037 = vector.shape_cast %get3A_1036 : vector<1x16xf32> to vector<16xf32>
        %get3A_1038 = arith.index_cast %add3A_873 : i32 to index
        %get3A_1039 = arith.constant 80 : index
        %get3A_1040 = tpu.vector_load %arg10[%get3A_1038, %get3A_1039] {strides = array<i32>} : memref<32x768xf32, #tpu.memory_space<vmem>>, vector<1x16xf32>,
        %get3A_1041 = vector.shape_cast %get3A_1040 : vector<1x16xf32> to vector<16xf32>
        %add3A_1042 = arith.addf %get3A_1037, %get3A_1041 : vector<16xf32>
        %get3A_1043 = arith.index_cast %add3A_873 : i32 to index
        %get3A_1044 = arith.constant 464 : index
        %get3A_1045 = tpu.vector_load %arg9[%get3A_1043, %get3A_1044] {strides = array<i32>} : memref<32x768xf32, #tpu.memory_space<vmem>>, vector<1x16xf32>,
        %get3A_1046 = vector.shape_cast %get3A_1045 : vector<1x16xf32> to vector<16xf32>
        %get3A_1047 = arith.index_cast %add3A_873 : i32 to index
        %get3A_1048 = arith.constant 464 : index
        %get3A_1049 = tpu.vector_load %arg10[%get3A_1047, %get3A_1048] {strides = array<i32>} : memref<32x768xf32, #tpu.memory_space<vmem>>, vector<1x16xf32>,
        %get3A_1050 = vector.shape_cast %get3A_1049 : vector<1x16xf32> to vector<16xf32>
        %add3A_1051 = arith.addf %get3A_1046, %get3A_1050 : vector<16xf32>
        %bitcast_convert_type3A_1052 = tpu.bitcast %add3A_1042 : vector<16xf32> -> vector<16xi32>
        %bitcast_convert_type3A_1053 = tpu.bitcast %add3A_1051 : vector<16xf32> -> vector<16xi32>
        %shift_right_logical3A_1054 = arith.constant 16 : i32
        %shift_right_logical3A_1055 = vector.broadcast %shift_right_logical3A_1054 : i32 to vector<16xi32>
        %shift_right_logical3A_1056 = arith.shrui %bitcast_convert_type3A_1052, %shift_right_logical3A_1055 : vector<16xi32>
        %and3A_1057 = arith.constant -65536 : i32
        %and3A_1058 = vector.broadcast %and3A_1057 : i32 to vector<16xi32>
        %and3A_1059 = arith.andi %bitcast_convert_type3A_1053, %and3A_1058 : vector<16xi32>
        %or3A_1060 = arith.ori %shift_right_logical3A_1056, %and3A_1059 : vector<16xi32>
        %swap3A_1061 = arith.index_cast %add3A_873 : i32 to index
        %swap3A_1062 = arith.constant 80 : index
        %swap3A_1063 = tpu.vector_load %arg13[%swap3A_1061, %swap3A_1062] {strides = array<i32>} : memref<32x384xi32, #tpu.memory_space<vmem>>, vector<1x16xi32>,
        %swap3A_1064 = vector.shape_cast %swap3A_1063 : vector<1x16xi32> to vector<16xi32>
        %swap3A_1065 = vector.shape_cast %or3A_1060 : vector<16xi32> to vector<1x16xi32>
        tpu.vector_store %arg13[%swap3A_1061, %swap3A_1062], %swap3A_1065 {strides = array<i32>} : memref<32x384xi32, #tpu.memory_space<vmem>>, vector<1x16xi32>,
        %get3A_1066 = arith.index_cast %add3A_873 : i32 to index
        %get3A_1067 = arith.constant 96 : index
        %get3A_1068 = tpu.vector_load %arg9[%get3A_1066, %get3A_1067] {strides = array<i32>} : memref<32x768xf32, #tpu.memory_space<vmem>>, vector<1x16xf32>,
        %get3A_1069 = vector.shape_cast %get3A_1068 : vector<1x16xf32> to vector<16xf32>
        %get3A_1070 = arith.index_cast %add3A_873 : i32 to index
        %get3A_1071 = arith.constant 96 : index
        %get3A_1072 = tpu.vector_load %arg10[%get3A_1070, %get3A_1071] {strides = array<i32>} : memref<32x768xf32, #tpu.memory_space<vmem>>, vector<1x16xf32>,
        %get3A_1073 = vector.shape_cast %get3A_1072 : vector<1x16xf32> to vector<16xf32>
        %add3A_1074 = arith.addf %get3A_1069, %get3A_1073 : vector<16xf32>
        %get3A_1075 = arith.index_cast %add3A_873 : i32 to index
        %get3A_1076 = arith.constant 480 : index
        %get3A_1077 = tpu.vector_load %arg9[%get3A_1075, %get3A_1076] {strides = array<i32>} : memref<32x768xf32, #tpu.memory_space<vmem>>, vector<1x16xf32>,
        %get3A_1078 = vector.shape_cast %get3A_1077 : vector<1x16xf32> to vector<16xf32>
        %get3A_1079 = arith.index_cast %add3A_873 : i32 to index
        %get3A_1080 = arith.constant 480 : index
        %get3A_1081 = tpu.vector_load %arg10[%get3A_1079, %get3A_1080] {strides = array<i32>} : memref<32x768xf32, #tpu.memory_space<vmem>>, vector<1x16xf32>,
        %get3A_1082 = vector.shape_cast %get3A_1081 : vector<1x16xf32> to vector<16xf32>
        %add3A_1083 = arith.addf %get3A_1078, %get3A_1082 : vector<16xf32>
        %bitcast_convert_type3A_1084 = tpu.bitcast %add3A_1074 : vector<16xf32> -> vector<16xi32>
        %bitcast_convert_type3A_1085 = tpu.bitcast %add3A_1083 : vector<16xf32> -> vector<16xi32>
        %shift_right_logical3A_1086 = arith.constant 16 : i32
        %shift_right_logical3A_1087 = vector.broadcast %shift_right_logical3A_1086 : i32 to vector<16xi32>
        %shift_right_logical3A_1088 = arith.shrui %bitcast_convert_type3A_1084, %shift_right_logical3A_1087 : vector<16xi32>
        %and3A_1089 = arith.constant -65536 : i32
        %and3A_1090 = vector.broadcast %and3A_1089 : i32 to vector<16xi32>
        %and3A_1091 = arith.andi %bitcast_convert_type3A_1085, %and3A_1090 : vector<16xi32>
        %or3A_1092 = arith.ori %shift_right_logical3A_1088, %and3A_1091 : vector<16xi32>
        %swap3A_1093 = arith.index_cast %add3A_873 : i32 to index
        %swap3A_1094 = arith.constant 96 : index
        %swap3A_1095 = tpu.vector_load %arg13[%swap3A_1093, %swap3A_1094] {strides = array<i32>} : memref<32x384xi32, #tpu.memory_space<vmem>>, vector<1x16xi32>,
        %swap3A_1096 = vector.shape_cast %swap3A_1095 : vector<1x16xi32> to vector<16xi32>
        %swap3A_1097 = vector.shape_cast %or3A_1092 : vector<16xi32> to vector<1x16xi32>
        tpu.vector_store %arg13[%swap3A_1093, %swap3A_1094], %swap3A_1097 {strides = array<i32>} : memref<32x384xi32, #tpu.memory_space<vmem>>, vector<1x16xi32>,
        %get3A_1098 = arith.index_cast %add3A_873 : i32 to index
        %get3A_1099 = arith.constant 112 : index
        %get3A_1100 = tpu.vector_load %arg9[%get3A_1098, %get3A_1099] {strides = array<i32>} : memref<32x768xf32, #tpu.memory_space<vmem>>, vector<1x16xf32>,
        %get3A_1101 = vector.shape_cast %get3A_1100 : vector<1x16xf32> to vector<16xf32>
        %get3A_1102 = arith.index_cast %add3A_873 : i32 to index
        %get3A_1103 = arith.constant 112 : index
        %get3A_1104 = tpu.vector_load %arg10[%get3A_1102, %get3A_1103] {strides = array<i32>} : memref<32x768xf32, #tpu.memory_space<vmem>>, vector<1x16xf32>,
        %get3A_1105 = vector.shape_cast %get3A_1104 : vector<1x16xf32> to vector<16xf32>
        %add3A_1106 = arith.addf %get3A_1101, %get3A_1105 : vector<16xf32>
        %get3A_1107 = arith.index_cast %add3A_873 : i32 to index
        %get3A_1108 = arith.constant 496 : index
        %get3A_1109 = tpu.vector_load %arg9[%get3A_1107, %get3A_1108] {strides = array<i32>} : memref<32x768xf32, #tpu.memory_space<vmem>>, vector<1x16xf32>,
        %get3A_1110 = vector.shape_cast %get3A_1109 : vector<1x16xf32> to vector<16xf32>
        %get3A_1111 = arith.index_cast %add3A_873 : i32 to index
        %get3A_1112 = arith.constant 496 : index
        %get3A_1113 = tpu.vector_load %arg10[%get3A_1111, %get3A_1112] {strides = array<i32>} : memref<32x768xf32, #tpu.memory_space<vmem>>, vector<1x16xf32>,
        %get3A_1114 = vector.shape_cast %get3A_1113 : vector<1x16xf32> to vector<16xf32>
        %add3A_1115 = arith.addf %get3A_1110, %get3A_1114 : vector<16xf32>
        %bitcast_convert_type3A_1116 = tpu.bitcast %add3A_1106 : vector<16xf32> -> vector<16xi32>
        %bitcast_convert_type3A_1117 = tpu.bitcast %add3A_1115 : vector<16xf32> -> vector<16xi32>
        %shift_right_logical3A_1118 = arith.constant 16 : i32
        %shift_right_logical3A_1119 = vector.broadcast %shift_right_logical3A_1118 : i32 to vector<16xi32>
        %shift_right_logical3A_1120 = arith.shrui %bitcast_convert_type3A_1116, %shift_right_logical3A_1119 : vector<16xi32>
        %and3A_1121 = arith.constant -65536 : i32
        %and3A_1122 = vector.broadcast %and3A_1121 : i32 to vector<16xi32>
        %and3A_1123 = arith.andi %bitcast_convert_type3A_1117, %and3A_1122 : vector<16xi32>
        %or3A_1124 = arith.ori %shift_right_logical3A_1120, %and3A_1123 : vector<16xi32>
        %swap3A_1125 = arith.index_cast %add3A_873 : i32 to index
        %swap3A_1126 = arith.constant 112 : index
        %swap3A_1127 = tpu.vector_load %arg13[%swap3A_1125, %swap3A_1126] {strides = array<i32>} : memref<32x384xi32, #tpu.memory_space<vmem>>, vector<1x16xi32>,
        %swap3A_1128 = vector.shape_cast %swap3A_1127 : vector<1x16xi32> to vector<16xi32>
        %swap3A_1129 = vector.shape_cast %or3A_1124 : vector<16xi32> to vector<1x16xi32>
        tpu.vector_store %arg13[%swap3A_1125, %swap3A_1126], %swap3A_1129 {strides = array<i32>} : memref<32x384xi32, #tpu.memory_space<vmem>>, vector<1x16xi32>,
        %get3A_1130 = arith.index_cast %add3A_873 : i32 to index
        %get3A_1131 = arith.constant 128 : index
        %get3A_1132 = tpu.vector_load %arg9[%get3A_1130, %get3A_1131] {strides = array<i32>} : memref<32x768xf32, #tpu.memory_space<vmem>>, vector<1x16xf32>,
        %get3A_1133 = vector.shape_cast %get3A_1132 : vector<1x16xf32> to vector<16xf32>
        %get3A_1134 = arith.index_cast %add3A_873 : i32 to index
        %get3A_1135 = arith.constant 128 : index
        %get3A_1136 = tpu.vector_load %arg10[%get3A_1134, %get3A_1135] {strides = array<i32>} : memref<32x768xf32, #tpu.memory_space<vmem>>, vector<1x16xf32>,
        %get3A_1137 = vector.shape_cast %get3A_1136 : vector<1x16xf32> to vector<16xf32>
        %add3A_1138 = arith.addf %get3A_1133, %get3A_1137 : vector<16xf32>
        %get3A_1139 = arith.index_cast %add3A_873 : i32 to index
        %get3A_1140 = arith.constant 512 : index
        %get3A_1141 = tpu.vector_load %arg9[%get3A_1139, %get3A_1140] {strides = array<i32>} : memref<32x768xf32, #tpu.memory_space<vmem>>, vector<1x16xf32>,
        %get3A_1142 = vector.shape_cast %get3A_1141 : vector<1x16xf32> to vector<16xf32>
        %get3A_1143 = arith.index_cast %add3A_873 : i32 to index
        %get3A_1144 = arith.constant 512 : index
        %get3A_1145 = tpu.vector_load %arg10[%get3A_1143, %get3A_1144] {strides = array<i32>} : memref<32x768xf32, #tpu.memory_space<vmem>>, vector<1x16xf32>,
        %get3A_1146 = vector.shape_cast %get3A_1145 : vector<1x16xf32> to vector<16xf32>
        %add3A_1147 = arith.addf %get3A_1142, %get3A_1146 : vector<16xf32>
        %bitcast_convert_type3A_1148 = tpu.bitcast %add3A_1138 : vector<16xf32> -> vector<16xi32>
        %bitcast_convert_type3A_1149 = tpu.bitcast %add3A_1147 : vector<16xf32> -> vector<16xi32>
        %shift_right_logical3A_1150 = arith.constant 16 : i32
        %shift_right_logical3A_1151 = vector.broadcast %shift_right_logical3A_1150 : i32 to vector<16xi32>
        %shift_right_logical3A_1152 = arith.shrui %bitcast_convert_type3A_1148, %shift_right_logical3A_1151 : vector<16xi32>
        %and3A_1153 = arith.constant -65536 : i32
        %and3A_1154 = vector.broadcast %and3A_1153 : i32 to vector<16xi32>
        %and3A_1155 = arith.andi %bitcast_convert_type3A_1149, %and3A_1154 : vector<16xi32>
        %or3A_1156 = arith.ori %shift_right_logical3A_1152, %and3A_1155 : vector<16xi32>
        %swap3A_1157 = arith.index_cast %add3A_873 : i32 to index
        %swap3A_1158 = arith.constant 128 : index
        %swap3A_1159 = tpu.vector_load %arg13[%swap3A_1157, %swap3A_1158] {strides = array<i32>} : memref<32x384xi32, #tpu.memory_space<vmem>>, vector<1x16xi32>,
        %swap3A_1160 = vector.shape_cast %swap3A_1159 : vector<1x16xi32> to vector<16xi32>
        %swap3A_1161 = vector.shape_cast %or3A_1156 : vector<16xi32> to vector<1x16xi32>
        tpu.vector_store %arg13[%swap3A_1157, %swap3A_1158], %swap3A_1161 {strides = array<i32>} : memref<32x384xi32, #tpu.memory_space<vmem>>, vector<1x16xi32>,
        %get3A_1162 = arith.index_cast %add3A_873 : i32 to index
        %get3A_1163 = arith.constant 144 : index
        %get3A_1164 = tpu.vector_load %arg9[%get3A_1162, %get3A_1163] {strides = array<i32>} : memref<32x768xf32, #tpu.memory_space<vmem>>, vector<1x16xf32>,
        %get3A_1165 = vector.shape_cast %get3A_1164 : vector<1x16xf32> to vector<16xf32>
        %get3A_1166 = arith.index_cast %add3A_873 : i32 to index
        %get3A_1167 = arith.constant 144 : index
        %get3A_1168 = tpu.vector_load %arg10[%get3A_1166, %get3A_1167] {strides = array<i32>} : memref<32x768xf32, #tpu.memory_space<vmem>>, vector<1x16xf32>,
        %get3A_1169 = vector.shape_cast %get3A_1168 : vector<1x16xf32> to vector<16xf32>
        %add3A_1170 = arith.addf %get3A_1165, %get3A_1169 : vector<16xf32>
        %get3A_1171 = arith.index_cast %add3A_873 : i32 to index
        %get3A_1172 = arith.constant 528 : index
        %get3A_1173 = tpu.vector_load %arg9[%get3A_1171, %get3A_1172] {strides = array<i32>} : memref<32x768xf32, #tpu.memory_space<vmem>>, vector<1x16xf32>,
        %get3A_1174 = vector.shape_cast %get3A_1173 : vector<1x16xf32> to vector<16xf32>
        %get3A_1175 = arith.index_cast %add3A_873 : i32 to index
        %get3A_1176 = arith.constant 528 : index
        %get3A_1177 = tpu.vector_load %arg10[%get3A_1175, %get3A_1176] {strides = array<i32>} : memref<32x768xf32, #tpu.memory_space<vmem>>, vector<1x16xf32>,
        %get3A_1178 = vector.shape_cast %get3A_1177 : vector<1x16xf32> to vector<16xf32>
        %add3A_1179 = arith.addf %get3A_1174, %get3A_1178 : vector<16xf32>
        %bitcast_convert_type3A_1180 = tpu.bitcast %add3A_1170 : vector<16xf32> -> vector<16xi32>
        %bitcast_convert_type3A_1181 = tpu.bitcast %add3A_1179 : vector<16xf32> -> vector<16xi32>
        %shift_right_logical3A_1182 = arith.constant 16 : i32
        %shift_right_logical3A_1183 = vector.broadcast %shift_right_logical3A_1182 : i32 to vector<16xi32>
        %shift_right_logical3A_1184 = arith.shrui %bitcast_convert_type3A_1180, %shift_right_logical3A_1183 : vector<16xi32>
        %and3A_1185 = arith.constant -65536 : i32
        %and3A_1186 = vector.broadcast %and3A_1185 : i32 to vector<16xi32>
        %and3A_1187 = arith.andi %bitcast_convert_type3A_1181, %and3A_1186 : vector<16xi32>
        %or3A_1188 = arith.ori %shift_right_logical3A_1184, %and3A_1187 : vector<16xi32>
        %swap3A_1189 = arith.index_cast %add3A_873 : i32 to index
        %swap3A_1190 = arith.constant 144 : index
        %swap3A_1191 = tpu.vector_load %arg13[%swap3A_1189, %swap3A_1190] {strides = array<i32>} : memref<32x384xi32, #tpu.memory_space<vmem>>, vector<1x16xi32>,
        %swap3A_1192 = vector.shape_cast %swap3A_1191 : vector<1x16xi32> to vector<16xi32>
        %swap3A_1193 = vector.shape_cast %or3A_1188 : vector<16xi32> to vector<1x16xi32>
        tpu.vector_store %arg13[%swap3A_1189, %swap3A_1190], %swap3A_1193 {strides = array<i32>} : memref<32x384xi32, #tpu.memory_space<vmem>>, vector<1x16xi32>,
        %get3A_1194 = arith.index_cast %add3A_873 : i32 to index
        %get3A_1195 = arith.constant 160 : index
        %get3A_1196 = tpu.vector_load %arg9[%get3A_1194, %get3A_1195] {strides = array<i32>} : memref<32x768xf32, #tpu.memory_space<vmem>>, vector<1x16xf32>,
        %get3A_1197 = vector.shape_cast %get3A_1196 : vector<1x16xf32> to vector<16xf32>
        %get3A_1198 = arith.index_cast %add3A_873 : i32 to index
        %get3A_1199 = arith.constant 160 : index
        %get3A_1200 = tpu.vector_load %arg10[%get3A_1198, %get3A_1199] {strides = array<i32>} : memref<32x768xf32, #tpu.memory_space<vmem>>, vector<1x16xf32>,
        %get3A_1201 = vector.shape_cast %get3A_1200 : vector<1x16xf32> to vector<16xf32>
        %add3A_1202 = arith.addf %get3A_1197, %get3A_1201 : vector<16xf32>
        %get3A_1203 = arith.index_cast %add3A_873 : i32 to index
        %get3A_1204 = arith.constant 544 : index
        %get3A_1205 = tpu.vector_load %arg9[%get3A_1203, %get3A_1204] {strides = array<i32>} : memref<32x768xf32, #tpu.memory_space<vmem>>, vector<1x16xf32>,
        %get3A_1206 = vector.shape_cast %get3A_1205 : vector<1x16xf32> to vector<16xf32>
        %get3A_1207 = arith.index_cast %add3A_873 : i32 to index
        %get3A_1208 = arith.constant 544 : index
        %get3A_1209 = tpu.vector_load %arg10[%get3A_1207, %get3A_1208] {strides = array<i32>} : memref<32x768xf32, #tpu.memory_space<vmem>>, vector<1x16xf32>,
        %get3A_1210 = vector.shape_cast %get3A_1209 : vector<1x16xf32> to vector<16xf32>
        %add3A_1211 = arith.addf %get3A_1206, %get3A_1210 : vector<16xf32>
        %bitcast_convert_type3A_1212 = tpu.bitcast %add3A_1202 : vector<16xf32> -> vector<16xi32>
        %bitcast_convert_type3A_1213 = tpu.bitcast %add3A_1211 : vector<16xf32> -> vector<16xi32>
        %shift_right_logical3A_1214 = arith.constant 16 : i32
        %shift_right_logical3A_1215 = vector.broadcast %shift_right_logical3A_1214 : i32 to vector<16xi32>
        %shift_right_logical3A_1216 = arith.shrui %bitcast_convert_type3A_1212, %shift_right_logical3A_1215 : vector<16xi32>
        %and3A_1217 = arith.constant -65536 : i32
        %and3A_1218 = vector.broadcast %and3A_1217 : i32 to vector<16xi32>
        %and3A_1219 = arith.andi %bitcast_convert_type3A_1213, %and3A_1218 : vector<16xi32>
        %or3A_1220 = arith.ori %shift_right_logical3A_1216, %and3A_1219 : vector<16xi32>
        %swap3A_1221 = arith.index_cast %add3A_873 : i32 to index
        %swap3A_1222 = arith.constant 160 : index
        %swap3A_1223 = tpu.vector_load %arg13[%swap3A_1221, %swap3A_1222] {strides = array<i32>} : memref<32x384xi32, #tpu.memory_space<vmem>>, vector<1x16xi32>,
        %swap3A_1224 = vector.shape_cast %swap3A_1223 : vector<1x16xi32> to vector<16xi32>
        %swap3A_1225 = vector.shape_cast %or3A_1220 : vector<16xi32> to vector<1x16xi32>
        tpu.vector_store %arg13[%swap3A_1221, %swap3A_1222], %swap3A_1225 {strides = array<i32>} : memref<32x384xi32, #tpu.memory_space<vmem>>, vector<1x16xi32>,
        %get3A_1226 = arith.index_cast %add3A_873 : i32 to index
        %get3A_1227 = arith.constant 176 : index
        %get3A_1228 = tpu.vector_load %arg9[%get3A_1226, %get3A_1227] {strides = array<i32>} : memref<32x768xf32, #tpu.memory_space<vmem>>, vector<1x16xf32>,
        %get3A_1229 = vector.shape_cast %get3A_1228 : vector<1x16xf32> to vector<16xf32>
        %get3A_1230 = arith.index_cast %add3A_873 : i32 to index
        %get3A_1231 = arith.constant 176 : index
        %get3A_1232 = tpu.vector_load %arg10[%get3A_1230, %get3A_1231] {strides = array<i32>} : memref<32x768xf32, #tpu.memory_space<vmem>>, vector<1x16xf32>,
        %get3A_1233 = vector.shape_cast %get3A_1232 : vector<1x16xf32> to vector<16xf32>
        %add3A_1234 = arith.addf %get3A_1229, %get3A_1233 : vector<16xf32>
        %get3A_1235 = arith.index_cast %add3A_873 : i32 to index
        %get3A_1236 = arith.constant 560 : index
        %get3A_1237 = tpu.vector_load %arg9[%get3A_1235, %get3A_1236] {strides = array<i32>} : memref<32x768xf32, #tpu.memory_space<vmem>>, vector<1x16xf32>,
        %get3A_1238 = vector.shape_cast %get3A_1237 : vector<1x16xf32> to vector<16xf32>
        %get3A_1239 = arith.index_cast %add3A_873 : i32 to index
        %get3A_1240 = arith.constant 560 : index
        %get3A_1241 = tpu.vector_load %arg10[%get3A_1239, %get3A_1240] {strides = array<i32>} : memref<32x768xf32, #tpu.memory_space<vmem>>, vector<1x16xf32>,
        %get3A_1242 = vector.shape_cast %get3A_1241 : vector<1x16xf32> to vector<16xf32>
        %add3A_1243 = arith.addf %get3A_1238, %get3A_1242 : vector<16xf32>
        %bitcast_convert_type3A_1244 = tpu.bitcast %add3A_1234 : vector<16xf32> -> vector<16xi32>
        %bitcast_convert_type3A_1245 = tpu.bitcast %add3A_1243 : vector<16xf32> -> vector<16xi32>
        %shift_right_logical3A_1246 = arith.constant 16 : i32
        %shift_right_logical3A_1247 = vector.broadcast %shift_right_logical3A_1246 : i32 to vector<16xi32>
        %shift_right_logical3A_1248 = arith.shrui %bitcast_convert_type3A_1244, %shift_right_logical3A_1247 : vector<16xi32>
        %and3A_1249 = arith.constant -65536 : i32
        %and3A_1250 = vector.broadcast %and3A_1249 : i32 to vector<16xi32>
        %and3A_1251 = arith.andi %bitcast_convert_type3A_1245, %and3A_1250 : vector<16xi32>
        %or3A_1252 = arith.ori %shift_right_logical3A_1248, %and3A_1251 : vector<16xi32>
        %swap3A_1253 = arith.index_cast %add3A_873 : i32 to index
        %swap3A_1254 = arith.constant 176 : index
        %swap3A_1255 = tpu.vector_load %arg13[%swap3A_1253, %swap3A_1254] {strides = array<i32>} : memref<32x384xi32, #tpu.memory_space<vmem>>, vector<1x16xi32>,
        %swap3A_1256 = vector.shape_cast %swap3A_1255 : vector<1x16xi32> to vector<16xi32>
        %swap3A_1257 = vector.shape_cast %or3A_1252 : vector<16xi32> to vector<1x16xi32>
        tpu.vector_store %arg13[%swap3A_1253, %swap3A_1254], %swap3A_1257 {strides = array<i32>} : memref<32x384xi32, #tpu.memory_space<vmem>>, vector<1x16xi32>,
        %get3A_1258 = arith.index_cast %add3A_873 : i32 to index
        %get3A_1259 = arith.constant 192 : index
        %get3A_1260 = tpu.vector_load %arg9[%get3A_1258, %get3A_1259] {strides = array<i32>} : memref<32x768xf32, #tpu.memory_space<vmem>>, vector<1x16xf32>,
        %get3A_1261 = vector.shape_cast %get3A_1260 : vector<1x16xf32> to vector<16xf32>
        %get3A_1262 = arith.index_cast %add3A_873 : i32 to index
        %get3A_1263 = arith.constant 192 : index
        %get3A_1264 = tpu.vector_load %arg10[%get3A_1262, %get3A_1263] {strides = array<i32>} : memref<32x768xf32, #tpu.memory_space<vmem>>, vector<1x16xf32>,
        %get3A_1265 = vector.shape_cast %get3A_1264 : vector<1x16xf32> to vector<16xf32>
        %add3A_1266 = arith.addf %get3A_1261, %get3A_1265 : vector<16xf32>
        %get3A_1267 = arith.index_cast %add3A_873 : i32 to index
        %get3A_1268 = arith.constant 576 : index
        %get3A_1269 = tpu.vector_load %arg9[%get3A_1267, %get3A_1268] {strides = array<i32>} : memref<32x768xf32, #tpu.memory_space<vmem>>, vector<1x16xf32>,
        %get3A_1270 = vector.shape_cast %get3A_1269 : vector<1x16xf32> to vector<16xf32>
        %get3A_1271 = arith.index_cast %add3A_873 : i32 to index
        %get3A_1272 = arith.constant 576 : index
        %get3A_1273 = tpu.vector_load %arg10[%get3A_1271, %get3A_1272] {strides = array<i32>} : memref<32x768xf32, #tpu.memory_space<vmem>>, vector<1x16xf32>,
        %get3A_1274 = vector.shape_cast %get3A_1273 : vector<1x16xf32> to vector<16xf32>
        %add3A_1275 = arith.addf %get3A_1270, %get3A_1274 : vector<16xf32>
        %bitcast_convert_type3A_1276 = tpu.bitcast %add3A_1266 : vector<16xf32> -> vector<16xi32>
        %bitcast_convert_type3A_1277 = tpu.bitcast %add3A_1275 : vector<16xf32> -> vector<16xi32>
        %shift_right_logical3A_1278 = arith.constant 16 : i32
        %shift_right_logical3A_1279 = vector.broadcast %shift_right_logical3A_1278 : i32 to vector<16xi32>
        %shift_right_logical3A_1280 = arith.shrui %bitcast_convert_type3A_1276, %shift_right_logical3A_1279 : vector<16xi32>
        %and3A_1281 = arith.constant -65536 : i32
        %and3A_1282 = vector.broadcast %and3A_1281 : i32 to vector<16xi32>
        %and3A_1283 = arith.andi %bitcast_convert_type3A_1277, %and3A_1282 : vector<16xi32>
        %or3A_1284 = arith.ori %shift_right_logical3A_1280, %and3A_1283 : vector<16xi32>
        %swap3A_1285 = arith.index_cast %add3A_873 : i32 to index
        %swap3A_1286 = arith.constant 192 : index
        %swap3A_1287 = tpu.vector_load %arg13[%swap3A_1285, %swap3A_1286] {strides = array<i32>} : memref<32x384xi32, #tpu.memory_space<vmem>>, vector<1x16xi32>,
        %swap3A_1288 = vector.shape_cast %swap3A_1287 : vector<1x16xi32> to vector<16xi32>
        %swap3A_1289 = vector.shape_cast %or3A_1284 : vector<16xi32> to vector<1x16xi32>
        tpu.vector_store %arg13[%swap3A_1285, %swap3A_1286], %swap3A_1289 {strides = array<i32>} : memref<32x384xi32, #tpu.memory_space<vmem>>, vector<1x16xi32>,
        %get3A_1290 = arith.index_cast %add3A_873 : i32 to index
        %get3A_1291 = arith.constant 208 : index
        %get3A_1292 = tpu.vector_load %arg9[%get3A_1290, %get3A_1291] {strides = array<i32>} : memref<32x768xf32, #tpu.memory_space<vmem>>, vector<1x16xf32>,
        %get3A_1293 = vector.shape_cast %get3A_1292 : vector<1x16xf32> to vector<16xf32>
        %get3A_1294 = arith.index_cast %add3A_873 : i32 to index
        %get3A_1295 = arith.constant 208 : index
        %get3A_1296 = tpu.vector_load %arg10[%get3A_1294, %get3A_1295] {strides = array<i32>} : memref<32x768xf32, #tpu.memory_space<vmem>>, vector<1x16xf32>,
        %get3A_1297 = vector.shape_cast %get3A_1296 : vector<1x16xf32> to vector<16xf32>
        %add3A_1298 = arith.addf %get3A_1293, %get3A_1297 : vector<16xf32>
        %get3A_1299 = arith.index_cast %add3A_873 : i32 to index
        %get3A_1300 = arith.constant 592 : index
        %get3A_1301 = tpu.vector_load %arg9[%get3A_1299, %get3A_1300] {strides = array<i32>} : memref<32x768xf32, #tpu.memory_space<vmem>>, vector<1x16xf32>,
        %get3A_1302 = vector.shape_cast %get3A_1301 : vector<1x16xf32> to vector<16xf32>
        %get3A_1303 = arith.index_cast %add3A_873 : i32 to index
        %get3A_1304 = arith.constant 592 : index
        %get3A_1305 = tpu.vector_load %arg10[%get3A_1303, %get3A_1304] {strides = array<i32>} : memref<32x768xf32, #tpu.memory_space<vmem>>, vector<1x16xf32>,
        %get3A_1306 = vector.shape_cast %get3A_1305 : vector<1x16xf32> to vector<16xf32>
        %add3A_1307 = arith.addf %get3A_1302, %get3A_1306 : vector<16xf32>
        %bitcast_convert_type3A_1308 = tpu.bitcast %add3A_1298 : vector<16xf32> -> vector<16xi32>
        %bitcast_convert_type3A_1309 = tpu.bitcast %add3A_1307 : vector<16xf32> -> vector<16xi32>
        %shift_right_logical3A_1310 = arith.constant 16 : i32
        %shift_right_logical3A_1311 = vector.broadcast %shift_right_logical3A_1310 : i32 to vector<16xi32>
        %shift_right_logical3A_1312 = arith.shrui %bitcast_convert_type3A_1308, %shift_right_logical3A_1311 : vector<16xi32>
        %and3A_1313 = arith.constant -65536 : i32
        %and3A_1314 = vector.broadcast %and3A_1313 : i32 to vector<16xi32>
        %and3A_1315 = arith.andi %bitcast_convert_type3A_1309, %and3A_1314 : vector<16xi32>
        %or3A_1316 = arith.ori %shift_right_logical3A_1312, %and3A_1315 : vector<16xi32>
        %swap3A_1317 = arith.index_cast %add3A_873 : i32 to index
        %swap3A_1318 = arith.constant 208 : index
        %swap3A_1319 = tpu.vector_load %arg13[%swap3A_1317, %swap3A_1318] {strides = array<i32>} : memref<32x384xi32, #tpu.memory_space<vmem>>, vector<1x16xi32>,
        %swap3A_1320 = vector.shape_cast %swap3A_1319 : vector<1x16xi32> to vector<16xi32>
        %swap3A_1321 = vector.shape_cast %or3A_1316 : vector<16xi32> to vector<1x16xi32>
        tpu.vector_store %arg13[%swap3A_1317, %swap3A_1318], %swap3A_1321 {strides = array<i32>} : memref<32x384xi32, #tpu.memory_space<vmem>>, vector<1x16xi32>,
        %get3A_1322 = arith.index_cast %add3A_873 : i32 to index
        %get3A_1323 = arith.constant 224 : index
        %get3A_1324 = tpu.vector_load %arg9[%get3A_1322, %get3A_1323] {strides = array<i32>} : memref<32x768xf32, #tpu.memory_space<vmem>>, vector<1x16xf32>,
        %get3A_1325 = vector.shape_cast %get3A_1324 : vector<1x16xf32> to vector<16xf32>
        %get3A_1326 = arith.index_cast %add3A_873 : i32 to index
        %get3A_1327 = arith.constant 224 : index
        %get3A_1328 = tpu.vector_load %arg10[%get3A_1326, %get3A_1327] {strides = array<i32>} : memref<32x768xf32, #tpu.memory_space<vmem>>, vector<1x16xf32>,
        %get3A_1329 = vector.shape_cast %get3A_1328 : vector<1x16xf32> to vector<16xf32>
        %add3A_1330 = arith.addf %get3A_1325, %get3A_1329 : vector<16xf32>
        %get3A_1331 = arith.index_cast %add3A_873 : i32 to index
        %get3A_1332 = arith.constant 608 : index
        %get3A_1333 = tpu.vector_load %arg9[%get3A_1331, %get3A_1332] {strides = array<i32>} : memref<32x768xf32, #tpu.memory_space<vmem>>, vector<1x16xf32>,
        %get3A_1334 = vector.shape_cast %get3A_1333 : vector<1x16xf32> to vector<16xf32>
        %get3A_1335 = arith.index_cast %add3A_873 : i32 to index
        %get3A_1336 = arith.constant 608 : index
        %get3A_1337 = tpu.vector_load %arg10[%get3A_1335, %get3A_1336] {strides = array<i32>} : memref<32x768xf32, #tpu.memory_space<vmem>>, vector<1x16xf32>,
        %get3A_1338 = vector.shape_cast %get3A_1337 : vector<1x16xf32> to vector<16xf32>
        %add3A_1339 = arith.addf %get3A_1334, %get3A_1338 : vector<16xf32>
        %bitcast_convert_type3A_1340 = tpu.bitcast %add3A_1330 : vector<16xf32> -> vector<16xi32>
        %bitcast_convert_type3A_1341 = tpu.bitcast %add3A_1339 : vector<16xf32> -> vector<16xi32>
        %shift_right_logical3A_1342 = arith.constant 16 : i32
        %shift_right_logical3A_1343 = vector.broadcast %shift_right_logical3A_1342 : i32 to vector<16xi32>
        %shift_right_logical3A_1344 = arith.shrui %bitcast_convert_type3A_1340, %shift_right_logical3A_1343 : vector<16xi32>
        %and3A_1345 = arith.constant -65536 : i32
        %and3A_1346 = vector.broadcast %and3A_1345 : i32 to vector<16xi32>
        %and3A_1347 = arith.andi %bitcast_convert_type3A_1341, %and3A_1346 : vector<16xi32>
        %or3A_1348 = arith.ori %shift_right_logical3A_1344, %and3A_1347 : vector<16xi32>
        %swap3A_1349 = arith.index_cast %add3A_873 : i32 to index
        %swap3A_1350 = arith.constant 224 : index
        %swap3A_1351 = tpu.vector_load %arg13[%swap3A_1349, %swap3A_1350] {strides = array<i32>} : memref<32x384xi32, #tpu.memory_space<vmem>>, vector<1x16xi32>,
        %swap3A_1352 = vector.shape_cast %swap3A_1351 : vector<1x16xi32> to vector<16xi32>
        %swap3A_1353 = vector.shape_cast %or3A_1348 : vector<16xi32> to vector<1x16xi32>
        tpu.vector_store %arg13[%swap3A_1349, %swap3A_1350], %swap3A_1353 {strides = array<i32>} : memref<32x384xi32, #tpu.memory_space<vmem>>, vector<1x16xi32>,
        %get3A_1354 = arith.index_cast %add3A_873 : i32 to index
        %get3A_1355 = arith.constant 240 : index
        %get3A_1356 = tpu.vector_load %arg9[%get3A_1354, %get3A_1355] {strides = array<i32>} : memref<32x768xf32, #tpu.memory_space<vmem>>, vector<1x16xf32>,
        %get3A_1357 = vector.shape_cast %get3A_1356 : vector<1x16xf32> to vector<16xf32>
        %get3A_1358 = arith.index_cast %add3A_873 : i32 to index
        %get3A_1359 = arith.constant 240 : index
        %get3A_1360 = tpu.vector_load %arg10[%get3A_1358, %get3A_1359] {strides = array<i32>} : memref<32x768xf32, #tpu.memory_space<vmem>>, vector<1x16xf32>,
        %get3A_1361 = vector.shape_cast %get3A_1360 : vector<1x16xf32> to vector<16xf32>
        %add3A_1362 = arith.addf %get3A_1357, %get3A_1361 : vector<16xf32>
        %get3A_1363 = arith.index_cast %add3A_873 : i32 to index
        %get3A_1364 = arith.constant 624 : index
        %get3A_1365 = tpu.vector_load %arg9[%get3A_1363, %get3A_1364] {strides = array<i32>} : memref<32x768xf32, #tpu.memory_space<vmem>>, vector<1x16xf32>,
        %get3A_1366 = vector.shape_cast %get3A_1365 : vector<1x16xf32> to vector<16xf32>
        %get3A_1367 = arith.index_cast %add3A_873 : i32 to index
        %get3A_1368 = arith.constant 624 : index
        %get3A_1369 = tpu.vector_load %arg10[%get3A_1367, %get3A_1368] {strides = array<i32>} : memref<32x768xf32, #tpu.memory_space<vmem>>, vector<1x16xf32>,
        %get3A_1370 = vector.shape_cast %get3A_1369 : vector<1x16xf32> to vector<16xf32>
        %add3A_1371 = arith.addf %get3A_1366, %get3A_1370 : vector<16xf32>
        %bitcast_convert_type3A_1372 = tpu.bitcast %add3A_1362 : vector<16xf32> -> vector<16xi32>
        %bitcast_convert_type3A_1373 = tpu.bitcast %add3A_1371 : vector<16xf32> -> vector<16xi32>
        %shift_right_logical3A_1374 = arith.constant 16 : i32
        %shift_right_logical3A_1375 = vector.broadcast %shift_right_logical3A_1374 : i32 to vector<16xi32>
        %shift_right_logical3A_1376 = arith.shrui %bitcast_convert_type3A_1372, %shift_right_logical3A_1375 : vector<16xi32>
        %and3A_1377 = arith.constant -65536 : i32
        %and3A_1378 = vector.broadcast %and3A_1377 : i32 to vector<16xi32>
        %and3A_1379 = arith.andi %bitcast_convert_type3A_1373, %and3A_1378 : vector<16xi32>
        %or3A_1380 = arith.ori %shift_right_logical3A_1376, %and3A_1379 : vector<16xi32>
        %swap3A_1381 = arith.index_cast %add3A_873 : i32 to index
        %swap3A_1382 = arith.constant 240 : index
        %swap3A_1383 = tpu.vector_load %arg13[%swap3A_1381, %swap3A_1382] {strides = array<i32>} : memref<32x384xi32, #tpu.memory_space<vmem>>, vector<1x16xi32>,
        %swap3A_1384 = vector.shape_cast %swap3A_1383 : vector<1x16xi32> to vector<16xi32>
        %swap3A_1385 = vector.shape_cast %or3A_1380 : vector<16xi32> to vector<1x16xi32>
        tpu.vector_store %arg13[%swap3A_1381, %swap3A_1382], %swap3A_1385 {strides = array<i32>} : memref<32x384xi32, #tpu.memory_space<vmem>>, vector<1x16xi32>,
        %get3A_1386 = arith.index_cast %add3A_873 : i32 to index
        %get3A_1387 = arith.constant 256 : index
        %get3A_1388 = tpu.vector_load %arg9[%get3A_1386, %get3A_1387] {strides = array<i32>} : memref<32x768xf32, #tpu.memory_space<vmem>>, vector<1x16xf32>,
        %get3A_1389 = vector.shape_cast %get3A_1388 : vector<1x16xf32> to vector<16xf32>
        %get3A_1390 = arith.index_cast %add3A_873 : i32 to index
        %get3A_1391 = arith.constant 256 : index
        %get3A_1392 = tpu.vector_load %arg10[%get3A_1390, %get3A_1391] {strides = array<i32>} : memref<32x768xf32, #tpu.memory_space<vmem>>, vector<1x16xf32>,
        %get3A_1393 = vector.shape_cast %get3A_1392 : vector<1x16xf32> to vector<16xf32>
        %add3A_1394 = arith.addf %get3A_1389, %get3A_1393 : vector<16xf32>
        %get3A_1395 = arith.index_cast %add3A_873 : i32 to index
        %get3A_1396 = arith.constant 640 : index
        %get3A_1397 = tpu.vector_load %arg9[%get3A_1395, %get3A_1396] {strides = array<i32>} : memref<32x768xf32, #tpu.memory_space<vmem>>, vector<1x16xf32>,
        %get3A_1398 = vector.shape_cast %get3A_1397 : vector<1x16xf32> to vector<16xf32>
        %get3A_1399 = arith.index_cast %add3A_873 : i32 to index
        %get3A_1400 = arith.constant 640 : index
        %get3A_1401 = tpu.vector_load %arg10[%get3A_1399, %get3A_1400] {strides = array<i32>} : memref<32x768xf32, #tpu.memory_space<vmem>>, vector<1x16xf32>,
        %get3A_1402 = vector.shape_cast %get3A_1401 : vector<1x16xf32> to vector<16xf32>
        %add3A_1403 = arith.addf %get3A_1398, %get3A_1402 : vector<16xf32>
        %bitcast_convert_type3A_1404 = tpu.bitcast %add3A_1394 : vector<16xf32> -> vector<16xi32>
        %bitcast_convert_type3A_1405 = tpu.bitcast %add3A_1403 : vector<16xf32> -> vector<16xi32>
        %shift_right_logical3A_1406 = arith.constant 16 : i32
        %shift_right_logical3A_1407 = vector.broadcast %shift_right_logical3A_1406 : i32 to vector<16xi32>
        %shift_right_logical3A_1408 = arith.shrui %bitcast_convert_type3A_1404, %shift_right_logical3A_1407 : vector<16xi32>
        %and3A_1409 = arith.constant -65536 : i32
        %and3A_1410 = vector.broadcast %and3A_1409 : i32 to vector<16xi32>
        %and3A_1411 = arith.andi %bitcast_convert_type3A_1405, %and3A_1410 : vector<16xi32>
        %or3A_1412 = arith.ori %shift_right_logical3A_1408, %and3A_1411 : vector<16xi32>
        %swap3A_1413 = arith.index_cast %add3A_873 : i32 to index
        %swap3A_1414 = arith.constant 256 : index
        %swap3A_1415 = tpu.vector_load %arg13[%swap3A_1413, %swap3A_1414] {strides = array<i32>} : memref<32x384xi32, #tpu.memory_space<vmem>>, vector<1x16xi32>,
        %swap3A_1416 = vector.shape_cast %swap3A_1415 : vector<1x16xi32> to vector<16xi32>
        %swap3A_1417 = vector.shape_cast %or3A_1412 : vector<16xi32> to vector<1x16xi32>
        tpu.vector_store %arg13[%swap3A_1413, %swap3A_1414], %swap3A_1417 {strides = array<i32>} : memref<32x384xi32, #tpu.memory_space<vmem>>, vector<1x16xi32>,
        %get3A_1418 = arith.index_cast %add3A_873 : i32 to index
        %get3A_1419 = arith.constant 272 : index
        %get3A_1420 = tpu.vector_load %arg9[%get3A_1418, %get3A_1419] {strides = array<i32>} : memref<32x768xf32, #tpu.memory_space<vmem>>, vector<1x16xf32>,
        %get3A_1421 = vector.shape_cast %get3A_1420 : vector<1x16xf32> to vector<16xf32>
        %get3A_1422 = arith.index_cast %add3A_873 : i32 to index
        %get3A_1423 = arith.constant 272 : index
        %get3A_1424 = tpu.vector_load %arg10[%get3A_1422, %get3A_1423] {strides = array<i32>} : memref<32x768xf32, #tpu.memory_space<vmem>>, vector<1x16xf32>,
        %get3A_1425 = vector.shape_cast %get3A_1424 : vector<1x16xf32> to vector<16xf32>
        %add3A_1426 = arith.addf %get3A_1421, %get3A_1425 : vector<16xf32>
        %get3A_1427 = arith.index_cast %add3A_873 : i32 to index
        %get3A_1428 = arith.constant 656 : index
        %get3A_1429 = tpu.vector_load %arg9[%get3A_1427, %get3A_1428] {strides = array<i32>} : memref<32x768xf32, #tpu.memory_space<vmem>>, vector<1x16xf32>,
        %get3A_1430 = vector.shape_cast %get3A_1429 : vector<1x16xf32> to vector<16xf32>
        %get3A_1431 = arith.index_cast %add3A_873 : i32 to index
        %get3A_1432 = arith.constant 656 : index
        %get3A_1433 = tpu.vector_load %arg10[%get3A_1431, %get3A_1432] {strides = array<i32>} : memref<32x768xf32, #tpu.memory_space<vmem>>, vector<1x16xf32>,
        %get3A_1434 = vector.shape_cast %get3A_1433 : vector<1x16xf32> to vector<16xf32>
        %add3A_1435 = arith.addf %get3A_1430, %get3A_1434 : vector<16xf32>
        %bitcast_convert_type3A_1436 = tpu.bitcast %add3A_1426 : vector<16xf32> -> vector<16xi32>
        %bitcast_convert_type3A_1437 = tpu.bitcast %add3A_1435 : vector<16xf32> -> vector<16xi32>
        %shift_right_logical3A_1438 = arith.constant 16 : i32
        %shift_right_logical3A_1439 = vector.broadcast %shift_right_logical3A_1438 : i32 to vector<16xi32>
        %shift_right_logical3A_1440 = arith.shrui %bitcast_convert_type3A_1436, %shift_right_logical3A_1439 : vector<16xi32>
        %and3A_1441 = arith.constant -65536 : i32
        %and3A_1442 = vector.broadcast %and3A_1441 : i32 to vector<16xi32>
        %and3A_1443 = arith.andi %bitcast_convert_type3A_1437, %and3A_1442 : vector<16xi32>
        %or3A_1444 = arith.ori %shift_right_logical3A_1440, %and3A_1443 : vector<16xi32>
        %swap3A_1445 = arith.index_cast %add3A_873 : i32 to index
        %swap3A_1446 = arith.constant 272 : index
        %swap3A_1447 = tpu.vector_load %arg13[%swap3A_1445, %swap3A_1446] {strides = array<i32>} : memref<32x384xi32, #tpu.memory_space<vmem>>, vector<1x16xi32>,
        %swap3A_1448 = vector.shape_cast %swap3A_1447 : vector<1x16xi32> to vector<16xi32>
        %swap3A_1449 = vector.shape_cast %or3A_1444 : vector<16xi32> to vector<1x16xi32>
        tpu.vector_store %arg13[%swap3A_1445, %swap3A_1446], %swap3A_1449 {strides = array<i32>} : memref<32x384xi32, #tpu.memory_space<vmem>>, vector<1x16xi32>,
        %get3A_1450 = arith.index_cast %add3A_873 : i32 to index
        %get3A_1451 = arith.constant 288 : index
        %get3A_1452 = tpu.vector_load %arg9[%get3A_1450, %get3A_1451] {strides = array<i32>} : memref<32x768xf32, #tpu.memory_space<vmem>>, vector<1x16xf32>,
        %get3A_1453 = vector.shape_cast %get3A_1452 : vector<1x16xf32> to vector<16xf32>
        %get3A_1454 = arith.index_cast %add3A_873 : i32 to index
        %get3A_1455 = arith.constant 288 : index
        %get3A_1456 = tpu.vector_load %arg10[%get3A_1454, %get3A_1455] {strides = array<i32>} : memref<32x768xf32, #tpu.memory_space<vmem>>, vector<1x16xf32>,
        %get3A_1457 = vector.shape_cast %get3A_1456 : vector<1x16xf32> to vector<16xf32>
        %add3A_1458 = arith.addf %get3A_1453, %get3A_1457 : vector<16xf32>
        %get3A_1459 = arith.index_cast %add3A_873 : i32 to index
        %get3A_1460 = arith.constant 672 : index
        %get3A_1461 = tpu.vector_load %arg9[%get3A_1459, %get3A_1460] {strides = array<i32>} : memref<32x768xf32, #tpu.memory_space<vmem>>, vector<1x16xf32>,
        %get3A_1462 = vector.shape_cast %get3A_1461 : vector<1x16xf32> to vector<16xf32>
        %get3A_1463 = arith.index_cast %add3A_873 : i32 to index
        %get3A_1464 = arith.constant 672 : index
        %get3A_1465 = tpu.vector_load %arg10[%get3A_1463, %get3A_1464] {strides = array<i32>} : memref<32x768xf32, #tpu.memory_space<vmem>>, vector<1x16xf32>,
        %get3A_1466 = vector.shape_cast %get3A_1465 : vector<1x16xf32> to vector<16xf32>
        %add3A_1467 = arith.addf %get3A_1462, %get3A_1466 : vector<16xf32>
        %bitcast_convert_type3A_1468 = tpu.bitcast %add3A_1458 : vector<16xf32> -> vector<16xi32>
        %bitcast_convert_type3A_1469 = tpu.bitcast %add3A_1467 : vector<16xf32> -> vector<16xi32>
        %shift_right_logical3A_1470 = arith.constant 16 : i32
        %shift_right_logical3A_1471 = vector.broadcast %shift_right_logical3A_1470 : i32 to vector<16xi32>
        %shift_right_logical3A_1472 = arith.shrui %bitcast_convert_type3A_1468, %shift_right_logical3A_1471 : vector<16xi32>
        %and3A_1473 = arith.constant -65536 : i32
        %and3A_1474 = vector.broadcast %and3A_1473 : i32 to vector<16xi32>
        %and3A_1475 = arith.andi %bitcast_convert_type3A_1469, %and3A_1474 : vector<16xi32>
        %or3A_1476 = arith.ori %shift_right_logical3A_1472, %and3A_1475 : vector<16xi32>
        %swap3A_1477 = arith.index_cast %add3A_873 : i32 to index
        %swap3A_1478 = arith.constant 288 : index
        %swap3A_1479 = tpu.vector_load %arg13[%swap3A_1477, %swap3A_1478] {strides = array<i32>} : memref<32x384xi32, #tpu.memory_space<vmem>>, vector<1x16xi32>,
        %swap3A_1480 = vector.shape_cast %swap3A_1479 : vector<1x16xi32> to vector<16xi32>
        %swap3A_1481 = vector.shape_cast %or3A_1476 : vector<16xi32> to vector<1x16xi32>
        tpu.vector_store %arg13[%swap3A_1477, %swap3A_1478], %swap3A_1481 {strides = array<i32>} : memref<32x384xi32, #tpu.memory_space<vmem>>, vector<1x16xi32>,
        %get3A_1482 = arith.index_cast %add3A_873 : i32 to index
        %get3A_1483 = arith.constant 304 : index
        %get3A_1484 = tpu.vector_load %arg9[%get3A_1482, %get3A_1483] {strides = array<i32>} : memref<32x768xf32, #tpu.memory_space<vmem>>, vector<1x16xf32>,
        %get3A_1485 = vector.shape_cast %get3A_1484 : vector<1x16xf32> to vector<16xf32>
        %get3A_1486 = arith.index_cast %add3A_873 : i32 to index
        %get3A_1487 = arith.constant 304 : index
        %get3A_1488 = tpu.vector_load %arg10[%get3A_1486, %get3A_1487] {strides = array<i32>} : memref<32x768xf32, #tpu.memory_space<vmem>>, vector<1x16xf32>,
        %get3A_1489 = vector.shape_cast %get3A_1488 : vector<1x16xf32> to vector<16xf32>
        %add3A_1490 = arith.addf %get3A_1485, %get3A_1489 : vector<16xf32>
        %get3A_1491 = arith.index_cast %add3A_873 : i32 to index
        %get3A_1492 = arith.constant 688 : index
        %get3A_1493 = tpu.vector_load %arg9[%get3A_1491, %get3A_1492] {strides = array<i32>} : memref<32x768xf32, #tpu.memory_space<vmem>>, vector<1x16xf32>,
        %get3A_1494 = vector.shape_cast %get3A_1493 : vector<1x16xf32> to vector<16xf32>
        %get3A_1495 = arith.index_cast %add3A_873 : i32 to index
        %get3A_1496 = arith.constant 688 : index
        %get3A_1497 = tpu.vector_load %arg10[%get3A_1495, %get3A_1496] {strides = array<i32>} : memref<32x768xf32, #tpu.memory_space<vmem>>, vector<1x16xf32>,
        %get3A_1498 = vector.shape_cast %get3A_1497 : vector<1x16xf32> to vector<16xf32>
        %add3A_1499 = arith.addf %get3A_1494, %get3A_1498 : vector<16xf32>
        %bitcast_convert_type3A_1500 = tpu.bitcast %add3A_1490 : vector<16xf32> -> vector<16xi32>
        %bitcast_convert_type3A_1501 = tpu.bitcast %add3A_1499 : vector<16xf32> -> vector<16xi32>
        %shift_right_logical3A_1502 = arith.constant 16 : i32
        %shift_right_logical3A_1503 = vector.broadcast %shift_right_logical3A_1502 : i32 to vector<16xi32>
        %shift_right_logical3A_1504 = arith.shrui %bitcast_convert_type3A_1500, %shift_right_logical3A_1503 : vector<16xi32>
        %and3A_1505 = arith.constant -65536 : i32
        %and3A_1506 = vector.broadcast %and3A_1505 : i32 to vector<16xi32>
        %and3A_1507 = arith.andi %bitcast_convert_type3A_1501, %and3A_1506 : vector<16xi32>
        %or3A_1508 = arith.ori %shift_right_logical3A_1504, %and3A_1507 : vector<16xi32>
        %swap3A_1509 = arith.index_cast %add3A_873 : i32 to index
        %swap3A_1510 = arith.constant 304 : index
        %swap3A_1511 = tpu.vector_load %arg13[%swap3A_1509, %swap3A_1510] {strides = array<i32>} : memref<32x384xi32, #tpu.memory_space<vmem>>, vector<1x16xi32>,
        %swap3A_1512 = vector.shape_cast %swap3A_1511 : vector<1x16xi32> to vector<16xi32>
        %swap3A_1513 = vector.shape_cast %or3A_1508 : vector<16xi32> to vector<1x16xi32>
        tpu.vector_store %arg13[%swap3A_1509, %swap3A_1510], %swap3A_1513 {strides = array<i32>} : memref<32x384xi32, #tpu.memory_space<vmem>>, vector<1x16xi32>,
        %get3A_1514 = arith.index_cast %add3A_873 : i32 to index
        %get3A_1515 = arith.constant 320 : index
        %get3A_1516 = tpu.vector_load %arg9[%get3A_1514, %get3A_1515] {strides = array<i32>} : memref<32x768xf32, #tpu.memory_space<vmem>>, vector<1x16xf32>,
        %get3A_1517 = vector.shape_cast %get3A_1516 : vector<1x16xf32> to vector<16xf32>
        %get3A_1518 = arith.index_cast %add3A_873 : i32 to index
        %get3A_1519 = arith.constant 320 : index
        %get3A_1520 = tpu.vector_load %arg10[%get3A_1518, %get3A_1519] {strides = array<i32>} : memref<32x768xf32, #tpu.memory_space<vmem>>, vector<1x16xf32>,
        %get3A_1521 = vector.shape_cast %get3A_1520 : vector<1x16xf32> to vector<16xf32>
        %add3A_1522 = arith.addf %get3A_1517, %get3A_1521 : vector<16xf32>
        %get3A_1523 = arith.index_cast %add3A_873 : i32 to index
        %get3A_1524 = arith.constant 704 : index
        %get3A_1525 = tpu.vector_load %arg9[%get3A_1523, %get3A_1524] {strides = array<i32>} : memref<32x768xf32, #tpu.memory_space<vmem>>, vector<1x16xf32>,
        %get3A_1526 = vector.shape_cast %get3A_1525 : vector<1x16xf32> to vector<16xf32>
        %get3A_1527 = arith.index_cast %add3A_873 : i32 to index
        %get3A_1528 = arith.constant 704 : index
        %get3A_1529 = tpu.vector_load %arg10[%get3A_1527, %get3A_1528] {strides = array<i32>} : memref<32x768xf32, #tpu.memory_space<vmem>>, vector<1x16xf32>,
        %get3A_1530 = vector.shape_cast %get3A_1529 : vector<1x16xf32> to vector<16xf32>
        %add3A_1531 = arith.addf %get3A_1526, %get3A_1530 : vector<16xf32>
        %bitcast_convert_type3A_1532 = tpu.bitcast %add3A_1522 : vector<16xf32> -> vector<16xi32>
        %bitcast_convert_type3A_1533 = tpu.bitcast %add3A_1531 : vector<16xf32> -> vector<16xi32>
        %shift_right_logical3A_1534 = arith.constant 16 : i32
        %shift_right_logical3A_1535 = vector.broadcast %shift_right_logical3A_1534 : i32 to vector<16xi32>
        %shift_right_logical3A_1536 = arith.shrui %bitcast_convert_type3A_1532, %shift_right_logical3A_1535 : vector<16xi32>
        %and3A_1537 = arith.constant -65536 : i32
        %and3A_1538 = vector.broadcast %and3A_1537 : i32 to vector<16xi32>
        %and3A_1539 = arith.andi %bitcast_convert_type3A_1533, %and3A_1538 : vector<16xi32>
        %or3A_1540 = arith.ori %shift_right_logical3A_1536, %and3A_1539 : vector<16xi32>
        %swap3A_1541 = arith.index_cast %add3A_873 : i32 to index
        %swap3A_1542 = arith.constant 320 : index
        %swap3A_1543 = tpu.vector_load %arg13[%swap3A_1541, %swap3A_1542] {strides = array<i32>} : memref<32x384xi32, #tpu.memory_space<vmem>>, vector<1x16xi32>,
        %swap3A_1544 = vector.shape_cast %swap3A_1543 : vector<1x16xi32> to vector<16xi32>
        %swap3A_1545 = vector.shape_cast %or3A_1540 : vector<16xi32> to vector<1x16xi32>
        tpu.vector_store %arg13[%swap3A_1541, %swap3A_1542], %swap3A_1545 {strides = array<i32>} : memref<32x384xi32, #tpu.memory_space<vmem>>, vector<1x16xi32>,
        %get3A_1546 = arith.index_cast %add3A_873 : i32 to index
        %get3A_1547 = arith.constant 336 : index
        %get3A_1548 = tpu.vector_load %arg9[%get3A_1546, %get3A_1547] {strides = array<i32>} : memref<32x768xf32, #tpu.memory_space<vmem>>, vector<1x16xf32>,
        %get3A_1549 = vector.shape_cast %get3A_1548 : vector<1x16xf32> to vector<16xf32>
        %get3A_1550 = arith.index_cast %add3A_873 : i32 to index
        %get3A_1551 = arith.constant 336 : index
        %get3A_1552 = tpu.vector_load %arg10[%get3A_1550, %get3A_1551] {strides = array<i32>} : memref<32x768xf32, #tpu.memory_space<vmem>>, vector<1x16xf32>,
        %get3A_1553 = vector.shape_cast %get3A_1552 : vector<1x16xf32> to vector<16xf32>
        %add3A_1554 = arith.addf %get3A_1549, %get3A_1553 : vector<16xf32>
        %get3A_1555 = arith.index_cast %add3A_873 : i32 to index
        %get3A_1556 = arith.constant 720 : index
        %get3A_1557 = tpu.vector_load %arg9[%get3A_1555, %get3A_1556] {strides = array<i32>} : memref<32x768xf32, #tpu.memory_space<vmem>>, vector<1x16xf32>,
        %get3A_1558 = vector.shape_cast %get3A_1557 : vector<1x16xf32> to vector<16xf32>
        %get3A_1559 = arith.index_cast %add3A_873 : i32 to index
        %get3A_1560 = arith.constant 720 : index
        %get3A_1561 = tpu.vector_load %arg10[%get3A_1559, %get3A_1560] {strides = array<i32>} : memref<32x768xf32, #tpu.memory_space<vmem>>, vector<1x16xf32>,
        %get3A_1562 = vector.shape_cast %get3A_1561 : vector<1x16xf32> to vector<16xf32>
        %add3A_1563 = arith.addf %get3A_1558, %get3A_1562 : vector<16xf32>
        %bitcast_convert_type3A_1564 = tpu.bitcast %add3A_1554 : vector<16xf32> -> vector<16xi32>
        %bitcast_convert_type3A_1565 = tpu.bitcast %add3A_1563 : vector<16xf32> -> vector<16xi32>
        %shift_right_logical3A_1566 = arith.constant 16 : i32
        %shift_right_logical3A_1567 = vector.broadcast %shift_right_logical3A_1566 : i32 to vector<16xi32>
        %shift_right_logical3A_1568 = arith.shrui %bitcast_convert_type3A_1564, %shift_right_logical3A_1567 : vector<16xi32>
        %and3A_1569 = arith.constant -65536 : i32
        %and3A_1570 = vector.broadcast %and3A_1569 : i32 to vector<16xi32>
        %and3A_1571 = arith.andi %bitcast_convert_type3A_1565, %and3A_1570 : vector<16xi32>
        %or3A_1572 = arith.ori %shift_right_logical3A_1568, %and3A_1571 : vector<16xi32>
        %swap3A_1573 = arith.index_cast %add3A_873 : i32 to index
        %swap3A_1574 = arith.constant 336 : index
        %swap3A_1575 = tpu.vector_load %arg13[%swap3A_1573, %swap3A_1574] {strides = array<i32>} : memref<32x384xi32, #tpu.memory_space<vmem>>, vector<1x16xi32>,
        %swap3A_1576 = vector.shape_cast %swap3A_1575 : vector<1x16xi32> to vector<16xi32>
        %swap3A_1577 = vector.shape_cast %or3A_1572 : vector<16xi32> to vector<1x16xi32>
        tpu.vector_store %arg13[%swap3A_1573, %swap3A_1574], %swap3A_1577 {strides = array<i32>} : memref<32x384xi32, #tpu.memory_space<vmem>>, vector<1x16xi32>,
        %get3A_1578 = arith.index_cast %add3A_873 : i32 to index
        %get3A_1579 = arith.constant 352 : index
        %get3A_1580 = tpu.vector_load %arg9[%get3A_1578, %get3A_1579] {strides = array<i32>} : memref<32x768xf32, #tpu.memory_space<vmem>>, vector<1x16xf32>,
        %get3A_1581 = vector.shape_cast %get3A_1580 : vector<1x16xf32> to vector<16xf32>
        %get3A_1582 = arith.index_cast %add3A_873 : i32 to index
        %get3A_1583 = arith.constant 352 : index
        %get3A_1584 = tpu.vector_load %arg10[%get3A_1582, %get3A_1583] {strides = array<i32>} : memref<32x768xf32, #tpu.memory_space<vmem>>, vector<1x16xf32>,
        %get3A_1585 = vector.shape_cast %get3A_1584 : vector<1x16xf32> to vector<16xf32>
        %add3A_1586 = arith.addf %get3A_1581, %get3A_1585 : vector<16xf32>
        %get3A_1587 = arith.index_cast %add3A_873 : i32 to index
        %get3A_1588 = arith.constant 736 : index
        %get3A_1589 = tpu.vector_load %arg9[%get3A_1587, %get3A_1588] {strides = array<i32>} : memref<32x768xf32, #tpu.memory_space<vmem>>, vector<1x16xf32>,
        %get3A_1590 = vector.shape_cast %get3A_1589 : vector<1x16xf32> to vector<16xf32>
        %get3A_1591 = arith.index_cast %add3A_873 : i32 to index
        %get3A_1592 = arith.constant 736 : index
        %get3A_1593 = tpu.vector_load %arg10[%get3A_1591, %get3A_1592] {strides = array<i32>} : memref<32x768xf32, #tpu.memory_space<vmem>>, vector<1x16xf32>,
        %get3A_1594 = vector.shape_cast %get3A_1593 : vector<1x16xf32> to vector<16xf32>
        %add3A_1595 = arith.addf %get3A_1590, %get3A_1594 : vector<16xf32>
        %bitcast_convert_type3A_1596 = tpu.bitcast %add3A_1586 : vector<16xf32> -> vector<16xi32>
        %bitcast_convert_type3A_1597 = tpu.bitcast %add3A_1595 : vector<16xf32> -> vector<16xi32>
        %shift_right_logical3A_1598 = arith.constant 16 : i32
        %shift_right_logical3A_1599 = vector.broadcast %shift_right_logical3A_1598 : i32 to vector<16xi32>
        %shift_right_logical3A_1600 = arith.shrui %bitcast_convert_type3A_1596, %shift_right_logical3A_1599 : vector<16xi32>
        %and3A_1601 = arith.constant -65536 : i32
        %and3A_1602 = vector.broadcast %and3A_1601 : i32 to vector<16xi32>
        %and3A_1603 = arith.andi %bitcast_convert_type3A_1597, %and3A_1602 : vector<16xi32>
        %or3A_1604 = arith.ori %shift_right_logical3A_1600, %and3A_1603 : vector<16xi32>
        %swap3A_1605 = arith.index_cast %add3A_873 : i32 to index
        %swap3A_1606 = arith.constant 352 : index
        %swap3A_1607 = tpu.vector_load %arg13[%swap3A_1605, %swap3A_1606] {strides = array<i32>} : memref<32x384xi32, #tpu.memory_space<vmem>>, vector<1x16xi32>,
        %swap3A_1608 = vector.shape_cast %swap3A_1607 : vector<1x16xi32> to vector<16xi32>
        %swap3A_1609 = vector.shape_cast %or3A_1604 : vector<16xi32> to vector<1x16xi32>
        tpu.vector_store %arg13[%swap3A_1605, %swap3A_1606], %swap3A_1609 {strides = array<i32>} : memref<32x384xi32, #tpu.memory_space<vmem>>, vector<1x16xi32>,
        %get3A_1610 = arith.index_cast %add3A_873 : i32 to index
        %get3A_1611 = arith.constant 368 : index
        %get3A_1612 = tpu.vector_load %arg9[%get3A_1610, %get3A_1611] {strides = array<i32>} : memref<32x768xf32, #tpu.memory_space<vmem>>, vector<1x16xf32>,
        %get3A_1613 = vector.shape_cast %get3A_1612 : vector<1x16xf32> to vector<16xf32>
        %get3A_1614 = arith.index_cast %add3A_873 : i32 to index
        %get3A_1615 = arith.constant 368 : index
        %get3A_1616 = tpu.vector_load %arg10[%get3A_1614, %get3A_1615] {strides = array<i32>} : memref<32x768xf32, #tpu.memory_space<vmem>>, vector<1x16xf32>,
        %get3A_1617 = vector.shape_cast %get3A_1616 : vector<1x16xf32> to vector<16xf32>
        %add3A_1618 = arith.addf %get3A_1613, %get3A_1617 : vector<16xf32>
        %get3A_1619 = arith.index_cast %add3A_873 : i32 to index
        %get3A_1620 = arith.constant 752 : index
        %get3A_1621 = tpu.vector_load %arg9[%get3A_1619, %get3A_1620] {strides = array<i32>} : memref<32x768xf32, #tpu.memory_space<vmem>>, vector<1x16xf32>,
        %get3A_1622 = vector.shape_cast %get3A_1621 : vector<1x16xf32> to vector<16xf32>
        %get3A_1623 = arith.index_cast %add3A_873 : i32 to index
        %get3A_1624 = arith.constant 752 : index
        %get3A_1625 = tpu.vector_load %arg10[%get3A_1623, %get3A_1624] {strides = array<i32>} : memref<32x768xf32, #tpu.memory_space<vmem>>, vector<1x16xf32>,
        %get3A_1626 = vector.shape_cast %get3A_1625 : vector<1x16xf32> to vector<16xf32>
        %add3A_1627 = arith.addf %get3A_1622, %get3A_1626 : vector<16xf32>
        %bitcast_convert_type3A_1628 = tpu.bitcast %add3A_1618 : vector<16xf32> -> vector<16xi32>
        %bitcast_convert_type3A_1629 = tpu.bitcast %add3A_1627 : vector<16xf32> -> vector<16xi32>
        %shift_right_logical3A_1630 = arith.constant 16 : i32
        %shift_right_logical3A_1631 = vector.broadcast %shift_right_logical3A_1630 : i32 to vector<16xi32>
        %shift_right_logical3A_1632 = arith.shrui %bitcast_convert_type3A_1628, %shift_right_logical3A_1631 : vector<16xi32>
        %and3A_1633 = arith.constant -65536 : i32
        %and3A_1634 = vector.broadcast %and3A_1633 : i32 to vector<16xi32>
        %and3A_1635 = arith.andi %bitcast_convert_type3A_1629, %and3A_1634 : vector<16xi32>
        %or3A_1636 = arith.ori %shift_right_logical3A_1632, %and3A_1635 : vector<16xi32>
        %swap3A_1637 = arith.index_cast %add3A_873 : i32 to index
        %swap3A_1638 = arith.constant 368 : index
        %swap3A_1639 = tpu.vector_load %arg13[%swap3A_1637, %swap3A_1638] {strides = array<i32>} : memref<32x384xi32, #tpu.memory_space<vmem>>, vector<1x16xi32>,
        %swap3A_1640 = vector.shape_cast %swap3A_1639 : vector<1x16xi32> to vector<16xi32>
        %swap3A_1641 = vector.shape_cast %or3A_1636 : vector<16xi32> to vector<1x16xi32>
        tpu.vector_store %arg13[%swap3A_1637, %swap3A_1638], %swap3A_1641 {strides = array<i32>} : memref<32x384xi32, #tpu.memory_space<vmem>>, vector<1x16xi32>,
      }
      %scan3A_55 = arith.constant 16 : i32
      %add3A_56 = arith.addi %multiple_of3A, %multiple_of3A_49 : i32
      %dma_start3A_57 = arith.constant 0 : i32
      %dma_start3A_58 = tpu.memref_slice %arg6[%add3A_56, %dma_start3A_57] : memref<16384x384xi32, #tpu.memory_space<hbm>> -> memref<32x384xi32, #tpu.memory_space<hbm>>
      %dma_start3A_59 = arith.constant 0 : i32
      %dma_start3A_60 = tpu.memref_slice %arg6[%add3A_56, %dma_start3A_59] : memref<16384x384xi32, #tpu.memory_space<hbm>> -> memref<32x384xi32, #tpu.memory_space<hbm>>
      tpu.enqueue_dma source(%arg13 : memref<32x384xi32, #tpu.memory_space<vmem>>) target(%dma_start3A_60 : memref<32x384xi32, #tpu.memory_space<hbm>>) target_semaphore(%arg16 : memref<!tpu.dma_semaphore, #tpu.memory_space<semaphore_mem>>)
      %mul3A_61 = arith.constant 2 : i32
      %mul3A_62 = arith.muli %scan3A_22, %mul3A_61 : i32
      %add3A_63 = arith.constant 1 : i32
      %add3A_64 = arith.addi %mul3A_62, %add3A_63 : i32
      %add3A_65 = arith.constant 1 : i32
      %add3A_66 = arith.addi %add3A_64, %add3A_65 : i32
      %lt3A_67 = arith.constant 16 : i32
      %lt3A_68 = arith.cmpi slt, %add3A_66, %lt3A_67 : i32
      %convert_element_type3A_69 = arith.extui %lt3A_68 : i1 to i32
      %cond3A_70 = arith.constant 0 : i32
      %cond3A_71 = arith.cmpi ne, %convert_element_type3A_69, %cond3A_70 : i32
      scf.if %cond3A_71 {
        %add3A_103 = arith.constant 1 : i32
        %add3A_104 = arith.addi %add3A_64, %add3A_103 : i32
        %mul3A_105 = arith.constant 32 : i32
        %mul3A_106 = arith.muli %add3A_104, %mul3A_105 : i32
        %multiple_of3A_107 = tpu.assume_multiple %mul3A_106, 32 : i32
        %dma_start3A_108 = tpu.memref_slice %arg7[%multiple_of3A_107] : memref<512xi32, #tpu.memory_space<vmem>> -> memref<32xi32, #tpu.memory_space<vmem>>
        %dma_start3A_109 = arith.constant 0 : i32
        %dma_start3A_110 = arith.constant 0 : i32
        %dma_start3A_111 = tpu.memref_slice %arg4[%dma_start3A_109, %dma_start3A_110] : memref<100000x768xf32, #tpu.memory_space<hbm>> -> memref<100000x768xf32, #tpu.memory_space<hbm>>
        tpu.enqueue_indirect_dma source(%dma_start3A_111 : memref<100000x768xf32, #tpu.memory_space<hbm>>) target(%arg9 : memref<32x768xf32, #tpu.memory_space<vmem>>) offsets(%dma_start3A_108 : memref<32xi32, #tpu.memory_space<vmem>>) semaphore(%arg14 : memref<!tpu.dma_semaphore, #tpu.memory_space<semaphore_mem>>)
        %dma_start3A_112 = tpu.memref_slice %arg8[%multiple_of3A_107] : memref<512xi32, #tpu.memory_space<vmem>> -> memref<32xi32, #tpu.memory_space<vmem>>
        %dma_start3A_113 = arith.constant 0 : i32
        %dma_start3A_114 = arith.constant 0 : i32
        %dma_start3A_115 = tpu.memref_slice %arg5[%dma_start3A_113, %dma_start3A_114] : memref<4096x768xf32, #tpu.memory_space<hbm>> -> memref<4096x768xf32, #tpu.memory_space<hbm>>
        tpu.enqueue_indirect_dma source(%dma_start3A_115 : memref<4096x768xf32, #tpu.memory_space<hbm>>) target(%arg10 : memref<32x768xf32, #tpu.memory_space<vmem>>) offsets(%dma_start3A_112 : memref<32xi32, #tpu.memory_space<vmem>>) semaphore(%arg14 : memref<!tpu.dma_semaphore, #tpu.memory_space<semaphore_mem>>)
      } else {
      }
      %dma_wait3A_72 = arith.constant 0 : i32
      %dma_wait3A_73 = arith.constant 0 : i32
      %dma_wait3A_74 = tpu.memref_slice %arg4[%dma_wait3A_72, %dma_wait3A_73] : memref<100000x768xf32, #tpu.memory_space<hbm>> -> memref<32x768xf32, #tpu.memory_space<hbm>>
      %dma_wait3A_75 = arith.constant 0 : i32
      %dma_wait3A_76 = arith.constant 0 : i32
      %dma_wait3A_77 = tpu.memref_slice %arg4[%dma_wait3A_75, %dma_wait3A_76] : memref<100000x768xf32, #tpu.memory_space<hbm>> -> memref<32x768xf32, #tpu.memory_space<hbm>>
      tpu.wait_dma2 semaphore(%arg15 : memref<!tpu.dma_semaphore, #tpu.memory_space<semaphore_mem>>) src(%dma_wait3A_77 : memref<32x768xf32, #tpu.memory_space<hbm>>) dst(%arg11 : memref<32x768xf32, #tpu.memory_space<vmem>>)
      %dma_wait3A_78 = arith.constant 0 : i32
      %dma_wait3A_79 = arith.constant 0 : i32
      %dma_wait3A_80 = tpu.memref_slice %arg4[%dma_wait3A_78, %dma_wait3A_79] : memref<100000x768xf32, #tpu.memory_space<hbm>> -> memref<32x768xf32, #tpu.memory_space<hbm>>
      %dma_wait3A_81 = arith.constant 0 : i32
      %dma_wait3A_82 = arith.constant 0 : i32
      %dma_wait3A_83 = tpu.memref_slice %arg4[%dma_wait3A_81, %dma_wait3A_82] : memref<100000x768xf32, #tpu.memory_space<hbm>> -> memref<32x768xf32, #tpu.memory_space<hbm>>
      tpu.wait_dma2 semaphore(%arg15 : memref<!tpu.dma_semaphore, #tpu.memory_space<semaphore_mem>>) src(%dma_wait3A_83 : memref<32x768xf32, #tpu.memory_space<hbm>>) dst(%arg12 : memref<32x768xf32, #tpu.memory_space<vmem>>)
      %ge3A_84 = arith.constant 1 : i32
      %ge3A_85 = arith.cmpi sge, %add3A_64, %ge3A_84 : i32
      %convert_element_type3A_86 = arith.extui %ge3A_85 : i1 to i32
      %cond3A_87 = arith.constant 0 : i32
      %cond3A_88 = arith.cmpi ne, %convert_element_type3A_86, %cond3A_87 : i32
      scf.if %cond3A_88 {
        %dma_wait3A_103 = arith.constant 0 : i32
        %dma_wait3A_104 = arith.constant 0 : i32
        %dma_wait3A_105 = tpu.memref_slice %arg6[%dma_wait3A_103, %dma_wait3A_104] : memref<16384x384xi32, #tpu.memory_space<hbm>> -> memref<32x384xi32, #tpu.memory_space<hbm>>
        %dma_wait3A_106 = arith.constant 0 : i32
        %dma_wait3A_107 = arith.constant 0 : i32
        %dma_wait3A_108 = tpu.memref_slice %arg6[%dma_wait3A_106, %dma_wait3A_107] : memref<16384x384xi32, #tpu.memory_space<hbm>> -> memref<32x384xi32, #tpu.memory_space<hbm>>
        tpu.wait_dma2 semaphore(%arg16 : memref<!tpu.dma_semaphore, #tpu.memory_space<semaphore_mem>>) src(%arg13 : memref<32x384xi32, #tpu.memory_space<vmem>>) dst(%dma_wait3A_108 : memref<32x384xi32, #tpu.memory_space<hbm>>)
      } else {
      }
      %mul3A_89 = arith.constant 32 : i32
      %mul3A_90 = arith.muli %add3A_64, %mul3A_89 : i32
      %multiple_of3A_91 = tpu.assume_multiple %mul3A_90, 32 : i32
      %scan3A_92 = arith.constant 0 : i32
      %scan3A_93 = arith.constant 0 : i32
      %scan3A_94 = arith.constant 16 : i32
      %scan3A_95 = arith.addi %scan3A_93, %scan3A_94 : i32
      %scan3A_96 = arith.constant 1 : i32
      scf.for %scan3A_103 = %scan3A_93 to %scan3A_95 step %scan3A_96  : i32 {
        %mul3A_104 = arith.constant 2 : i32
        %mul3A_105 = arith.muli %scan3A_103, %mul3A_104 : i32
        %add3A_106 = arith.constant 0 : i32
        %add3A_107 = arith.addi %mul3A_105, %add3A_106 : i32
        %get3A = arith.index_cast %add3A_107 : i32 to index
        %get3A_108 = arith.constant 0 : index
        %get3A_109 = tpu.vector_load %arg11[%get3A, %get3A_108] {strides = array<i32>} : memref<32x768xf32, #tpu.memory_space<vmem>>, vector<1x16xf32>,
        %get3A_110 = vector.shape_cast %get3A_109 : vector<1x16xf32> to vector<16xf32>
        %get3A_111 = arith.index_cast %add3A_107 : i32 to index
        %get3A_112 = arith.constant 0 : index
        %get3A_113 = tpu.vector_load %arg12[%get3A_111, %get3A_112] {strides = array<i32>} : memref<32x768xf32, #tpu.memory_space<vmem>>, vector<1x16xf32>,
        %get3A_114 = vector.shape_cast %get3A_113 : vector<1x16xf32> to vector<16xf32>
        %add3A_115 = arith.addf %get3A_110, %get3A_114 : vector<16xf32>
        %get3A_116 = arith.index_cast %add3A_107 : i32 to index
        %get3A_117 = arith.constant 384 : index
        %get3A_118 = tpu.vector_load %arg11[%get3A_116, %get3A_117] {strides = array<i32>} : memref<32x768xf32, #tpu.memory_space<vmem>>, vector<1x16xf32>,
        %get3A_119 = vector.shape_cast %get3A_118 : vector<1x16xf32> to vector<16xf32>
        %get3A_120 = arith.index_cast %add3A_107 : i32 to index
        %get3A_121 = arith.constant 384 : index
        %get3A_122 = tpu.vector_load %arg12[%get3A_120, %get3A_121] {strides = array<i32>} : memref<32x768xf32, #tpu.memory_space<vmem>>, vector<1x16xf32>,
        %get3A_123 = vector.shape_cast %get3A_122 : vector<1x16xf32> to vector<16xf32>
        %add3A_124 = arith.addf %get3A_119, %get3A_123 : vector<16xf32>
        %bitcast_convert_type3A = tpu.bitcast %add3A_115 : vector<16xf32> -> vector<16xi32>
        %bitcast_convert_type3A_125 = tpu.bitcast %add3A_124 : vector<16xf32> -> vector<16xi32>
        %shift_right_logical3A = arith.constant 16 : i32
        %shift_right_logical3A_126 = vector.broadcast %shift_right_logical3A : i32 to vector<16xi32>
        %shift_right_logical3A_127 = arith.shrui %bitcast_convert_type3A, %shift_right_logical3A_126 : vector<16xi32>
        %and3A = arith.constant -65536 : i32
        %and3A_128 = vector.broadcast %and3A : i32 to vector<16xi32>
        %and3A_129 = arith.andi %bitcast_convert_type3A_125, %and3A_128 : vector<16xi32>
        %or3A = arith.ori %shift_right_logical3A_127, %and3A_129 : vector<16xi32>
        %swap3A = arith.index_cast %add3A_107 : i32 to index
        %swap3A_130 = arith.constant 0 : index
        %swap3A_131 = tpu.vector_load %arg13[%swap3A, %swap3A_130] {strides = array<i32>} : memref<32x384xi32, #tpu.memory_space<vmem>>, vector<1x16xi32>,
        %swap3A_132 = vector.shape_cast %swap3A_131 : vector<1x16xi32> to vector<16xi32>
        %swap3A_133 = vector.shape_cast %or3A : vector<16xi32> to vector<1x16xi32>
        tpu.vector_store %arg13[%swap3A, %swap3A_130], %swap3A_133 {strides = array<i32>} : memref<32x384xi32, #tpu.memory_space<vmem>>, vector<1x16xi32>,
        %get3A_134 = arith.index_cast %add3A_107 : i32 to index
        %get3A_135 = arith.constant 16 : index
        %get3A_136 = tpu.vector_load %arg11[%get3A_134, %get3A_135] {strides = array<i32>} : memref<32x768xf32, #tpu.memory_space<vmem>>, vector<1x16xf32>,
        %get3A_137 = vector.shape_cast %get3A_136 : vector<1x16xf32> to vector<16xf32>
        %get3A_138 = arith.index_cast %add3A_107 : i32 to index
        %get3A_139 = arith.constant 16 : index
        %get3A_140 = tpu.vector_load %arg12[%get3A_138, %get3A_139] {strides = array<i32>} : memref<32x768xf32, #tpu.memory_space<vmem>>, vector<1x16xf32>,
        %get3A_141 = vector.shape_cast %get3A_140 : vector<1x16xf32> to vector<16xf32>
        %add3A_142 = arith.addf %get3A_137, %get3A_141 : vector<16xf32>
        %get3A_143 = arith.index_cast %add3A_107 : i32 to index
        %get3A_144 = arith.constant 400 : index
        %get3A_145 = tpu.vector_load %arg11[%get3A_143, %get3A_144] {strides = array<i32>} : memref<32x768xf32, #tpu.memory_space<vmem>>, vector<1x16xf32>,
        %get3A_146 = vector.shape_cast %get3A_145 : vector<1x16xf32> to vector<16xf32>
        %get3A_147 = arith.index_cast %add3A_107 : i32 to index
        %get3A_148 = arith.constant 400 : index
        %get3A_149 = tpu.vector_load %arg12[%get3A_147, %get3A_148] {strides = array<i32>} : memref<32x768xf32, #tpu.memory_space<vmem>>, vector<1x16xf32>,
        %get3A_150 = vector.shape_cast %get3A_149 : vector<1x16xf32> to vector<16xf32>
        %add3A_151 = arith.addf %get3A_146, %get3A_150 : vector<16xf32>
        %bitcast_convert_type3A_152 = tpu.bitcast %add3A_142 : vector<16xf32> -> vector<16xi32>
        %bitcast_convert_type3A_153 = tpu.bitcast %add3A_151 : vector<16xf32> -> vector<16xi32>
        %shift_right_logical3A_154 = arith.constant 16 : i32
        %shift_right_logical3A_155 = vector.broadcast %shift_right_logical3A_154 : i32 to vector<16xi32>
        %shift_right_logical3A_156 = arith.shrui %bitcast_convert_type3A_152, %shift_right_logical3A_155 : vector<16xi32>
        %and3A_157 = arith.constant -65536 : i32
        %and3A_158 = vector.broadcast %and3A_157 : i32 to vector<16xi32>
        %and3A_159 = arith.andi %bitcast_convert_type3A_153, %and3A_158 : vector<16xi32>
        %or3A_160 = arith.ori %shift_right_logical3A_156, %and3A_159 : vector<16xi32>
        %swap3A_161 = arith.index_cast %add3A_107 : i32 to index
        %swap3A_162 = arith.constant 16 : index
        %swap3A_163 = tpu.vector_load %arg13[%swap3A_161, %swap3A_162] {strides = array<i32>} : memref<32x384xi32, #tpu.memory_space<vmem>>, vector<1x16xi32>,
        %swap3A_164 = vector.shape_cast %swap3A_163 : vector<1x16xi32> to vector<16xi32>
        %swap3A_165 = vector.shape_cast %or3A_160 : vector<16xi32> to vector<1x16xi32>
        tpu.vector_store %arg13[%swap3A_161, %swap3A_162], %swap3A_165 {strides = array<i32>} : memref<32x384xi32, #tpu.memory_space<vmem>>, vector<1x16xi32>,
        %get3A_166 = arith.index_cast %add3A_107 : i32 to index
        %get3A_167 = arith.constant 32 : index
        %get3A_168 = tpu.vector_load %arg11[%get3A_166, %get3A_167] {strides = array<i32>} : memref<32x768xf32, #tpu.memory_space<vmem>>, vector<1x16xf32>,
        %get3A_169 = vector.shape_cast %get3A_168 : vector<1x16xf32> to vector<16xf32>
        %get3A_170 = arith.index_cast %add3A_107 : i32 to index
        %get3A_171 = arith.constant 32 : index
        %get3A_172 = tpu.vector_load %arg12[%get3A_170, %get3A_171] {strides = array<i32>} : memref<32x768xf32, #tpu.memory_space<vmem>>, vector<1x16xf32>,
        %get3A_173 = vector.shape_cast %get3A_172 : vector<1x16xf32> to vector<16xf32>
        %add3A_174 = arith.addf %get3A_169, %get3A_173 : vector<16xf32>
        %get3A_175 = arith.index_cast %add3A_107 : i32 to index
        %get3A_176 = arith.constant 416 : index
        %get3A_177 = tpu.vector_load %arg11[%get3A_175, %get3A_176] {strides = array<i32>} : memref<32x768xf32, #tpu.memory_space<vmem>>, vector<1x16xf32>,
        %get3A_178 = vector.shape_cast %get3A_177 : vector<1x16xf32> to vector<16xf32>
        %get3A_179 = arith.index_cast %add3A_107 : i32 to index
        %get3A_180 = arith.constant 416 : index
        %get3A_181 = tpu.vector_load %arg12[%get3A_179, %get3A_180] {strides = array<i32>} : memref<32x768xf32, #tpu.memory_space<vmem>>, vector<1x16xf32>,
        %get3A_182 = vector.shape_cast %get3A_181 : vector<1x16xf32> to vector<16xf32>
        %add3A_183 = arith.addf %get3A_178, %get3A_182 : vector<16xf32>
        %bitcast_convert_type3A_184 = tpu.bitcast %add3A_174 : vector<16xf32> -> vector<16xi32>
        %bitcast_convert_type3A_185 = tpu.bitcast %add3A_183 : vector<16xf32> -> vector<16xi32>
        %shift_right_logical3A_186 = arith.constant 16 : i32
        %shift_right_logical3A_187 = vector.broadcast %shift_right_logical3A_186 : i32 to vector<16xi32>
        %shift_right_logical3A_188 = arith.shrui %bitcast_convert_type3A_184, %shift_right_logical3A_187 : vector<16xi32>
        %and3A_189 = arith.constant -65536 : i32
        %and3A_190 = vector.broadcast %and3A_189 : i32 to vector<16xi32>
        %and3A_191 = arith.andi %bitcast_convert_type3A_185, %and3A_190 : vector<16xi32>
        %or3A_192 = arith.ori %shift_right_logical3A_188, %and3A_191 : vector<16xi32>
        %swap3A_193 = arith.index_cast %add3A_107 : i32 to index
        %swap3A_194 = arith.constant 32 : index
        %swap3A_195 = tpu.vector_load %arg13[%swap3A_193, %swap3A_194] {strides = array<i32>} : memref<32x384xi32, #tpu.memory_space<vmem>>, vector<1x16xi32>,
        %swap3A_196 = vector.shape_cast %swap3A_195 : vector<1x16xi32> to vector<16xi32>
        %swap3A_197 = vector.shape_cast %or3A_192 : vector<16xi32> to vector<1x16xi32>
        tpu.vector_store %arg13[%swap3A_193, %swap3A_194], %swap3A_197 {strides = array<i32>} : memref<32x384xi32, #tpu.memory_space<vmem>>, vector<1x16xi32>,
        %get3A_198 = arith.index_cast %add3A_107 : i32 to index
        %get3A_199 = arith.constant 48 : index
        %get3A_200 = tpu.vector_load %arg11[%get3A_198, %get3A_199] {strides = array<i32>} : memref<32x768xf32, #tpu.memory_space<vmem>>, vector<1x16xf32>,
        %get3A_201 = vector.shape_cast %get3A_200 : vector<1x16xf32> to vector<16xf32>
        %get3A_202 = arith.index_cast %add3A_107 : i32 to index
        %get3A_203 = arith.constant 48 : index
        %get3A_204 = tpu.vector_load %arg12[%get3A_202, %get3A_203] {strides = array<i32>} : memref<32x768xf32, #tpu.memory_space<vmem>>, vector<1x16xf32>,
        %get3A_205 = vector.shape_cast %get3A_204 : vector<1x16xf32> to vector<16xf32>
        %add3A_206 = arith.addf %get3A_201, %get3A_205 : vector<16xf32>
        %get3A_207 = arith.index_cast %add3A_107 : i32 to index
        %get3A_208 = arith.constant 432 : index
        %get3A_209 = tpu.vector_load %arg11[%get3A_207, %get3A_208] {strides = array<i32>} : memref<32x768xf32, #tpu.memory_space<vmem>>, vector<1x16xf32>,
        %get3A_210 = vector.shape_cast %get3A_209 : vector<1x16xf32> to vector<16xf32>
        %get3A_211 = arith.index_cast %add3A_107 : i32 to index
        %get3A_212 = arith.constant 432 : index
        %get3A_213 = tpu.vector_load %arg12[%get3A_211, %get3A_212] {strides = array<i32>} : memref<32x768xf32, #tpu.memory_space<vmem>>, vector<1x16xf32>,
        %get3A_214 = vector.shape_cast %get3A_213 : vector<1x16xf32> to vector<16xf32>
        %add3A_215 = arith.addf %get3A_210, %get3A_214 : vector<16xf32>
        %bitcast_convert_type3A_216 = tpu.bitcast %add3A_206 : vector<16xf32> -> vector<16xi32>
        %bitcast_convert_type3A_217 = tpu.bitcast %add3A_215 : vector<16xf32> -> vector<16xi32>
        %shift_right_logical3A_218 = arith.constant 16 : i32
        %shift_right_logical3A_219 = vector.broadcast %shift_right_logical3A_218 : i32 to vector<16xi32>
        %shift_right_logical3A_220 = arith.shrui %bitcast_convert_type3A_216, %shift_right_logical3A_219 : vector<16xi32>
        %and3A_221 = arith.constant -65536 : i32
        %and3A_222 = vector.broadcast %and3A_221 : i32 to vector<16xi32>
        %and3A_223 = arith.andi %bitcast_convert_type3A_217, %and3A_222 : vector<16xi32>
        %or3A_224 = arith.ori %shift_right_logical3A_220, %and3A_223 : vector<16xi32>
        %swap3A_225 = arith.index_cast %add3A_107 : i32 to index
        %swap3A_226 = arith.constant 48 : index
        %swap3A_227 = tpu.vector_load %arg13[%swap3A_225, %swap3A_226] {strides = array<i32>} : memref<32x384xi32, #tpu.memory_space<vmem>>, vector<1x16xi32>,
        %swap3A_228 = vector.shape_cast %swap3A_227 : vector<1x16xi32> to vector<16xi32>
        %swap3A_229 = vector.shape_cast %or3A_224 : vector<16xi32> to vector<1x16xi32>
        tpu.vector_store %arg13[%swap3A_225, %swap3A_226], %swap3A_229 {strides = array<i32>} : memref<32x384xi32, #tpu.memory_space<vmem>>, vector<1x16xi32>,
        %get3A_230 = arith.index_cast %add3A_107 : i32 to index
        %get3A_231 = arith.constant 64 : index
        %get3A_232 = tpu.vector_load %arg11[%get3A_230, %get3A_231] {strides = array<i32>} : memref<32x768xf32, #tpu.memory_space<vmem>>, vector<1x16xf32>,
        %get3A_233 = vector.shape_cast %get3A_232 : vector<1x16xf32> to vector<16xf32>
        %get3A_234 = arith.index_cast %add3A_107 : i32 to index
        %get3A_235 = arith.constant 64 : index
        %get3A_236 = tpu.vector_load %arg12[%get3A_234, %get3A_235] {strides = array<i32>} : memref<32x768xf32, #tpu.memory_space<vmem>>, vector<1x16xf32>,
        %get3A_237 = vector.shape_cast %get3A_236 : vector<1x16xf32> to vector<16xf32>
        %add3A_238 = arith.addf %get3A_233, %get3A_237 : vector<16xf32>
        %get3A_239 = arith.index_cast %add3A_107 : i32 to index
        %get3A_240 = arith.constant 448 : index
        %get3A_241 = tpu.vector_load %arg11[%get3A_239, %get3A_240] {strides = array<i32>} : memref<32x768xf32, #tpu.memory_space<vmem>>, vector<1x16xf32>,
        %get3A_242 = vector.shape_cast %get3A_241 : vector<1x16xf32> to vector<16xf32>
        %get3A_243 = arith.index_cast %add3A_107 : i32 to index
        %get3A_244 = arith.constant 448 : index
        %get3A_245 = tpu.vector_load %arg12[%get3A_243, %get3A_244] {strides = array<i32>} : memref<32x768xf32, #tpu.memory_space<vmem>>, vector<1x16xf32>,
        %get3A_246 = vector.shape_cast %get3A_245 : vector<1x16xf32> to vector<16xf32>
        %add3A_247 = arith.addf %get3A_242, %get3A_246 : vector<16xf32>
        %bitcast_convert_type3A_248 = tpu.bitcast %add3A_238 : vector<16xf32> -> vector<16xi32>
        %bitcast_convert_type3A_249 = tpu.bitcast %add3A_247 : vector<16xf32> -> vector<16xi32>
        %shift_right_logical3A_250 = arith.constant 16 : i32
        %shift_right_logical3A_251 = vector.broadcast %shift_right_logical3A_250 : i32 to vector<16xi32>
        %shift_right_logical3A_252 = arith.shrui %bitcast_convert_type3A_248, %shift_right_logical3A_251 : vector<16xi32>
        %and3A_253 = arith.constant -65536 : i32
        %and3A_254 = vector.broadcast %and3A_253 : i32 to vector<16xi32>
        %and3A_255 = arith.andi %bitcast_convert_type3A_249, %and3A_254 : vector<16xi32>
        %or3A_256 = arith.ori %shift_right_logical3A_252, %and3A_255 : vector<16xi32>
        %swap3A_257 = arith.index_cast %add3A_107 : i32 to index
        %swap3A_258 = arith.constant 64 : index
        %swap3A_259 = tpu.vector_load %arg13[%swap3A_257, %swap3A_258] {strides = array<i32>} : memref<32x384xi32, #tpu.memory_space<vmem>>, vector<1x16xi32>,
        %swap3A_260 = vector.shape_cast %swap3A_259 : vector<1x16xi32> to vector<16xi32>
        %swap3A_261 = vector.shape_cast %or3A_256 : vector<16xi32> to vector<1x16xi32>
        tpu.vector_store %arg13[%swap3A_257, %swap3A_258], %swap3A_261 {strides = array<i32>} : memref<32x384xi32, #tpu.memory_space<vmem>>, vector<1x16xi32>,
        %get3A_262 = arith.index_cast %add3A_107 : i32 to index
        %get3A_263 = arith.constant 80 : index
        %get3A_264 = tpu.vector_load %arg11[%get3A_262, %get3A_263] {strides = array<i32>} : memref<32x768xf32, #tpu.memory_space<vmem>>, vector<1x16xf32>,
        %get3A_265 = vector.shape_cast %get3A_264 : vector<1x16xf32> to vector<16xf32>
        %get3A_266 = arith.index_cast %add3A_107 : i32 to index
        %get3A_267 = arith.constant 80 : index
        %get3A_268 = tpu.vector_load %arg12[%get3A_266, %get3A_267] {strides = array<i32>} : memref<32x768xf32, #tpu.memory_space<vmem>>, vector<1x16xf32>,
        %get3A_269 = vector.shape_cast %get3A_268 : vector<1x16xf32> to vector<16xf32>
        %add3A_270 = arith.addf %get3A_265, %get3A_269 : vector<16xf32>
        %get3A_271 = arith.index_cast %add3A_107 : i32 to index
        %get3A_272 = arith.constant 464 : index
        %get3A_273 = tpu.vector_load %arg11[%get3A_271, %get3A_272] {strides = array<i32>} : memref<32x768xf32, #tpu.memory_space<vmem>>, vector<1x16xf32>,
        %get3A_274 = vector.shape_cast %get3A_273 : vector<1x16xf32> to vector<16xf32>
        %get3A_275 = arith.index_cast %add3A_107 : i32 to index
        %get3A_276 = arith.constant 464 : index
        %get3A_277 = tpu.vector_load %arg12[%get3A_275, %get3A_276] {strides = array<i32>} : memref<32x768xf32, #tpu.memory_space<vmem>>, vector<1x16xf32>,
        %get3A_278 = vector.shape_cast %get3A_277 : vector<1x16xf32> to vector<16xf32>
        %add3A_279 = arith.addf %get3A_274, %get3A_278 : vector<16xf32>
        %bitcast_convert_type3A_280 = tpu.bitcast %add3A_270 : vector<16xf32> -> vector<16xi32>
        %bitcast_convert_type3A_281 = tpu.bitcast %add3A_279 : vector<16xf32> -> vector<16xi32>
        %shift_right_logical3A_282 = arith.constant 16 : i32
        %shift_right_logical3A_283 = vector.broadcast %shift_right_logical3A_282 : i32 to vector<16xi32>
        %shift_right_logical3A_284 = arith.shrui %bitcast_convert_type3A_280, %shift_right_logical3A_283 : vector<16xi32>
        %and3A_285 = arith.constant -65536 : i32
        %and3A_286 = vector.broadcast %and3A_285 : i32 to vector<16xi32>
        %and3A_287 = arith.andi %bitcast_convert_type3A_281, %and3A_286 : vector<16xi32>
        %or3A_288 = arith.ori %shift_right_logical3A_284, %and3A_287 : vector<16xi32>
        %swap3A_289 = arith.index_cast %add3A_107 : i32 to index
        %swap3A_290 = arith.constant 80 : index
        %swap3A_291 = tpu.vector_load %arg13[%swap3A_289, %swap3A_290] {strides = array<i32>} : memref<32x384xi32, #tpu.memory_space<vmem>>, vector<1x16xi32>,
        %swap3A_292 = vector.shape_cast %swap3A_291 : vector<1x16xi32> to vector<16xi32>
        %swap3A_293 = vector.shape_cast %or3A_288 : vector<16xi32> to vector<1x16xi32>
        tpu.vector_store %arg13[%swap3A_289, %swap3A_290], %swap3A_293 {strides = array<i32>} : memref<32x384xi32, #tpu.memory_space<vmem>>, vector<1x16xi32>,
        %get3A_294 = arith.index_cast %add3A_107 : i32 to index
        %get3A_295 = arith.constant 96 : index
        %get3A_296 = tpu.vector_load %arg11[%get3A_294, %get3A_295] {strides = array<i32>} : memref<32x768xf32, #tpu.memory_space<vmem>>, vector<1x16xf32>,
        %get3A_297 = vector.shape_cast %get3A_296 : vector<1x16xf32> to vector<16xf32>
        %get3A_298 = arith.index_cast %add3A_107 : i32 to index
        %get3A_299 = arith.constant 96 : index
        %get3A_300 = tpu.vector_load %arg12[%get3A_298, %get3A_299] {strides = array<i32>} : memref<32x768xf32, #tpu.memory_space<vmem>>, vector<1x16xf32>,
        %get3A_301 = vector.shape_cast %get3A_300 : vector<1x16xf32> to vector<16xf32>
        %add3A_302 = arith.addf %get3A_297, %get3A_301 : vector<16xf32>
        %get3A_303 = arith.index_cast %add3A_107 : i32 to index
        %get3A_304 = arith.constant 480 : index
        %get3A_305 = tpu.vector_load %arg11[%get3A_303, %get3A_304] {strides = array<i32>} : memref<32x768xf32, #tpu.memory_space<vmem>>, vector<1x16xf32>,
        %get3A_306 = vector.shape_cast %get3A_305 : vector<1x16xf32> to vector<16xf32>
        %get3A_307 = arith.index_cast %add3A_107 : i32 to index
        %get3A_308 = arith.constant 480 : index
        %get3A_309 = tpu.vector_load %arg12[%get3A_307, %get3A_308] {strides = array<i32>} : memref<32x768xf32, #tpu.memory_space<vmem>>, vector<1x16xf32>,
        %get3A_310 = vector.shape_cast %get3A_309 : vector<1x16xf32> to vector<16xf32>
        %add3A_311 = arith.addf %get3A_306, %get3A_310 : vector<16xf32>
        %bitcast_convert_type3A_312 = tpu.bitcast %add3A_302 : vector<16xf32> -> vector<16xi32>
        %bitcast_convert_type3A_313 = tpu.bitcast %add3A_311 : vector<16xf32> -> vector<16xi32>
        %shift_right_logical3A_314 = arith.constant 16 : i32
        %shift_right_logical3A_315 = vector.broadcast %shift_right_logical3A_314 : i32 to vector<16xi32>
        %shift_right_logical3A_316 = arith.shrui %bitcast_convert_type3A_312, %shift_right_logical3A_315 : vector<16xi32>
        %and3A_317 = arith.constant -65536 : i32
        %and3A_318 = vector.broadcast %and3A_317 : i32 to vector<16xi32>
        %and3A_319 = arith.andi %bitcast_convert_type3A_313, %and3A_318 : vector<16xi32>
        %or3A_320 = arith.ori %shift_right_logical3A_316, %and3A_319 : vector<16xi32>
        %swap3A_321 = arith.index_cast %add3A_107 : i32 to index
        %swap3A_322 = arith.constant 96 : index
        %swap3A_323 = tpu.vector_load %arg13[%swap3A_321, %swap3A_322] {strides = array<i32>} : memref<32x384xi32, #tpu.memory_space<vmem>>, vector<1x16xi32>,
        %swap3A_324 = vector.shape_cast %swap3A_323 : vector<1x16xi32> to vector<16xi32>
        %swap3A_325 = vector.shape_cast %or3A_320 : vector<16xi32> to vector<1x16xi32>
        tpu.vector_store %arg13[%swap3A_321, %swap3A_322], %swap3A_325 {strides = array<i32>} : memref<32x384xi32, #tpu.memory_space<vmem>>, vector<1x16xi32>,
        %get3A_326 = arith.index_cast %add3A_107 : i32 to index
        %get3A_327 = arith.constant 112 : index
        %get3A_328 = tpu.vector_load %arg11[%get3A_326, %get3A_327] {strides = array<i32>} : memref<32x768xf32, #tpu.memory_space<vmem>>, vector<1x16xf32>,
        %get3A_329 = vector.shape_cast %get3A_328 : vector<1x16xf32> to vector<16xf32>
        %get3A_330 = arith.index_cast %add3A_107 : i32 to index
        %get3A_331 = arith.constant 112 : index
        %get3A_332 = tpu.vector_load %arg12[%get3A_330, %get3A_331] {strides = array<i32>} : memref<32x768xf32, #tpu.memory_space<vmem>>, vector<1x16xf32>,
        %get3A_333 = vector.shape_cast %get3A_332 : vector<1x16xf32> to vector<16xf32>
        %add3A_334 = arith.addf %get3A_329, %get3A_333 : vector<16xf32>
        %get3A_335 = arith.index_cast %add3A_107 : i32 to index
        %get3A_336 = arith.constant 496 : index
        %get3A_337 = tpu.vector_load %arg11[%get3A_335, %get3A_336] {strides = array<i32>} : memref<32x768xf32, #tpu.memory_space<vmem>>, vector<1x16xf32>,
        %get3A_338 = vector.shape_cast %get3A_337 : vector<1x16xf32> to vector<16xf32>
        %get3A_339 = arith.index_cast %add3A_107 : i32 to index
        %get3A_340 = arith.constant 496 : index
        %get3A_341 = tpu.vector_load %arg12[%get3A_339, %get3A_340] {strides = array<i32>} : memref<32x768xf32, #tpu.memory_space<vmem>>, vector<1x16xf32>,
        %get3A_342 = vector.shape_cast %get3A_341 : vector<1x16xf32> to vector<16xf32>
        %add3A_343 = arith.addf %get3A_338, %get3A_342 : vector<16xf32>
        %bitcast_convert_type3A_344 = tpu.bitcast %add3A_334 : vector<16xf32> -> vector<16xi32>
        %bitcast_convert_type3A_345 = tpu.bitcast %add3A_343 : vector<16xf32> -> vector<16xi32>
        %shift_right_logical3A_346 = arith.constant 16 : i32
        %shift_right_logical3A_347 = vector.broadcast %shift_right_logical3A_346 : i32 to vector<16xi32>
        %shift_right_logical3A_348 = arith.shrui %bitcast_convert_type3A_344, %shift_right_logical3A_347 : vector<16xi32>
        %and3A_349 = arith.constant -65536 : i32
        %and3A_350 = vector.broadcast %and3A_349 : i32 to vector<16xi32>
        %and3A_351 = arith.andi %bitcast_convert_type3A_345, %and3A_350 : vector<16xi32>
        %or3A_352 = arith.ori %shift_right_logical3A_348, %and3A_351 : vector<16xi32>
        %swap3A_353 = arith.index_cast %add3A_107 : i32 to index
        %swap3A_354 = arith.constant 112 : index
        %swap3A_355 = tpu.vector_load %arg13[%swap3A_353, %swap3A_354] {strides = array<i32>} : memref<32x384xi32, #tpu.memory_space<vmem>>, vector<1x16xi32>,
        %swap3A_356 = vector.shape_cast %swap3A_355 : vector<1x16xi32> to vector<16xi32>
        %swap3A_357 = vector.shape_cast %or3A_352 : vector<16xi32> to vector<1x16xi32>
        tpu.vector_store %arg13[%swap3A_353, %swap3A_354], %swap3A_357 {strides = array<i32>} : memref<32x384xi32, #tpu.memory_space<vmem>>, vector<1x16xi32>,
        %get3A_358 = arith.index_cast %add3A_107 : i32 to index
        %get3A_359 = arith.constant 128 : index
        %get3A_360 = tpu.vector_load %arg11[%get3A_358, %get3A_359] {strides = array<i32>} : memref<32x768xf32, #tpu.memory_space<vmem>>, vector<1x16xf32>,
        %get3A_361 = vector.shape_cast %get3A_360 : vector<1x16xf32> to vector<16xf32>
        %get3A_362 = arith.index_cast %add3A_107 : i32 to index
        %get3A_363 = arith.constant 128 : index
        %get3A_364 = tpu.vector_load %arg12[%get3A_362, %get3A_363] {strides = array<i32>} : memref<32x768xf32, #tpu.memory_space<vmem>>, vector<1x16xf32>,
        %get3A_365 = vector.shape_cast %get3A_364 : vector<1x16xf32> to vector<16xf32>
        %add3A_366 = arith.addf %get3A_361, %get3A_365 : vector<16xf32>
        %get3A_367 = arith.index_cast %add3A_107 : i32 to index
        %get3A_368 = arith.constant 512 : index
        %get3A_369 = tpu.vector_load %arg11[%get3A_367, %get3A_368] {strides = array<i32>} : memref<32x768xf32, #tpu.memory_space<vmem>>, vector<1x16xf32>,
        %get3A_370 = vector.shape_cast %get3A_369 : vector<1x16xf32> to vector<16xf32>
        %get3A_371 = arith.index_cast %add3A_107 : i32 to index
        %get3A_372 = arith.constant 512 : index
        %get3A_373 = tpu.vector_load %arg12[%get3A_371, %get3A_372] {strides = array<i32>} : memref<32x768xf32, #tpu.memory_space<vmem>>, vector<1x16xf32>,
        %get3A_374 = vector.shape_cast %get3A_373 : vector<1x16xf32> to vector<16xf32>
        %add3A_375 = arith.addf %get3A_370, %get3A_374 : vector<16xf32>
        %bitcast_convert_type3A_376 = tpu.bitcast %add3A_366 : vector<16xf32> -> vector<16xi32>
        %bitcast_convert_type3A_377 = tpu.bitcast %add3A_375 : vector<16xf32> -> vector<16xi32>
        %shift_right_logical3A_378 = arith.constant 16 : i32
        %shift_right_logical3A_379 = vector.broadcast %shift_right_logical3A_378 : i32 to vector<16xi32>
        %shift_right_logical3A_380 = arith.shrui %bitcast_convert_type3A_376, %shift_right_logical3A_379 : vector<16xi32>
        %and3A_381 = arith.constant -65536 : i32
        %and3A_382 = vector.broadcast %and3A_381 : i32 to vector<16xi32>
        %and3A_383 = arith.andi %bitcast_convert_type3A_377, %and3A_382 : vector<16xi32>
        %or3A_384 = arith.ori %shift_right_logical3A_380, %and3A_383 : vector<16xi32>
        %swap3A_385 = arith.index_cast %add3A_107 : i32 to index
        %swap3A_386 = arith.constant 128 : index
        %swap3A_387 = tpu.vector_load %arg13[%swap3A_385, %swap3A_386] {strides = array<i32>} : memref<32x384xi32, #tpu.memory_space<vmem>>, vector<1x16xi32>,
        %swap3A_388 = vector.shape_cast %swap3A_387 : vector<1x16xi32> to vector<16xi32>
        %swap3A_389 = vector.shape_cast %or3A_384 : vector<16xi32> to vector<1x16xi32>
        tpu.vector_store %arg13[%swap3A_385, %swap3A_386], %swap3A_389 {strides = array<i32>} : memref<32x384xi32, #tpu.memory_space<vmem>>, vector<1x16xi32>,
        %get3A_390 = arith.index_cast %add3A_107 : i32 to index
        %get3A_391 = arith.constant 144 : index
        %get3A_392 = tpu.vector_load %arg11[%get3A_390, %get3A_391] {strides = array<i32>} : memref<32x768xf32, #tpu.memory_space<vmem>>, vector<1x16xf32>,
        %get3A_393 = vector.shape_cast %get3A_392 : vector<1x16xf32> to vector<16xf32>
        %get3A_394 = arith.index_cast %add3A_107 : i32 to index
        %get3A_395 = arith.constant 144 : index
        %get3A_396 = tpu.vector_load %arg12[%get3A_394, %get3A_395] {strides = array<i32>} : memref<32x768xf32, #tpu.memory_space<vmem>>, vector<1x16xf32>,
        %get3A_397 = vector.shape_cast %get3A_396 : vector<1x16xf32> to vector<16xf32>
        %add3A_398 = arith.addf %get3A_393, %get3A_397 : vector<16xf32>
        %get3A_399 = arith.index_cast %add3A_107 : i32 to index
        %get3A_400 = arith.constant 528 : index
        %get3A_401 = tpu.vector_load %arg11[%get3A_399, %get3A_400] {strides = array<i32>} : memref<32x768xf32, #tpu.memory_space<vmem>>, vector<1x16xf32>,
        %get3A_402 = vector.shape_cast %get3A_401 : vector<1x16xf32> to vector<16xf32>
        %get3A_403 = arith.index_cast %add3A_107 : i32 to index
        %get3A_404 = arith.constant 528 : index
        %get3A_405 = tpu.vector_load %arg12[%get3A_403, %get3A_404] {strides = array<i32>} : memref<32x768xf32, #tpu.memory_space<vmem>>, vector<1x16xf32>,
        %get3A_406 = vector.shape_cast %get3A_405 : vector<1x16xf32> to vector<16xf32>
        %add3A_407 = arith.addf %get3A_402, %get3A_406 : vector<16xf32>
        %bitcast_convert_type3A_408 = tpu.bitcast %add3A_398 : vector<16xf32> -> vector<16xi32>
        %bitcast_convert_type3A_409 = tpu.bitcast %add3A_407 : vector<16xf32> -> vector<16xi32>
        %shift_right_logical3A_410 = arith.constant 16 : i32
        %shift_right_logical3A_411 = vector.broadcast %shift_right_logical3A_410 : i32 to vector<16xi32>
        %shift_right_logical3A_412 = arith.shrui %bitcast_convert_type3A_408, %shift_right_logical3A_411 : vector<16xi32>
        %and3A_413 = arith.constant -65536 : i32
        %and3A_414 = vector.broadcast %and3A_413 : i32 to vector<16xi32>
        %and3A_415 = arith.andi %bitcast_convert_type3A_409, %and3A_414 : vector<16xi32>
        %or3A_416 = arith.ori %shift_right_logical3A_412, %and3A_415 : vector<16xi32>
        %swap3A_417 = arith.index_cast %add3A_107 : i32 to index
        %swap3A_418 = arith.constant 144 : index
        %swap3A_419 = tpu.vector_load %arg13[%swap3A_417, %swap3A_418] {strides = array<i32>} : memref<32x384xi32, #tpu.memory_space<vmem>>, vector<1x16xi32>,
        %swap3A_420 = vector.shape_cast %swap3A_419 : vector<1x16xi32> to vector<16xi32>
        %swap3A_421 = vector.shape_cast %or3A_416 : vector<16xi32> to vector<1x16xi32>
        tpu.vector_store %arg13[%swap3A_417, %swap3A_418], %swap3A_421 {strides = array<i32>} : memref<32x384xi32, #tpu.memory_space<vmem>>, vector<1x16xi32>,
        %get3A_422 = arith.index_cast %add3A_107 : i32 to index
        %get3A_423 = arith.constant 160 : index
        %get3A_424 = tpu.vector_load %arg11[%get3A_422, %get3A_423] {strides = array<i32>} : memref<32x768xf32, #tpu.memory_space<vmem>>, vector<1x16xf32>,
        %get3A_425 = vector.shape_cast %get3A_424 : vector<1x16xf32> to vector<16xf32>
        %get3A_426 = arith.index_cast %add3A_107 : i32 to index
        %get3A_427 = arith.constant 160 : index
        %get3A_428 = tpu.vector_load %arg12[%get3A_426, %get3A_427] {strides = array<i32>} : memref<32x768xf32, #tpu.memory_space<vmem>>, vector<1x16xf32>,
        %get3A_429 = vector.shape_cast %get3A_428 : vector<1x16xf32> to vector<16xf32>
        %add3A_430 = arith.addf %get3A_425, %get3A_429 : vector<16xf32>
        %get3A_431 = arith.index_cast %add3A_107 : i32 to index
        %get3A_432 = arith.constant 544 : index
        %get3A_433 = tpu.vector_load %arg11[%get3A_431, %get3A_432] {strides = array<i32>} : memref<32x768xf32, #tpu.memory_space<vmem>>, vector<1x16xf32>,
        %get3A_434 = vector.shape_cast %get3A_433 : vector<1x16xf32> to vector<16xf32>
        %get3A_435 = arith.index_cast %add3A_107 : i32 to index
        %get3A_436 = arith.constant 544 : index
        %get3A_437 = tpu.vector_load %arg12[%get3A_435, %get3A_436] {strides = array<i32>} : memref<32x768xf32, #tpu.memory_space<vmem>>, vector<1x16xf32>,
        %get3A_438 = vector.shape_cast %get3A_437 : vector<1x16xf32> to vector<16xf32>
        %add3A_439 = arith.addf %get3A_434, %get3A_438 : vector<16xf32>
        %bitcast_convert_type3A_440 = tpu.bitcast %add3A_430 : vector<16xf32> -> vector<16xi32>
        %bitcast_convert_type3A_441 = tpu.bitcast %add3A_439 : vector<16xf32> -> vector<16xi32>
        %shift_right_logical3A_442 = arith.constant 16 : i32
        %shift_right_logical3A_443 = vector.broadcast %shift_right_logical3A_442 : i32 to vector<16xi32>
        %shift_right_logical3A_444 = arith.shrui %bitcast_convert_type3A_440, %shift_right_logical3A_443 : vector<16xi32>
        %and3A_445 = arith.constant -65536 : i32
        %and3A_446 = vector.broadcast %and3A_445 : i32 to vector<16xi32>
        %and3A_447 = arith.andi %bitcast_convert_type3A_441, %and3A_446 : vector<16xi32>
        %or3A_448 = arith.ori %shift_right_logical3A_444, %and3A_447 : vector<16xi32>
        %swap3A_449 = arith.index_cast %add3A_107 : i32 to index
        %swap3A_450 = arith.constant 160 : index
        %swap3A_451 = tpu.vector_load %arg13[%swap3A_449, %swap3A_450] {strides = array<i32>} : memref<32x384xi32, #tpu.memory_space<vmem>>, vector<1x16xi32>,
        %swap3A_452 = vector.shape_cast %swap3A_451 : vector<1x16xi32> to vector<16xi32>
        %swap3A_453 = vector.shape_cast %or3A_448 : vector<16xi32> to vector<1x16xi32>
        tpu.vector_store %arg13[%swap3A_449, %swap3A_450], %swap3A_453 {strides = array<i32>} : memref<32x384xi32, #tpu.memory_space<vmem>>, vector<1x16xi32>,
        %get3A_454 = arith.index_cast %add3A_107 : i32 to index
        %get3A_455 = arith.constant 176 : index
        %get3A_456 = tpu.vector_load %arg11[%get3A_454, %get3A_455] {strides = array<i32>} : memref<32x768xf32, #tpu.memory_space<vmem>>, vector<1x16xf32>,
        %get3A_457 = vector.shape_cast %get3A_456 : vector<1x16xf32> to vector<16xf32>
        %get3A_458 = arith.index_cast %add3A_107 : i32 to index
        %get3A_459 = arith.constant 176 : index
        %get3A_460 = tpu.vector_load %arg12[%get3A_458, %get3A_459] {strides = array<i32>} : memref<32x768xf32, #tpu.memory_space<vmem>>, vector<1x16xf32>,
        %get3A_461 = vector.shape_cast %get3A_460 : vector<1x16xf32> to vector<16xf32>
        %add3A_462 = arith.addf %get3A_457, %get3A_461 : vector<16xf32>
        %get3A_463 = arith.index_cast %add3A_107 : i32 to index
        %get3A_464 = arith.constant 560 : index
        %get3A_465 = tpu.vector_load %arg11[%get3A_463, %get3A_464] {strides = array<i32>} : memref<32x768xf32, #tpu.memory_space<vmem>>, vector<1x16xf32>,
        %get3A_466 = vector.shape_cast %get3A_465 : vector<1x16xf32> to vector<16xf32>
        %get3A_467 = arith.index_cast %add3A_107 : i32 to index
        %get3A_468 = arith.constant 560 : index
        %get3A_469 = tpu.vector_load %arg12[%get3A_467, %get3A_468] {strides = array<i32>} : memref<32x768xf32, #tpu.memory_space<vmem>>, vector<1x16xf32>,
        %get3A_470 = vector.shape_cast %get3A_469 : vector<1x16xf32> to vector<16xf32>
        %add3A_471 = arith.addf %get3A_466, %get3A_470 : vector<16xf32>
        %bitcast_convert_type3A_472 = tpu.bitcast %add3A_462 : vector<16xf32> -> vector<16xi32>
        %bitcast_convert_type3A_473 = tpu.bitcast %add3A_471 : vector<16xf32> -> vector<16xi32>
        %shift_right_logical3A_474 = arith.constant 16 : i32
        %shift_right_logical3A_475 = vector.broadcast %shift_right_logical3A_474 : i32 to vector<16xi32>
        %shift_right_logical3A_476 = arith.shrui %bitcast_convert_type3A_472, %shift_right_logical3A_475 : vector<16xi32>
        %and3A_477 = arith.constant -65536 : i32
        %and3A_478 = vector.broadcast %and3A_477 : i32 to vector<16xi32>
        %and3A_479 = arith.andi %bitcast_convert_type3A_473, %and3A_478 : vector<16xi32>
        %or3A_480 = arith.ori %shift_right_logical3A_476, %and3A_479 : vector<16xi32>
        %swap3A_481 = arith.index_cast %add3A_107 : i32 to index
        %swap3A_482 = arith.constant 176 : index
        %swap3A_483 = tpu.vector_load %arg13[%swap3A_481, %swap3A_482] {strides = array<i32>} : memref<32x384xi32, #tpu.memory_space<vmem>>, vector<1x16xi32>,
        %swap3A_484 = vector.shape_cast %swap3A_483 : vector<1x16xi32> to vector<16xi32>
        %swap3A_485 = vector.shape_cast %or3A_480 : vector<16xi32> to vector<1x16xi32>
        tpu.vector_store %arg13[%swap3A_481, %swap3A_482], %swap3A_485 {strides = array<i32>} : memref<32x384xi32, #tpu.memory_space<vmem>>, vector<1x16xi32>,
        %get3A_486 = arith.index_cast %add3A_107 : i32 to index
        %get3A_487 = arith.constant 192 : index
        %get3A_488 = tpu.vector_load %arg11[%get3A_486, %get3A_487] {strides = array<i32>} : memref<32x768xf32, #tpu.memory_space<vmem>>, vector<1x16xf32>,
        %get3A_489 = vector.shape_cast %get3A_488 : vector<1x16xf32> to vector<16xf32>
        %get3A_490 = arith.index_cast %add3A_107 : i32 to index
        %get3A_491 = arith.constant 192 : index
        %get3A_492 = tpu.vector_load %arg12[%get3A_490, %get3A_491] {strides = array<i32>} : memref<32x768xf32, #tpu.memory_space<vmem>>, vector<1x16xf32>,
        %get3A_493 = vector.shape_cast %get3A_492 : vector<1x16xf32> to vector<16xf32>
        %add3A_494 = arith.addf %get3A_489, %get3A_493 : vector<16xf32>
        %get3A_495 = arith.index_cast %add3A_107 : i32 to index
        %get3A_496 = arith.constant 576 : index
        %get3A_497 = tpu.vector_load %arg11[%get3A_495, %get3A_496] {strides = array<i32>} : memref<32x768xf32, #tpu.memory_space<vmem>>, vector<1x16xf32>,
        %get3A_498 = vector.shape_cast %get3A_497 : vector<1x16xf32> to vector<16xf32>
        %get3A_499 = arith.index_cast %add3A_107 : i32 to index
        %get3A_500 = arith.constant 576 : index
        %get3A_501 = tpu.vector_load %arg12[%get3A_499, %get3A_500] {strides = array<i32>} : memref<32x768xf32, #tpu.memory_space<vmem>>, vector<1x16xf32>,
        %get3A_502 = vector.shape_cast %get3A_501 : vector<1x16xf32> to vector<16xf32>
        %add3A_503 = arith.addf %get3A_498, %get3A_502 : vector<16xf32>
        %bitcast_convert_type3A_504 = tpu.bitcast %add3A_494 : vector<16xf32> -> vector<16xi32>
        %bitcast_convert_type3A_505 = tpu.bitcast %add3A_503 : vector<16xf32> -> vector<16xi32>
        %shift_right_logical3A_506 = arith.constant 16 : i32
        %shift_right_logical3A_507 = vector.broadcast %shift_right_logical3A_506 : i32 to vector<16xi32>
        %shift_right_logical3A_508 = arith.shrui %bitcast_convert_type3A_504, %shift_right_logical3A_507 : vector<16xi32>
        %and3A_509 = arith.constant -65536 : i32
        %and3A_510 = vector.broadcast %and3A_509 : i32 to vector<16xi32>
        %and3A_511 = arith.andi %bitcast_convert_type3A_505, %and3A_510 : vector<16xi32>
        %or3A_512 = arith.ori %shift_right_logical3A_508, %and3A_511 : vector<16xi32>
        %swap3A_513 = arith.index_cast %add3A_107 : i32 to index
        %swap3A_514 = arith.constant 192 : index
        %swap3A_515 = tpu.vector_load %arg13[%swap3A_513, %swap3A_514] {strides = array<i32>} : memref<32x384xi32, #tpu.memory_space<vmem>>, vector<1x16xi32>,
        %swap3A_516 = vector.shape_cast %swap3A_515 : vector<1x16xi32> to vector<16xi32>
        %swap3A_517 = vector.shape_cast %or3A_512 : vector<16xi32> to vector<1x16xi32>
        tpu.vector_store %arg13[%swap3A_513, %swap3A_514], %swap3A_517 {strides = array<i32>} : memref<32x384xi32, #tpu.memory_space<vmem>>, vector<1x16xi32>,
        %get3A_518 = arith.index_cast %add3A_107 : i32 to index
        %get3A_519 = arith.constant 208 : index
        %get3A_520 = tpu.vector_load %arg11[%get3A_518, %get3A_519] {strides = array<i32>} : memref<32x768xf32, #tpu.memory_space<vmem>>, vector<1x16xf32>,
        %get3A_521 = vector.shape_cast %get3A_520 : vector<1x16xf32> to vector<16xf32>
        %get3A_522 = arith.index_cast %add3A_107 : i32 to index
        %get3A_523 = arith.constant 208 : index
        %get3A_524 = tpu.vector_load %arg12[%get3A_522, %get3A_523] {strides = array<i32>} : memref<32x768xf32, #tpu.memory_space<vmem>>, vector<1x16xf32>,
        %get3A_525 = vector.shape_cast %get3A_524 : vector<1x16xf32> to vector<16xf32>
        %add3A_526 = arith.addf %get3A_521, %get3A_525 : vector<16xf32>
        %get3A_527 = arith.index_cast %add3A_107 : i32 to index
        %get3A_528 = arith.constant 592 : index
        %get3A_529 = tpu.vector_load %arg11[%get3A_527, %get3A_528] {strides = array<i32>} : memref<32x768xf32, #tpu.memory_space<vmem>>, vector<1x16xf32>,
        %get3A_530 = vector.shape_cast %get3A_529 : vector<1x16xf32> to vector<16xf32>
        %get3A_531 = arith.index_cast %add3A_107 : i32 to index
        %get3A_532 = arith.constant 592 : index
        %get3A_533 = tpu.vector_load %arg12[%get3A_531, %get3A_532] {strides = array<i32>} : memref<32x768xf32, #tpu.memory_space<vmem>>, vector<1x16xf32>,
        %get3A_534 = vector.shape_cast %get3A_533 : vector<1x16xf32> to vector<16xf32>
        %add3A_535 = arith.addf %get3A_530, %get3A_534 : vector<16xf32>
        %bitcast_convert_type3A_536 = tpu.bitcast %add3A_526 : vector<16xf32> -> vector<16xi32>
        %bitcast_convert_type3A_537 = tpu.bitcast %add3A_535 : vector<16xf32> -> vector<16xi32>
        %shift_right_logical3A_538 = arith.constant 16 : i32
        %shift_right_logical3A_539 = vector.broadcast %shift_right_logical3A_538 : i32 to vector<16xi32>
        %shift_right_logical3A_540 = arith.shrui %bitcast_convert_type3A_536, %shift_right_logical3A_539 : vector<16xi32>
        %and3A_541 = arith.constant -65536 : i32
        %and3A_542 = vector.broadcast %and3A_541 : i32 to vector<16xi32>
        %and3A_543 = arith.andi %bitcast_convert_type3A_537, %and3A_542 : vector<16xi32>
        %or3A_544 = arith.ori %shift_right_logical3A_540, %and3A_543 : vector<16xi32>
        %swap3A_545 = arith.index_cast %add3A_107 : i32 to index
        %swap3A_546 = arith.constant 208 : index
        %swap3A_547 = tpu.vector_load %arg13[%swap3A_545, %swap3A_546] {strides = array<i32>} : memref<32x384xi32, #tpu.memory_space<vmem>>, vector<1x16xi32>,
        %swap3A_548 = vector.shape_cast %swap3A_547 : vector<1x16xi32> to vector<16xi32>
        %swap3A_549 = vector.shape_cast %or3A_544 : vector<16xi32> to vector<1x16xi32>
        tpu.vector_store %arg13[%swap3A_545, %swap3A_546], %swap3A_549 {strides = array<i32>} : memref<32x384xi32, #tpu.memory_space<vmem>>, vector<1x16xi32>,
        %get3A_550 = arith.index_cast %add3A_107 : i32 to index
        %get3A_551 = arith.constant 224 : index
        %get3A_552 = tpu.vector_load %arg11[%get3A_550, %get3A_551] {strides = array<i32>} : memref<32x768xf32, #tpu.memory_space<vmem>>, vector<1x16xf32>,
        %get3A_553 = vector.shape_cast %get3A_552 : vector<1x16xf32> to vector<16xf32>
        %get3A_554 = arith.index_cast %add3A_107 : i32 to index
        %get3A_555 = arith.constant 224 : index
        %get3A_556 = tpu.vector_load %arg12[%get3A_554, %get3A_555] {strides = array<i32>} : memref<32x768xf32, #tpu.memory_space<vmem>>, vector<1x16xf32>,
        %get3A_557 = vector.shape_cast %get3A_556 : vector<1x16xf32> to vector<16xf32>
        %add3A_558 = arith.addf %get3A_553, %get3A_557 : vector<16xf32>
        %get3A_559 = arith.index_cast %add3A_107 : i32 to index
        %get3A_560 = arith.constant 608 : index
        %get3A_561 = tpu.vector_load %arg11[%get3A_559, %get3A_560] {strides = array<i32>} : memref<32x768xf32, #tpu.memory_space<vmem>>, vector<1x16xf32>,
        %get3A_562 = vector.shape_cast %get3A_561 : vector<1x16xf32> to vector<16xf32>
        %get3A_563 = arith.index_cast %add3A_107 : i32 to index
        %get3A_564 = arith.constant 608 : index
        %get3A_565 = tpu.vector_load %arg12[%get3A_563, %get3A_564] {strides = array<i32>} : memref<32x768xf32, #tpu.memory_space<vmem>>, vector<1x16xf32>,
        %get3A_566 = vector.shape_cast %get3A_565 : vector<1x16xf32> to vector<16xf32>
        %add3A_567 = arith.addf %get3A_562, %get3A_566 : vector<16xf32>
        %bitcast_convert_type3A_568 = tpu.bitcast %add3A_558 : vector<16xf32> -> vector<16xi32>
        %bitcast_convert_type3A_569 = tpu.bitcast %add3A_567 : vector<16xf32> -> vector<16xi32>
        %shift_right_logical3A_570 = arith.constant 16 : i32
        %shift_right_logical3A_571 = vector.broadcast %shift_right_logical3A_570 : i32 to vector<16xi32>
        %shift_right_logical3A_572 = arith.shrui %bitcast_convert_type3A_568, %shift_right_logical3A_571 : vector<16xi32>
        %and3A_573 = arith.constant -65536 : i32
        %and3A_574 = vector.broadcast %and3A_573 : i32 to vector<16xi32>
        %and3A_575 = arith.andi %bitcast_convert_type3A_569, %and3A_574 : vector<16xi32>
        %or3A_576 = arith.ori %shift_right_logical3A_572, %and3A_575 : vector<16xi32>
        %swap3A_577 = arith.index_cast %add3A_107 : i32 to index
        %swap3A_578 = arith.constant 224 : index
        %swap3A_579 = tpu.vector_load %arg13[%swap3A_577, %swap3A_578] {strides = array<i32>} : memref<32x384xi32, #tpu.memory_space<vmem>>, vector<1x16xi32>,
        %swap3A_580 = vector.shape_cast %swap3A_579 : vector<1x16xi32> to vector<16xi32>
        %swap3A_581 = vector.shape_cast %or3A_576 : vector<16xi32> to vector<1x16xi32>
        tpu.vector_store %arg13[%swap3A_577, %swap3A_578], %swap3A_581 {strides = array<i32>} : memref<32x384xi32, #tpu.memory_space<vmem>>, vector<1x16xi32>,
        %get3A_582 = arith.index_cast %add3A_107 : i32 to index
        %get3A_583 = arith.constant 240 : index
        %get3A_584 = tpu.vector_load %arg11[%get3A_582, %get3A_583] {strides = array<i32>} : memref<32x768xf32, #tpu.memory_space<vmem>>, vector<1x16xf32>,
        %get3A_585 = vector.shape_cast %get3A_584 : vector<1x16xf32> to vector<16xf32>
        %get3A_586 = arith.index_cast %add3A_107 : i32 to index
        %get3A_587 = arith.constant 240 : index
        %get3A_588 = tpu.vector_load %arg12[%get3A_586, %get3A_587] {strides = array<i32>} : memref<32x768xf32, #tpu.memory_space<vmem>>, vector<1x16xf32>,
        %get3A_589 = vector.shape_cast %get3A_588 : vector<1x16xf32> to vector<16xf32>
        %add3A_590 = arith.addf %get3A_585, %get3A_589 : vector<16xf32>
        %get3A_591 = arith.index_cast %add3A_107 : i32 to index
        %get3A_592 = arith.constant 624 : index
        %get3A_593 = tpu.vector_load %arg11[%get3A_591, %get3A_592] {strides = array<i32>} : memref<32x768xf32, #tpu.memory_space<vmem>>, vector<1x16xf32>,
        %get3A_594 = vector.shape_cast %get3A_593 : vector<1x16xf32> to vector<16xf32>
        %get3A_595 = arith.index_cast %add3A_107 : i32 to index
        %get3A_596 = arith.constant 624 : index
        %get3A_597 = tpu.vector_load %arg12[%get3A_595, %get3A_596] {strides = array<i32>} : memref<32x768xf32, #tpu.memory_space<vmem>>, vector<1x16xf32>,
        %get3A_598 = vector.shape_cast %get3A_597 : vector<1x16xf32> to vector<16xf32>
        %add3A_599 = arith.addf %get3A_594, %get3A_598 : vector<16xf32>
        %bitcast_convert_type3A_600 = tpu.bitcast %add3A_590 : vector<16xf32> -> vector<16xi32>
        %bitcast_convert_type3A_601 = tpu.bitcast %add3A_599 : vector<16xf32> -> vector<16xi32>
        %shift_right_logical3A_602 = arith.constant 16 : i32
        %shift_right_logical3A_603 = vector.broadcast %shift_right_logical3A_602 : i32 to vector<16xi32>
        %shift_right_logical3A_604 = arith.shrui %bitcast_convert_type3A_600, %shift_right_logical3A_603 : vector<16xi32>
        %and3A_605 = arith.constant -65536 : i32
        %and3A_606 = vector.broadcast %and3A_605 : i32 to vector<16xi32>
        %and3A_607 = arith.andi %bitcast_convert_type3A_601, %and3A_606 : vector<16xi32>
        %or3A_608 = arith.ori %shift_right_logical3A_604, %and3A_607 : vector<16xi32>
        %swap3A_609 = arith.index_cast %add3A_107 : i32 to index
        %swap3A_610 = arith.constant 240 : index
        %swap3A_611 = tpu.vector_load %arg13[%swap3A_609, %swap3A_610] {strides = array<i32>} : memref<32x384xi32, #tpu.memory_space<vmem>>, vector<1x16xi32>,
        %swap3A_612 = vector.shape_cast %swap3A_611 : vector<1x16xi32> to vector<16xi32>
        %swap3A_613 = vector.shape_cast %or3A_608 : vector<16xi32> to vector<1x16xi32>
        tpu.vector_store %arg13[%swap3A_609, %swap3A_610], %swap3A_613 {strides = array<i32>} : memref<32x384xi32, #tpu.memory_space<vmem>>, vector<1x16xi32>,
        %get3A_614 = arith.index_cast %add3A_107 : i32 to index
        %get3A_615 = arith.constant 256 : index
        %get3A_616 = tpu.vector_load %arg11[%get3A_614, %get3A_615] {strides = array<i32>} : memref<32x768xf32, #tpu.memory_space<vmem>>, vector<1x16xf32>,
        %get3A_617 = vector.shape_cast %get3A_616 : vector<1x16xf32> to vector<16xf32>
        %get3A_618 = arith.index_cast %add3A_107 : i32 to index
        %get3A_619 = arith.constant 256 : index
        %get3A_620 = tpu.vector_load %arg12[%get3A_618, %get3A_619] {strides = array<i32>} : memref<32x768xf32, #tpu.memory_space<vmem>>, vector<1x16xf32>,
        %get3A_621 = vector.shape_cast %get3A_620 : vector<1x16xf32> to vector<16xf32>
        %add3A_622 = arith.addf %get3A_617, %get3A_621 : vector<16xf32>
        %get3A_623 = arith.index_cast %add3A_107 : i32 to index
        %get3A_624 = arith.constant 640 : index
        %get3A_625 = tpu.vector_load %arg11[%get3A_623, %get3A_624] {strides = array<i32>} : memref<32x768xf32, #tpu.memory_space<vmem>>, vector<1x16xf32>,
        %get3A_626 = vector.shape_cast %get3A_625 : vector<1x16xf32> to vector<16xf32>
        %get3A_627 = arith.index_cast %add3A_107 : i32 to index
        %get3A_628 = arith.constant 640 : index
        %get3A_629 = tpu.vector_load %arg12[%get3A_627, %get3A_628] {strides = array<i32>} : memref<32x768xf32, #tpu.memory_space<vmem>>, vector<1x16xf32>,
        %get3A_630 = vector.shape_cast %get3A_629 : vector<1x16xf32> to vector<16xf32>
        %add3A_631 = arith.addf %get3A_626, %get3A_630 : vector<16xf32>
        %bitcast_convert_type3A_632 = tpu.bitcast %add3A_622 : vector<16xf32> -> vector<16xi32>
        %bitcast_convert_type3A_633 = tpu.bitcast %add3A_631 : vector<16xf32> -> vector<16xi32>
        %shift_right_logical3A_634 = arith.constant 16 : i32
        %shift_right_logical3A_635 = vector.broadcast %shift_right_logical3A_634 : i32 to vector<16xi32>
        %shift_right_logical3A_636 = arith.shrui %bitcast_convert_type3A_632, %shift_right_logical3A_635 : vector<16xi32>
        %and3A_637 = arith.constant -65536 : i32
        %and3A_638 = vector.broadcast %and3A_637 : i32 to vector<16xi32>
        %and3A_639 = arith.andi %bitcast_convert_type3A_633, %and3A_638 : vector<16xi32>
        %or3A_640 = arith.ori %shift_right_logical3A_636, %and3A_639 : vector<16xi32>
        %swap3A_641 = arith.index_cast %add3A_107 : i32 to index
        %swap3A_642 = arith.constant 256 : index
        %swap3A_643 = tpu.vector_load %arg13[%swap3A_641, %swap3A_642] {strides = array<i32>} : memref<32x384xi32, #tpu.memory_space<vmem>>, vector<1x16xi32>,
        %swap3A_644 = vector.shape_cast %swap3A_643 : vector<1x16xi32> to vector<16xi32>
        %swap3A_645 = vector.shape_cast %or3A_640 : vector<16xi32> to vector<1x16xi32>
        tpu.vector_store %arg13[%swap3A_641, %swap3A_642], %swap3A_645 {strides = array<i32>} : memref<32x384xi32, #tpu.memory_space<vmem>>, vector<1x16xi32>,
        %get3A_646 = arith.index_cast %add3A_107 : i32 to index
        %get3A_647 = arith.constant 272 : index
        %get3A_648 = tpu.vector_load %arg11[%get3A_646, %get3A_647] {strides = array<i32>} : memref<32x768xf32, #tpu.memory_space<vmem>>, vector<1x16xf32>,
        %get3A_649 = vector.shape_cast %get3A_648 : vector<1x16xf32> to vector<16xf32>
        %get3A_650 = arith.index_cast %add3A_107 : i32 to index
        %get3A_651 = arith.constant 272 : index
        %get3A_652 = tpu.vector_load %arg12[%get3A_650, %get3A_651] {strides = array<i32>} : memref<32x768xf32, #tpu.memory_space<vmem>>, vector<1x16xf32>,
        %get3A_653 = vector.shape_cast %get3A_652 : vector<1x16xf32> to vector<16xf32>
        %add3A_654 = arith.addf %get3A_649, %get3A_653 : vector<16xf32>
        %get3A_655 = arith.index_cast %add3A_107 : i32 to index
        %get3A_656 = arith.constant 656 : index
        %get3A_657 = tpu.vector_load %arg11[%get3A_655, %get3A_656] {strides = array<i32>} : memref<32x768xf32, #tpu.memory_space<vmem>>, vector<1x16xf32>,
        %get3A_658 = vector.shape_cast %get3A_657 : vector<1x16xf32> to vector<16xf32>
        %get3A_659 = arith.index_cast %add3A_107 : i32 to index
        %get3A_660 = arith.constant 656 : index
        %get3A_661 = tpu.vector_load %arg12[%get3A_659, %get3A_660] {strides = array<i32>} : memref<32x768xf32, #tpu.memory_space<vmem>>, vector<1x16xf32>,
        %get3A_662 = vector.shape_cast %get3A_661 : vector<1x16xf32> to vector<16xf32>
        %add3A_663 = arith.addf %get3A_658, %get3A_662 : vector<16xf32>
        %bitcast_convert_type3A_664 = tpu.bitcast %add3A_654 : vector<16xf32> -> vector<16xi32>
        %bitcast_convert_type3A_665 = tpu.bitcast %add3A_663 : vector<16xf32> -> vector<16xi32>
        %shift_right_logical3A_666 = arith.constant 16 : i32
        %shift_right_logical3A_667 = vector.broadcast %shift_right_logical3A_666 : i32 to vector<16xi32>
        %shift_right_logical3A_668 = arith.shrui %bitcast_convert_type3A_664, %shift_right_logical3A_667 : vector<16xi32>
        %and3A_669 = arith.constant -65536 : i32
        %and3A_670 = vector.broadcast %and3A_669 : i32 to vector<16xi32>
        %and3A_671 = arith.andi %bitcast_convert_type3A_665, %and3A_670 : vector<16xi32>
        %or3A_672 = arith.ori %shift_right_logical3A_668, %and3A_671 : vector<16xi32>
        %swap3A_673 = arith.index_cast %add3A_107 : i32 to index
        %swap3A_674 = arith.constant 272 : index
        %swap3A_675 = tpu.vector_load %arg13[%swap3A_673, %swap3A_674] {strides = array<i32>} : memref<32x384xi32, #tpu.memory_space<vmem>>, vector<1x16xi32>,
        %swap3A_676 = vector.shape_cast %swap3A_675 : vector<1x16xi32> to vector<16xi32>
        %swap3A_677 = vector.shape_cast %or3A_672 : vector<16xi32> to vector<1x16xi32>
        tpu.vector_store %arg13[%swap3A_673, %swap3A_674], %swap3A_677 {strides = array<i32>} : memref<32x384xi32, #tpu.memory_space<vmem>>, vector<1x16xi32>,
        %get3A_678 = arith.index_cast %add3A_107 : i32 to index
        %get3A_679 = arith.constant 288 : index
        %get3A_680 = tpu.vector_load %arg11[%get3A_678, %get3A_679] {strides = array<i32>} : memref<32x768xf32, #tpu.memory_space<vmem>>, vector<1x16xf32>,
        %get3A_681 = vector.shape_cast %get3A_680 : vector<1x16xf32> to vector<16xf32>
        %get3A_682 = arith.index_cast %add3A_107 : i32 to index
        %get3A_683 = arith.constant 288 : index
        %get3A_684 = tpu.vector_load %arg12[%get3A_682, %get3A_683] {strides = array<i32>} : memref<32x768xf32, #tpu.memory_space<vmem>>, vector<1x16xf32>,
        %get3A_685 = vector.shape_cast %get3A_684 : vector<1x16xf32> to vector<16xf32>
        %add3A_686 = arith.addf %get3A_681, %get3A_685 : vector<16xf32>
        %get3A_687 = arith.index_cast %add3A_107 : i32 to index
        %get3A_688 = arith.constant 672 : index
        %get3A_689 = tpu.vector_load %arg11[%get3A_687, %get3A_688] {strides = array<i32>} : memref<32x768xf32, #tpu.memory_space<vmem>>, vector<1x16xf32>,
        %get3A_690 = vector.shape_cast %get3A_689 : vector<1x16xf32> to vector<16xf32>
        %get3A_691 = arith.index_cast %add3A_107 : i32 to index
        %get3A_692 = arith.constant 672 : index
        %get3A_693 = tpu.vector_load %arg12[%get3A_691, %get3A_692] {strides = array<i32>} : memref<32x768xf32, #tpu.memory_space<vmem>>, vector<1x16xf32>,
        %get3A_694 = vector.shape_cast %get3A_693 : vector<1x16xf32> to vector<16xf32>
        %add3A_695 = arith.addf %get3A_690, %get3A_694 : vector<16xf32>
        %bitcast_convert_type3A_696 = tpu.bitcast %add3A_686 : vector<16xf32> -> vector<16xi32>
        %bitcast_convert_type3A_697 = tpu.bitcast %add3A_695 : vector<16xf32> -> vector<16xi32>
        %shift_right_logical3A_698 = arith.constant 16 : i32
        %shift_right_logical3A_699 = vector.broadcast %shift_right_logical3A_698 : i32 to vector<16xi32>
        %shift_right_logical3A_700 = arith.shrui %bitcast_convert_type3A_696, %shift_right_logical3A_699 : vector<16xi32>
        %and3A_701 = arith.constant -65536 : i32
        %and3A_702 = vector.broadcast %and3A_701 : i32 to vector<16xi32>
        %and3A_703 = arith.andi %bitcast_convert_type3A_697, %and3A_702 : vector<16xi32>
        %or3A_704 = arith.ori %shift_right_logical3A_700, %and3A_703 : vector<16xi32>
        %swap3A_705 = arith.index_cast %add3A_107 : i32 to index
        %swap3A_706 = arith.constant 288 : index
        %swap3A_707 = tpu.vector_load %arg13[%swap3A_705, %swap3A_706] {strides = array<i32>} : memref<32x384xi32, #tpu.memory_space<vmem>>, vector<1x16xi32>,
        %swap3A_708 = vector.shape_cast %swap3A_707 : vector<1x16xi32> to vector<16xi32>
        %swap3A_709 = vector.shape_cast %or3A_704 : vector<16xi32> to vector<1x16xi32>
        tpu.vector_store %arg13[%swap3A_705, %swap3A_706], %swap3A_709 {strides = array<i32>} : memref<32x384xi32, #tpu.memory_space<vmem>>, vector<1x16xi32>,
        %get3A_710 = arith.index_cast %add3A_107 : i32 to index
        %get3A_711 = arith.constant 304 : index
        %get3A_712 = tpu.vector_load %arg11[%get3A_710, %get3A_711] {strides = array<i32>} : memref<32x768xf32, #tpu.memory_space<vmem>>, vector<1x16xf32>,
        %get3A_713 = vector.shape_cast %get3A_712 : vector<1x16xf32> to vector<16xf32>
        %get3A_714 = arith.index_cast %add3A_107 : i32 to index
        %get3A_715 = arith.constant 304 : index
        %get3A_716 = tpu.vector_load %arg12[%get3A_714, %get3A_715] {strides = array<i32>} : memref<32x768xf32, #tpu.memory_space<vmem>>, vector<1x16xf32>,
        %get3A_717 = vector.shape_cast %get3A_716 : vector<1x16xf32> to vector<16xf32>
        %add3A_718 = arith.addf %get3A_713, %get3A_717 : vector<16xf32>
        %get3A_719 = arith.index_cast %add3A_107 : i32 to index
        %get3A_720 = arith.constant 688 : index
        %get3A_721 = tpu.vector_load %arg11[%get3A_719, %get3A_720] {strides = array<i32>} : memref<32x768xf32, #tpu.memory_space<vmem>>, vector<1x16xf32>,
        %get3A_722 = vector.shape_cast %get3A_721 : vector<1x16xf32> to vector<16xf32>
        %get3A_723 = arith.index_cast %add3A_107 : i32 to index
        %get3A_724 = arith.constant 688 : index
        %get3A_725 = tpu.vector_load %arg12[%get3A_723, %get3A_724] {strides = array<i32>} : memref<32x768xf32, #tpu.memory_space<vmem>>, vector<1x16xf32>,
        %get3A_726 = vector.shape_cast %get3A_725 : vector<1x16xf32> to vector<16xf32>
        %add3A_727 = arith.addf %get3A_722, %get3A_726 : vector<16xf32>
        %bitcast_convert_type3A_728 = tpu.bitcast %add3A_718 : vector<16xf32> -> vector<16xi32>
        %bitcast_convert_type3A_729 = tpu.bitcast %add3A_727 : vector<16xf32> -> vector<16xi32>
        %shift_right_logical3A_730 = arith.constant 16 : i32
        %shift_right_logical3A_731 = vector.broadcast %shift_right_logical3A_730 : i32 to vector<16xi32>
        %shift_right_logical3A_732 = arith.shrui %bitcast_convert_type3A_728, %shift_right_logical3A_731 : vector<16xi32>
        %and3A_733 = arith.constant -65536 : i32
        %and3A_734 = vector.broadcast %and3A_733 : i32 to vector<16xi32>
        %and3A_735 = arith.andi %bitcast_convert_type3A_729, %and3A_734 : vector<16xi32>
        %or3A_736 = arith.ori %shift_right_logical3A_732, %and3A_735 : vector<16xi32>
        %swap3A_737 = arith.index_cast %add3A_107 : i32 to index
        %swap3A_738 = arith.constant 304 : index
        %swap3A_739 = tpu.vector_load %arg13[%swap3A_737, %swap3A_738] {strides = array<i32>} : memref<32x384xi32, #tpu.memory_space<vmem>>, vector<1x16xi32>,
        %swap3A_740 = vector.shape_cast %swap3A_739 : vector<1x16xi32> to vector<16xi32>
        %swap3A_741 = vector.shape_cast %or3A_736 : vector<16xi32> to vector<1x16xi32>
        tpu.vector_store %arg13[%swap3A_737, %swap3A_738], %swap3A_741 {strides = array<i32>} : memref<32x384xi32, #tpu.memory_space<vmem>>, vector<1x16xi32>,
        %get3A_742 = arith.index_cast %add3A_107 : i32 to index
        %get3A_743 = arith.constant 320 : index
        %get3A_744 = tpu.vector_load %arg11[%get3A_742, %get3A_743] {strides = array<i32>} : memref<32x768xf32, #tpu.memory_space<vmem>>, vector<1x16xf32>,
        %get3A_745 = vector.shape_cast %get3A_744 : vector<1x16xf32> to vector<16xf32>
        %get3A_746 = arith.index_cast %add3A_107 : i32 to index
        %get3A_747 = arith.constant 320 : index
        %get3A_748 = tpu.vector_load %arg12[%get3A_746, %get3A_747] {strides = array<i32>} : memref<32x768xf32, #tpu.memory_space<vmem>>, vector<1x16xf32>,
        %get3A_749 = vector.shape_cast %get3A_748 : vector<1x16xf32> to vector<16xf32>
        %add3A_750 = arith.addf %get3A_745, %get3A_749 : vector<16xf32>
        %get3A_751 = arith.index_cast %add3A_107 : i32 to index
        %get3A_752 = arith.constant 704 : index
        %get3A_753 = tpu.vector_load %arg11[%get3A_751, %get3A_752] {strides = array<i32>} : memref<32x768xf32, #tpu.memory_space<vmem>>, vector<1x16xf32>,
        %get3A_754 = vector.shape_cast %get3A_753 : vector<1x16xf32> to vector<16xf32>
        %get3A_755 = arith.index_cast %add3A_107 : i32 to index
        %get3A_756 = arith.constant 704 : index
        %get3A_757 = tpu.vector_load %arg12[%get3A_755, %get3A_756] {strides = array<i32>} : memref<32x768xf32, #tpu.memory_space<vmem>>, vector<1x16xf32>,
        %get3A_758 = vector.shape_cast %get3A_757 : vector<1x16xf32> to vector<16xf32>
        %add3A_759 = arith.addf %get3A_754, %get3A_758 : vector<16xf32>
        %bitcast_convert_type3A_760 = tpu.bitcast %add3A_750 : vector<16xf32> -> vector<16xi32>
        %bitcast_convert_type3A_761 = tpu.bitcast %add3A_759 : vector<16xf32> -> vector<16xi32>
        %shift_right_logical3A_762 = arith.constant 16 : i32
        %shift_right_logical3A_763 = vector.broadcast %shift_right_logical3A_762 : i32 to vector<16xi32>
        %shift_right_logical3A_764 = arith.shrui %bitcast_convert_type3A_760, %shift_right_logical3A_763 : vector<16xi32>
        %and3A_765 = arith.constant -65536 : i32
        %and3A_766 = vector.broadcast %and3A_765 : i32 to vector<16xi32>
        %and3A_767 = arith.andi %bitcast_convert_type3A_761, %and3A_766 : vector<16xi32>
        %or3A_768 = arith.ori %shift_right_logical3A_764, %and3A_767 : vector<16xi32>
        %swap3A_769 = arith.index_cast %add3A_107 : i32 to index
        %swap3A_770 = arith.constant 320 : index
        %swap3A_771 = tpu.vector_load %arg13[%swap3A_769, %swap3A_770] {strides = array<i32>} : memref<32x384xi32, #tpu.memory_space<vmem>>, vector<1x16xi32>,
        %swap3A_772 = vector.shape_cast %swap3A_771 : vector<1x16xi32> to vector<16xi32>
        %swap3A_773 = vector.shape_cast %or3A_768 : vector<16xi32> to vector<1x16xi32>
        tpu.vector_store %arg13[%swap3A_769, %swap3A_770], %swap3A_773 {strides = array<i32>} : memref<32x384xi32, #tpu.memory_space<vmem>>, vector<1x16xi32>,
        %get3A_774 = arith.index_cast %add3A_107 : i32 to index
        %get3A_775 = arith.constant 336 : index
        %get3A_776 = tpu.vector_load %arg11[%get3A_774, %get3A_775] {strides = array<i32>} : memref<32x768xf32, #tpu.memory_space<vmem>>, vector<1x16xf32>,
        %get3A_777 = vector.shape_cast %get3A_776 : vector<1x16xf32> to vector<16xf32>
        %get3A_778 = arith.index_cast %add3A_107 : i32 to index
        %get3A_779 = arith.constant 336 : index
        %get3A_780 = tpu.vector_load %arg12[%get3A_778, %get3A_779] {strides = array<i32>} : memref<32x768xf32, #tpu.memory_space<vmem>>, vector<1x16xf32>,
        %get3A_781 = vector.shape_cast %get3A_780 : vector<1x16xf32> to vector<16xf32>
        %add3A_782 = arith.addf %get3A_777, %get3A_781 : vector<16xf32>
        %get3A_783 = arith.index_cast %add3A_107 : i32 to index
        %get3A_784 = arith.constant 720 : index
        %get3A_785 = tpu.vector_load %arg11[%get3A_783, %get3A_784] {strides = array<i32>} : memref<32x768xf32, #tpu.memory_space<vmem>>, vector<1x16xf32>,
        %get3A_786 = vector.shape_cast %get3A_785 : vector<1x16xf32> to vector<16xf32>
        %get3A_787 = arith.index_cast %add3A_107 : i32 to index
        %get3A_788 = arith.constant 720 : index
        %get3A_789 = tpu.vector_load %arg12[%get3A_787, %get3A_788] {strides = array<i32>} : memref<32x768xf32, #tpu.memory_space<vmem>>, vector<1x16xf32>,
        %get3A_790 = vector.shape_cast %get3A_789 : vector<1x16xf32> to vector<16xf32>
        %add3A_791 = arith.addf %get3A_786, %get3A_790 : vector<16xf32>
        %bitcast_convert_type3A_792 = tpu.bitcast %add3A_782 : vector<16xf32> -> vector<16xi32>
        %bitcast_convert_type3A_793 = tpu.bitcast %add3A_791 : vector<16xf32> -> vector<16xi32>
        %shift_right_logical3A_794 = arith.constant 16 : i32
        %shift_right_logical3A_795 = vector.broadcast %shift_right_logical3A_794 : i32 to vector<16xi32>
        %shift_right_logical3A_796 = arith.shrui %bitcast_convert_type3A_792, %shift_right_logical3A_795 : vector<16xi32>
        %and3A_797 = arith.constant -65536 : i32
        %and3A_798 = vector.broadcast %and3A_797 : i32 to vector<16xi32>
        %and3A_799 = arith.andi %bitcast_convert_type3A_793, %and3A_798 : vector<16xi32>
        %or3A_800 = arith.ori %shift_right_logical3A_796, %and3A_799 : vector<16xi32>
        %swap3A_801 = arith.index_cast %add3A_107 : i32 to index
        %swap3A_802 = arith.constant 336 : index
        %swap3A_803 = tpu.vector_load %arg13[%swap3A_801, %swap3A_802] {strides = array<i32>} : memref<32x384xi32, #tpu.memory_space<vmem>>, vector<1x16xi32>,
        %swap3A_804 = vector.shape_cast %swap3A_803 : vector<1x16xi32> to vector<16xi32>
        %swap3A_805 = vector.shape_cast %or3A_800 : vector<16xi32> to vector<1x16xi32>
        tpu.vector_store %arg13[%swap3A_801, %swap3A_802], %swap3A_805 {strides = array<i32>} : memref<32x384xi32, #tpu.memory_space<vmem>>, vector<1x16xi32>,
        %get3A_806 = arith.index_cast %add3A_107 : i32 to index
        %get3A_807 = arith.constant 352 : index
        %get3A_808 = tpu.vector_load %arg11[%get3A_806, %get3A_807] {strides = array<i32>} : memref<32x768xf32, #tpu.memory_space<vmem>>, vector<1x16xf32>,
        %get3A_809 = vector.shape_cast %get3A_808 : vector<1x16xf32> to vector<16xf32>
        %get3A_810 = arith.index_cast %add3A_107 : i32 to index
        %get3A_811 = arith.constant 352 : index
        %get3A_812 = tpu.vector_load %arg12[%get3A_810, %get3A_811] {strides = array<i32>} : memref<32x768xf32, #tpu.memory_space<vmem>>, vector<1x16xf32>,
        %get3A_813 = vector.shape_cast %get3A_812 : vector<1x16xf32> to vector<16xf32>
        %add3A_814 = arith.addf %get3A_809, %get3A_813 : vector<16xf32>
        %get3A_815 = arith.index_cast %add3A_107 : i32 to index
        %get3A_816 = arith.constant 736 : index
        %get3A_817 = tpu.vector_load %arg11[%get3A_815, %get3A_816] {strides = array<i32>} : memref<32x768xf32, #tpu.memory_space<vmem>>, vector<1x16xf32>,
        %get3A_818 = vector.shape_cast %get3A_817 : vector<1x16xf32> to vector<16xf32>
        %get3A_819 = arith.index_cast %add3A_107 : i32 to index
        %get3A_820 = arith.constant 736 : index
        %get3A_821 = tpu.vector_load %arg12[%get3A_819, %get3A_820] {strides = array<i32>} : memref<32x768xf32, #tpu.memory_space<vmem>>, vector<1x16xf32>,
        %get3A_822 = vector.shape_cast %get3A_821 : vector<1x16xf32> to vector<16xf32>
        %add3A_823 = arith.addf %get3A_818, %get3A_822 : vector<16xf32>
        %bitcast_convert_type3A_824 = tpu.bitcast %add3A_814 : vector<16xf32> -> vector<16xi32>
        %bitcast_convert_type3A_825 = tpu.bitcast %add3A_823 : vector<16xf32> -> vector<16xi32>
        %shift_right_logical3A_826 = arith.constant 16 : i32
        %shift_right_logical3A_827 = vector.broadcast %shift_right_logical3A_826 : i32 to vector<16xi32>
        %shift_right_logical3A_828 = arith.shrui %bitcast_convert_type3A_824, %shift_right_logical3A_827 : vector<16xi32>
        %and3A_829 = arith.constant -65536 : i32
        %and3A_830 = vector.broadcast %and3A_829 : i32 to vector<16xi32>
        %and3A_831 = arith.andi %bitcast_convert_type3A_825, %and3A_830 : vector<16xi32>
        %or3A_832 = arith.ori %shift_right_logical3A_828, %and3A_831 : vector<16xi32>
        %swap3A_833 = arith.index_cast %add3A_107 : i32 to index
        %swap3A_834 = arith.constant 352 : index
        %swap3A_835 = tpu.vector_load %arg13[%swap3A_833, %swap3A_834] {strides = array<i32>} : memref<32x384xi32, #tpu.memory_space<vmem>>, vector<1x16xi32>,
        %swap3A_836 = vector.shape_cast %swap3A_835 : vector<1x16xi32> to vector<16xi32>
        %swap3A_837 = vector.shape_cast %or3A_832 : vector<16xi32> to vector<1x16xi32>
        tpu.vector_store %arg13[%swap3A_833, %swap3A_834], %swap3A_837 {strides = array<i32>} : memref<32x384xi32, #tpu.memory_space<vmem>>, vector<1x16xi32>,
        %get3A_838 = arith.index_cast %add3A_107 : i32 to index
        %get3A_839 = arith.constant 368 : index
        %get3A_840 = tpu.vector_load %arg11[%get3A_838, %get3A_839] {strides = array<i32>} : memref<32x768xf32, #tpu.memory_space<vmem>>, vector<1x16xf32>,
        %get3A_841 = vector.shape_cast %get3A_840 : vector<1x16xf32> to vector<16xf32>
        %get3A_842 = arith.index_cast %add3A_107 : i32 to index
        %get3A_843 = arith.constant 368 : index
        %get3A_844 = tpu.vector_load %arg12[%get3A_842, %get3A_843] {strides = array<i32>} : memref<32x768xf32, #tpu.memory_space<vmem>>, vector<1x16xf32>,
        %get3A_845 = vector.shape_cast %get3A_844 : vector<1x16xf32> to vector<16xf32>
        %add3A_846 = arith.addf %get3A_841, %get3A_845 : vector<16xf32>
        %get3A_847 = arith.index_cast %add3A_107 : i32 to index
        %get3A_848 = arith.constant 752 : index
        %get3A_849 = tpu.vector_load %arg11[%get3A_847, %get3A_848] {strides = array<i32>} : memref<32x768xf32, #tpu.memory_space<vmem>>, vector<1x16xf32>,
        %get3A_850 = vector.shape_cast %get3A_849 : vector<1x16xf32> to vector<16xf32>
        %get3A_851 = arith.index_cast %add3A_107 : i32 to index
        %get3A_852 = arith.constant 752 : index
        %get3A_853 = tpu.vector_load %arg12[%get3A_851, %get3A_852] {strides = array<i32>} : memref<32x768xf32, #tpu.memory_space<vmem>>, vector<1x16xf32>,
        %get3A_854 = vector.shape_cast %get3A_853 : vector<1x16xf32> to vector<16xf32>
        %add3A_855 = arith.addf %get3A_850, %get3A_854 : vector<16xf32>
        %bitcast_convert_type3A_856 = tpu.bitcast %add3A_846 : vector<16xf32> -> vector<16xi32>
        %bitcast_convert_type3A_857 = tpu.bitcast %add3A_855 : vector<16xf32> -> vector<16xi32>
        %shift_right_logical3A_858 = arith.constant 16 : i32
        %shift_right_logical3A_859 = vector.broadcast %shift_right_logical3A_858 : i32 to vector<16xi32>
        %shift_right_logical3A_860 = arith.shrui %bitcast_convert_type3A_856, %shift_right_logical3A_859 : vector<16xi32>
        %and3A_861 = arith.constant -65536 : i32
        %and3A_862 = vector.broadcast %and3A_861 : i32 to vector<16xi32>
        %and3A_863 = arith.andi %bitcast_convert_type3A_857, %and3A_862 : vector<16xi32>
        %or3A_864 = arith.ori %shift_right_logical3A_860, %and3A_863 : vector<16xi32>
        %swap3A_865 = arith.index_cast %add3A_107 : i32 to index
        %swap3A_866 = arith.constant 368 : index
        %swap3A_867 = tpu.vector_load %arg13[%swap3A_865, %swap3A_866] {strides = array<i32>} : memref<32x384xi32, #tpu.memory_space<vmem>>, vector<1x16xi32>,
        %swap3A_868 = vector.shape_cast %swap3A_867 : vector<1x16xi32> to vector<16xi32>
        %swap3A_869 = vector.shape_cast %or3A_864 : vector<16xi32> to vector<1x16xi32>
        tpu.vector_store %arg13[%swap3A_865, %swap3A_866], %swap3A_869 {strides = array<i32>} : memref<32x384xi32, #tpu.memory_space<vmem>>, vector<1x16xi32>,
        %mul3A_870 = arith.constant 2 : i32
        %mul3A_871 = arith.muli %scan3A_103, %mul3A_870 : i32
        %add3A_872 = arith.constant 1 : i32
        %add3A_873 = arith.addi %mul3A_871, %add3A_872 : i32
        %get3A_874 = arith.index_cast %add3A_873 : i32 to index
        %get3A_875 = arith.constant 0 : index
        %get3A_876 = tpu.vector_load %arg11[%get3A_874, %get3A_875] {strides = array<i32>} : memref<32x768xf32, #tpu.memory_space<vmem>>, vector<1x16xf32>,
        %get3A_877 = vector.shape_cast %get3A_876 : vector<1x16xf32> to vector<16xf32>
        %get3A_878 = arith.index_cast %add3A_873 : i32 to index
        %get3A_879 = arith.constant 0 : index
        %get3A_880 = tpu.vector_load %arg12[%get3A_878, %get3A_879] {strides = array<i32>} : memref<32x768xf32, #tpu.memory_space<vmem>>, vector<1x16xf32>,
        %get3A_881 = vector.shape_cast %get3A_880 : vector<1x16xf32> to vector<16xf32>
        %add3A_882 = arith.addf %get3A_877, %get3A_881 : vector<16xf32>
        %get3A_883 = arith.index_cast %add3A_873 : i32 to index
        %get3A_884 = arith.constant 384 : index
        %get3A_885 = tpu.vector_load %arg11[%get3A_883, %get3A_884] {strides = array<i32>} : memref<32x768xf32, #tpu.memory_space<vmem>>, vector<1x16xf32>,
        %get3A_886 = vector.shape_cast %get3A_885 : vector<1x16xf32> to vector<16xf32>
        %get3A_887 = arith.index_cast %add3A_873 : i32 to index
        %get3A_888 = arith.constant 384 : index
        %get3A_889 = tpu.vector_load %arg12[%get3A_887, %get3A_888] {strides = array<i32>} : memref<32x768xf32, #tpu.memory_space<vmem>>, vector<1x16xf32>,
        %get3A_890 = vector.shape_cast %get3A_889 : vector<1x16xf32> to vector<16xf32>
        %add3A_891 = arith.addf %get3A_886, %get3A_890 : vector<16xf32>
        %bitcast_convert_type3A_892 = tpu.bitcast %add3A_882 : vector<16xf32> -> vector<16xi32>
        %bitcast_convert_type3A_893 = tpu.bitcast %add3A_891 : vector<16xf32> -> vector<16xi32>
        %shift_right_logical3A_894 = arith.constant 16 : i32
        %shift_right_logical3A_895 = vector.broadcast %shift_right_logical3A_894 : i32 to vector<16xi32>
        %shift_right_logical3A_896 = arith.shrui %bitcast_convert_type3A_892, %shift_right_logical3A_895 : vector<16xi32>
        %and3A_897 = arith.constant -65536 : i32
        %and3A_898 = vector.broadcast %and3A_897 : i32 to vector<16xi32>
        %and3A_899 = arith.andi %bitcast_convert_type3A_893, %and3A_898 : vector<16xi32>
        %or3A_900 = arith.ori %shift_right_logical3A_896, %and3A_899 : vector<16xi32>
        %swap3A_901 = arith.index_cast %add3A_873 : i32 to index
        %swap3A_902 = arith.constant 0 : index
        %swap3A_903 = tpu.vector_load %arg13[%swap3A_901, %swap3A_902] {strides = array<i32>} : memref<32x384xi32, #tpu.memory_space<vmem>>, vector<1x16xi32>,
        %swap3A_904 = vector.shape_cast %swap3A_903 : vector<1x16xi32> to vector<16xi32>
        %swap3A_905 = vector.shape_cast %or3A_900 : vector<16xi32> to vector<1x16xi32>
        tpu.vector_store %arg13[%swap3A_901, %swap3A_902], %swap3A_905 {strides = array<i32>} : memref<32x384xi32, #tpu.memory_space<vmem>>, vector<1x16xi32>,
        %get3A_906 = arith.index_cast %add3A_873 : i32 to index
        %get3A_907 = arith.constant 16 : index
        %get3A_908 = tpu.vector_load %arg11[%get3A_906, %get3A_907] {strides = array<i32>} : memref<32x768xf32, #tpu.memory_space<vmem>>, vector<1x16xf32>,
        %get3A_909 = vector.shape_cast %get3A_908 : vector<1x16xf32> to vector<16xf32>
        %get3A_910 = arith.index_cast %add3A_873 : i32 to index
        %get3A_911 = arith.constant 16 : index
        %get3A_912 = tpu.vector_load %arg12[%get3A_910, %get3A_911] {strides = array<i32>} : memref<32x768xf32, #tpu.memory_space<vmem>>, vector<1x16xf32>,
        %get3A_913 = vector.shape_cast %get3A_912 : vector<1x16xf32> to vector<16xf32>
        %add3A_914 = arith.addf %get3A_909, %get3A_913 : vector<16xf32>
        %get3A_915 = arith.index_cast %add3A_873 : i32 to index
        %get3A_916 = arith.constant 400 : index
        %get3A_917 = tpu.vector_load %arg11[%get3A_915, %get3A_916] {strides = array<i32>} : memref<32x768xf32, #tpu.memory_space<vmem>>, vector<1x16xf32>,
        %get3A_918 = vector.shape_cast %get3A_917 : vector<1x16xf32> to vector<16xf32>
        %get3A_919 = arith.index_cast %add3A_873 : i32 to index
        %get3A_920 = arith.constant 400 : index
        %get3A_921 = tpu.vector_load %arg12[%get3A_919, %get3A_920] {strides = array<i32>} : memref<32x768xf32, #tpu.memory_space<vmem>>, vector<1x16xf32>,
        %get3A_922 = vector.shape_cast %get3A_921 : vector<1x16xf32> to vector<16xf32>
        %add3A_923 = arith.addf %get3A_918, %get3A_922 : vector<16xf32>
        %bitcast_convert_type3A_924 = tpu.bitcast %add3A_914 : vector<16xf32> -> vector<16xi32>
        %bitcast_convert_type3A_925 = tpu.bitcast %add3A_923 : vector<16xf32> -> vector<16xi32>
        %shift_right_logical3A_926 = arith.constant 16 : i32
        %shift_right_logical3A_927 = vector.broadcast %shift_right_logical3A_926 : i32 to vector<16xi32>
        %shift_right_logical3A_928 = arith.shrui %bitcast_convert_type3A_924, %shift_right_logical3A_927 : vector<16xi32>
        %and3A_929 = arith.constant -65536 : i32
        %and3A_930 = vector.broadcast %and3A_929 : i32 to vector<16xi32>
        %and3A_931 = arith.andi %bitcast_convert_type3A_925, %and3A_930 : vector<16xi32>
        %or3A_932 = arith.ori %shift_right_logical3A_928, %and3A_931 : vector<16xi32>
        %swap3A_933 = arith.index_cast %add3A_873 : i32 to index
        %swap3A_934 = arith.constant 16 : index
        %swap3A_935 = tpu.vector_load %arg13[%swap3A_933, %swap3A_934] {strides = array<i32>} : memref<32x384xi32, #tpu.memory_space<vmem>>, vector<1x16xi32>,
        %swap3A_936 = vector.shape_cast %swap3A_935 : vector<1x16xi32> to vector<16xi32>
        %swap3A_937 = vector.shape_cast %or3A_932 : vector<16xi32> to vector<1x16xi32>
        tpu.vector_store %arg13[%swap3A_933, %swap3A_934], %swap3A_937 {strides = array<i32>} : memref<32x384xi32, #tpu.memory_space<vmem>>, vector<1x16xi32>,
        %get3A_938 = arith.index_cast %add3A_873 : i32 to index
        %get3A_939 = arith.constant 32 : index
        %get3A_940 = tpu.vector_load %arg11[%get3A_938, %get3A_939] {strides = array<i32>} : memref<32x768xf32, #tpu.memory_space<vmem>>, vector<1x16xf32>,
        %get3A_941 = vector.shape_cast %get3A_940 : vector<1x16xf32> to vector<16xf32>
        %get3A_942 = arith.index_cast %add3A_873 : i32 to index
        %get3A_943 = arith.constant 32 : index
        %get3A_944 = tpu.vector_load %arg12[%get3A_942, %get3A_943] {strides = array<i32>} : memref<32x768xf32, #tpu.memory_space<vmem>>, vector<1x16xf32>,
        %get3A_945 = vector.shape_cast %get3A_944 : vector<1x16xf32> to vector<16xf32>
        %add3A_946 = arith.addf %get3A_941, %get3A_945 : vector<16xf32>
        %get3A_947 = arith.index_cast %add3A_873 : i32 to index
        %get3A_948 = arith.constant 416 : index
        %get3A_949 = tpu.vector_load %arg11[%get3A_947, %get3A_948] {strides = array<i32>} : memref<32x768xf32, #tpu.memory_space<vmem>>, vector<1x16xf32>,
        %get3A_950 = vector.shape_cast %get3A_949 : vector<1x16xf32> to vector<16xf32>
        %get3A_951 = arith.index_cast %add3A_873 : i32 to index
        %get3A_952 = arith.constant 416 : index
        %get3A_953 = tpu.vector_load %arg12[%get3A_951, %get3A_952] {strides = array<i32>} : memref<32x768xf32, #tpu.memory_space<vmem>>, vector<1x16xf32>,
        %get3A_954 = vector.shape_cast %get3A_953 : vector<1x16xf32> to vector<16xf32>
        %add3A_955 = arith.addf %get3A_950, %get3A_954 : vector<16xf32>
        %bitcast_convert_type3A_956 = tpu.bitcast %add3A_946 : vector<16xf32> -> vector<16xi32>
        %bitcast_convert_type3A_957 = tpu.bitcast %add3A_955 : vector<16xf32> -> vector<16xi32>
        %shift_right_logical3A_958 = arith.constant 16 : i32
        %shift_right_logical3A_959 = vector.broadcast %shift_right_logical3A_958 : i32 to vector<16xi32>
        %shift_right_logical3A_960 = arith.shrui %bitcast_convert_type3A_956, %shift_right_logical3A_959 : vector<16xi32>
        %and3A_961 = arith.constant -65536 : i32
        %and3A_962 = vector.broadcast %and3A_961 : i32 to vector<16xi32>
        %and3A_963 = arith.andi %bitcast_convert_type3A_957, %and3A_962 : vector<16xi32>
        %or3A_964 = arith.ori %shift_right_logical3A_960, %and3A_963 : vector<16xi32>
        %swap3A_965 = arith.index_cast %add3A_873 : i32 to index
        %swap3A_966 = arith.constant 32 : index
        %swap3A_967 = tpu.vector_load %arg13[%swap3A_965, %swap3A_966] {strides = array<i32>} : memref<32x384xi32, #tpu.memory_space<vmem>>, vector<1x16xi32>,
        %swap3A_968 = vector.shape_cast %swap3A_967 : vector<1x16xi32> to vector<16xi32>
        %swap3A_969 = vector.shape_cast %or3A_964 : vector<16xi32> to vector<1x16xi32>
        tpu.vector_store %arg13[%swap3A_965, %swap3A_966], %swap3A_969 {strides = array<i32>} : memref<32x384xi32, #tpu.memory_space<vmem>>, vector<1x16xi32>,
        %get3A_970 = arith.index_cast %add3A_873 : i32 to index
        %get3A_971 = arith.constant 48 : index
        %get3A_972 = tpu.vector_load %arg11[%get3A_970, %get3A_971] {strides = array<i32>} : memref<32x768xf32, #tpu.memory_space<vmem>>, vector<1x16xf32>,
        %get3A_973 = vector.shape_cast %get3A_972 : vector<1x16xf32> to vector<16xf32>
        %get3A_974 = arith.index_cast %add3A_873 : i32 to index
        %get3A_975 = arith.constant 48 : index
        %get3A_976 = tpu.vector_load %arg12[%get3A_974, %get3A_975] {strides = array<i32>} : memref<32x768xf32, #tpu.memory_space<vmem>>, vector<1x16xf32>,
        %get3A_977 = vector.shape_cast %get3A_976 : vector<1x16xf32> to vector<16xf32>
        %add3A_978 = arith.addf %get3A_973, %get3A_977 : vector<16xf32>
        %get3A_979 = arith.index_cast %add3A_873 : i32 to index
        %get3A_980 = arith.constant 432 : index
        %get3A_981 = tpu.vector_load %arg11[%get3A_979, %get3A_980] {strides = array<i32>} : memref<32x768xf32, #tpu.memory_space<vmem>>, vector<1x16xf32>,
        %get3A_982 = vector.shape_cast %get3A_981 : vector<1x16xf32> to vector<16xf32>
        %get3A_983 = arith.index_cast %add3A_873 : i32 to index
        %get3A_984 = arith.constant 432 : index
        %get3A_985 = tpu.vector_load %arg12[%get3A_983, %get3A_984] {strides = array<i32>} : memref<32x768xf32, #tpu.memory_space<vmem>>, vector<1x16xf32>,
        %get3A_986 = vector.shape_cast %get3A_985 : vector<1x16xf32> to vector<16xf32>
        %add3A_987 = arith.addf %get3A_982, %get3A_986 : vector<16xf32>
        %bitcast_convert_type3A_988 = tpu.bitcast %add3A_978 : vector<16xf32> -> vector<16xi32>
        %bitcast_convert_type3A_989 = tpu.bitcast %add3A_987 : vector<16xf32> -> vector<16xi32>
        %shift_right_logical3A_990 = arith.constant 16 : i32
        %shift_right_logical3A_991 = vector.broadcast %shift_right_logical3A_990 : i32 to vector<16xi32>
        %shift_right_logical3A_992 = arith.shrui %bitcast_convert_type3A_988, %shift_right_logical3A_991 : vector<16xi32>
        %and3A_993 = arith.constant -65536 : i32
        %and3A_994 = vector.broadcast %and3A_993 : i32 to vector<16xi32>
        %and3A_995 = arith.andi %bitcast_convert_type3A_989, %and3A_994 : vector<16xi32>
        %or3A_996 = arith.ori %shift_right_logical3A_992, %and3A_995 : vector<16xi32>
        %swap3A_997 = arith.index_cast %add3A_873 : i32 to index
        %swap3A_998 = arith.constant 48 : index
        %swap3A_999 = tpu.vector_load %arg13[%swap3A_997, %swap3A_998] {strides = array<i32>} : memref<32x384xi32, #tpu.memory_space<vmem>>, vector<1x16xi32>,
        %swap3A_1000 = vector.shape_cast %swap3A_999 : vector<1x16xi32> to vector<16xi32>
        %swap3A_1001 = vector.shape_cast %or3A_996 : vector<16xi32> to vector<1x16xi32>
        tpu.vector_store %arg13[%swap3A_997, %swap3A_998], %swap3A_1001 {strides = array<i32>} : memref<32x384xi32, #tpu.memory_space<vmem>>, vector<1x16xi32>,
        %get3A_1002 = arith.index_cast %add3A_873 : i32 to index
        %get3A_1003 = arith.constant 64 : index
        %get3A_1004 = tpu.vector_load %arg11[%get3A_1002, %get3A_1003] {strides = array<i32>} : memref<32x768xf32, #tpu.memory_space<vmem>>, vector<1x16xf32>,
        %get3A_1005 = vector.shape_cast %get3A_1004 : vector<1x16xf32> to vector<16xf32>
        %get3A_1006 = arith.index_cast %add3A_873 : i32 to index
        %get3A_1007 = arith.constant 64 : index
        %get3A_1008 = tpu.vector_load %arg12[%get3A_1006, %get3A_1007] {strides = array<i32>} : memref<32x768xf32, #tpu.memory_space<vmem>>, vector<1x16xf32>,
        %get3A_1009 = vector.shape_cast %get3A_1008 : vector<1x16xf32> to vector<16xf32>
        %add3A_1010 = arith.addf %get3A_1005, %get3A_1009 : vector<16xf32>
        %get3A_1011 = arith.index_cast %add3A_873 : i32 to index
        %get3A_1012 = arith.constant 448 : index
        %get3A_1013 = tpu.vector_load %arg11[%get3A_1011, %get3A_1012] {strides = array<i32>} : memref<32x768xf32, #tpu.memory_space<vmem>>, vector<1x16xf32>,
        %get3A_1014 = vector.shape_cast %get3A_1013 : vector<1x16xf32> to vector<16xf32>
        %get3A_1015 = arith.index_cast %add3A_873 : i32 to index
        %get3A_1016 = arith.constant 448 : index
        %get3A_1017 = tpu.vector_load %arg12[%get3A_1015, %get3A_1016] {strides = array<i32>} : memref<32x768xf32, #tpu.memory_space<vmem>>, vector<1x16xf32>,
        %get3A_1018 = vector.shape_cast %get3A_1017 : vector<1x16xf32> to vector<16xf32>
        %add3A_1019 = arith.addf %get3A_1014, %get3A_1018 : vector<16xf32>
        %bitcast_convert_type3A_1020 = tpu.bitcast %add3A_1010 : vector<16xf32> -> vector<16xi32>
        %bitcast_convert_type3A_1021 = tpu.bitcast %add3A_1019 : vector<16xf32> -> vector<16xi32>
        %shift_right_logical3A_1022 = arith.constant 16 : i32
        %shift_right_logical3A_1023 = vector.broadcast %shift_right_logical3A_1022 : i32 to vector<16xi32>
        %shift_right_logical3A_1024 = arith.shrui %bitcast_convert_type3A_1020, %shift_right_logical3A_1023 : vector<16xi32>
        %and3A_1025 = arith.constant -65536 : i32
        %and3A_1026 = vector.broadcast %and3A_1025 : i32 to vector<16xi32>
        %and3A_1027 = arith.andi %bitcast_convert_type3A_1021, %and3A_1026 : vector<16xi32>
        %or3A_1028 = arith.ori %shift_right_logical3A_1024, %and3A_1027 : vector<16xi32>
        %swap3A_1029 = arith.index_cast %add3A_873 : i32 to index
        %swap3A_1030 = arith.constant 64 : index
        %swap3A_1031 = tpu.vector_load %arg13[%swap3A_1029, %swap3A_1030] {strides = array<i32>} : memref<32x384xi32, #tpu.memory_space<vmem>>, vector<1x16xi32>,
        %swap3A_1032 = vector.shape_cast %swap3A_1031 : vector<1x16xi32> to vector<16xi32>
        %swap3A_1033 = vector.shape_cast %or3A_1028 : vector<16xi32> to vector<1x16xi32>
        tpu.vector_store %arg13[%swap3A_1029, %swap3A_1030], %swap3A_1033 {strides = array<i32>} : memref<32x384xi32, #tpu.memory_space<vmem>>, vector<1x16xi32>,
        %get3A_1034 = arith.index_cast %add3A_873 : i32 to index
        %get3A_1035 = arith.constant 80 : index
        %get3A_1036 = tpu.vector_load %arg11[%get3A_1034, %get3A_1035] {strides = array<i32>} : memref<32x768xf32, #tpu.memory_space<vmem>>, vector<1x16xf32>,
        %get3A_1037 = vector.shape_cast %get3A_1036 : vector<1x16xf32> to vector<16xf32>
        %get3A_1038 = arith.index_cast %add3A_873 : i32 to index
        %get3A_1039 = arith.constant 80 : index
        %get3A_1040 = tpu.vector_load %arg12[%get3A_1038, %get3A_1039] {strides = array<i32>} : memref<32x768xf32, #tpu.memory_space<vmem>>, vector<1x16xf32>,
        %get3A_1041 = vector.shape_cast %get3A_1040 : vector<1x16xf32> to vector<16xf32>
        %add3A_1042 = arith.addf %get3A_1037, %get3A_1041 : vector<16xf32>
        %get3A_1043 = arith.index_cast %add3A_873 : i32 to index
        %get3A_1044 = arith.constant 464 : index
        %get3A_1045 = tpu.vector_load %arg11[%get3A_1043, %get3A_1044] {strides = array<i32>} : memref<32x768xf32, #tpu.memory_space<vmem>>, vector<1x16xf32>,
        %get3A_1046 = vector.shape_cast %get3A_1045 : vector<1x16xf32> to vector<16xf32>
        %get3A_1047 = arith.index_cast %add3A_873 : i32 to index
        %get3A_1048 = arith.constant 464 : index
        %get3A_1049 = tpu.vector_load %arg12[%get3A_1047, %get3A_1048] {strides = array<i32>} : memref<32x768xf32, #tpu.memory_space<vmem>>, vector<1x16xf32>,
        %get3A_1050 = vector.shape_cast %get3A_1049 : vector<1x16xf32> to vector<16xf32>
        %add3A_1051 = arith.addf %get3A_1046, %get3A_1050 : vector<16xf32>
        %bitcast_convert_type3A_1052 = tpu.bitcast %add3A_1042 : vector<16xf32> -> vector<16xi32>
        %bitcast_convert_type3A_1053 = tpu.bitcast %add3A_1051 : vector<16xf32> -> vector<16xi32>
        %shift_right_logical3A_1054 = arith.constant 16 : i32
        %shift_right_logical3A_1055 = vector.broadcast %shift_right_logical3A_1054 : i32 to vector<16xi32>
        %shift_right_logical3A_1056 = arith.shrui %bitcast_convert_type3A_1052, %shift_right_logical3A_1055 : vector<16xi32>
        %and3A_1057 = arith.constant -65536 : i32
        %and3A_1058 = vector.broadcast %and3A_1057 : i32 to vector<16xi32>
        %and3A_1059 = arith.andi %bitcast_convert_type3A_1053, %and3A_1058 : vector<16xi32>
        %or3A_1060 = arith.ori %shift_right_logical3A_1056, %and3A_1059 : vector<16xi32>
        %swap3A_1061 = arith.index_cast %add3A_873 : i32 to index
        %swap3A_1062 = arith.constant 80 : index
        %swap3A_1063 = tpu.vector_load %arg13[%swap3A_1061, %swap3A_1062] {strides = array<i32>} : memref<32x384xi32, #tpu.memory_space<vmem>>, vector<1x16xi32>,
        %swap3A_1064 = vector.shape_cast %swap3A_1063 : vector<1x16xi32> to vector<16xi32>
        %swap3A_1065 = vector.shape_cast %or3A_1060 : vector<16xi32> to vector<1x16xi32>
        tpu.vector_store %arg13[%swap3A_1061, %swap3A_1062], %swap3A_1065 {strides = array<i32>} : memref<32x384xi32, #tpu.memory_space<vmem>>, vector<1x16xi32>,
        %get3A_1066 = arith.index_cast %add3A_873 : i32 to index
        %get3A_1067 = arith.constant 96 : index
        %get3A_1068 = tpu.vector_load %arg11[%get3A_1066, %get3A_1067] {strides = array<i32>} : memref<32x768xf32, #tpu.memory_space<vmem>>, vector<1x16xf32>,
        %get3A_1069 = vector.shape_cast %get3A_1068 : vector<1x16xf32> to vector<16xf32>
        %get3A_1070 = arith.index_cast %add3A_873 : i32 to index
        %get3A_1071 = arith.constant 96 : index
        %get3A_1072 = tpu.vector_load %arg12[%get3A_1070, %get3A_1071] {strides = array<i32>} : memref<32x768xf32, #tpu.memory_space<vmem>>, vector<1x16xf32>,
        %get3A_1073 = vector.shape_cast %get3A_1072 : vector<1x16xf32> to vector<16xf32>
        %add3A_1074 = arith.addf %get3A_1069, %get3A_1073 : vector<16xf32>
        %get3A_1075 = arith.index_cast %add3A_873 : i32 to index
        %get3A_1076 = arith.constant 480 : index
        %get3A_1077 = tpu.vector_load %arg11[%get3A_1075, %get3A_1076] {strides = array<i32>} : memref<32x768xf32, #tpu.memory_space<vmem>>, vector<1x16xf32>,
        %get3A_1078 = vector.shape_cast %get3A_1077 : vector<1x16xf32> to vector<16xf32>
        %get3A_1079 = arith.index_cast %add3A_873 : i32 to index
        %get3A_1080 = arith.constant 480 : index
        %get3A_1081 = tpu.vector_load %arg12[%get3A_1079, %get3A_1080] {strides = array<i32>} : memref<32x768xf32, #tpu.memory_space<vmem>>, vector<1x16xf32>,
        %get3A_1082 = vector.shape_cast %get3A_1081 : vector<1x16xf32> to vector<16xf32>
        %add3A_1083 = arith.addf %get3A_1078, %get3A_1082 : vector<16xf32>
        %bitcast_convert_type3A_1084 = tpu.bitcast %add3A_1074 : vector<16xf32> -> vector<16xi32>
        %bitcast_convert_type3A_1085 = tpu.bitcast %add3A_1083 : vector<16xf32> -> vector<16xi32>
        %shift_right_logical3A_1086 = arith.constant 16 : i32
        %shift_right_logical3A_1087 = vector.broadcast %shift_right_logical3A_1086 : i32 to vector<16xi32>
        %shift_right_logical3A_1088 = arith.shrui %bitcast_convert_type3A_1084, %shift_right_logical3A_1087 : vector<16xi32>
        %and3A_1089 = arith.constant -65536 : i32
        %and3A_1090 = vector.broadcast %and3A_1089 : i32 to vector<16xi32>
        %and3A_1091 = arith.andi %bitcast_convert_type3A_1085, %and3A_1090 : vector<16xi32>
        %or3A_1092 = arith.ori %shift_right_logical3A_1088, %and3A_1091 : vector<16xi32>
        %swap3A_1093 = arith.index_cast %add3A_873 : i32 to index
        %swap3A_1094 = arith.constant 96 : index
        %swap3A_1095 = tpu.vector_load %arg13[%swap3A_1093, %swap3A_1094] {strides = array<i32>} : memref<32x384xi32, #tpu.memory_space<vmem>>, vector<1x16xi32>,
        %swap3A_1096 = vector.shape_cast %swap3A_1095 : vector<1x16xi32> to vector<16xi32>
        %swap3A_1097 = vector.shape_cast %or3A_1092 : vector<16xi32> to vector<1x16xi32>
        tpu.vector_store %arg13[%swap3A_1093, %swap3A_1094], %swap3A_1097 {strides = array<i32>} : memref<32x384xi32, #tpu.memory_space<vmem>>, vector<1x16xi32>,
        %get3A_1098 = arith.index_cast %add3A_873 : i32 to index
        %get3A_1099 = arith.constant 112 : index
        %get3A_1100 = tpu.vector_load %arg11[%get3A_1098, %get3A_1099] {strides = array<i32>} : memref<32x768xf32, #tpu.memory_space<vmem>>, vector<1x16xf32>,
        %get3A_1101 = vector.shape_cast %get3A_1100 : vector<1x16xf32> to vector<16xf32>
        %get3A_1102 = arith.index_cast %add3A_873 : i32 to index
        %get3A_1103 = arith.constant 112 : index
        %get3A_1104 = tpu.vector_load %arg12[%get3A_1102, %get3A_1103] {strides = array<i32>} : memref<32x768xf32, #tpu.memory_space<vmem>>, vector<1x16xf32>,
        %get3A_1105 = vector.shape_cast %get3A_1104 : vector<1x16xf32> to vector<16xf32>
        %add3A_1106 = arith.addf %get3A_1101, %get3A_1105 : vector<16xf32>
        %get3A_1107 = arith.index_cast %add3A_873 : i32 to index
        %get3A_1108 = arith.constant 496 : index
        %get3A_1109 = tpu.vector_load %arg11[%get3A_1107, %get3A_1108] {strides = array<i32>} : memref<32x768xf32, #tpu.memory_space<vmem>>, vector<1x16xf32>,
        %get3A_1110 = vector.shape_cast %get3A_1109 : vector<1x16xf32> to vector<16xf32>
        %get3A_1111 = arith.index_cast %add3A_873 : i32 to index
        %get3A_1112 = arith.constant 496 : index
        %get3A_1113 = tpu.vector_load %arg12[%get3A_1111, %get3A_1112] {strides = array<i32>} : memref<32x768xf32, #tpu.memory_space<vmem>>, vector<1x16xf32>,
        %get3A_1114 = vector.shape_cast %get3A_1113 : vector<1x16xf32> to vector<16xf32>
        %add3A_1115 = arith.addf %get3A_1110, %get3A_1114 : vector<16xf32>
        %bitcast_convert_type3A_1116 = tpu.bitcast %add3A_1106 : vector<16xf32> -> vector<16xi32>
        %bitcast_convert_type3A_1117 = tpu.bitcast %add3A_1115 : vector<16xf32> -> vector<16xi32>
        %shift_right_logical3A_1118 = arith.constant 16 : i32
        %shift_right_logical3A_1119 = vector.broadcast %shift_right_logical3A_1118 : i32 to vector<16xi32>
        %shift_right_logical3A_1120 = arith.shrui %bitcast_convert_type3A_1116, %shift_right_logical3A_1119 : vector<16xi32>
        %and3A_1121 = arith.constant -65536 : i32
        %and3A_1122 = vector.broadcast %and3A_1121 : i32 to vector<16xi32>
        %and3A_1123 = arith.andi %bitcast_convert_type3A_1117, %and3A_1122 : vector<16xi32>
        %or3A_1124 = arith.ori %shift_right_logical3A_1120, %and3A_1123 : vector<16xi32>
        %swap3A_1125 = arith.index_cast %add3A_873 : i32 to index
        %swap3A_1126 = arith.constant 112 : index
        %swap3A_1127 = tpu.vector_load %arg13[%swap3A_1125, %swap3A_1126] {strides = array<i32>} : memref<32x384xi32, #tpu.memory_space<vmem>>, vector<1x16xi32>,
        %swap3A_1128 = vector.shape_cast %swap3A_1127 : vector<1x16xi32> to vector<16xi32>
        %swap3A_1129 = vector.shape_cast %or3A_1124 : vector<16xi32> to vector<1x16xi32>
        tpu.vector_store %arg13[%swap3A_1125, %swap3A_1126], %swap3A_1129 {strides = array<i32>} : memref<32x384xi32, #tpu.memory_space<vmem>>, vector<1x16xi32>,
        %get3A_1130 = arith.index_cast %add3A_873 : i32 to index
        %get3A_1131 = arith.constant 128 : index
        %get3A_1132 = tpu.vector_load %arg11[%get3A_1130, %get3A_1131] {strides = array<i32>} : memref<32x768xf32, #tpu.memory_space<vmem>>, vector<1x16xf32>,
        %get3A_1133 = vector.shape_cast %get3A_1132 : vector<1x16xf32> to vector<16xf32>
        %get3A_1134 = arith.index_cast %add3A_873 : i32 to index
        %get3A_1135 = arith.constant 128 : index
        %get3A_1136 = tpu.vector_load %arg12[%get3A_1134, %get3A_1135] {strides = array<i32>} : memref<32x768xf32, #tpu.memory_space<vmem>>, vector<1x16xf32>,
        %get3A_1137 = vector.shape_cast %get3A_1136 : vector<1x16xf32> to vector<16xf32>
        %add3A_1138 = arith.addf %get3A_1133, %get3A_1137 : vector<16xf32>
        %get3A_1139 = arith.index_cast %add3A_873 : i32 to index
        %get3A_1140 = arith.constant 512 : index
        %get3A_1141 = tpu.vector_load %arg11[%get3A_1139, %get3A_1140] {strides = array<i32>} : memref<32x768xf32, #tpu.memory_space<vmem>>, vector<1x16xf32>,
        %get3A_1142 = vector.shape_cast %get3A_1141 : vector<1x16xf32> to vector<16xf32>
        %get3A_1143 = arith.index_cast %add3A_873 : i32 to index
        %get3A_1144 = arith.constant 512 : index
        %get3A_1145 = tpu.vector_load %arg12[%get3A_1143, %get3A_1144] {strides = array<i32>} : memref<32x768xf32, #tpu.memory_space<vmem>>, vector<1x16xf32>,
        %get3A_1146 = vector.shape_cast %get3A_1145 : vector<1x16xf32> to vector<16xf32>
        %add3A_1147 = arith.addf %get3A_1142, %get3A_1146 : vector<16xf32>
        %bitcast_convert_type3A_1148 = tpu.bitcast %add3A_1138 : vector<16xf32> -> vector<16xi32>
        %bitcast_convert_type3A_1149 = tpu.bitcast %add3A_1147 : vector<16xf32> -> vector<16xi32>
        %shift_right_logical3A_1150 = arith.constant 16 : i32
        %shift_right_logical3A_1151 = vector.broadcast %shift_right_logical3A_1150 : i32 to vector<16xi32>
        %shift_right_logical3A_1152 = arith.shrui %bitcast_convert_type3A_1148, %shift_right_logical3A_1151 : vector<16xi32>
        %and3A_1153 = arith.constant -65536 : i32
        %and3A_1154 = vector.broadcast %and3A_1153 : i32 to vector<16xi32>
        %and3A_1155 = arith.andi %bitcast_convert_type3A_1149, %and3A_1154 : vector<16xi32>
        %or3A_1156 = arith.ori %shift_right_logical3A_1152, %and3A_1155 : vector<16xi32>
        %swap3A_1157 = arith.index_cast %add3A_873 : i32 to index
        %swap3A_1158 = arith.constant 128 : index
        %swap3A_1159 = tpu.vector_load %arg13[%swap3A_1157, %swap3A_1158] {strides = array<i32>} : memref<32x384xi32, #tpu.memory_space<vmem>>, vector<1x16xi32>,
        %swap3A_1160 = vector.shape_cast %swap3A_1159 : vector<1x16xi32> to vector<16xi32>
        %swap3A_1161 = vector.shape_cast %or3A_1156 : vector<16xi32> to vector<1x16xi32>
        tpu.vector_store %arg13[%swap3A_1157, %swap3A_1158], %swap3A_1161 {strides = array<i32>} : memref<32x384xi32, #tpu.memory_space<vmem>>, vector<1x16xi32>,
        %get3A_1162 = arith.index_cast %add3A_873 : i32 to index
        %get3A_1163 = arith.constant 144 : index
        %get3A_1164 = tpu.vector_load %arg11[%get3A_1162, %get3A_1163] {strides = array<i32>} : memref<32x768xf32, #tpu.memory_space<vmem>>, vector<1x16xf32>,
        %get3A_1165 = vector.shape_cast %get3A_1164 : vector<1x16xf32> to vector<16xf32>
        %get3A_1166 = arith.index_cast %add3A_873 : i32 to index
        %get3A_1167 = arith.constant 144 : index
        %get3A_1168 = tpu.vector_load %arg12[%get3A_1166, %get3A_1167] {strides = array<i32>} : memref<32x768xf32, #tpu.memory_space<vmem>>, vector<1x16xf32>,
        %get3A_1169 = vector.shape_cast %get3A_1168 : vector<1x16xf32> to vector<16xf32>
        %add3A_1170 = arith.addf %get3A_1165, %get3A_1169 : vector<16xf32>
        %get3A_1171 = arith.index_cast %add3A_873 : i32 to index
        %get3A_1172 = arith.constant 528 : index
        %get3A_1173 = tpu.vector_load %arg11[%get3A_1171, %get3A_1172] {strides = array<i32>} : memref<32x768xf32, #tpu.memory_space<vmem>>, vector<1x16xf32>,
        %get3A_1174 = vector.shape_cast %get3A_1173 : vector<1x16xf32> to vector<16xf32>
        %get3A_1175 = arith.index_cast %add3A_873 : i32 to index
        %get3A_1176 = arith.constant 528 : index
        %get3A_1177 = tpu.vector_load %arg12[%get3A_1175, %get3A_1176] {strides = array<i32>} : memref<32x768xf32, #tpu.memory_space<vmem>>, vector<1x16xf32>,
        %get3A_1178 = vector.shape_cast %get3A_1177 : vector<1x16xf32> to vector<16xf32>
        %add3A_1179 = arith.addf %get3A_1174, %get3A_1178 : vector<16xf32>
        %bitcast_convert_type3A_1180 = tpu.bitcast %add3A_1170 : vector<16xf32> -> vector<16xi32>
        %bitcast_convert_type3A_1181 = tpu.bitcast %add3A_1179 : vector<16xf32> -> vector<16xi32>
        %shift_right_logical3A_1182 = arith.constant 16 : i32
        %shift_right_logical3A_1183 = vector.broadcast %shift_right_logical3A_1182 : i32 to vector<16xi32>
        %shift_right_logical3A_1184 = arith.shrui %bitcast_convert_type3A_1180, %shift_right_logical3A_1183 : vector<16xi32>
        %and3A_1185 = arith.constant -65536 : i32
        %and3A_1186 = vector.broadcast %and3A_1185 : i32 to vector<16xi32>
        %and3A_1187 = arith.andi %bitcast_convert_type3A_1181, %and3A_1186 : vector<16xi32>
        %or3A_1188 = arith.ori %shift_right_logical3A_1184, %and3A_1187 : vector<16xi32>
        %swap3A_1189 = arith.index_cast %add3A_873 : i32 to index
        %swap3A_1190 = arith.constant 144 : index
        %swap3A_1191 = tpu.vector_load %arg13[%swap3A_1189, %swap3A_1190] {strides = array<i32>} : memref<32x384xi32, #tpu.memory_space<vmem>>, vector<1x16xi32>,
        %swap3A_1192 = vector.shape_cast %swap3A_1191 : vector<1x16xi32> to vector<16xi32>
        %swap3A_1193 = vector.shape_cast %or3A_1188 : vector<16xi32> to vector<1x16xi32>
        tpu.vector_store %arg13[%swap3A_1189, %swap3A_1190], %swap3A_1193 {strides = array<i32>} : memref<32x384xi32, #tpu.memory_space<vmem>>, vector<1x16xi32>,
        %get3A_1194 = arith.index_cast %add3A_873 : i32 to index
        %get3A_1195 = arith.constant 160 : index
        %get3A_1196 = tpu.vector_load %arg11[%get3A_1194, %get3A_1195] {strides = array<i32>} : memref<32x768xf32, #tpu.memory_space<vmem>>, vector<1x16xf32>,
        %get3A_1197 = vector.shape_cast %get3A_1196 : vector<1x16xf32> to vector<16xf32>
        %get3A_1198 = arith.index_cast %add3A_873 : i32 to index
        %get3A_1199 = arith.constant 160 : index
        %get3A_1200 = tpu.vector_load %arg12[%get3A_1198, %get3A_1199] {strides = array<i32>} : memref<32x768xf32, #tpu.memory_space<vmem>>, vector<1x16xf32>,
        %get3A_1201 = vector.shape_cast %get3A_1200 : vector<1x16xf32> to vector<16xf32>
        %add3A_1202 = arith.addf %get3A_1197, %get3A_1201 : vector<16xf32>
        %get3A_1203 = arith.index_cast %add3A_873 : i32 to index
        %get3A_1204 = arith.constant 544 : index
        %get3A_1205 = tpu.vector_load %arg11[%get3A_1203, %get3A_1204] {strides = array<i32>} : memref<32x768xf32, #tpu.memory_space<vmem>>, vector<1x16xf32>,
        %get3A_1206 = vector.shape_cast %get3A_1205 : vector<1x16xf32> to vector<16xf32>
        %get3A_1207 = arith.index_cast %add3A_873 : i32 to index
        %get3A_1208 = arith.constant 544 : index
        %get3A_1209 = tpu.vector_load %arg12[%get3A_1207, %get3A_1208] {strides = array<i32>} : memref<32x768xf32, #tpu.memory_space<vmem>>, vector<1x16xf32>,
        %get3A_1210 = vector.shape_cast %get3A_1209 : vector<1x16xf32> to vector<16xf32>
        %add3A_1211 = arith.addf %get3A_1206, %get3A_1210 : vector<16xf32>
        %bitcast_convert_type3A_1212 = tpu.bitcast %add3A_1202 : vector<16xf32> -> vector<16xi32>
        %bitcast_convert_type3A_1213 = tpu.bitcast %add3A_1211 : vector<16xf32> -> vector<16xi32>
        %shift_right_logical3A_1214 = arith.constant 16 : i32
        %shift_right_logical3A_1215 = vector.broadcast %shift_right_logical3A_1214 : i32 to vector<16xi32>
        %shift_right_logical3A_1216 = arith.shrui %bitcast_convert_type3A_1212, %shift_right_logical3A_1215 : vector<16xi32>
        %and3A_1217 = arith.constant -65536 : i32
        %and3A_1218 = vector.broadcast %and3A_1217 : i32 to vector<16xi32>
        %and3A_1219 = arith.andi %bitcast_convert_type3A_1213, %and3A_1218 : vector<16xi32>
        %or3A_1220 = arith.ori %shift_right_logical3A_1216, %and3A_1219 : vector<16xi32>
        %swap3A_1221 = arith.index_cast %add3A_873 : i32 to index
        %swap3A_1222 = arith.constant 160 : index
        %swap3A_1223 = tpu.vector_load %arg13[%swap3A_1221, %swap3A_1222] {strides = array<i32>} : memref<32x384xi32, #tpu.memory_space<vmem>>, vector<1x16xi32>,
        %swap3A_1224 = vector.shape_cast %swap3A_1223 : vector<1x16xi32> to vector<16xi32>
        %swap3A_1225 = vector.shape_cast %or3A_1220 : vector<16xi32> to vector<1x16xi32>
        tpu.vector_store %arg13[%swap3A_1221, %swap3A_1222], %swap3A_1225 {strides = array<i32>} : memref<32x384xi32, #tpu.memory_space<vmem>>, vector<1x16xi32>,
        %get3A_1226 = arith.index_cast %add3A_873 : i32 to index
        %get3A_1227 = arith.constant 176 : index
        %get3A_1228 = tpu.vector_load %arg11[%get3A_1226, %get3A_1227] {strides = array<i32>} : memref<32x768xf32, #tpu.memory_space<vmem>>, vector<1x16xf32>,
        %get3A_1229 = vector.shape_cast %get3A_1228 : vector<1x16xf32> to vector<16xf32>
        %get3A_1230 = arith.index_cast %add3A_873 : i32 to index
        %get3A_1231 = arith.constant 176 : index
        %get3A_1232 = tpu.vector_load %arg12[%get3A_1230, %get3A_1231] {strides = array<i32>} : memref<32x768xf32, #tpu.memory_space<vmem>>, vector<1x16xf32>,
        %get3A_1233 = vector.shape_cast %get3A_1232 : vector<1x16xf32> to vector<16xf32>
        %add3A_1234 = arith.addf %get3A_1229, %get3A_1233 : vector<16xf32>
        %get3A_1235 = arith.index_cast %add3A_873 : i32 to index
        %get3A_1236 = arith.constant 560 : index
        %get3A_1237 = tpu.vector_load %arg11[%get3A_1235, %get3A_1236] {strides = array<i32>} : memref<32x768xf32, #tpu.memory_space<vmem>>, vector<1x16xf32>,
        %get3A_1238 = vector.shape_cast %get3A_1237 : vector<1x16xf32> to vector<16xf32>
        %get3A_1239 = arith.index_cast %add3A_873 : i32 to index
        %get3A_1240 = arith.constant 560 : index
        %get3A_1241 = tpu.vector_load %arg12[%get3A_1239, %get3A_1240] {strides = array<i32>} : memref<32x768xf32, #tpu.memory_space<vmem>>, vector<1x16xf32>,
        %get3A_1242 = vector.shape_cast %get3A_1241 : vector<1x16xf32> to vector<16xf32>
        %add3A_1243 = arith.addf %get3A_1238, %get3A_1242 : vector<16xf32>
        %bitcast_convert_type3A_1244 = tpu.bitcast %add3A_1234 : vector<16xf32> -> vector<16xi32>
        %bitcast_convert_type3A_1245 = tpu.bitcast %add3A_1243 : vector<16xf32> -> vector<16xi32>
        %shift_right_logical3A_1246 = arith.constant 16 : i32
        %shift_right_logical3A_1247 = vector.broadcast %shift_right_logical3A_1246 : i32 to vector<16xi32>
        %shift_right_logical3A_1248 = arith.shrui %bitcast_convert_type3A_1244, %shift_right_logical3A_1247 : vector<16xi32>
        %and3A_1249 = arith.constant -65536 : i32
        %and3A_1250 = vector.broadcast %and3A_1249 : i32 to vector<16xi32>
        %and3A_1251 = arith.andi %bitcast_convert_type3A_1245, %and3A_1250 : vector<16xi32>
        %or3A_1252 = arith.ori %shift_right_logical3A_1248, %and3A_1251 : vector<16xi32>
        %swap3A_1253 = arith.index_cast %add3A_873 : i32 to index
        %swap3A_1254 = arith.constant 176 : index
        %swap3A_1255 = tpu.vector_load %arg13[%swap3A_1253, %swap3A_1254] {strides = array<i32>} : memref<32x384xi32, #tpu.memory_space<vmem>>, vector<1x16xi32>,
        %swap3A_1256 = vector.shape_cast %swap3A_1255 : vector<1x16xi32> to vector<16xi32>
        %swap3A_1257 = vector.shape_cast %or3A_1252 : vector<16xi32> to vector<1x16xi32>
        tpu.vector_store %arg13[%swap3A_1253, %swap3A_1254], %swap3A_1257 {strides = array<i32>} : memref<32x384xi32, #tpu.memory_space<vmem>>, vector<1x16xi32>,
        %get3A_1258 = arith.index_cast %add3A_873 : i32 to index
        %get3A_1259 = arith.constant 192 : index
        %get3A_1260 = tpu.vector_load %arg11[%get3A_1258, %get3A_1259] {strides = array<i32>} : memref<32x768xf32, #tpu.memory_space<vmem>>, vector<1x16xf32>,
        %get3A_1261 = vector.shape_cast %get3A_1260 : vector<1x16xf32> to vector<16xf32>
        %get3A_1262 = arith.index_cast %add3A_873 : i32 to index
        %get3A_1263 = arith.constant 192 : index
        %get3A_1264 = tpu.vector_load %arg12[%get3A_1262, %get3A_1263] {strides = array<i32>} : memref<32x768xf32, #tpu.memory_space<vmem>>, vector<1x16xf32>,
        %get3A_1265 = vector.shape_cast %get3A_1264 : vector<1x16xf32> to vector<16xf32>
        %add3A_1266 = arith.addf %get3A_1261, %get3A_1265 : vector<16xf32>
        %get3A_1267 = arith.index_cast %add3A_873 : i32 to index
        %get3A_1268 = arith.constant 576 : index
        %get3A_1269 = tpu.vector_load %arg11[%get3A_1267, %get3A_1268] {strides = array<i32>} : memref<32x768xf32, #tpu.memory_space<vmem>>, vector<1x16xf32>,
        %get3A_1270 = vector.shape_cast %get3A_1269 : vector<1x16xf32> to vector<16xf32>
        %get3A_1271 = arith.index_cast %add3A_873 : i32 to index
        %get3A_1272 = arith.constant 576 : index
        %get3A_1273 = tpu.vector_load %arg12[%get3A_1271, %get3A_1272] {strides = array<i32>} : memref<32x768xf32, #tpu.memory_space<vmem>>, vector<1x16xf32>,
        %get3A_1274 = vector.shape_cast %get3A_1273 : vector<1x16xf32> to vector<16xf32>
        %add3A_1275 = arith.addf %get3A_1270, %get3A_1274 : vector<16xf32>
        %bitcast_convert_type3A_1276 = tpu.bitcast %add3A_1266 : vector<16xf32> -> vector<16xi32>
        %bitcast_convert_type3A_1277 = tpu.bitcast %add3A_1275 : vector<16xf32> -> vector<16xi32>
        %shift_right_logical3A_1278 = arith.constant 16 : i32
        %shift_right_logical3A_1279 = vector.broadcast %shift_right_logical3A_1278 : i32 to vector<16xi32>
        %shift_right_logical3A_1280 = arith.shrui %bitcast_convert_type3A_1276, %shift_right_logical3A_1279 : vector<16xi32>
        %and3A_1281 = arith.constant -65536 : i32
        %and3A_1282 = vector.broadcast %and3A_1281 : i32 to vector<16xi32>
        %and3A_1283 = arith.andi %bitcast_convert_type3A_1277, %and3A_1282 : vector<16xi32>
        %or3A_1284 = arith.ori %shift_right_logical3A_1280, %and3A_1283 : vector<16xi32>
        %swap3A_1285 = arith.index_cast %add3A_873 : i32 to index
        %swap3A_1286 = arith.constant 192 : index
        %swap3A_1287 = tpu.vector_load %arg13[%swap3A_1285, %swap3A_1286] {strides = array<i32>} : memref<32x384xi32, #tpu.memory_space<vmem>>, vector<1x16xi32>,
        %swap3A_1288 = vector.shape_cast %swap3A_1287 : vector<1x16xi32> to vector<16xi32>
        %swap3A_1289 = vector.shape_cast %or3A_1284 : vector<16xi32> to vector<1x16xi32>
        tpu.vector_store %arg13[%swap3A_1285, %swap3A_1286], %swap3A_1289 {strides = array<i32>} : memref<32x384xi32, #tpu.memory_space<vmem>>, vector<1x16xi32>,
        %get3A_1290 = arith.index_cast %add3A_873 : i32 to index
        %get3A_1291 = arith.constant 208 : index
        %get3A_1292 = tpu.vector_load %arg11[%get3A_1290, %get3A_1291] {strides = array<i32>} : memref<32x768xf32, #tpu.memory_space<vmem>>, vector<1x16xf32>,
        %get3A_1293 = vector.shape_cast %get3A_1292 : vector<1x16xf32> to vector<16xf32>
        %get3A_1294 = arith.index_cast %add3A_873 : i32 to index
        %get3A_1295 = arith.constant 208 : index
        %get3A_1296 = tpu.vector_load %arg12[%get3A_1294, %get3A_1295] {strides = array<i32>} : memref<32x768xf32, #tpu.memory_space<vmem>>, vector<1x16xf32>,
        %get3A_1297 = vector.shape_cast %get3A_1296 : vector<1x16xf32> to vector<16xf32>
        %add3A_1298 = arith.addf %get3A_1293, %get3A_1297 : vector<16xf32>
        %get3A_1299 = arith.index_cast %add3A_873 : i32 to index
        %get3A_1300 = arith.constant 592 : index
        %get3A_1301 = tpu.vector_load %arg11[%get3A_1299, %get3A_1300] {strides = array<i32>} : memref<32x768xf32, #tpu.memory_space<vmem>>, vector<1x16xf32>,
        %get3A_1302 = vector.shape_cast %get3A_1301 : vector<1x16xf32> to vector<16xf32>
        %get3A_1303 = arith.index_cast %add3A_873 : i32 to index
        %get3A_1304 = arith.constant 592 : index
        %get3A_1305 = tpu.vector_load %arg12[%get3A_1303, %get3A_1304] {strides = array<i32>} : memref<32x768xf32, #tpu.memory_space<vmem>>, vector<1x16xf32>,
        %get3A_1306 = vector.shape_cast %get3A_1305 : vector<1x16xf32> to vector<16xf32>
        %add3A_1307 = arith.addf %get3A_1302, %get3A_1306 : vector<16xf32>
        %bitcast_convert_type3A_1308 = tpu.bitcast %add3A_1298 : vector<16xf32> -> vector<16xi32>
        %bitcast_convert_type3A_1309 = tpu.bitcast %add3A_1307 : vector<16xf32> -> vector<16xi32>
        %shift_right_logical3A_1310 = arith.constant 16 : i32
        %shift_right_logical3A_1311 = vector.broadcast %shift_right_logical3A_1310 : i32 to vector<16xi32>
        %shift_right_logical3A_1312 = arith.shrui %bitcast_convert_type3A_1308, %shift_right_logical3A_1311 : vector<16xi32>
        %and3A_1313 = arith.constant -65536 : i32
        %and3A_1314 = vector.broadcast %and3A_1313 : i32 to vector<16xi32>
        %and3A_1315 = arith.andi %bitcast_convert_type3A_1309, %and3A_1314 : vector<16xi32>
        %or3A_1316 = arith.ori %shift_right_logical3A_1312, %and3A_1315 : vector<16xi32>
        %swap3A_1317 = arith.index_cast %add3A_873 : i32 to index
        %swap3A_1318 = arith.constant 208 : index
        %swap3A_1319 = tpu.vector_load %arg13[%swap3A_1317, %swap3A_1318] {strides = array<i32>} : memref<32x384xi32, #tpu.memory_space<vmem>>, vector<1x16xi32>,
        %swap3A_1320 = vector.shape_cast %swap3A_1319 : vector<1x16xi32> to vector<16xi32>
        %swap3A_1321 = vector.shape_cast %or3A_1316 : vector<16xi32> to vector<1x16xi32>
        tpu.vector_store %arg13[%swap3A_1317, %swap3A_1318], %swap3A_1321 {strides = array<i32>} : memref<32x384xi32, #tpu.memory_space<vmem>>, vector<1x16xi32>,
        %get3A_1322 = arith.index_cast %add3A_873 : i32 to index
        %get3A_1323 = arith.constant 224 : index
        %get3A_1324 = tpu.vector_load %arg11[%get3A_1322, %get3A_1323] {strides = array<i32>} : memref<32x768xf32, #tpu.memory_space<vmem>>, vector<1x16xf32>,
        %get3A_1325 = vector.shape_cast %get3A_1324 : vector<1x16xf32> to vector<16xf32>
        %get3A_1326 = arith.index_cast %add3A_873 : i32 to index
        %get3A_1327 = arith.constant 224 : index
        %get3A_1328 = tpu.vector_load %arg12[%get3A_1326, %get3A_1327] {strides = array<i32>} : memref<32x768xf32, #tpu.memory_space<vmem>>, vector<1x16xf32>,
        %get3A_1329 = vector.shape_cast %get3A_1328 : vector<1x16xf32> to vector<16xf32>
        %add3A_1330 = arith.addf %get3A_1325, %get3A_1329 : vector<16xf32>
        %get3A_1331 = arith.index_cast %add3A_873 : i32 to index
        %get3A_1332 = arith.constant 608 : index
        %get3A_1333 = tpu.vector_load %arg11[%get3A_1331, %get3A_1332] {strides = array<i32>} : memref<32x768xf32, #tpu.memory_space<vmem>>, vector<1x16xf32>,
        %get3A_1334 = vector.shape_cast %get3A_1333 : vector<1x16xf32> to vector<16xf32>
        %get3A_1335 = arith.index_cast %add3A_873 : i32 to index
        %get3A_1336 = arith.constant 608 : index
        %get3A_1337 = tpu.vector_load %arg12[%get3A_1335, %get3A_1336] {strides = array<i32>} : memref<32x768xf32, #tpu.memory_space<vmem>>, vector<1x16xf32>,
        %get3A_1338 = vector.shape_cast %get3A_1337 : vector<1x16xf32> to vector<16xf32>
        %add3A_1339 = arith.addf %get3A_1334, %get3A_1338 : vector<16xf32>
        %bitcast_convert_type3A_1340 = tpu.bitcast %add3A_1330 : vector<16xf32> -> vector<16xi32>
        %bitcast_convert_type3A_1341 = tpu.bitcast %add3A_1339 : vector<16xf32> -> vector<16xi32>
        %shift_right_logical3A_1342 = arith.constant 16 : i32
        %shift_right_logical3A_1343 = vector.broadcast %shift_right_logical3A_1342 : i32 to vector<16xi32>
        %shift_right_logical3A_1344 = arith.shrui %bitcast_convert_type3A_1340, %shift_right_logical3A_1343 : vector<16xi32>
        %and3A_1345 = arith.constant -65536 : i32
        %and3A_1346 = vector.broadcast %and3A_1345 : i32 to vector<16xi32>
        %and3A_1347 = arith.andi %bitcast_convert_type3A_1341, %and3A_1346 : vector<16xi32>
        %or3A_1348 = arith.ori %shift_right_logical3A_1344, %and3A_1347 : vector<16xi32>
        %swap3A_1349 = arith.index_cast %add3A_873 : i32 to index
        %swap3A_1350 = arith.constant 224 : index
        %swap3A_1351 = tpu.vector_load %arg13[%swap3A_1349, %swap3A_1350] {strides = array<i32>} : memref<32x384xi32, #tpu.memory_space<vmem>>, vector<1x16xi32>,
        %swap3A_1352 = vector.shape_cast %swap3A_1351 : vector<1x16xi32> to vector<16xi32>
        %swap3A_1353 = vector.shape_cast %or3A_1348 : vector<16xi32> to vector<1x16xi32>
        tpu.vector_store %arg13[%swap3A_1349, %swap3A_1350], %swap3A_1353 {strides = array<i32>} : memref<32x384xi32, #tpu.memory_space<vmem>>, vector<1x16xi32>,
        %get3A_1354 = arith.index_cast %add3A_873 : i32 to index
        %get3A_1355 = arith.constant 240 : index
        %get3A_1356 = tpu.vector_load %arg11[%get3A_1354, %get3A_1355] {strides = array<i32>} : memref<32x768xf32, #tpu.memory_space<vmem>>, vector<1x16xf32>,
        %get3A_1357 = vector.shape_cast %get3A_1356 : vector<1x16xf32> to vector<16xf32>
        %get3A_1358 = arith.index_cast %add3A_873 : i32 to index
        %get3A_1359 = arith.constant 240 : index
        %get3A_1360 = tpu.vector_load %arg12[%get3A_1358, %get3A_1359] {strides = array<i32>} : memref<32x768xf32, #tpu.memory_space<vmem>>, vector<1x16xf32>,
        %get3A_1361 = vector.shape_cast %get3A_1360 : vector<1x16xf32> to vector<16xf32>
        %add3A_1362 = arith.addf %get3A_1357, %get3A_1361 : vector<16xf32>
        %get3A_1363 = arith.index_cast %add3A_873 : i32 to index
        %get3A_1364 = arith.constant 624 : index
        %get3A_1365 = tpu.vector_load %arg11[%get3A_1363, %get3A_1364] {strides = array<i32>} : memref<32x768xf32, #tpu.memory_space<vmem>>, vector<1x16xf32>,
        %get3A_1366 = vector.shape_cast %get3A_1365 : vector<1x16xf32> to vector<16xf32>
        %get3A_1367 = arith.index_cast %add3A_873 : i32 to index
        %get3A_1368 = arith.constant 624 : index
        %get3A_1369 = tpu.vector_load %arg12[%get3A_1367, %get3A_1368] {strides = array<i32>} : memref<32x768xf32, #tpu.memory_space<vmem>>, vector<1x16xf32>,
        %get3A_1370 = vector.shape_cast %get3A_1369 : vector<1x16xf32> to vector<16xf32>
        %add3A_1371 = arith.addf %get3A_1366, %get3A_1370 : vector<16xf32>
        %bitcast_convert_type3A_1372 = tpu.bitcast %add3A_1362 : vector<16xf32> -> vector<16xi32>
        %bitcast_convert_type3A_1373 = tpu.bitcast %add3A_1371 : vector<16xf32> -> vector<16xi32>
        %shift_right_logical3A_1374 = arith.constant 16 : i32
        %shift_right_logical3A_1375 = vector.broadcast %shift_right_logical3A_1374 : i32 to vector<16xi32>
        %shift_right_logical3A_1376 = arith.shrui %bitcast_convert_type3A_1372, %shift_right_logical3A_1375 : vector<16xi32>
        %and3A_1377 = arith.constant -65536 : i32
        %and3A_1378 = vector.broadcast %and3A_1377 : i32 to vector<16xi32>
        %and3A_1379 = arith.andi %bitcast_convert_type3A_1373, %and3A_1378 : vector<16xi32>
        %or3A_1380 = arith.ori %shift_right_logical3A_1376, %and3A_1379 : vector<16xi32>
        %swap3A_1381 = arith.index_cast %add3A_873 : i32 to index
        %swap3A_1382 = arith.constant 240 : index
        %swap3A_1383 = tpu.vector_load %arg13[%swap3A_1381, %swap3A_1382] {strides = array<i32>} : memref<32x384xi32, #tpu.memory_space<vmem>>, vector<1x16xi32>,
        %swap3A_1384 = vector.shape_cast %swap3A_1383 : vector<1x16xi32> to vector<16xi32>
        %swap3A_1385 = vector.shape_cast %or3A_1380 : vector<16xi32> to vector<1x16xi32>
        tpu.vector_store %arg13[%swap3A_1381, %swap3A_1382], %swap3A_1385 {strides = array<i32>} : memref<32x384xi32, #tpu.memory_space<vmem>>, vector<1x16xi32>,
        %get3A_1386 = arith.index_cast %add3A_873 : i32 to index
        %get3A_1387 = arith.constant 256 : index
        %get3A_1388 = tpu.vector_load %arg11[%get3A_1386, %get3A_1387] {strides = array<i32>} : memref<32x768xf32, #tpu.memory_space<vmem>>, vector<1x16xf32>,
        %get3A_1389 = vector.shape_cast %get3A_1388 : vector<1x16xf32> to vector<16xf32>
        %get3A_1390 = arith.index_cast %add3A_873 : i32 to index
        %get3A_1391 = arith.constant 256 : index
        %get3A_1392 = tpu.vector_load %arg12[%get3A_1390, %get3A_1391] {strides = array<i32>} : memref<32x768xf32, #tpu.memory_space<vmem>>, vector<1x16xf32>,
        %get3A_1393 = vector.shape_cast %get3A_1392 : vector<1x16xf32> to vector<16xf32>
        %add3A_1394 = arith.addf %get3A_1389, %get3A_1393 : vector<16xf32>
        %get3A_1395 = arith.index_cast %add3A_873 : i32 to index
        %get3A_1396 = arith.constant 640 : index
        %get3A_1397 = tpu.vector_load %arg11[%get3A_1395, %get3A_1396] {strides = array<i32>} : memref<32x768xf32, #tpu.memory_space<vmem>>, vector<1x16xf32>,
        %get3A_1398 = vector.shape_cast %get3A_1397 : vector<1x16xf32> to vector<16xf32>
        %get3A_1399 = arith.index_cast %add3A_873 : i32 to index
        %get3A_1400 = arith.constant 640 : index
        %get3A_1401 = tpu.vector_load %arg12[%get3A_1399, %get3A_1400] {strides = array<i32>} : memref<32x768xf32, #tpu.memory_space<vmem>>, vector<1x16xf32>,
        %get3A_1402 = vector.shape_cast %get3A_1401 : vector<1x16xf32> to vector<16xf32>
        %add3A_1403 = arith.addf %get3A_1398, %get3A_1402 : vector<16xf32>
        %bitcast_convert_type3A_1404 = tpu.bitcast %add3A_1394 : vector<16xf32> -> vector<16xi32>
        %bitcast_convert_type3A_1405 = tpu.bitcast %add3A_1403 : vector<16xf32> -> vector<16xi32>
        %shift_right_logical3A_1406 = arith.constant 16 : i32
        %shift_right_logical3A_1407 = vector.broadcast %shift_right_logical3A_1406 : i32 to vector<16xi32>
        %shift_right_logical3A_1408 = arith.shrui %bitcast_convert_type3A_1404, %shift_right_logical3A_1407 : vector<16xi32>
        %and3A_1409 = arith.constant -65536 : i32
        %and3A_1410 = vector.broadcast %and3A_1409 : i32 to vector<16xi32>
        %and3A_1411 = arith.andi %bitcast_convert_type3A_1405, %and3A_1410 : vector<16xi32>
        %or3A_1412 = arith.ori %shift_right_logical3A_1408, %and3A_1411 : vector<16xi32>
        %swap3A_1413 = arith.index_cast %add3A_873 : i32 to index
        %swap3A_1414 = arith.constant 256 : index
        %swap3A_1415 = tpu.vector_load %arg13[%swap3A_1413, %swap3A_1414] {strides = array<i32>} : memref<32x384xi32, #tpu.memory_space<vmem>>, vector<1x16xi32>,
        %swap3A_1416 = vector.shape_cast %swap3A_1415 : vector<1x16xi32> to vector<16xi32>
        %swap3A_1417 = vector.shape_cast %or3A_1412 : vector<16xi32> to vector<1x16xi32>
        tpu.vector_store %arg13[%swap3A_1413, %swap3A_1414], %swap3A_1417 {strides = array<i32>} : memref<32x384xi32, #tpu.memory_space<vmem>>, vector<1x16xi32>,
        %get3A_1418 = arith.index_cast %add3A_873 : i32 to index
        %get3A_1419 = arith.constant 272 : index
        %get3A_1420 = tpu.vector_load %arg11[%get3A_1418, %get3A_1419] {strides = array<i32>} : memref<32x768xf32, #tpu.memory_space<vmem>>, vector<1x16xf32>,
        %get3A_1421 = vector.shape_cast %get3A_1420 : vector<1x16xf32> to vector<16xf32>
        %get3A_1422 = arith.index_cast %add3A_873 : i32 to index
        %get3A_1423 = arith.constant 272 : index
        %get3A_1424 = tpu.vector_load %arg12[%get3A_1422, %get3A_1423] {strides = array<i32>} : memref<32x768xf32, #tpu.memory_space<vmem>>, vector<1x16xf32>,
        %get3A_1425 = vector.shape_cast %get3A_1424 : vector<1x16xf32> to vector<16xf32>
        %add3A_1426 = arith.addf %get3A_1421, %get3A_1425 : vector<16xf32>
        %get3A_1427 = arith.index_cast %add3A_873 : i32 to index
        %get3A_1428 = arith.constant 656 : index
        %get3A_1429 = tpu.vector_load %arg11[%get3A_1427, %get3A_1428] {strides = array<i32>} : memref<32x768xf32, #tpu.memory_space<vmem>>, vector<1x16xf32>,
        %get3A_1430 = vector.shape_cast %get3A_1429 : vector<1x16xf32> to vector<16xf32>
        %get3A_1431 = arith.index_cast %add3A_873 : i32 to index
        %get3A_1432 = arith.constant 656 : index
        %get3A_1433 = tpu.vector_load %arg12[%get3A_1431, %get3A_1432] {strides = array<i32>} : memref<32x768xf32, #tpu.memory_space<vmem>>, vector<1x16xf32>,
        %get3A_1434 = vector.shape_cast %get3A_1433 : vector<1x16xf32> to vector<16xf32>
        %add3A_1435 = arith.addf %get3A_1430, %get3A_1434 : vector<16xf32>
        %bitcast_convert_type3A_1436 = tpu.bitcast %add3A_1426 : vector<16xf32> -> vector<16xi32>
        %bitcast_convert_type3A_1437 = tpu.bitcast %add3A_1435 : vector<16xf32> -> vector<16xi32>
        %shift_right_logical3A_1438 = arith.constant 16 : i32
        %shift_right_logical3A_1439 = vector.broadcast %shift_right_logical3A_1438 : i32 to vector<16xi32>
        %shift_right_logical3A_1440 = arith.shrui %bitcast_convert_type3A_1436, %shift_right_logical3A_1439 : vector<16xi32>
        %and3A_1441 = arith.constant -65536 : i32
        %and3A_1442 = vector.broadcast %and3A_1441 : i32 to vector<16xi32>
        %and3A_1443 = arith.andi %bitcast_convert_type3A_1437, %and3A_1442 : vector<16xi32>
        %or3A_1444 = arith.ori %shift_right_logical3A_1440, %and3A_1443 : vector<16xi32>
        %swap3A_1445 = arith.index_cast %add3A_873 : i32 to index
        %swap3A_1446 = arith.constant 272 : index
        %swap3A_1447 = tpu.vector_load %arg13[%swap3A_1445, %swap3A_1446] {strides = array<i32>} : memref<32x384xi32, #tpu.memory_space<vmem>>, vector<1x16xi32>,
        %swap3A_1448 = vector.shape_cast %swap3A_1447 : vector<1x16xi32> to vector<16xi32>
        %swap3A_1449 = vector.shape_cast %or3A_1444 : vector<16xi32> to vector<1x16xi32>
        tpu.vector_store %arg13[%swap3A_1445, %swap3A_1446], %swap3A_1449 {strides = array<i32>} : memref<32x384xi32, #tpu.memory_space<vmem>>, vector<1x16xi32>,
        %get3A_1450 = arith.index_cast %add3A_873 : i32 to index
        %get3A_1451 = arith.constant 288 : index
        %get3A_1452 = tpu.vector_load %arg11[%get3A_1450, %get3A_1451] {strides = array<i32>} : memref<32x768xf32, #tpu.memory_space<vmem>>, vector<1x16xf32>,
        %get3A_1453 = vector.shape_cast %get3A_1452 : vector<1x16xf32> to vector<16xf32>
        %get3A_1454 = arith.index_cast %add3A_873 : i32 to index
        %get3A_1455 = arith.constant 288 : index
        %get3A_1456 = tpu.vector_load %arg12[%get3A_1454, %get3A_1455] {strides = array<i32>} : memref<32x768xf32, #tpu.memory_space<vmem>>, vector<1x16xf32>,
        %get3A_1457 = vector.shape_cast %get3A_1456 : vector<1x16xf32> to vector<16xf32>
        %add3A_1458 = arith.addf %get3A_1453, %get3A_1457 : vector<16xf32>
        %get3A_1459 = arith.index_cast %add3A_873 : i32 to index
        %get3A_1460 = arith.constant 672 : index
        %get3A_1461 = tpu.vector_load %arg11[%get3A_1459, %get3A_1460] {strides = array<i32>} : memref<32x768xf32, #tpu.memory_space<vmem>>, vector<1x16xf32>,
        %get3A_1462 = vector.shape_cast %get3A_1461 : vector<1x16xf32> to vector<16xf32>
        %get3A_1463 = arith.index_cast %add3A_873 : i32 to index
        %get3A_1464 = arith.constant 672 : index
        %get3A_1465 = tpu.vector_load %arg12[%get3A_1463, %get3A_1464] {strides = array<i32>} : memref<32x768xf32, #tpu.memory_space<vmem>>, vector<1x16xf32>,
        %get3A_1466 = vector.shape_cast %get3A_1465 : vector<1x16xf32> to vector<16xf32>
        %add3A_1467 = arith.addf %get3A_1462, %get3A_1466 : vector<16xf32>
        %bitcast_convert_type3A_1468 = tpu.bitcast %add3A_1458 : vector<16xf32> -> vector<16xi32>
        %bitcast_convert_type3A_1469 = tpu.bitcast %add3A_1467 : vector<16xf32> -> vector<16xi32>
        %shift_right_logical3A_1470 = arith.constant 16 : i32
        %shift_right_logical3A_1471 = vector.broadcast %shift_right_logical3A_1470 : i32 to vector<16xi32>
        %shift_right_logical3A_1472 = arith.shrui %bitcast_convert_type3A_1468, %shift_right_logical3A_1471 : vector<16xi32>
        %and3A_1473 = arith.constant -65536 : i32
        %and3A_1474 = vector.broadcast %and3A_1473 : i32 to vector<16xi32>
        %and3A_1475 = arith.andi %bitcast_convert_type3A_1469, %and3A_1474 : vector<16xi32>
        %or3A_1476 = arith.ori %shift_right_logical3A_1472, %and3A_1475 : vector<16xi32>
        %swap3A_1477 = arith.index_cast %add3A_873 : i32 to index
        %swap3A_1478 = arith.constant 288 : index
        %swap3A_1479 = tpu.vector_load %arg13[%swap3A_1477, %swap3A_1478] {strides = array<i32>} : memref<32x384xi32, #tpu.memory_space<vmem>>, vector<1x16xi32>,
        %swap3A_1480 = vector.shape_cast %swap3A_1479 : vector<1x16xi32> to vector<16xi32>
        %swap3A_1481 = vector.shape_cast %or3A_1476 : vector<16xi32> to vector<1x16xi32>
        tpu.vector_store %arg13[%swap3A_1477, %swap3A_1478], %swap3A_1481 {strides = array<i32>} : memref<32x384xi32, #tpu.memory_space<vmem>>, vector<1x16xi32>,
        %get3A_1482 = arith.index_cast %add3A_873 : i32 to index
        %get3A_1483 = arith.constant 304 : index
        %get3A_1484 = tpu.vector_load %arg11[%get3A_1482, %get3A_1483] {strides = array<i32>} : memref<32x768xf32, #tpu.memory_space<vmem>>, vector<1x16xf32>,
        %get3A_1485 = vector.shape_cast %get3A_1484 : vector<1x16xf32> to vector<16xf32>
        %get3A_1486 = arith.index_cast %add3A_873 : i32 to index
        %get3A_1487 = arith.constant 304 : index
        %get3A_1488 = tpu.vector_load %arg12[%get3A_1486, %get3A_1487] {strides = array<i32>} : memref<32x768xf32, #tpu.memory_space<vmem>>, vector<1x16xf32>,
        %get3A_1489 = vector.shape_cast %get3A_1488 : vector<1x16xf32> to vector<16xf32>
        %add3A_1490 = arith.addf %get3A_1485, %get3A_1489 : vector<16xf32>
        %get3A_1491 = arith.index_cast %add3A_873 : i32 to index
        %get3A_1492 = arith.constant 688 : index
        %get3A_1493 = tpu.vector_load %arg11[%get3A_1491, %get3A_1492] {strides = array<i32>} : memref<32x768xf32, #tpu.memory_space<vmem>>, vector<1x16xf32>,
        %get3A_1494 = vector.shape_cast %get3A_1493 : vector<1x16xf32> to vector<16xf32>
        %get3A_1495 = arith.index_cast %add3A_873 : i32 to index
        %get3A_1496 = arith.constant 688 : index
        %get3A_1497 = tpu.vector_load %arg12[%get3A_1495, %get3A_1496] {strides = array<i32>} : memref<32x768xf32, #tpu.memory_space<vmem>>, vector<1x16xf32>,
        %get3A_1498 = vector.shape_cast %get3A_1497 : vector<1x16xf32> to vector<16xf32>
        %add3A_1499 = arith.addf %get3A_1494, %get3A_1498 : vector<16xf32>
        %bitcast_convert_type3A_1500 = tpu.bitcast %add3A_1490 : vector<16xf32> -> vector<16xi32>
        %bitcast_convert_type3A_1501 = tpu.bitcast %add3A_1499 : vector<16xf32> -> vector<16xi32>
        %shift_right_logical3A_1502 = arith.constant 16 : i32
        %shift_right_logical3A_1503 = vector.broadcast %shift_right_logical3A_1502 : i32 to vector<16xi32>
        %shift_right_logical3A_1504 = arith.shrui %bitcast_convert_type3A_1500, %shift_right_logical3A_1503 : vector<16xi32>
        %and3A_1505 = arith.constant -65536 : i32
        %and3A_1506 = vector.broadcast %and3A_1505 : i32 to vector<16xi32>
        %and3A_1507 = arith.andi %bitcast_convert_type3A_1501, %and3A_1506 : vector<16xi32>
        %or3A_1508 = arith.ori %shift_right_logical3A_1504, %and3A_1507 : vector<16xi32>
        %swap3A_1509 = arith.index_cast %add3A_873 : i32 to index
        %swap3A_1510 = arith.constant 304 : index
        %swap3A_1511 = tpu.vector_load %arg13[%swap3A_1509, %swap3A_1510] {strides = array<i32>} : memref<32x384xi32, #tpu.memory_space<vmem>>, vector<1x16xi32>,
        %swap3A_1512 = vector.shape_cast %swap3A_1511 : vector<1x16xi32> to vector<16xi32>
        %swap3A_1513 = vector.shape_cast %or3A_1508 : vector<16xi32> to vector<1x16xi32>
        tpu.vector_store %arg13[%swap3A_1509, %swap3A_1510], %swap3A_1513 {strides = array<i32>} : memref<32x384xi32, #tpu.memory_space<vmem>>, vector<1x16xi32>,
        %get3A_1514 = arith.index_cast %add3A_873 : i32 to index
        %get3A_1515 = arith.constant 320 : index
        %get3A_1516 = tpu.vector_load %arg11[%get3A_1514, %get3A_1515] {strides = array<i32>} : memref<32x768xf32, #tpu.memory_space<vmem>>, vector<1x16xf32>,
        %get3A_1517 = vector.shape_cast %get3A_1516 : vector<1x16xf32> to vector<16xf32>
        %get3A_1518 = arith.index_cast %add3A_873 : i32 to index
        %get3A_1519 = arith.constant 320 : index
        %get3A_1520 = tpu.vector_load %arg12[%get3A_1518, %get3A_1519] {strides = array<i32>} : memref<32x768xf32, #tpu.memory_space<vmem>>, vector<1x16xf32>,
        %get3A_1521 = vector.shape_cast %get3A_1520 : vector<1x16xf32> to vector<16xf32>
        %add3A_1522 = arith.addf %get3A_1517, %get3A_1521 : vector<16xf32>
        %get3A_1523 = arith.index_cast %add3A_873 : i32 to index
        %get3A_1524 = arith.constant 704 : index
        %get3A_1525 = tpu.vector_load %arg11[%get3A_1523, %get3A_1524] {strides = array<i32>} : memref<32x768xf32, #tpu.memory_space<vmem>>, vector<1x16xf32>,
        %get3A_1526 = vector.shape_cast %get3A_1525 : vector<1x16xf32> to vector<16xf32>
        %get3A_1527 = arith.index_cast %add3A_873 : i32 to index
        %get3A_1528 = arith.constant 704 : index
        %get3A_1529 = tpu.vector_load %arg12[%get3A_1527, %get3A_1528] {strides = array<i32>} : memref<32x768xf32, #tpu.memory_space<vmem>>, vector<1x16xf32>,
        %get3A_1530 = vector.shape_cast %get3A_1529 : vector<1x16xf32> to vector<16xf32>
        %add3A_1531 = arith.addf %get3A_1526, %get3A_1530 : vector<16xf32>
        %bitcast_convert_type3A_1532 = tpu.bitcast %add3A_1522 : vector<16xf32> -> vector<16xi32>
        %bitcast_convert_type3A_1533 = tpu.bitcast %add3A_1531 : vector<16xf32> -> vector<16xi32>
        %shift_right_logical3A_1534 = arith.constant 16 : i32
        %shift_right_logical3A_1535 = vector.broadcast %shift_right_logical3A_1534 : i32 to vector<16xi32>
        %shift_right_logical3A_1536 = arith.shrui %bitcast_convert_type3A_1532, %shift_right_logical3A_1535 : vector<16xi32>
        %and3A_1537 = arith.constant -65536 : i32
        %and3A_1538 = vector.broadcast %and3A_1537 : i32 to vector<16xi32>
        %and3A_1539 = arith.andi %bitcast_convert_type3A_1533, %and3A_1538 : vector<16xi32>
        %or3A_1540 = arith.ori %shift_right_logical3A_1536, %and3A_1539 : vector<16xi32>
        %swap3A_1541 = arith.index_cast %add3A_873 : i32 to index
        %swap3A_1542 = arith.constant 320 : index
        %swap3A_1543 = tpu.vector_load %arg13[%swap3A_1541, %swap3A_1542] {strides = array<i32>} : memref<32x384xi32, #tpu.memory_space<vmem>>, vector<1x16xi32>,
        %swap3A_1544 = vector.shape_cast %swap3A_1543 : vector<1x16xi32> to vector<16xi32>
        %swap3A_1545 = vector.shape_cast %or3A_1540 : vector<16xi32> to vector<1x16xi32>
        tpu.vector_store %arg13[%swap3A_1541, %swap3A_1542], %swap3A_1545 {strides = array<i32>} : memref<32x384xi32, #tpu.memory_space<vmem>>, vector<1x16xi32>,
        %get3A_1546 = arith.index_cast %add3A_873 : i32 to index
        %get3A_1547 = arith.constant 336 : index
        %get3A_1548 = tpu.vector_load %arg11[%get3A_1546, %get3A_1547] {strides = array<i32>} : memref<32x768xf32, #tpu.memory_space<vmem>>, vector<1x16xf32>,
        %get3A_1549 = vector.shape_cast %get3A_1548 : vector<1x16xf32> to vector<16xf32>
        %get3A_1550 = arith.index_cast %add3A_873 : i32 to index
        %get3A_1551 = arith.constant 336 : index
        %get3A_1552 = tpu.vector_load %arg12[%get3A_1550, %get3A_1551] {strides = array<i32>} : memref<32x768xf32, #tpu.memory_space<vmem>>, vector<1x16xf32>,
        %get3A_1553 = vector.shape_cast %get3A_1552 : vector<1x16xf32> to vector<16xf32>
        %add3A_1554 = arith.addf %get3A_1549, %get3A_1553 : vector<16xf32>
        %get3A_1555 = arith.index_cast %add3A_873 : i32 to index
        %get3A_1556 = arith.constant 720 : index
        %get3A_1557 = tpu.vector_load %arg11[%get3A_1555, %get3A_1556] {strides = array<i32>} : memref<32x768xf32, #tpu.memory_space<vmem>>, vector<1x16xf32>,
        %get3A_1558 = vector.shape_cast %get3A_1557 : vector<1x16xf32> to vector<16xf32>
        %get3A_1559 = arith.index_cast %add3A_873 : i32 to index
        %get3A_1560 = arith.constant 720 : index
        %get3A_1561 = tpu.vector_load %arg12[%get3A_1559, %get3A_1560] {strides = array<i32>} : memref<32x768xf32, #tpu.memory_space<vmem>>, vector<1x16xf32>,
        %get3A_1562 = vector.shape_cast %get3A_1561 : vector<1x16xf32> to vector<16xf32>
        %add3A_1563 = arith.addf %get3A_1558, %get3A_1562 : vector<16xf32>
        %bitcast_convert_type3A_1564 = tpu.bitcast %add3A_1554 : vector<16xf32> -> vector<16xi32>
        %bitcast_convert_type3A_1565 = tpu.bitcast %add3A_1563 : vector<16xf32> -> vector<16xi32>
        %shift_right_logical3A_1566 = arith.constant 16 : i32
        %shift_right_logical3A_1567 = vector.broadcast %shift_right_logical3A_1566 : i32 to vector<16xi32>
        %shift_right_logical3A_1568 = arith.shrui %bitcast_convert_type3A_1564, %shift_right_logical3A_1567 : vector<16xi32>
        %and3A_1569 = arith.constant -65536 : i32
        %and3A_1570 = vector.broadcast %and3A_1569 : i32 to vector<16xi32>
        %and3A_1571 = arith.andi %bitcast_convert_type3A_1565, %and3A_1570 : vector<16xi32>
        %or3A_1572 = arith.ori %shift_right_logical3A_1568, %and3A_1571 : vector<16xi32>
        %swap3A_1573 = arith.index_cast %add3A_873 : i32 to index
        %swap3A_1574 = arith.constant 336 : index
        %swap3A_1575 = tpu.vector_load %arg13[%swap3A_1573, %swap3A_1574] {strides = array<i32>} : memref<32x384xi32, #tpu.memory_space<vmem>>, vector<1x16xi32>,
        %swap3A_1576 = vector.shape_cast %swap3A_1575 : vector<1x16xi32> to vector<16xi32>
        %swap3A_1577 = vector.shape_cast %or3A_1572 : vector<16xi32> to vector<1x16xi32>
        tpu.vector_store %arg13[%swap3A_1573, %swap3A_1574], %swap3A_1577 {strides = array<i32>} : memref<32x384xi32, #tpu.memory_space<vmem>>, vector<1x16xi32>,
        %get3A_1578 = arith.index_cast %add3A_873 : i32 to index
        %get3A_1579 = arith.constant 352 : index
        %get3A_1580 = tpu.vector_load %arg11[%get3A_1578, %get3A_1579] {strides = array<i32>} : memref<32x768xf32, #tpu.memory_space<vmem>>, vector<1x16xf32>,
        %get3A_1581 = vector.shape_cast %get3A_1580 : vector<1x16xf32> to vector<16xf32>
        %get3A_1582 = arith.index_cast %add3A_873 : i32 to index
        %get3A_1583 = arith.constant 352 : index
        %get3A_1584 = tpu.vector_load %arg12[%get3A_1582, %get3A_1583] {strides = array<i32>} : memref<32x768xf32, #tpu.memory_space<vmem>>, vector<1x16xf32>,
        %get3A_1585 = vector.shape_cast %get3A_1584 : vector<1x16xf32> to vector<16xf32>
        %add3A_1586 = arith.addf %get3A_1581, %get3A_1585 : vector<16xf32>
        %get3A_1587 = arith.index_cast %add3A_873 : i32 to index
        %get3A_1588 = arith.constant 736 : index
        %get3A_1589 = tpu.vector_load %arg11[%get3A_1587, %get3A_1588] {strides = array<i32>} : memref<32x768xf32, #tpu.memory_space<vmem>>, vector<1x16xf32>,
        %get3A_1590 = vector.shape_cast %get3A_1589 : vector<1x16xf32> to vector<16xf32>
        %get3A_1591 = arith.index_cast %add3A_873 : i32 to index
        %get3A_1592 = arith.constant 736 : index
        %get3A_1593 = tpu.vector_load %arg12[%get3A_1591, %get3A_1592] {strides = array<i32>} : memref<32x768xf32, #tpu.memory_space<vmem>>, vector<1x16xf32>,
        %get3A_1594 = vector.shape_cast %get3A_1593 : vector<1x16xf32> to vector<16xf32>
        %add3A_1595 = arith.addf %get3A_1590, %get3A_1594 : vector<16xf32>
        %bitcast_convert_type3A_1596 = tpu.bitcast %add3A_1586 : vector<16xf32> -> vector<16xi32>
        %bitcast_convert_type3A_1597 = tpu.bitcast %add3A_1595 : vector<16xf32> -> vector<16xi32>
        %shift_right_logical3A_1598 = arith.constant 16 : i32
        %shift_right_logical3A_1599 = vector.broadcast %shift_right_logical3A_1598 : i32 to vector<16xi32>
        %shift_right_logical3A_1600 = arith.shrui %bitcast_convert_type3A_1596, %shift_right_logical3A_1599 : vector<16xi32>
        %and3A_1601 = arith.constant -65536 : i32
        %and3A_1602 = vector.broadcast %and3A_1601 : i32 to vector<16xi32>
        %and3A_1603 = arith.andi %bitcast_convert_type3A_1597, %and3A_1602 : vector<16xi32>
        %or3A_1604 = arith.ori %shift_right_logical3A_1600, %and3A_1603 : vector<16xi32>
        %swap3A_1605 = arith.index_cast %add3A_873 : i32 to index
        %swap3A_1606 = arith.constant 352 : index
        %swap3A_1607 = tpu.vector_load %arg13[%swap3A_1605, %swap3A_1606] {strides = array<i32>} : memref<32x384xi32, #tpu.memory_space<vmem>>, vector<1x16xi32>,
        %swap3A_1608 = vector.shape_cast %swap3A_1607 : vector<1x16xi32> to vector<16xi32>
        %swap3A_1609 = vector.shape_cast %or3A_1604 : vector<16xi32> to vector<1x16xi32>
        tpu.vector_store %arg13[%swap3A_1605, %swap3A_1606], %swap3A_1609 {strides = array<i32>} : memref<32x384xi32, #tpu.memory_space<vmem>>, vector<1x16xi32>,
        %get3A_1610 = arith.index_cast %add3A_873 : i32 to index
        %get3A_1611 = arith.constant 368 : index
        %get3A_1612 = tpu.vector_load %arg11[%get3A_1610, %get3A_1611] {strides = array<i32>} : memref<32x768xf32, #tpu.memory_space<vmem>>, vector<1x16xf32>,
        %get3A_1613 = vector.shape_cast %get3A_1612 : vector<1x16xf32> to vector<16xf32>
        %get3A_1614 = arith.index_cast %add3A_873 : i32 to index
        %get3A_1615 = arith.constant 368 : index
        %get3A_1616 = tpu.vector_load %arg12[%get3A_1614, %get3A_1615] {strides = array<i32>} : memref<32x768xf32, #tpu.memory_space<vmem>>, vector<1x16xf32>,
        %get3A_1617 = vector.shape_cast %get3A_1616 : vector<1x16xf32> to vector<16xf32>
        %add3A_1618 = arith.addf %get3A_1613, %get3A_1617 : vector<16xf32>
        %get3A_1619 = arith.index_cast %add3A_873 : i32 to index
        %get3A_1620 = arith.constant 752 : index
        %get3A_1621 = tpu.vector_load %arg11[%get3A_1619, %get3A_1620] {strides = array<i32>} : memref<32x768xf32, #tpu.memory_space<vmem>>, vector<1x16xf32>,
        %get3A_1622 = vector.shape_cast %get3A_1621 : vector<1x16xf32> to vector<16xf32>
        %get3A_1623 = arith.index_cast %add3A_873 : i32 to index
        %get3A_1624 = arith.constant 752 : index
        %get3A_1625 = tpu.vector_load %arg12[%get3A_1623, %get3A_1624] {strides = array<i32>} : memref<32x768xf32, #tpu.memory_space<vmem>>, vector<1x16xf32>,
        %get3A_1626 = vector.shape_cast %get3A_1625 : vector<1x16xf32> to vector<16xf32>
        %add3A_1627 = arith.addf %get3A_1622, %get3A_1626 : vector<16xf32>
        %bitcast_convert_type3A_1628 = tpu.bitcast %add3A_1618 : vector<16xf32> -> vector<16xi32>
        %bitcast_convert_type3A_1629 = tpu.bitcast %add3A_1627 : vector<16xf32> -> vector<16xi32>
        %shift_right_logical3A_1630 = arith.constant 16 : i32
        %shift_right_logical3A_1631 = vector.broadcast %shift_right_logical3A_1630 : i32 to vector<16xi32>
        %shift_right_logical3A_1632 = arith.shrui %bitcast_convert_type3A_1628, %shift_right_logical3A_1631 : vector<16xi32>
        %and3A_1633 = arith.constant -65536 : i32
        %and3A_1634 = vector.broadcast %and3A_1633 : i32 to vector<16xi32>
        %and3A_1635 = arith.andi %bitcast_convert_type3A_1629, %and3A_1634 : vector<16xi32>
        %or3A_1636 = arith.ori %shift_right_logical3A_1632, %and3A_1635 : vector<16xi32>
        %swap3A_1637 = arith.index_cast %add3A_873 : i32 to index
        %swap3A_1638 = arith.constant 368 : index
        %swap3A_1639 = tpu.vector_load %arg13[%swap3A_1637, %swap3A_1638] {strides = array<i32>} : memref<32x384xi32, #tpu.memory_space<vmem>>, vector<1x16xi32>,
        %swap3A_1640 = vector.shape_cast %swap3A_1639 : vector<1x16xi32> to vector<16xi32>
        %swap3A_1641 = vector.shape_cast %or3A_1636 : vector<16xi32> to vector<1x16xi32>
        tpu.vector_store %arg13[%swap3A_1637, %swap3A_1638], %swap3A_1641 {strides = array<i32>} : memref<32x384xi32, #tpu.memory_space<vmem>>, vector<1x16xi32>,
      }
      %scan3A_97 = arith.constant 16 : i32
      %add3A_98 = arith.addi %multiple_of3A, %multiple_of3A_91 : i32
      %dma_start3A_99 = arith.constant 0 : i32
      %dma_start3A_100 = tpu.memref_slice %arg6[%add3A_98, %dma_start3A_99] : memref<16384x384xi32, #tpu.memory_space<hbm>> -> memref<32x384xi32, #tpu.memory_space<hbm>>
      %dma_start3A_101 = arith.constant 0 : i32
      %dma_start3A_102 = tpu.memref_slice %arg6[%add3A_98, %dma_start3A_101] : memref<16384x384xi32, #tpu.memory_space<hbm>> -> memref<32x384xi32, #tpu.memory_space<hbm>>
      tpu.enqueue_dma source(%arg13 : memref<32x384xi32, #tpu.memory_space<vmem>>) target(%dma_start3A_102 : memref<32x384xi32, #tpu.memory_space<hbm>>) target_semaphore(%arg16 : memref<!tpu.dma_semaphore, #tpu.memory_space<semaphore_mem>>)
    }
    %scan3A_16 = arith.constant 8 : i32
    %dma_wait3A = arith.constant 0 : i32
    %dma_wait3A_17 = arith.constant 0 : i32
    %dma_wait3A_18 = tpu.memref_slice %arg6[%dma_wait3A, %dma_wait3A_17] : memref<16384x384xi32, #tpu.memory_space<hbm>> -> memref<32x384xi32, #tpu.memory_space<hbm>>
    %dma_wait3A_19 = arith.constant 0 : i32
    %dma_wait3A_20 = arith.constant 0 : i32
    %dma_wait3A_21 = tpu.memref_slice %arg6[%dma_wait3A_19, %dma_wait3A_20] : memref<16384x384xi32, #tpu.memory_space<hbm>> -> memref<32x384xi32, #tpu.memory_space<hbm>>
    tpu.wait_dma2 semaphore(%arg16 : memref<!tpu.dma_semaphore, #tpu.memory_space<semaphore_mem>>) src(%arg13 : memref<32x384xi32, #tpu.memory_space<vmem>>) dst(%dma_wait3A_21 : memref<32x384xi32, #tpu.memory_space<hbm>>)
    return
  }
}

module attributes {stable_mosaic.version = 14 : i64} {
  func.func @_tc_ln_body(%arg0: i32, %arg1: memref<2048x384xi32, #tpu.memory_space<vmem>>, %arg2: memref<1x1x2048xi32, #tpu.memory_space<vmem>>, %arg3: memref<2x768xf32, #tpu.memory_space<vmem>>, %arg4: memref<1x768xf32, #tpu.memory_space<vmem>>, %arg5: memref<1x768xf32, #tpu.memory_space<vmem>>, %arg6: memref<2048x768xf32, #tpu.memory_space<vmem>>) attributes {dimension_semantics = [#tpu.dimension_semantics<arbitrary>], iteration_bounds = array<i64: 8>, scalar_prefetch = 0 : i64, scratch_operands = 0 : i64, tpu.core_type = #tpu.core_type<tc>, window_params = [{transform_indices = @transform_0, window_bounds = array<i64: 2048, 384>}, {transform_indices = @transform_1, window_bounds = array<i64: 1, 1, 2048>}, {pipeline_mode = #tpu.pipeline_mode<synchronous>, transform_indices = @transform_2, window_bounds = array<i64: 2, 768>}, {pipeline_mode = #tpu.pipeline_mode<synchronous>, transform_indices = @transform_3, window_bounds = array<i64: 1, 768>}, {pipeline_mode = #tpu.pipeline_mode<synchronous>, transform_indices = @transform_4, window_bounds = array<i64: 1, 768>}, {transform_indices = @transform_5, window_bounds = array<i64: 2048, 768>}]} {
    %get3A = arith.constant 0 : index
    %get3A_0 = arith.constant 0 : index
    %get3A_1 = vector.load %arg1[%get3A, %get3A_0] : memref<2048x384xi32, #tpu.memory_space<vmem>>, vector<2048x384xi32>
    %shift_left3A = arith.constant 16 : i32
    %shift_left3A_2 = vector.broadcast %shift_left3A : i32 to vector<2048x384xi32>
    %shift_left3A_3 = arith.shli %get3A_1, %shift_left3A_2 : vector<2048x384xi32>
    %bitcast_convert_type3A = tpu.bitcast %shift_left3A_3 : vector<2048x384xi32> -> vector<2048x384xf32>
    %and3A = arith.constant -65536 : i32
    %and3A_4 = vector.broadcast %and3A : i32 to vector<2048x384xi32>
    %and3A_5 = arith.andi %get3A_1, %and3A_4 : vector<2048x384xi32>
    %bitcast_convert_type3A_6 = tpu.bitcast %and3A_5 : vector<2048x384xi32> -> vector<2048x384xf32>
    %get3A_7 = arith.constant 0 : index
    %get3A_8 = arith.constant 0 : index
    %get3A_9 = arith.constant 0 : index
    %get3A_10 = vector.load %arg2[%get3A_7, %get3A_8, %get3A_9] : memref<1x1x2048xi32, #tpu.memory_space<vmem>>, vector<1x1x2048xi32>
    %get3A_11 = vector.shape_cast %get3A_10 : vector<1x1x2048xi32> to vector<2048xi32>
    %convert_element_type3A = arith.sitofp %get3A_11 : vector<2048xi32> to vector<2048xf32>
    %broadcast_in_dim3A = vector.shape_cast %convert_element_type3A : vector<2048xf32> to vector<2048x1xf32>
    %get3A_12 = arith.constant 0 : index
    %get3A_13 = arith.constant 0 : index
    %get3A_14 = vector.load %arg3[%get3A_12, %get3A_13] : memref<2x768xf32, #tpu.memory_space<vmem>>, vector<1x768xf32>
    %get3A_15 = vector.shape_cast %get3A_14 : vector<1x768xf32> to vector<768xf32>
    %get3A_16 = arith.constant 1 : index
    %get3A_17 = arith.constant 0 : index
    %get3A_18 = vector.load %arg3[%get3A_16, %get3A_17] : memref<2x768xf32, #tpu.memory_space<vmem>>, vector<1x768xf32>
    %get3A_19 = vector.shape_cast %get3A_18 : vector<1x768xf32> to vector<768xf32>
    %sub3A = arith.subf %get3A_19, %get3A_15 : vector<768xf32>
    %slice3A = vector.extract_strided_slice %get3A_15 {offsets = [0], sizes = [384], strides = [1]} : vector<768xf32> to vector<384xf32>
    %broadcast_in_dim3A_20 = vector.shape_cast %slice3A : vector<384xf32> to vector<1x384xf32>
    %add3A = vector.broadcast %broadcast_in_dim3A_20 : vector<1x384xf32> to vector<2048x384xf32>
    %add3A_21 = arith.addf %bitcast_convert_type3A, %add3A : vector<2048x384xf32>
    %slice3A_22 = vector.extract_strided_slice %sub3A {offsets = [0], sizes = [384], strides = [1]} : vector<768xf32> to vector<384xf32>
    %broadcast_in_dim3A_23 = vector.shape_cast %slice3A_22 : vector<384xf32> to vector<1x384xf32>
    %mul3A = vector.broadcast %broadcast_in_dim3A : vector<2048x1xf32> to vector<2048x384xf32>
    %mul3A_24 = vector.broadcast %broadcast_in_dim3A_23 : vector<1x384xf32> to vector<2048x384xf32>
    %mul3A_25 = arith.mulf %mul3A, %mul3A_24 : vector<2048x384xf32>
    %add3A_26 = arith.addf %add3A_21, %mul3A_25 : vector<2048x384xf32>
    %slice3A_27 = vector.extract_strided_slice %get3A_15 {offsets = [384], sizes = [384], strides = [1]} : vector<768xf32> to vector<384xf32>
    %broadcast_in_dim3A_28 = vector.shape_cast %slice3A_27 : vector<384xf32> to vector<1x384xf32>
    %add3A_29 = vector.broadcast %broadcast_in_dim3A_28 : vector<1x384xf32> to vector<2048x384xf32>
    %add3A_30 = arith.addf %bitcast_convert_type3A_6, %add3A_29 : vector<2048x384xf32>
    %slice3A_31 = vector.extract_strided_slice %sub3A {offsets = [384], sizes = [384], strides = [1]} : vector<768xf32> to vector<384xf32>
    %broadcast_in_dim3A_32 = vector.shape_cast %slice3A_31 : vector<384xf32> to vector<1x384xf32>
    %mul3A_33 = vector.broadcast %broadcast_in_dim3A : vector<2048x1xf32> to vector<2048x384xf32>
    %mul3A_34 = vector.broadcast %broadcast_in_dim3A_32 : vector<1x384xf32> to vector<2048x384xf32>
    %mul3A_35 = arith.mulf %mul3A_33, %mul3A_34 : vector<2048x384xf32>
    %add3A_36 = arith.addf %add3A_30, %mul3A_35 : vector<2048x384xf32>
    %reduce_sum3A = arith.constant dense<0.000000e+00> : vector<2048xf32>
    %reduce_sum3A_37 = vector.multi_reduction <add>, %add3A_26, %reduce_sum3A [1] : vector<2048x384xf32> to vector<2048xf32>
    %broadcast_in_dim3A_38 = vector.shape_cast %reduce_sum3A_37 : vector<2048xf32> to vector<2048x1xf32>
    %reduce_sum3A_39 = arith.constant dense<0.000000e+00> : vector<2048xf32>
    %reduce_sum3A_40 = vector.multi_reduction <add>, %add3A_36, %reduce_sum3A_39 [1] : vector<2048x384xf32> to vector<2048xf32>
    %broadcast_in_dim3A_41 = vector.shape_cast %reduce_sum3A_40 : vector<2048xf32> to vector<2048x1xf32>
    %add3A_42 = arith.addf %broadcast_in_dim3A_38, %broadcast_in_dim3A_41 : vector<2048x1xf32>
    %mul3A_43 = arith.constant 0.00130208337 : f32
    %mul3A_44 = vector.broadcast %mul3A_43 : f32 to vector<2048x1xf32>
    %mul3A_45 = arith.mulf %add3A_42, %mul3A_44 : vector<2048x1xf32>
    %sub3A_46 = vector.broadcast %mul3A_45 : vector<2048x1xf32> to vector<2048x384xf32>
    %sub3A_47 = arith.subf %add3A_26, %sub3A_46 : vector<2048x384xf32>
    %sub3A_48 = vector.broadcast %mul3A_45 : vector<2048x1xf32> to vector<2048x384xf32>
    %sub3A_49 = arith.subf %add3A_36, %sub3A_48 : vector<2048x384xf32>
    %mul3A_50 = arith.mulf %sub3A_47, %sub3A_47 : vector<2048x384xf32>
    %reduce_sum3A_51 = arith.constant dense<0.000000e+00> : vector<2048xf32>
    %reduce_sum3A_52 = vector.multi_reduction <add>, %mul3A_50, %reduce_sum3A_51 [1] : vector<2048x384xf32> to vector<2048xf32>
    %broadcast_in_dim3A_53 = vector.shape_cast %reduce_sum3A_52 : vector<2048xf32> to vector<2048x1xf32>
    %mul3A_54 = arith.mulf %sub3A_49, %sub3A_49 : vector<2048x384xf32>
    %reduce_sum3A_55 = arith.constant dense<0.000000e+00> : vector<2048xf32>
    %reduce_sum3A_56 = vector.multi_reduction <add>, %mul3A_54, %reduce_sum3A_55 [1] : vector<2048x384xf32> to vector<2048xf32>
    %broadcast_in_dim3A_57 = vector.shape_cast %reduce_sum3A_56 : vector<2048xf32> to vector<2048x1xf32>
    %add3A_58 = arith.addf %broadcast_in_dim3A_53, %broadcast_in_dim3A_57 : vector<2048x1xf32>
    %mul3A_59 = arith.constant 0.00130208337 : f32
    %mul3A_60 = vector.broadcast %mul3A_59 : f32 to vector<2048x1xf32>
    %mul3A_61 = arith.mulf %add3A_58, %mul3A_60 : vector<2048x1xf32>
    %add3A_62 = arith.constant 9.99999996E-13 : f32
    %add3A_63 = vector.broadcast %add3A_62 : f32 to vector<2048x1xf32>
    %add3A_64 = arith.addf %mul3A_61, %add3A_63 : vector<2048x1xf32>
    %rsqrt3A = math.rsqrt %add3A_64 : vector<2048x1xf32>
    %get3A_65 = arith.constant 0 : index
    %get3A_66 = arith.constant 0 : index
    %get3A_67 = vector.load %arg4[%get3A_65, %get3A_66] : memref<1x768xf32, #tpu.memory_space<vmem>>, vector<1x768xf32>
    %get3A_68 = vector.shape_cast %get3A_67 : vector<1x768xf32> to vector<768xf32>
    %get3A_69 = arith.constant 0 : index
    %get3A_70 = arith.constant 0 : index
    %get3A_71 = vector.load %arg5[%get3A_69, %get3A_70] : memref<1x768xf32, #tpu.memory_space<vmem>>, vector<1x768xf32>
    %get3A_72 = vector.shape_cast %get3A_71 : vector<1x768xf32> to vector<768xf32>
    %mul3A_73 = vector.broadcast %rsqrt3A : vector<2048x1xf32> to vector<2048x384xf32>
    %mul3A_74 = arith.mulf %sub3A_47, %mul3A_73 : vector<2048x384xf32>
    %slice3A_75 = vector.extract_strided_slice %get3A_68 {offsets = [0], sizes = [384], strides = [1]} : vector<768xf32> to vector<384xf32>
    %broadcast_in_dim3A_76 = vector.shape_cast %slice3A_75 : vector<384xf32> to vector<1x384xf32>
    %mul3A_77 = vector.broadcast %broadcast_in_dim3A_76 : vector<1x384xf32> to vector<2048x384xf32>
    %mul3A_78 = arith.mulf %mul3A_74, %mul3A_77 : vector<2048x384xf32>
    %slice3A_79 = vector.extract_strided_slice %get3A_72 {offsets = [0], sizes = [384], strides = [1]} : vector<768xf32> to vector<384xf32>
    %broadcast_in_dim3A_80 = vector.shape_cast %slice3A_79 : vector<384xf32> to vector<1x384xf32>
    %add3A_81 = vector.broadcast %broadcast_in_dim3A_80 : vector<1x384xf32> to vector<2048x384xf32>
    %add3A_82 = arith.addf %mul3A_78, %add3A_81 : vector<2048x384xf32>
    %mul3A_83 = vector.broadcast %rsqrt3A : vector<2048x1xf32> to vector<2048x384xf32>
    %mul3A_84 = arith.mulf %sub3A_49, %mul3A_83 : vector<2048x384xf32>
    %slice3A_85 = vector.extract_strided_slice %get3A_68 {offsets = [384], sizes = [384], strides = [1]} : vector<768xf32> to vector<384xf32>
    %broadcast_in_dim3A_86 = vector.shape_cast %slice3A_85 : vector<384xf32> to vector<1x384xf32>
    %mul3A_87 = vector.broadcast %broadcast_in_dim3A_86 : vector<1x384xf32> to vector<2048x384xf32>
    %mul3A_88 = arith.mulf %mul3A_84, %mul3A_87 : vector<2048x384xf32>
    %slice3A_89 = vector.extract_strided_slice %get3A_72 {offsets = [384], sizes = [384], strides = [1]} : vector<768xf32> to vector<384xf32>
    %broadcast_in_dim3A_90 = vector.shape_cast %slice3A_89 : vector<384xf32> to vector<1x384xf32>
    %add3A_91 = vector.broadcast %broadcast_in_dim3A_90 : vector<1x384xf32> to vector<2048x384xf32>
    %add3A_92 = arith.addf %mul3A_88, %add3A_91 : vector<2048x384xf32>
    %concatenate3A = tpu.concatenate %add3A_82, %add3A_92 in 1 : vector<2048x384xf32>, vector<2048x384xf32> -> vector<2048x768xf32>
    %swap3A = arith.constant 0 : index
    %swap3A_93 = arith.constant 0 : index
    %swap3A_94 = vector.load %arg6[%swap3A, %swap3A_93] : memref<2048x768xf32, #tpu.memory_space<vmem>>, vector<2048x768xf32>
    tpu.vector_store %arg6[%swap3A, %swap3A_93], %concatenate3A {strides = array<i32>} : memref<2048x768xf32, #tpu.memory_space<vmem>>, vector<2048x768xf32>,
    return
  }
  func.func @transform_0(%arg0: i32) -> (i32, i32) {
    %c0_i32 = arith.constant 0 : i32
    %c0_i32_0 = arith.constant 0 : i32
    return %arg0, %c0_i32 : i32, i32
  }
  func.func @transform_1(%arg0: i32) -> (i32, i32, i32) {
    %c0_i32 = arith.constant 0 : i32
    %c0_i32_0 = arith.constant 0 : i32
    %c0_i32_1 = arith.constant 0 : i32
    return %arg0, %c0_i32, %c0_i32_0 : i32, i32, i32
  }
  func.func @transform_2(%arg0: i32) -> (i32, i32) {
    %c0_i32 = arith.constant 0 : i32
    %c0_i32_0 = arith.constant 0 : i32
    %c0_i32_1 = arith.constant 0 : i32
    return %c0_i32, %c0_i32_0 : i32, i32
  }
  func.func @transform_3(%arg0: i32) -> (i32, i32) {
    %c0_i32 = arith.constant 0 : i32
    %c0_i32_0 = arith.constant 0 : i32
    %c0_i32_1 = arith.constant 0 : i32
    return %c0_i32, %c0_i32_0 : i32, i32
  }
  func.func @transform_4(%arg0: i32) -> (i32, i32) {
    %c0_i32 = arith.constant 0 : i32
    %c0_i32_0 = arith.constant 0 : i32
    %c0_i32_1 = arith.constant 0 : i32
    return %c0_i32, %c0_i32_0 : i32, i32
  }
  func.func @transform_5(%arg0: i32) -> (i32, i32) {
    %c0_i32 = arith.constant 0 : i32
    %c0_i32_0 = arith.constant 0 : i32
    return %arg0, %c0_i32 : i32, i32
  }
}

</mosaic_0001>

<sc_bundles>
// kernel: kernel.4.cloned.1.call-start
scs
__scs_entry_jumppad:
0x0: {  	(pc) =	sbr.rel $0x88, $3  }
0x1: {  	(tag) =	ssettag $0x0;
	lr =	simm.s32 $0x1  }
0x2: {  	[smem:$0x3F99] =	sst lr;
	_ =	strace $0xD0000000  }
0x3: {  	_ = 	snop  }
0x4: {  	_ = 	snop  }
0x5: {  	_ = 	snop  }
0x6: {  	_ = 	snop  }
0x7: {  	_ = 	snop  }
__scs_overlays_trampoline_lowered:
0x8: {  	[smem:$0x3FA8] =	sst s0  }
0x9: {  	[smem:$0x3FA9] =	sst s1  }
0xa: {  	[smem:$0x3FAA] =	sst s2  }
0xb: {  	[smem:$0x3FAB] =	sst s3  }
0xc: {  	[smem:$0x3FAC] =	sst s4  }
0xd: {  	[smem:$0x3FAD] =	sst s5  }
0xe: {  	[smem:$0x3FAE] =	sst s6  }
0xf: {  	[smem:$0x3FAF] =	sst s7  }
0x10: {  	[smem:$0x3FB0] =	sst s8  }
0x11: {  	[smem:$0x3FB1] =	sst s9;
	s0 =	simm.s32 @!p0 $0x0  }
0x12: {  	s1 =	sld [smem:$0x3F97];
	s0 =	simm.s32 @p0 $0x1  }
0x13: {  	[smem:$0x3FB2] =	sst s0;
	s0 =	simm.s32 @!p1 $0x0  }
0x14: {  	s2 =	sld [smem:$0x3F96];
	s0 =	simm.s32 @p1 $0x1  }
0x15: {  	[smem:$0x3FB3] =	sst s0;
	s0 =	simm.s32 @!p2 $0x0  }
0x16: {  	s3 =	sld [smem:$0x3FDB];
	s0 =	simm.s32 @p2 $0x1  }
0x17: {  	s4 =	simm.s32 $0x1BF5;
	[smem:$0x3FB5] =	sst s0  }
0x18: {  	s0 =	sld [smem:$0x3F98];
	_ =	swait.ge [sflag:s4], $0x0  }
0x19: {  	s7 =	sld [smem:$0x3F99]  }
0x1a: {  	s8 =	sadd.s32 $0xFFFFE003, lr  }
0x1b: {  	s9 =	sadd.s32 $0xFFFFFEF7, lr;
	s5 =	simm.s32 $0xFFFFFFFF;
	p2 =	slt.u32 s8, $0xFFFFF086  }
0x1c: {  	p1 =	slt.u32 s9, $0xF7A;
	s5 =	simm.s32 @!p2 $0x0  }
0x1d: {  	s5 =	simm.s32 @p1 $0x1;
	p0 =	seq.s32 s7, s2  }
0x1e: {  	s7 =	smul.u32 @!p0 $0xF7A, s2;
	p2 =	seq.s32 @!p0 s5, $0x0  }
0x1f: {  	s9 =	smul.u32 $0xF7A, s1;
	s8 =	simm.s32 @!p0 $0x1BF5;
	p2 =	por !p2, p0  }
0x20: {  	[sflag:s8] =	ssyncset.s32 @!p0 $0xFFFFF086;
	s6 =	sadd.s32 @!p0 s3, s7;
	s7 =	simm.s32 @!p0 $0x108  }
0x21: {  	s3 =	sadd.s32 s3, s9;
	s6 =	sadd.s32 @!p0 $0x88, s6;
	s7 =	simm.s32 @p2 $0x1082  }
0x22: {  	[simem:s7], [sflag:s8] =	dma.local @!p0 [hbm:s6], $0xF7A  }
0x23: {  	s9 =	sor.u32 $0xD0000000, s2;
	s6 =	simm.s32 $0x108;
	_ =	swait.ge @!p0 [sflag:s8], $0x0  }
0x24: {  	s3 =	sadd.s32 $0x88, s3;
	s6 =	simm.s32 @!p1 $0x1082;
	[sflag:s4] =	ssyncset.s32 $0xFFFFF086  }
0x25: {  	[simem:s6], [sflag:s4] =	dma.local [hbm:s3], $0xF7A  }
0x26: {  	[smem:$0x3F99] =	sst s1;
	(tag) =	ssettag s2;
	_ =	strace s9  }
0x27: {  	s1 =	sld [smem:$0x3FA9]  }
0x28: {  	s2 =	sld [smem:$0x3FAA]  }
0x29: {  	s4 =	sld [smem:$0x3FAC]  }
0x2a: {  	p0 =	seq.s32 s5, $0x0;
	s5 =	sld [smem:$0x3FAD]  }
0x2b: {  	s6 =	sld [smem:$0x3FAE]  }
0x2c: {  	s7 =	sld [smem:$0x3FAF]  }
0x2d: {  	s3 =	simm.s32 $0x108;
	s8 =	sld [smem:$0x3FB0]  }
0x2e: {  	s3 =	simm.s32 @!p0 $0x1082;
	s9 =	sld [smem:$0x3FB1]  }
0x2f: {  	lr =	sadd.s32 s0, s3;
	s0 =	sld [smem:$0x3FA8]  }
0x30: {  	s3 =	sld [smem:$0x3FAB]  }
0x31: {  	[smem:$0x3FB4] =	sst s10  }
0x32: {  	s10 =	sld [smem:$0x3FB2];
	_ =	sdelay $0x3  }
0x33: {  	p0 =	seq.s32 s10, $0x1;
	s10 =	sld [smem:$0x3FB4];
	_ =	sdelay $0x3  }
0x34: {  	[smem:$0x3FB4] =	sst s10  }
0x35: {  	s10 =	sld [smem:$0x3FB3];
	_ =	sdelay $0x3  }
0x36: {  	p1 =	seq.s32 s10, $0x1;
	s10 =	sld [smem:$0x3FB4];
	_ =	sdelay $0x3  }
0x37: {  	[smem:$0x3FB4] =	sst s10  }
0x38: {  	s10 =	sld [smem:$0x3FB5]  }
0x39: {  	_ = 	snop;
	(pc) =	sbr.ind lr, $3  }
0x3a: {  	_ = 	snop  }
0x3b: {  	_ = 	snop  }
0x3c: {  	p2 =	seq.s32 s10, $0x1;
	s10 =	sld [smem:$0x3FB4]  }
0x3d: {  	_ =	shalt  }
0x3e: {  	_ =	shalt  }
0x3f: {  	_ =	shalt  }
0x40: {  	_ =	shalt  }
0x41: {  	_ =	shalt  }
0x42: {  	_ =	shalt  }
0x43: {  	_ =	shalt  }
0x44: {  	_ =	shalt  }
0x45: {  	_ =	shalt  }
0x46: {  	_ =	shalt  }
0x47: {  	_ =	shalt  }
0x48: {  	_ =	shalt  }
0x49: {  	_ =	shalt  }
0x4a: {  	_ =	shalt  }
0x4b: {  	_ =	shalt  }
0x4c: {  	_ =	shalt  }
0x4d: {  	_ =	shalt  }
0x4e: {  	_ =	shalt  }
0x4f: {  	_ =	shalt  }
0x50: {  	_ =	shalt  }
0x51: {  	_ =	shalt  }
0x52: {  	_ =	shalt  }
0x53: {  	_ =	shalt  }
0x54: {  	_ =	shalt  }
0x55: {  	_ =	shalt  }
0x56: {  	_ =	shalt  }
0x57: {  	_ =	shalt  }
0x58: {  	_ =	shalt  }
0x59: {  	_ =	shalt  }
0x5a: {  	_ =	shalt  }
0x5b: {  	_ =	shalt  }
0x5c: {  	_ =	shalt  }
0x5d: {  	_ =	shalt  }
0x5e: {  	_ =	shalt  }
0x5f: {  	_ =	shalt  }
0x60: {  	_ =	shalt  }
0x61: {  	_ =	shalt  }
0x62: {  	_ =	shalt  }
0x63: {  	_ =	shalt  }
0x64: {  	_ =	shalt  }
0x65: {  	_ =	shalt  }
0x66: {  	_ =	shalt  }
0x67: {  	_ =	shalt  }
0x68: {  	_ =	shalt  }
0x69: {  	_ =	shalt  }
0x6a: {  	_ =	shalt  }
0x6b: {  	_ =	shalt  }
0x6c: {  	_ =	shalt  }
0x6d: {  	_ =	shalt  }
0x6e: {  	_ =	shalt  }
0x6f: {  	_ =	shalt  }
0x70: {  	_ =	shalt  }
0x71: {  	_ =	shalt  }
0x72: {  	_ =	shalt  }
0x73: {  	_ =	shalt  }
0x74: {  	_ =	shalt  }
0x75: {  	_ =	shalt  }
0x76: {  	_ =	shalt  }
0x77: {  	_ =	shalt  }
0x78: {  	_ =	shalt  }
0x79: {  	_ =	shalt  }
0x7a: {  	_ =	shalt  }
0x7b: {  	_ =	shalt  }
0x7c: {  	_ =	shalt  }
0x7d: {  	_ =	shalt  }
0x7e: {  	_ =	shalt  }
0x7f: {  	_ =	shalt  }
0x80: {  	_ =	shalt  }
0x81: {  	_ =	shalt  }
0x82: {  	_ =	shalt  }
0x83: {  	_ =	shalt  }
0x84: {  	_ =	shalt  }
0x85: {  	_ =	shalt  }
0x86: {  	_ =	shalt  }
0x87: {  	_ =	shalt  }
.Lfunc_end0:
.L_simem_size_0:
called_computation_lowered:
.L_overlay_start_0:
0x88: {  	s2 =	sld [smem:$0x3FD9]  }
0x89: {  	s3 =	sld [smem:$0x3FFE];
	_ =	sdelay $0x1  }
0x8a: {  	s1 =	srdreg.scid  }
0x8b: {  	s0 =	sand.u32 $0x1, s1  }
0x8c: {  	s17 =	sshll.u32 s0, $0xA;
	s2 =	sadd.s32 s3, s2  }
0x8d: {  	s2 =	sadd.s32 s2, s17  }
0x8e: {  	[smem:$0x3FC0] =	sst s2  }
0x8f: {  	_ = 	snop  }
0x90: {  	s2 =	sld [smem:$0x3FC6]  }
0x91: {  	s18 =	sld [smem:$0x3FC4]  }
0x92: {  	s4 =	sld [smem:$0x3FD0];
	(tm) =	ssettm $0x1  }
0x93: {  	s5 =	sld [smem:$0x3FFB];
	_ =	sdelay $0x3  }
0x94: {  	_ =	strace s5  }
0x95: {  	s5 =	sld [smem:$0x3FFC];
	_ =	sdelay $0x3  }
0x96: {  	_ =	strace s5  }
0x97: {  	s5 =	sld [smem:$0x3FFD];
	_ =	sdelay $0x3  }
0x98: {  	_ =	strace s5  }
0x99: {  	_ =	strace $0x8FFFFFFF  }
0x9a: {  	s19 =	sld [smem:$0x3FDB];
	_ =	sdelay $0x1  }
0x9b: {  	s6 =	simm.s32 $_scs_section_size  }
0x9c: {  	s7 =	simm.s32 $_size__tile_overlayer_lowered;
	s8 =	simm.s32 $_tile_overlayer_lowered  }
0x9d: {  	s22 =	simm.s32 $0x1BFF;
	s21 =	sshll.u32 s8, $0x1;
	s5 =	sadd.s32 s6, s19  }
0x9e: {  	s9 =	simm.s32 $0x0;
	s20 =	sshll.u32 s7, $0x1;
	s7 =	sadd.s32 s21, s5  }
0x9f: {  	[timem:s9], [sflag:s22] =	dma.local [hbm:s7], s20  }
0xa0: {  	_ =	swait.ge [sflag:s22], s20  }
0xa1: {  	s6 =	ssub.s32 $0x0, s20;
	[sflag:s22] =	ssyncset.done $0x0  }
0xa2: {  	[sflag:s22] =	ssyncadd.s32 s6;
	_ =	sdelay $0x1  }
0xa3: {  	s23 =	simm.s32 $0x1B8B  }
0xa4: {  	_ =	swait.ge [sflag:s23], $0x1  }
0xa5: {  	[sflag:s23] =	ssyncset.done $0x0  }
0xa6: {  	s25 =	simm.s32 $0x1B8E;
	s24 =	sld [smem:$0x3FFE];
	[sflag:s23] =	ssyncadd.s32 $0xFFFFFFFF  }
0xa7: {  	s26 =	simm.s32 $execute0_lowered;
	[smem:$0x3FD2] =	sst s25  }
0xa8: {  	s7 =	sshll.u32 s26, $0x1;
	_ =	strace $0x80000046;
	[dreg:$0x1] =	wrdreg $0xFFFFFFFF  }
0xa9: {  	s28 =	simm.s32 $_size_execute0_lowered;
	s5 =	sadd.s32 s5, s7;
	[dreg:$0x0] =	wrdreg $0x0  }
0xaa: {  	s7 =	sshll.u32 s28, $0x1;
	[dreg:$0x2] =	wrdreg s5  }
0xab: {  	[dreg:$0x3] =	wrdreg s7  }
0xac: {  	[dreg:$0x4] =	wrdreg $0xC0  }
0xad: {  	_ =	task [dreg:s9], $0x5FFFF  }
0xae: {  	[dreg:$0x1] =	wrdreg $0xFFFFFFFF  }
0xaf: {  	[dreg:$0x0] =	wrdreg $0x60  }
0xb0: {  	[dreg:$0x2] =	wrdreg s4  }
0xb1: {  	[dreg:$0x3] =	wrdreg s24  }
0xb2: {  	[dreg:$0x4] =	wrdreg s2  }
0xb3: {  	[dreg:$0x5] =	wrdreg s18  }
0xb4: {  	[dreg:$0x6] =	wrdreg $0x9  }
0xb5: {  	_ =	task.clear_ibuf [dreg:s9], $0x7FFFF;
	_ =	strace $0x90000046  }
0xb6: {  	s29 =	simm.s32 $0x9;
	_ =	strace $0x80000048  }
0xb7: {  	_ =	swait.ge [sflag:s29], $0x1  }
0xb8: {  	[sflag:s29] =	ssyncadd.s32 $0xFFFFFFFF  }
0xb9: {  	_ =	strace $0x90000048  }
0xba: {  	_ =	sfence  }
0xbb: {  	s30 =	sld [smem:$0x0];
	_ =	sdelay $0x2  }
0xbc: {  	s31 =	sshll.u32 s1, $0xD;
	s1 =	sshrl.u32 s1, $0x2  }
0xbd: {  	s3 =	sand.u32 $0x4000, s31;
	s1 =	sadd.s32 s1, s30  }
0xbe: {  	s0 =	sor.u32 s3, s0;
	s1 =	sshll.u32 s1, $0x11  }
0xbf: {  	s0 =	sor.u32 s1, s0  }
0xc0: {  	s0 =	sadd.s32 $0x8F2B, s0  }
0xc1: {  	[sflag:s0] =	ssyncadd.remote.s32 $0x1  }
0xc2: {  	_ =	sfence.sel $0xFFFF  }
0xc3: {  	[dreg:$0x0] =	wrdreg $0xFFFFFFFF;
	(pc) =	sbr.abs _section_cstart, $3  }
0xc4: {  	[dreg:$0x1] =	wrdreg $0xFFFFFFFF  }
0xc5: {  	_ =	task.clear_ibuf [dreg:s9], $0x2FFFF;
	_ =	strace $0x9FFFFFFF  }
0xc6: {  	(tm) =	ssettm $0x7FFFFFFF  }
0xc7: {  	_ =	shalt  }
tec
execute0_lowered:
.L_overlay_start_1:
0x0: {  	(tag) =	ssettag $0x1  }
0x1: {  	s0 =	rddreg [dreg:$0x0]  }
0x2: {  	s1 =	rddreg [dreg:$0x1]  }
0x3: {  	s2 =	rddreg [dreg:$0x2]  }
0x4: {  	s3 =	rddreg [dreg:$0x3];
	s4 =	srdreg.scid  }
0x5: {  	s5 =	stileid.u32;
	s19 =	simm.s32 $0x17C00;
	s20 =	simm.s32 $0x1  }
0x6: {  	s21 =	simm.s32 $0x18400;
	s22 =	simm.s32 $0x2;
	s23 =	simm.s32 $0x3  }
0x7: {  	s6 =	sand.u32 $0x1, s4;
	s4 =	simm.s32 $0x0;
	s5 =	sshll.u32 s5, $0xA  }
0x8: {  	s10 =	sadd.s32 $0x200, s2;
	s11 =	sadd.s32 $0x100, s3;
	s7 =	sshll.u32 s6, $0x9  }
0x9: {  	[smem:$0x7FF] =	sst s4;
	s8 =	ssub.s32 $0x2, s6;
	s5 =	sor.u32 s7, s5  }
0xa: {  	s6 =	sadd.s32 $0x1400, s1;
	_ =	strace $0x80000047;
	s7 =	sshrl.u32 s5, $0x3  }
0xb: {  	s29 =	sshrl.u32 s8, $0x1;
	s9 =	sadd.s32 s7, s1;
	s0 =	sadd.s32 s0, s7  }
0xc: {  	v2 =	vlaneseq.u32;
	s1 =	ssub.s32 s8, s29;
	[dreg:$0x5] =	wrdreg s0;
	s30 =	sadd.s32 $0xC00, s9  }
0xd: {  	vm0 =	vmmov $0xffff;
	s12 =	sadd.s32 $0x200, s3;
	v1 =	vshrl.u32 v2, $0x3;
	s31 =	smax.u32 s1, $0x1;
	[dreg:$0x6] =	wrdreg s30  }
0xe: {  	v0 =	vand.u32 $0x7, v2;
	v2 =	vor.u32 $0x8, v2;
	v1 =	vmul.u32 $0x8, v1;
	s9 =	sadd.s32 $0x100, s2;
	s1 =	simm.s32 $0x0;
	[dreg:$0x7] =	wrdreg s31  }
.LBB2_1:
0xf: {  	[dreg:$0x8] =	wrdreg s1  }
0x10: {  	s0 =	rddreg [dreg:$0x5];
	s16 =	simm.s32 $0x4  }
0x11: {  	[tilespmem:s4], [sflag:$0x4] =	stream.linear.gather [hbm4b:s0+s4], $0x200, $0x38;
	[tilespmem:$0x1B400] =	vst v63  }
0x12: {  	_ =	swait.ge [sflag:s16], $0x200  }
0x13: {  	[sflag:s16] =	ssyncset.done $0x0  }
0x14: {  	s7 =	simm.s32 $0x200;
	s17 =	rddreg [dreg:$0x6];
	[sflag:s16] =	ssyncadd.s32 $0xFFFFFE00  }
0x15: {  	[tilespmem:s7], [sflag:$0x4] =	stream.linear.gather [hbm4b:s17+s4], $0x200, $0x38;
	[tilespmem:$0x1B400] =	vst v63  }
0x16: {  	_ =	swait.ge [sflag:s16], $0x200  }
0x17: {  	[sflag:s16] =	ssyncset.done $0x0  }
0x18: {  	[sflag:s16] =	ssyncadd.s32 $0xFFFFFE00  }
0x19: {  	v3 =	vld [tilespmem:$0x0];
	_ =	sdelay $0x4  }
0x1a: {  	v4 =	vshrl.u32 v3, $0x3  }
0x1b: {  	v4 =	vmul.u32 $0x30, v4  }
0x1c: {  	v3 =	vand.u32 $0x7, v3  }
0x1d: {  	v3 =	vor.u32 v3, v4  }
0x1e: {  	v4 =	vperm.xlane v3, v0;
	_ =	sdelay $0x1  }
0x1f: {  	v4 =	vadd.s32 v1, v4;
	_ =	sdelay $0x3  }
0x20: {  	s18 =	simm.s32 $0x400;
	v3 =	vperm.xlane v3, v2  }
0x21: {  	[tilespmem:s18], [sflag:$0x1] =	stream.indirect_vreg.gather [hbm4b:s2+s4], $0x80, v4, vm0, $0xb8;
	[tilespmem:$0x1B400] =	vst v63  }
0x22: {  	s24 =	simm.s32 $0xC00;
	v3 =	vadd.s32 v1, v3  }
0x23: {  	[tilespmem:s24], [sflag:$0x1] =	stream.indirect_vreg.gather [hbm4b:s9+s4], $0x80, v4, vm0, $0xb8;
	[tilespmem:$0x1B400] =	vst v63  }
0x24: {  	s25 =	simm.s32 $0x1400  }
0x25: {  	[tilespmem:s25], [sflag:$0x1] =	stream.indirect_vreg.gather [hbm4b:s10+s4], $0x80, v4, vm0, $0xb8;
	[tilespmem:$0x1B400] =	vst v63  }
0x26: {  	s26 =	simm.s32 $0x1C00  }
0x27: {  	[tilespmem:s26], [sflag:$0x1] =	stream.indirect_vreg.gather [hbm4b:s2+s4], $0x80, v3, vm0, $0xb8;
	[tilespmem:$0x1B400] =	vst v63  }
0x28: {  	s28 =	simm.s32 $0x2400  }
0x29: {  	[tilespmem:s28], [sflag:$0x1] =	stream.indirect_vreg.gather [hbm4b:s9+s4], $0x80, v3, vm0, $0xb8;
	[tilespmem:$0x1B400] =	vst v63  }
0x2a: {  	s29 =	simm.s32 $0x2C00  }
0x2b: {  	[tilespmem:s29], [sflag:$0x1] =	stream.indirect_vreg.gather [hbm4b:s10+s4], $0x80, v3, vm0, $0xb8;
	[tilespmem:$0x1B400] =	vst v63  }
0x2c: {  	v3 =	vld [tilespmem:$0x10];
	_ =	sdelay $0x4  }
0x2d: {  	v61 =	vshrl.u32 v3, $0x3  }
0x2e: {  	v4 =	vmul.u32 $0x30, v61  }
0x2f: {  	v3 =	vand.u32 $0x7, v3  }
0x30: {  	v3 =	vor.u32 v3, v4  }
0x31: {  	v4 =	vperm.xlane v3, v0;
	_ =	sdelay $0x1  }
0x32: {  	v4 =	vadd.s32 v1, v4;
	_ =	sdelay $0x3  }
0x33: {  	s30 =	simm.s32 $0x3400;
	v3 =	vperm.xlane v3, v2  }
0x34: {  	[tilespmem:s30], [sflag:$0x1] =	stream.indirect_vreg.gather [hbm4b:s2+s4], $0x80, v4, vm0, $0xb8;
	[tilespmem:$0x1B400] =	vst v63  }
0x35: {  	s31 =	simm.s32 $0x3C00;
	v3 =	vadd.s32 v1, v3  }
0x36: {  	[tilespmem:s31], [sflag:$0x1] =	stream.indirect_vreg.gather [hbm4b:s9+s4], $0x80, v4, vm0, $0xb8;
	[tilespmem:$0x1B400] =	vst v63  }
0x37: {  	s1 =	simm.s32 $0x4400  }
0x38: {  	[tilespmem:s1], [sflag:$0x1] =	stream.indirect_vreg.gather [hbm4b:s10+s4], $0x80, v4, vm0, $0xb8;
	[tilespmem:$0x1B400] =	vst v63  }
0x39: {  	s7 =	simm.s32 $0x4C00  }
0x3a: {  	[tilespmem:s7], [sflag:$0x1] =	stream.indirect_vreg.gather [hbm4b:s2+s4], $0x80, v3, vm0, $0xb8;
	[tilespmem:$0x1B400] =	vst v63  }
0x3b: {  	s8 =	simm.s32 $0x5400  }
0x3c: {  	[tilespmem:s8], [sflag:$0x1] =	stream.indirect_vreg.gather [hbm4b:s9+s4], $0x80, v3, vm0, $0xb8;
	[tilespmem:$0x1B400] =	vst v63  }
0x3d: {  	s13 =	simm.s32 $0x5C00  }
0x3e: {  	[tilespmem:s13], [sflag:$0x1] =	stream.indirect_vreg.gather [hbm4b:s10+s4], $0x80, v3, vm0, $0xb8;
	[tilespmem:$0x1B400] =	vst v63  }
0x3f: {  	v3 =	vld [tilespmem:$0x200];
	_ =	sdelay $0x4  }
0x40: {  	v62 =	vshrl.u32 v3, $0x3  }
0x41: {  	v4 =	vmul.u32 $0x30, v62  }
0x42: {  	v3 =	vand.u32 $0x7, v3  }
0x43: {  	v3 =	vor.u32 v3, v4  }
0x44: {  	v4 =	vperm.xlane v3, v0;
	_ =	sdelay $0x1  }
0x45: {  	v4 =	vadd.s32 v1, v4;
	_ =	sdelay $0x3  }
0x46: {  	s14 =	simm.s32 $0x6400;
	v3 =	vperm.xlane v3, v2  }
0x47: {  	[tilespmem:s14], [sflag:$0x1] =	stream.indirect_vreg.gather [hbm4b:s3+s4], $0x80, v4, vm0, $0xb8;
	[tilespmem:$0x1B400] =	vst v63  }
0x48: {  	s15 =	simm.s32 $0x6C00;
	v3 =	vadd.s32 v1, v3  }
0x49: {  	[tilespmem:s15], [sflag:$0x1] =	stream.indirect_vreg.gather [hbm4b:s11+s4], $0x80, v4, vm0, $0xb8;
	[tilespmem:$0x1B400] =	vst v63  }
0x4a: {  	s16 =	simm.s32 $0x7400  }
0x4b: {  	[tilespmem:s16], [sflag:$0x1] =	stream.indirect_vreg.gather [hbm4b:s12+s4], $0x80, v4, vm0, $0xb8;
	[tilespmem:$0x1B400] =	vst v63  }
0x4c: {  	s17 =	simm.s32 $0x7C00  }
0x4d: {  	[tilespmem:s17], [sflag:$0x1] =	stream.indirect_vreg.gather [hbm4b:s3+s4], $0x80, v3, vm0, $0xb8;
	[tilespmem:$0x1B400] =	vst v63  }
0x4e: {  	s18 =	simm.s32 $0x8400  }
0x4f: {  	[tilespmem:s18], [sflag:$0x1] =	stream.indirect_vreg.gather [hbm4b:s11+s4], $0x80, v3, vm0, $0xb8;
	[tilespmem:$0x1B400] =	vst v63  }
0x50: {  	s24 =	simm.s32 $0x8C00  }
0x51: {  	[tilespmem:s24], [sflag:$0x1] =	stream.indirect_vreg.gather [hbm4b:s12+s4], $0x80, v3, vm0, $0xb8;
	[tilespmem:$0x1B400] =	vst v63  }
0x52: {  	v3 =	vld [tilespmem:$0x210];
	_ =	sdelay $0x4  }
0x53: {  	v63 =	vshrl.u32 v3, $0x3  }
0x54: {  	v4 =	vmul.u32 $0x30, v63  }
0x55: {  	v3 =	vand.u32 $0x7, v3  }
0x56: {  	v3 =	vor.u32 v3, v4  }
0x57: {  	v4 =	vperm.xlane v3, v0;
	_ =	sdelay $0x1  }
0x58: {  	v4 =	vadd.s32 v1, v4;
	_ =	sdelay $0x3  }
0x59: {  	s25 =	simm.s32 $0x9400;
	v3 =	vperm.xlane v3, v2  }
0x5a: {  	[tilespmem:s25], [sflag:$0x1] =	stream.indirect_vreg.gather [hbm4b:s3+s4], $0x80, v4, vm0, $0xb8;
	[tilespmem:$0x1B400] =	vst v63  }
0x5b: {  	s26 =	simm.s32 $0x9C00;
	v3 =	vadd.s32 v1, v3  }
0x5c: {  	[tilespmem:s26], [sflag:$0x1] =	stream.indirect_vreg.gather [hbm4b:s11+s4], $0x80, v4, vm0, $0xb8;
	[tilespmem:$0x1B400] =	vst v63  }
0x5d: {  	s28 =	simm.s32 $0xA400  }
0x5e: {  	[tilespmem:s28], [sflag:$0x1] =	stream.indirect_vreg.gather [hbm4b:s12+s4], $0x80, v4, vm0, $0xb8;
	[tilespmem:$0x1B400] =	vst v63  }
0x5f: {  	s29 =	simm.s32 $0xAC00  }
0x60: {  	[tilespmem:s29], [sflag:$0x1] =	stream.indirect_vreg.gather [hbm4b:s3+s4], $0x80, v3, vm0, $0xb8;
	[tilespmem:$0x1B400] =	vst v63  }
0x61: {  	s30 =	simm.s32 $0xB400  }
0x62: {  	[tilespmem:s30], [sflag:$0x1] =	stream.indirect_vreg.gather [hbm4b:s11+s4], $0x80, v3, vm0, $0xb8;
	[tilespmem:$0x1B400] =	vst v63  }
0x63: {  	s31 =	simm.s32 $0xBC00;
	s24 =	simm.s32 $0x0  }
0x64: {  	[tilespmem:s31], [sflag:$0x1] =	stream.indirect_vreg.gather [hbm4b:s12+s4], $0x80, v3, vm0, $0xb8;
	[tilespmem:$0x1B400] =	vst v63  }
.LBB2_2:
0x65: {  	s26 =	sshll.u32 s24, $0x6  }
0x66: {  	v3 =	vld [tilespmem:s26+$0x20];
	_ =	sdelay $0x4  }
0x67: {  	v4 =	vshrl.u32 v3, $0x3  }
0x68: {  	v4 =	vmul.u32 $0x30, v4  }
0x69: {  	v3 =	vand.u32 $0x7, v3  }
0x6a: {  	v3 =	vor.u32 v3, v4  }
0x6b: {  	v4 =	vperm.xlane v3, v0;
	_ =	sdelay $0x1  }
0x6c: {  	v4 =	vadd.s32 v1, v4;
	_ =	sdelay $0x3  }
0x6d: {  	s0 =	simm.s32 $0xC400;
	v3 =	vperm.xlane v3, v2  }
0x6e: {  	[tilespmem:s0], [sflag:$0x2] =	stream.indirect_vreg.gather [hbm4b:s2+s4], $0x80, v4, vm0, $0xb8;
	[tilespmem:$0x1B400] =	vst v63  }
0x6f: {  	s8 =	simm.s32 $0xCC00;
	v3 =	vadd.s32 v1, v3  }
0x70: {  	[tilespmem:s8], [sflag:$0x2] =	stream.indirect_vreg.gather [hbm4b:s9+s4], $0x80, v4, vm0, $0xb8;
	[tilespmem:$0x1B400] =	vst v63  }
0x71: {  	s13 =	simm.s32 $0xD400  }
0x72: {  	[tilespmem:s13], [sflag:$0x2] =	stream.indirect_vreg.gather [hbm4b:s10+s4], $0x80, v4, vm0, $0xb8;
	[tilespmem:$0x1B400] =	vst v63  }
0x73: {  	s14 =	simm.s32 $0xDC00  }
0x74: {  	[tilespmem:s14], [sflag:$0x2] =	stream.indirect_vreg.gather [hbm4b:s2+s4], $0x80, v3, vm0, $0xb8;
	[tilespmem:$0x1B400] =	vst v63  }
0x75: {  	s15 =	simm.s32 $0xE400  }
0x76: {  	[tilespmem:s15], [sflag:$0x2] =	stream.indirect_vreg.gather [hbm4b:s9+s4], $0x80, v3, vm0, $0xb8;
	[tilespmem:$0x1B400] =	vst v63  }
0x77: {  	s16 =	simm.s32 $0xEC00  }
0x78: {  	[tilespmem:s16], [sflag:$0x2] =	stream.indirect_vreg.gather [hbm4b:s10+s4], $0x80, v3, vm0, $0xb8;
	[tilespmem:$0x1B400] =	vst v63  }
0x79: {  	v3 =	vld [tilespmem:s26+$0x30];
	_ =	sdelay $0x4  }
0x7a: {  	v61 =	vshrl.u32 v3, $0x3  }
0x7b: {  	v4 =	vmul.u32 $0x30, v61  }
0x7c: {  	v3 =	vand.u32 $0x7, v3  }
0x7d: {  	v3 =	vor.u32 v3, v4  }
0x7e: {  	v4 =	vperm.xlane v3, v0;
	_ =	sdelay $0x1  }
0x7f: {  	v4 =	vadd.s32 v1, v4;
	_ =	sdelay $0x3  }
0x80: {  	s17 =	simm.s32 $0xF400;
	v3 =	vperm.xlane v3, v2  }
0x81: {  	[tilespmem:s17], [sflag:$0x2] =	stream.indirect_vreg.gather [hbm4b:s2+s4], $0x80, v4, vm0, $0xb8;
	[tilespmem:$0x1B400] =	vst v63  }
0x82: {  	s18 =	simm.s32 $0xFC00;
	v3 =	vadd.s32 v1, v3  }
0x83: {  	[tilespmem:s18], [sflag:$0x2] =	stream.indirect_vreg.gather [hbm4b:s9+s4], $0x80, v4, vm0, $0xb8;
	[tilespmem:$0x1B400] =	vst v63  }
0x84: {  	s25 =	simm.s32 $0x10400  }
0x85: {  	[tilespmem:s25], [sflag:$0x2] =	stream.indirect_vreg.gather [hbm4b:s10+s4], $0x80, v4, vm0, $0xb8;
	[tilespmem:$0x1B400] =	vst v63  }
0x86: {  	s30 =	simm.s32 $0x10C00  }
0x87: {  	[tilespmem:s30], [sflag:$0x2] =	stream.indirect_vreg.gather [hbm4b:s2+s4], $0x80, v3, vm0, $0xb8;
	[tilespmem:$0x1B400] =	vst v63  }
0x88: {  	s31 =	simm.s32 $0x11400  }
0x89: {  	[tilespmem:s31], [sflag:$0x2] =	stream.indirect_vreg.gather [hbm4b:s9+s4], $0x80, v3, vm0, $0xb8;
	[tilespmem:$0x1B400] =	vst v63  }
0x8a: {  	s1 =	simm.s32 $0x11C00  }
0x8b: {  	[tilespmem:s1], [sflag:$0x2] =	stream.indirect_vreg.gather [hbm4b:s10+s4], $0x80, v3, vm0, $0xb8;
	[tilespmem:$0x1B400] =	vst v63  }
0x8c: {  	v3 =	vld [tilespmem:s26+$0x220];
	_ =	sdelay $0x4  }
0x8d: {  	v62 =	vshrl.u32 v3, $0x3  }
0x8e: {  	v4 =	vmul.u32 $0x30, v62  }
0x8f: {  	v3 =	vand.u32 $0x7, v3  }
0x90: {  	v3 =	vor.u32 v3, v4  }
0x91: {  	v4 =	vperm.xlane v3, v0;
	_ =	sdelay $0x1  }
0x92: {  	v4 =	vadd.s32 v1, v4;
	_ =	sdelay $0x3  }
0x93: {  	s7 =	simm.s32 $0x12400;
	v3 =	vperm.xlane v3, v2  }
0x94: {  	[tilespmem:s7], [sflag:$0x2] =	stream.indirect_vreg.gather [hbm4b:s3+s4], $0x80, v4, vm0, $0xb8;
	[tilespmem:$0x1B400] =	vst v63  }
0x95: {  	s8 =	simm.s32 $0x12C00;
	v3 =	vadd.s32 v1, v3  }
0x96: {  	[tilespmem:s8], [sflag:$0x2] =	stream.indirect_vreg.gather [hbm4b:s11+s4], $0x80, v4, vm0, $0xb8;
	[tilespmem:$0x1B400] =	vst v63  }
0x97: {  	s13 =	simm.s32 $0x13400  }
0x98: {  	[tilespmem:s13], [sflag:$0x2] =	stream.indirect_vreg.gather [hbm4b:s12+s4], $0x80, v4, vm0, $0xb8;
	[tilespmem:$0x1B400] =	vst v63  }
0x99: {  	s14 =	simm.s32 $0x13C00  }
0x9a: {  	[tilespmem:s14], [sflag:$0x2] =	stream.indirect_vreg.gather [hbm4b:s3+s4], $0x80, v3, vm0, $0xb8;
	[tilespmem:$0x1B400] =	vst v63  }
0x9b: {  	s15 =	simm.s32 $0x14400  }
0x9c: {  	[tilespmem:s15], [sflag:$0x2] =	stream.indirect_vreg.gather [hbm4b:s11+s4], $0x80, v3, vm0, $0xb8;
	[tilespmem:$0x1B400] =	vst v63  }
0x9d: {  	s16 =	simm.s32 $0x14C00  }
0x9e: {  	[tilespmem:s16], [sflag:$0x2] =	stream.indirect_vreg.gather [hbm4b:s12+s4], $0x80, v3, vm0, $0xb8;
	[tilespmem:$0x1B400] =	vst v63  }
0x9f: {  	v3 =	vld [tilespmem:s26+$0x230];
	_ =	sdelay $0x4  }
0xa0: {  	v63 =	vshrl.u32 v3, $0x3  }
0xa1: {  	v4 =	vmul.u32 $0x30, v63  }
0xa2: {  	v3 =	vand.u32 $0x7, v3  }
0xa3: {  	v3 =	vor.u32 v3, v4  }
0xa4: {  	v4 =	vperm.xlane v3, v0;
	_ =	sdelay $0x1  }
0xa5: {  	v4 =	vadd.s32 v1, v4;
	_ =	sdelay $0x3  }
0xa6: {  	s17 =	simm.s32 $0x15400;
	v3 =	vperm.xlane v3, v2  }
0xa7: {  	[tilespmem:s17], [sflag:$0x2] =	stream.indirect_vreg.gather [hbm4b:s3+s4], $0x80, v4, vm0, $0xb8;
	[tilespmem:$0x1B400] =	vst v63  }
0xa8: {  	s18 =	simm.s32 $0x15C00;
	v3 =	vadd.s32 v1, v3  }
0xa9: {  	[tilespmem:s18], [sflag:$0x2] =	stream.indirect_vreg.gather [hbm4b:s11+s4], $0x80, v4, vm0, $0xb8;
	[tilespmem:$0x1B400] =	vst v63  }
0xaa: {  	s25 =	simm.s32 $0x16400  }
0xab: {  	[tilespmem:s25], [sflag:$0x2] =	stream.indirect_vreg.gather [hbm4b:s12+s4], $0x80, v4, vm0, $0xb8;
	[tilespmem:$0x1B400] =	vst v63  }
0xac: {  	s30 =	simm.s32 $0x16C00  }
0xad: {  	[tilespmem:s30], [sflag:$0x2] =	stream.indirect_vreg.gather [hbm4b:s3+s4], $0x80, v3, vm0, $0xb8;
	[tilespmem:$0x1B400] =	vst v63  }
0xae: {  	s31 =	simm.s32 $0x17400  }
0xaf: {  	[tilespmem:s31], [sflag:$0x2] =	stream.indirect_vreg.gather [hbm4b:s11+s4], $0x80, v3, vm0, $0xb8;
	[tilespmem:$0x1B400] =	vst v63  }
0xb0: {  	_ = 	snop  }
0xb1: {  	[tilespmem:s19], [sflag:$0x2] =	stream.indirect_vreg.gather [hbm4b:s12+s4], $0x80, v3, vm0, $0xb8;
	[tilespmem:$0x1B400] =	vst v63  }
0xb2: {  	_ =	swait.ge [sflag:s20], $0x6000  }
0xb3: {  	[sflag:s20] =	ssyncset.done $0x0  }
0xb4: {  	[sflag:s20] =	ssyncadd.s32 $0xFFFFA000  }
0xb5: {  	_ =	swait.ge [sflag:s20], $0x6000  }
0xb6: {  	p0 =	seq.s32 s24, $0x0;
	[sflag:s20] =	ssyncset.done $0x0  }
0xb7: {  	s0 =	simm.s32 @!p0 $0x3;
	[sflag:s20] =	ssyncadd.s32 $0xFFFFA000  }
0xb8: {  	_ =	swait.ge @!p0 [sflag:s0], $0x3000  }
0xb9: {  	s28 =	simm.s32 $0x0;
	[sflag:s0] =	ssyncset.done @!p0 $0x0  }
0xba: {  	s29 =	simm.s32 $0x0;
	s25 =	sor.u32 $0x20, s26;
	[sflag:s0] =	ssyncadd.s32 @!p0 $0xFFFFD000  }
.LBB2_3:
0xbb: {  	s1 =	sshrl.u32 s29, $0x2  }
0xbc: {  	s30 =	smul.u32 $0x1800, s1  }
0xbd: {  	s0 =	sand.u32 $0x300, s28  }
0xbe: {  	s8 =	sor.u32 s0, s30  }
0xbf: {  	s31 =	sadd.s32 $0xC00, s30;
	v3 =	vld [tilespmem:s8+$0x400]  }
0xc0: {  	v4 =	vld [tilespmem:s8+$0x6400];
	s7 =	sor.u32 s0, s31  }
0xc1: {  	v5 =	vld [tilespmem:s7+$0x400]  }
0xc2: {  	v6 =	vld [tilespmem:s7+$0x6400];
	_ =	sdelay $0x3  }
0xc3: {  	s1 =	smul.u32 $0x3000, s1  }
0xc4: {  	v3 =	vadd.f32 v4, v3;
	v40 =	vadd.f32 v6, v5  }
0xc5: {  	s14 =	sshra.s32 s1, $0x2  }
0xc6: {  	s1 =	sadd.s32 $0x18400, s14;
	v3 =	vshrl.u32 v3, $0x10;
	v4 =	vand.u32 $0xFFFF0000, v40  }
0xc7: {  	s13 =	sor.u32 s0, s1;
	v3 =	vor.u32 v3, v4  }
0xc8: {  	[tilespmem:s13+$0x0] =	vst v3  }
0xc9: {  	v3 =	vld [tilespmem:s8+$0x410]  }
0xca: {  	v41 =	vld [tilespmem:s8+$0x6410]  }
0xcb: {  	v42 =	vld [tilespmem:s7+$0x410]  }
0xcc: {  	v43 =	vld [tilespmem:s7+$0x6410];
	_ =	sdelay $0x4  }
0xcd: {  	v3 =	vadd.f32 v41, v3;
	v44 =	vadd.f32 v43, v42;
	_ =	sdelay $0x1  }
0xce: {  	v3 =	vshrl.u32 v3, $0x10;
	v4 =	vand.u32 $0xFFFF0000, v44  }
0xcf: {  	v3 =	vor.u32 v3, v4  }
0xd0: {  	[tilespmem:s13+$0x10] =	vst v3  }
0xd1: {  	v3 =	vld [tilespmem:s8+$0x420]  }
0xd2: {  	v45 =	vld [tilespmem:s8+$0x6420]  }
0xd3: {  	v46 =	vld [tilespmem:s7+$0x420]  }
0xd4: {  	v47 =	vld [tilespmem:s7+$0x6420];
	_ =	sdelay $0x4  }
0xd5: {  	v3 =	vadd.f32 v45, v3;
	v48 =	vadd.f32 v47, v46;
	_ =	sdelay $0x1  }
0xd6: {  	v3 =	vshrl.u32 v3, $0x10;
	v4 =	vand.u32 $0xFFFF0000, v48  }
0xd7: {  	v3 =	vor.u32 v3, v4  }
0xd8: {  	[tilespmem:s13+$0x20] =	vst v3  }
0xd9: {  	v3 =	vld [tilespmem:s8+$0x430]  }
0xda: {  	v49 =	vld [tilespmem:s8+$0x6430]  }
0xdb: {  	v50 =	vld [tilespmem:s7+$0x430]  }
0xdc: {  	v51 =	vld [tilespmem:s7+$0x6430];
	_ =	sdelay $0x4  }
0xdd: {  	v3 =	vadd.f32 v49, v3;
	v52 =	vadd.f32 v51, v50;
	_ =	sdelay $0x1  }
0xde: {  	v3 =	vshrl.u32 v3, $0x10;
	v4 =	vand.u32 $0xFFFF0000, v52  }
0xdf: {  	v3 =	vor.u32 v3, v4  }
0xe0: {  	[tilespmem:s13+$0x30] =	vst v3  }
0xe1: {  	v3 =	vld [tilespmem:s8+$0x440]  }
0xe2: {  	v53 =	vld [tilespmem:s8+$0x6440]  }
0xe3: {  	v54 =	vld [tilespmem:s7+$0x440]  }
0xe4: {  	v55 =	vld [tilespmem:s7+$0x6440];
	_ =	sdelay $0x4  }
0xe5: {  	v3 =	vadd.f32 v53, v3;
	v56 =	vadd.f32 v55, v54;
	_ =	sdelay $0x1  }
0xe6: {  	v3 =	vshrl.u32 v3, $0x10;
	v4 =	vand.u32 $0xFFFF0000, v56  }
0xe7: {  	v3 =	vor.u32 v3, v4  }
0xe8: {  	[tilespmem:s13+$0x40] =	vst v3  }
0xe9: {  	v3 =	vld [tilespmem:s8+$0x450]  }
0xea: {  	v57 =	vld [tilespmem:s8+$0x6450]  }
0xeb: {  	v58 =	vld [tilespmem:s7+$0x450]  }
0xec: {  	v59 =	vld [tilespmem:s7+$0x6450];
	_ =	sdelay $0x4  }
0xed: {  	v3 =	vadd.f32 v57, v3;
	v60 =	vadd.f32 v59, v58;
	_ =	sdelay $0x1  }
0xee: {  	v3 =	vshrl.u32 v3, $0x10;
	v4 =	vand.u32 $0xFFFF0000, v60  }
0xef: {  	v3 =	vor.u32 v3, v4  }
0xf0: {  	[tilespmem:s13+$0x50] =	vst v3  }
0xf1: {  	v3 =	vld [tilespmem:s8+$0x460]  }
0xf2: {  	v61 =	vld [tilespmem:s8+$0x6460]  }
0xf3: {  	v62 =	vld [tilespmem:s7+$0x460]  }
0xf4: {  	v63 =	vld [tilespmem:s7+$0x6460];
	_ =	sdelay $0x4  }
0xf5: {  	v3 =	vadd.f32 v61, v3;
	v9 =	vadd.f32 v63, v62;
	_ =	sdelay $0x1  }
0xf6: {  	v3 =	vshrl.u32 v3, $0x10;
	v4 =	vand.u32 $0xFFFF0000, v9  }
0xf7: {  	v3 =	vor.u32 v3, v4  }
0xf8: {  	[tilespmem:s13+$0x60] =	vst v3  }
0xf9: {  	v3 =	vld [tilespmem:s8+$0x470]  }
0xfa: {  	v10 =	vld [tilespmem:s8+$0x6470]  }
0xfb: {  	v11 =	vld [tilespmem:s7+$0x470]  }
0xfc: {  	v12 =	vld [tilespmem:s7+$0x6470];
	_ =	sdelay $0x4  }
0xfd: {  	v3 =	vadd.f32 v10, v3;
	v13 =	vadd.f32 v12, v11;
	_ =	sdelay $0x1  }
0xfe: {  	v3 =	vshrl.u32 v3, $0x10;
	v4 =	vand.u32 $0xFFFF0000, v13  }
0xff: {  	v3 =	vor.u32 v3, v4  }
0x100: {  	[tilespmem:s13+$0x70] =	vst v3  }
0x101: {  	s15 =	sadd.s32 $0x1000, s30;
	v3 =	vld [tilespmem:s8+$0x800]  }
0x102: {  	s18 =	sor.u32 s0, s15;
	v14 =	vld [tilespmem:s8+$0x6800]  }
0x103: {  	v15 =	vld [tilespmem:s18+$0x400]  }
0x104: {  	v16 =	vld [tilespmem:s18+$0x6400];
	_ =	sdelay $0x4  }
0x105: {  	v3 =	vadd.f32 v14, v3;
	v17 =	vadd.f32 v16, v15;
	_ =	sdelay $0x1  }
0x106: {  	s7 =	sadd.s32 $0x18800, s14;
	v3 =	vshrl.u32 v3, $0x10;
	v4 =	vand.u32 $0xFFFF0000, v17  }
0x107: {  	s16 =	sor.u32 s0, s7;
	v3 =	vor.u32 v3, v4  }
0x108: {  	[tilespmem:s16+$0x0] =	vst v3  }
0x109: {  	v3 =	vld [tilespmem:s8+$0x810]  }
0x10a: {  	v18 =	vld [tilespmem:s8+$0x6810]  }
0x10b: {  	v19 =	vld [tilespmem:s18+$0x410]  }
0x10c: {  	v20 =	vld [tilespmem:s18+$0x6410];
	_ =	sdelay $0x4  }
0x10d: {  	v3 =	vadd.f32 v18, v3;
	v21 =	vadd.f32 v20, v19;
	_ =	sdelay $0x1  }
0x10e: {  	v3 =	vshrl.u32 v3, $0x10;
	v4 =	vand.u32 $0xFFFF0000, v21  }
0x10f: {  	v3 =	vor.u32 v3, v4  }
0x110: {  	[tilespmem:s16+$0x10] =	vst v3  }
0x111: {  	v3 =	vld [tilespmem:s8+$0x820]  }
0x112: {  	v22 =	vld [tilespmem:s8+$0x6820]  }
0x113: {  	v23 =	vld [tilespmem:s18+$0x420]  }
0x114: {  	v24 =	vld [tilespmem:s18+$0x6420];
	_ =	sdelay $0x4  }
0x115: {  	v3 =	vadd.f32 v22, v3;
	v25 =	vadd.f32 v24, v23;
	_ =	sdelay $0x1  }
0x116: {  	v3 =	vshrl.u32 v3, $0x10;
	v4 =	vand.u32 $0xFFFF0000, v25  }
0x117: {  	v3 =	vor.u32 v3, v4  }
0x118: {  	[tilespmem:s16+$0x20] =	vst v3  }
0x119: {  	v3 =	vld [tilespmem:s8+$0x830]  }
0x11a: {  	v26 =	vld [tilespmem:s8+$0x6830]  }
0x11b: {  	v27 =	vld [tilespmem:s18+$0x430]  }
0x11c: {  	v28 =	vld [tilespmem:s18+$0x6430];
	_ =	sdelay $0x4  }
0x11d: {  	v3 =	vadd.f32 v26, v3;
	v29 =	vadd.f32 v28, v27;
	_ =	sdelay $0x1  }
0x11e: {  	v3 =	vshrl.u32 v3, $0x10;
	v4 =	vand.u32 $0xFFFF0000, v29  }
0x11f: {  	v3 =	vor.u32 v3, v4  }
0x120: {  	[tilespmem:s16+$0x30] =	vst v3  }
0x121: {  	v3 =	vld [tilespmem:s8+$0x840]  }
0x122: {  	v30 =	vld [tilespmem:s8+$0x6840]  }
0x123: {  	v31 =	vld [tilespmem:s18+$0x440]  }
0x124: {  	v32 =	vld [tilespmem:s18+$0x6440];
	_ =	sdelay $0x4  }
0x125: {  	v3 =	vadd.f32 v30, v3;
	v33 =	vadd.f32 v32, v31;
	_ =	sdelay $0x1  }
0x126: {  	v3 =	vshrl.u32 v3, $0x10;
	v4 =	vand.u32 $0xFFFF0000, v33  }
0x127: {  	v3 =	vor.u32 v3, v4  }
0x128: {  	[tilespmem:s16+$0x40] =	vst v3  }
0x129: {  	v3 =	vld [tilespmem:s8+$0x850]  }
0x12a: {  	v34 =	vld [tilespmem:s8+$0x6850]  }
0x12b: {  	v35 =	vld [tilespmem:s18+$0x450]  }
0x12c: {  	v36 =	vld [tilespmem:s18+$0x6450];
	_ =	sdelay $0x4  }
0x12d: {  	v3 =	vadd.f32 v34, v3;
	v37 =	vadd.f32 v36, v35;
	_ =	sdelay $0x1  }
0x12e: {  	v3 =	vshrl.u32 v3, $0x10;
	v4 =	vand.u32 $0xFFFF0000, v37  }
0x12f: {  	v3 =	vor.u32 v3, v4  }
0x130: {  	[tilespmem:s16+$0x50] =	vst v3  }
0x131: {  	v3 =	vld [tilespmem:s8+$0x860]  }
0x132: {  	v38 =	vld [tilespmem:s8+$0x6860]  }
0x133: {  	v39 =	vld [tilespmem:s18+$0x460]  }
0x134: {  	v40 =	vld [tilespmem:s18+$0x6460];
	_ =	sdelay $0x4  }
0x135: {  	v3 =	vadd.f32 v38, v3;
	v41 =	vadd.f32 v40, v39;
	_ =	sdelay $0x1  }
0x136: {  	v3 =	vshrl.u32 v3, $0x10;
	v4 =	vand.u32 $0xFFFF0000, v41  }
0x137: {  	v3 =	vor.u32 v3, v4  }
0x138: {  	[tilespmem:s16+$0x60] =	vst v3  }
0x139: {  	v3 =	vld [tilespmem:s8+$0x870]  }
0x13a: {  	v42 =	vld [tilespmem:s8+$0x6870]  }
0x13b: {  	v43 =	vld [tilespmem:s18+$0x470]  }
0x13c: {  	v44 =	vld [tilespmem:s18+$0x6470];
	_ =	sdelay $0x4  }
0x13d: {  	v3 =	vadd.f32 v42, v3;
	v45 =	vadd.f32 v44, v43;
	_ =	sdelay $0x1  }
0x13e: {  	v3 =	vshrl.u32 v3, $0x10;
	v4 =	vand.u32 $0xFFFF0000, v45  }
0x13f: {  	s8 =	sadd.s32 $0x800, s30;
	v3 =	vor.u32 v3, v4  }
0x140: {  	[tilespmem:s16+$0x70] =	vst v3;
	s16 =	sor.u32 s0, s8  }
0x141: {  	s13 =	sadd.s32 $0x1400, s30;
	v3 =	vld [tilespmem:s16+$0x400]  }
0x142: {  	s17 =	sor.u32 s0, s13;
	v46 =	vld [tilespmem:s16+$0x6400]  }
0x143: {  	v47 =	vld [tilespmem:s17+$0x400]  }
0x144: {  	v48 =	vld [tilespmem:s17+$0x6400];
	_ =	sdelay $0x4  }
0x145: {  	v3 =	vadd.f32 v46, v3;
	v49 =	vadd.f32 v48, v47;
	_ =	sdelay $0x1  }
0x146: {  	s14 =	sadd.s32 $0x18C00, s14;
	v3 =	vshrl.u32 v3, $0x10;
	v4 =	vand.u32 $0xFFFF0000, v49  }
0x147: {  	s18 =	sor.u32 s0, s14;
	v3 =	vor.u32 v3, v4  }
0x148: {  	[tilespmem:s18+$0x0] =	vst v3  }
0x149: {  	v3 =	vld [tilespmem:s16+$0x410]  }
0x14a: {  	v50 =	vld [tilespmem:s16+$0x6410]  }
0x14b: {  	v51 =	vld [tilespmem:s17+$0x410]  }
0x14c: {  	v52 =	vld [tilespmem:s17+$0x6410];
	_ =	sdelay $0x4  }
0x14d: {  	v3 =	vadd.f32 v50, v3;
	v53 =	vadd.f32 v52, v51;
	_ =	sdelay $0x1  }
0x14e: {  	v3 =	vshrl.u32 v3, $0x10;
	v4 =	vand.u32 $0xFFFF0000, v53  }
0x14f: {  	v3 =	vor.u32 v3, v4  }
0x150: {  	[tilespmem:s18+$0x10] =	vst v3  }
0x151: {  	v3 =	vld [tilespmem:s16+$0x420]  }
0x152: {  	v54 =	vld [tilespmem:s16+$0x6420]  }
0x153: {  	v55 =	vld [tilespmem:s17+$0x420]  }
0x154: {  	v56 =	vld [tilespmem:s17+$0x6420];
	_ =	sdelay $0x4  }
0x155: {  	v3 =	vadd.f32 v54, v3;
	v57 =	vadd.f32 v56, v55;
	_ =	sdelay $0x1  }
0x156: {  	v3 =	vshrl.u32 v3, $0x10;
	v4 =	vand.u32 $0xFFFF0000, v57  }
0x157: {  	v3 =	vor.u32 v3, v4  }
0x158: {  	[tilespmem:s18+$0x20] =	vst v3  }
0x159: {  	v3 =	vld [tilespmem:s16+$0x430]  }
0x15a: {  	v58 =	vld [tilespmem:s16+$0x6430]  }
0x15b: {  	v59 =	vld [tilespmem:s17+$0x430]  }
0x15c: {  	v60 =	vld [tilespmem:s17+$0x6430];
	_ =	sdelay $0x4  }
0x15d: {  	v3 =	vadd.f32 v58, v3;
	v61 =	vadd.f32 v60, v59;
	_ =	sdelay $0x1  }
0x15e: {  	v3 =	vshrl.u32 v3, $0x10;
	v4 =	vand.u32 $0xFFFF0000, v61  }
0x15f: {  	v3 =	vor.u32 v3, v4  }
0x160: {  	[tilespmem:s18+$0x30] =	vst v3  }
0x161: {  	v3 =	vld [tilespmem:s16+$0x440]  }
0x162: {  	v62 =	vld [tilespmem:s16+$0x6440]  }
0x163: {  	v63 =	vld [tilespmem:s17+$0x440]  }
0x164: {  	v9 =	vld [tilespmem:s17+$0x6440];
	_ =	sdelay $0x4  }
0x165: {  	v3 =	vadd.f32 v62, v3;
	v10 =	vadd.f32 v9, v63;
	_ =	sdelay $0x1  }
0x166: {  	v3 =	vshrl.u32 v3, $0x10;
	v4 =	vand.u32 $0xFFFF0000, v10  }
0x167: {  	v3 =	vor.u32 v3, v4  }
0x168: {  	[tilespmem:s18+$0x40] =	vst v3  }
0x169: {  	v3 =	vld [tilespmem:s16+$0x450]  }
0x16a: {  	v11 =	vld [tilespmem:s16+$0x6450]  }
0x16b: {  	v12 =	vld [tilespmem:s17+$0x450]  }
0x16c: {  	v13 =	vld [tilespmem:s17+$0x6450];
	_ =	sdelay $0x4  }
0x16d: {  	v3 =	vadd.f32 v11, v3;
	v14 =	vadd.f32 v13, v12;
	_ =	sdelay $0x1  }
0x16e: {  	v3 =	vshrl.u32 v3, $0x10;
	v4 =	vand.u32 $0xFFFF0000, v14  }
0x16f: {  	v3 =	vor.u32 v3, v4  }
0x170: {  	[tilespmem:s18+$0x50] =	vst v3  }
0x171: {  	v3 =	vld [tilespmem:s16+$0x460]  }
0x172: {  	v15 =	vld [tilespmem:s16+$0x6460]  }
0x173: {  	v16 =	vld [tilespmem:s17+$0x460]  }
0x174: {  	v17 =	vld [tilespmem:s17+$0x6460];
	_ =	sdelay $0x4  }
0x175: {  	v3 =	vadd.f32 v15, v3;
	v18 =	vadd.f32 v17, v16;
	_ =	sdelay $0x1  }
0x176: {  	v3 =	vshrl.u32 v3, $0x10;
	v4 =	vand.u32 $0xFFFF0000, v18  }
0x177: {  	v3 =	vor.u32 v3, v4  }
0x178: {  	[tilespmem:s18+$0x60] =	vst v3  }
0x179: {  	v3 =	vld [tilespmem:s16+$0x470]  }
0x17a: {  	v19 =	vld [tilespmem:s16+$0x6470]  }
0x17b: {  	v20 =	vld [tilespmem:s17+$0x470]  }
0x17c: {  	v21 =	vld [tilespmem:s17+$0x6470];
	_ =	sdelay $0x4  }
0x17d: {  	v3 =	vadd.f32 v19, v3;
	v22 =	vadd.f32 v21, v20;
	_ =	sdelay $0x1  }
0x17e: {  	v3 =	vshrl.u32 v3, $0x10;
	v4 =	vand.u32 $0xFFFF0000, v22  }
0x17f: {  	s0 =	sor.u32 $0x80, s0;
	v3 =	vor.u32 v3, v4  }
0x180: {  	s30 =	sor.u32 s30, s0;
	[tilespmem:s18+$0x70] =	vst v3  }
0x181: {  	v3 =	vld [tilespmem:s30+$0x400]  }
0x182: {  	s17 =	sor.u32 s0, s31;
	v23 =	vld [tilespmem:s30+$0x6400]  }
0x183: {  	v24 =	vld [tilespmem:s17+$0x400]  }
0x184: {  	v25 =	vld [tilespmem:s17+$0x6400];
	_ =	sdelay $0x4  }
0x185: {  	v3 =	vadd.f32 v23, v3;
	v26 =	vadd.f32 v25, v24;
	_ =	sdelay $0x1  }
0x186: {  	v3 =	vshrl.u32 v3, $0x10;
	v4 =	vand.u32 $0xFFFF0000, v26  }
0x187: {  	s1 =	sor.u32 s0, s1;
	v3 =	vor.u32 v3, v4  }
0x188: {  	[tilespmem:s1+$0x0] =	vst v3  }
0x189: {  	v3 =	vld [tilespmem:s30+$0x410]  }
0x18a: {  	v27 =	vld [tilespmem:s30+$0x6410]  }
0x18b: {  	v28 =	vld [tilespmem:s17+$0x410]  }
0x18c: {  	v29 =	vld [tilespmem:s17+$0x6410];
	_ =	sdelay $0x4  }
0x18d: {  	v3 =	vadd.f32 v27, v3;
	v30 =	vadd.f32 v29, v28;
	_ =	sdelay $0x1  }
0x18e: {  	v3 =	vshrl.u32 v3, $0x10;
	v4 =	vand.u32 $0xFFFF0000, v30  }
0x18f: {  	v3 =	vor.u32 v3, v4  }
0x190: {  	[tilespmem:s1+$0x10] =	vst v3  }
0x191: {  	v3 =	vld [tilespmem:s30+$0x420]  }
0x192: {  	v31 =	vld [tilespmem:s30+$0x6420]  }
0x193: {  	v32 =	vld [tilespmem:s17+$0x420]  }
0x194: {  	v33 =	vld [tilespmem:s17+$0x6420];
	_ =	sdelay $0x4  }
0x195: {  	v3 =	vadd.f32 v31, v3;
	v34 =	vadd.f32 v33, v32;
	_ =	sdelay $0x1  }
0x196: {  	v3 =	vshrl.u32 v3, $0x10;
	v4 =	vand.u32 $0xFFFF0000, v34  }
0x197: {  	v3 =	vor.u32 v3, v4  }
0x198: {  	[tilespmem:s1+$0x20] =	vst v3  }
0x199: {  	v3 =	vld [tilespmem:s30+$0x430]  }
0x19a: {  	v35 =	vld [tilespmem:s30+$0x6430]  }
0x19b: {  	v36 =	vld [tilespmem:s17+$0x430]  }
0x19c: {  	v37 =	vld [tilespmem:s17+$0x6430];
	_ =	sdelay $0x4  }
0x19d: {  	v3 =	vadd.f32 v35, v3;
	v38 =	vadd.f32 v37, v36;
	_ =	sdelay $0x1  }
0x19e: {  	v3 =	vshrl.u32 v3, $0x10;
	v4 =	vand.u32 $0xFFFF0000, v38  }
0x19f: {  	v3 =	vor.u32 v3, v4  }
0x1a0: {  	[tilespmem:s1+$0x30] =	vst v3  }
0x1a1: {  	v3 =	vld [tilespmem:s30+$0x440]  }
0x1a2: {  	v39 =	vld [tilespmem:s30+$0x6440]  }
0x1a3: {  	v40 =	vld [tilespmem:s17+$0x440]  }
0x1a4: {  	v41 =	vld [tilespmem:s17+$0x6440];
	_ =	sdelay $0x4  }
0x1a5: {  	v3 =	vadd.f32 v39, v3;
	v42 =	vadd.f32 v41, v40;
	_ =	sdelay $0x1  }
0x1a6: {  	v3 =	vshrl.u32 v3, $0x10;
	v4 =	vand.u32 $0xFFFF0000, v42  }
0x1a7: {  	v3 =	vor.u32 v3, v4  }
0x1a8: {  	[tilespmem:s1+$0x40] =	vst v3  }
0x1a9: {  	v3 =	vld [tilespmem:s30+$0x450]  }
0x1aa: {  	v43 =	vld [tilespmem:s30+$0x6450]  }
0x1ab: {  	v44 =	vld [tilespmem:s17+$0x450]  }
0x1ac: {  	v45 =	vld [tilespmem:s17+$0x6450];
	_ =	sdelay $0x4  }
0x1ad: {  	v3 =	vadd.f32 v43, v3;
	v46 =	vadd.f32 v45, v44;
	_ =	sdelay $0x1  }
0x1ae: {  	v3 =	vshrl.u32 v3, $0x10;
	v4 =	vand.u32 $0xFFFF0000, v46  }
0x1af: {  	v3 =	vor.u32 v3, v4  }
0x1b0: {  	[tilespmem:s1+$0x50] =	vst v3  }
0x1b1: {  	v3 =	vld [tilespmem:s30+$0x460]  }
0x1b2: {  	v47 =	vld [tilespmem:s30+$0x6460]  }
0x1b3: {  	v48 =	vld [tilespmem:s17+$0x460]  }
0x1b4: {  	v49 =	vld [tilespmem:s17+$0x6460];
	_ =	sdelay $0x4  }
0x1b5: {  	v3 =	vadd.f32 v47, v3;
	v50 =	vadd.f32 v49, v48;
	_ =	sdelay $0x1  }
0x1b6: {  	v3 =	vshrl.u32 v3, $0x10;
	v4 =	vand.u32 $0xFFFF0000, v50  }
0x1b7: {  	v3 =	vor.u32 v3, v4  }
0x1b8: {  	[tilespmem:s1+$0x60] =	vst v3  }
0x1b9: {  	v3 =	vld [tilespmem:s30+$0x470]  }
0x1ba: {  	v51 =	vld [tilespmem:s30+$0x6470]  }
0x1bb: {  	v52 =	vld [tilespmem:s17+$0x470]  }
0x1bc: {  	v53 =	vld [tilespmem:s17+$0x6470];
	_ =	sdelay $0x4  }
0x1bd: {  	v3 =	vadd.f32 v51, v3;
	v54 =	vadd.f32 v53, v52;
	_ =	sdelay $0x1  }
0x1be: {  	v3 =	vshrl.u32 v3, $0x10;
	v4 =	vand.u32 $0xFFFF0000, v54  }
0x1bf: {  	v3 =	vor.u32 v3, v4  }
0x1c0: {  	[tilespmem:s1+$0x70] =	vst v3  }
0x1c1: {  	v3 =	vld [tilespmem:s30+$0x800]  }
0x1c2: {  	s18 =	sor.u32 s0, s15;
	v55 =	vld [tilespmem:s30+$0x6800]  }
0x1c3: {  	v56 =	vld [tilespmem:s18+$0x400]  }
0x1c4: {  	v57 =	vld [tilespmem:s18+$0x6400];
	_ =	sdelay $0x4  }
0x1c5: {  	v3 =	vadd.f32 v55, v3;
	v58 =	vadd.f32 v57, v56;
	_ =	sdelay $0x1  }
0x1c6: {  	v3 =	vshrl.u32 v3, $0x10;
	v4 =	vand.u32 $0xFFFF0000, v58  }
0x1c7: {  	s7 =	sor.u32 s0, s7;
	v3 =	vor.u32 v3, v4  }
0x1c8: {  	[tilespmem:s7+$0x0] =	vst v3  }
0x1c9: {  	v3 =	vld [tilespmem:s30+$0x810]  }
0x1ca: {  	v59 =	vld [tilespmem:s30+$0x6810]  }
0x1cb: {  	v60 =	vld [tilespmem:s18+$0x410]  }
0x1cc: {  	v61 =	vld [tilespmem:s18+$0x6410];
	_ =	sdelay $0x4  }
0x1cd: {  	v3 =	vadd.f32 v59, v3;
	v62 =	vadd.f32 v61, v60;
	_ =	sdelay $0x1  }
0x1ce: {  	v3 =	vshrl.u32 v3, $0x10;
	v4 =	vand.u32 $0xFFFF0000, v62  }
0x1cf: {  	v3 =	vor.u32 v3, v4  }
0x1d0: {  	[tilespmem:s7+$0x10] =	vst v3  }
0x1d1: {  	v3 =	vld [tilespmem:s30+$0x820]  }
0x1d2: {  	v63 =	vld [tilespmem:s30+$0x6820]  }
0x1d3: {  	v9 =	vld [tilespmem:s18+$0x420]  }
0x1d4: {  	v10 =	vld [tilespmem:s18+$0x6420];
	_ =	sdelay $0x4  }
0x1d5: {  	v3 =	vadd.f32 v63, v3;
	v11 =	vadd.f32 v10, v9;
	_ =	sdelay $0x1  }
0x1d6: {  	v3 =	vshrl.u32 v3, $0x10;
	v4 =	vand.u32 $0xFFFF0000, v11  }
0x1d7: {  	v3 =	vor.u32 v3, v4  }
0x1d8: {  	[tilespmem:s7+$0x20] =	vst v3  }
0x1d9: {  	v3 =	vld [tilespmem:s30+$0x830]  }
0x1da: {  	v12 =	vld [tilespmem:s30+$0x6830]  }
0x1db: {  	v13 =	vld [tilespmem:s18+$0x430]  }
0x1dc: {  	v14 =	vld [tilespmem:s18+$0x6430];
	_ =	sdelay $0x4  }
0x1dd: {  	v3 =	vadd.f32 v12, v3;
	v15 =	vadd.f32 v14, v13;
	_ =	sdelay $0x1  }
0x1de: {  	v3 =	vshrl.u32 v3, $0x10;
	v4 =	vand.u32 $0xFFFF0000, v15  }
0x1df: {  	v3 =	vor.u32 v3, v4  }
0x1e0: {  	[tilespmem:s7+$0x30] =	vst v3  }
0x1e1: {  	v3 =	vld [tilespmem:s30+$0x840]  }
0x1e2: {  	v16 =	vld [tilespmem:s30+$0x6840]  }
0x1e3: {  	v17 =	vld [tilespmem:s18+$0x440]  }
0x1e4: {  	v18 =	vld [tilespmem:s18+$0x6440];
	_ =	sdelay $0x4  }
0x1e5: {  	v3 =	vadd.f32 v16, v3;
	v19 =	vadd.f32 v18, v17;
	_ =	sdelay $0x1  }
0x1e6: {  	v3 =	vshrl.u32 v3, $0x10;
	v4 =	vand.u32 $0xFFFF0000, v19  }
0x1e7: {  	v3 =	vor.u32 v3, v4  }
0x1e8: {  	[tilespmem:s7+$0x40] =	vst v3  }
0x1e9: {  	v3 =	vld [tilespmem:s30+$0x850]  }
0x1ea: {  	v20 =	vld [tilespmem:s30+$0x6850]  }
0x1eb: {  	v21 =	vld [tilespmem:s18+$0x450]  }
0x1ec: {  	v22 =	vld [tilespmem:s18+$0x6450];
	_ =	sdelay $0x4  }
0x1ed: {  	v3 =	vadd.f32 v20, v3;
	v23 =	vadd.f32 v22, v21;
	_ =	sdelay $0x1  }
0x1ee: {  	v3 =	vshrl.u32 v3, $0x10;
	v4 =	vand.u32 $0xFFFF0000, v23  }
0x1ef: {  	v3 =	vor.u32 v3, v4  }
0x1f0: {  	[tilespmem:s7+$0x50] =	vst v3  }
0x1f1: {  	v3 =	vld [tilespmem:s30+$0x860]  }
0x1f2: {  	v24 =	vld [tilespmem:s30+$0x6860]  }
0x1f3: {  	v25 =	vld [tilespmem:s18+$0x460]  }
0x1f4: {  	v26 =	vld [tilespmem:s18+$0x6460];
	_ =	sdelay $0x4  }
0x1f5: {  	v3 =	vadd.f32 v24, v3;
	v27 =	vadd.f32 v26, v25;
	_ =	sdelay $0x1  }
0x1f6: {  	v3 =	vshrl.u32 v3, $0x10;
	v4 =	vand.u32 $0xFFFF0000, v27  }
0x1f7: {  	v3 =	vor.u32 v3, v4  }
0x1f8: {  	[tilespmem:s7+$0x60] =	vst v3  }
0x1f9: {  	v3 =	vld [tilespmem:s30+$0x870]  }
0x1fa: {  	v28 =	vld [tilespmem:s30+$0x6870]  }
0x1fb: {  	v29 =	vld [tilespmem:s18+$0x470]  }
0x1fc: {  	v30 =	vld [tilespmem:s18+$0x6470];
	_ =	sdelay $0x4  }
0x1fd: {  	v3 =	vadd.f32 v28, v3;
	v31 =	vadd.f32 v30, v29;
	_ =	sdelay $0x1  }
0x1fe: {  	v3 =	vshrl.u32 v3, $0x10;
	v4 =	vand.u32 $0xFFFF0000, v31  }
0x1ff: {  	v3 =	vor.u32 v3, v4  }
0x200: {  	s30 =	sor.u32 s0, s8;
	[tilespmem:s7+$0x70] =	vst v3  }
0x201: {  	v3 =	vld [tilespmem:s30+$0x400]  }
0x202: {  	s31 =	sor.u32 s0, s13;
	v32 =	vld [tilespmem:s30+$0x6400]  }
0x203: {  	v33 =	vld [tilespmem:s31+$0x400]  }
0x204: {  	v34 =	vld [tilespmem:s31+$0x6400];
	_ =	sdelay $0x4  }
0x205: {  	v3 =	vadd.f32 v32, v3;
	v35 =	vadd.f32 v34, v33;
	_ =	sdelay $0x1  }
0x206: {  	v3 =	vshrl.u32 v3, $0x10;
	v4 =	vand.u32 $0xFFFF0000, v35  }
0x207: {  	s0 =	sor.u32 s0, s14;
	v3 =	vor.u32 v3, v4  }
0x208: {  	[tilespmem:s0+$0x0] =	vst v3  }
0x209: {  	v3 =	vld [tilespmem:s30+$0x410]  }
0x20a: {  	v36 =	vld [tilespmem:s30+$0x6410]  }
0x20b: {  	v37 =	vld [tilespmem:s31+$0x410]  }
0x20c: {  	v38 =	vld [tilespmem:s31+$0x6410];
	_ =	sdelay $0x4  }
0x20d: {  	v3 =	vadd.f32 v36, v3;
	v39 =	vadd.f32 v38, v37;
	_ =	sdelay $0x1  }
0x20e: {  	v3 =	vshrl.u32 v3, $0x10;
	v4 =	vand.u32 $0xFFFF0000, v39  }
0x20f: {  	v3 =	vor.u32 v3, v4  }
0x210: {  	[tilespmem:s0+$0x10] =	vst v3  }
0x211: {  	v3 =	vld [tilespmem:s30+$0x420]  }
0x212: {  	v40 =	vld [tilespmem:s30+$0x6420]  }
0x213: {  	v41 =	vld [tilespmem:s31+$0x420]  }
0x214: {  	v42 =	vld [tilespmem:s31+$0x6420];
	_ =	sdelay $0x4  }
0x215: {  	v3 =	vadd.f32 v40, v3;
	v43 =	vadd.f32 v42, v41;
	_ =	sdelay $0x1  }
0x216: {  	v3 =	vshrl.u32 v3, $0x10;
	v4 =	vand.u32 $0xFFFF0000, v43  }
0x217: {  	v3 =	vor.u32 v3, v4  }
0x218: {  	[tilespmem:s0+$0x20] =	vst v3  }
0x219: {  	v3 =	vld [tilespmem:s30+$0x430]  }
0x21a: {  	v44 =	vld [tilespmem:s30+$0x6430]  }
0x21b: {  	v45 =	vld [tilespmem:s31+$0x430]  }
0x21c: {  	v46 =	vld [tilespmem:s31+$0x6430];
	_ =	sdelay $0x4  }
0x21d: {  	v3 =	vadd.f32 v44, v3;
	v47 =	vadd.f32 v46, v45;
	_ =	sdelay $0x1  }
0x21e: {  	v3 =	vshrl.u32 v3, $0x10;
	v4 =	vand.u32 $0xFFFF0000, v47  }
0x21f: {  	v3 =	vor.u32 v3, v4  }
0x220: {  	[tilespmem:s0+$0x30] =	vst v3  }
0x221: {  	v3 =	vld [tilespmem:s30+$0x440]  }
0x222: {  	v48 =	vld [tilespmem:s30+$0x6440]  }
0x223: {  	v49 =	vld [tilespmem:s31+$0x440]  }
0x224: {  	v50 =	vld [tilespmem:s31+$0x6440];
	_ =	sdelay $0x4  }
0x225: {  	v3 =	vadd.f32 v48, v3;
	v51 =	vadd.f32 v50, v49;
	_ =	sdelay $0x1  }
0x226: {  	v3 =	vshrl.u32 v3, $0x10;
	v4 =	vand.u32 $0xFFFF0000, v51  }
0x227: {  	v3 =	vor.u32 v3, v4  }
0x228: {  	[tilespmem:s0+$0x40] =	vst v3  }
0x229: {  	v3 =	vld [tilespmem:s30+$0x450]  }
0x22a: {  	v52 =	vld [tilespmem:s30+$0x6450]  }
0x22b: {  	v53 =	vld [tilespmem:s31+$0x450]  }
0x22c: {  	v54 =	vld [tilespmem:s31+$0x6450];
	_ =	sdelay $0x4  }
0x22d: {  	v3 =	vadd.f32 v52, v3;
	v55 =	vadd.f32 v54, v53;
	_ =	sdelay $0x1  }
0x22e: {  	v3 =	vshrl.u32 v3, $0x10;
	v4 =	vand.u32 $0xFFFF0000, v55  }
0x22f: {  	v3 =	vor.u32 v3, v4  }
0x230: {  	[tilespmem:s0+$0x50] =	vst v3  }
0x231: {  	v3 =	vld [tilespmem:s30+$0x460]  }
0x232: {  	v56 =	vld [tilespmem:s30+$0x6460]  }
0x233: {  	v57 =	vld [tilespmem:s31+$0x460]  }
0x234: {  	v58 =	vld [tilespmem:s31+$0x6460];
	_ =	sdelay $0x4  }
0x235: {  	v3 =	vadd.f32 v56, v3;
	v59 =	vadd.f32 v58, v57;
	_ =	sdelay $0x1  }
0x236: {  	v3 =	vshrl.u32 v3, $0x10;
	v4 =	vand.u32 $0xFFFF0000, v59  }
0x237: {  	v3 =	vor.u32 v3, v4  }
0x238: {  	[tilespmem:s0+$0x60] =	vst v3  }
0x239: {  	v3 =	vld [tilespmem:s30+$0x470]  }
0x23a: {  	v60 =	vld [tilespmem:s30+$0x6470]  }
0x23b: {  	v61 =	vld [tilespmem:s31+$0x470]  }
0x23c: {  	v62 =	vld [tilespmem:s31+$0x6470];
	_ =	sdelay $0x3  }
0x23d: {  	p0 =	sne.s32 s29, $0xF  }
.Ltmp0:
0x23e: {  	v3 =	vadd.f32 v60, v3;
	v63 =	vadd.f32 v62, v61;
	(pc) =	sbr.rel @p0 .LBB2_3-.Ltmp0, $4  }
0x23f: {  	_ = 	snop  }
0x240: {  	v3 =	vshrl.u32 v3, $0x10;
	v4 =	vand.u32 $0xFFFF0000, v63  }
0x241: {  	v3 =	vor.u32 v3, v4  }
0x242: {  	s28 =	sadd.s32 $0x100, s28;
	s29 =	sadd.s32 $0x1, s29;
	[tilespmem:s0+$0x70] =	vst v3  }
0x243: {  	s0 =	sor.u32 s5, s26;
	p0 =	seq.s32 s24, $0x7  }
.Ltmp1:
0x244: {  	s0 =	sshrl.u32 s0, $0x3;
	(pc) =	sbr.rel @p0 .LBB2_6-.Ltmp1, $3  }
0x245: {  	s0 =	smul.u32 $0x180, s0;
	_ =	sdelay $0x1  }
0x246: {  	s0 =	sadd.s32 s6, s0  }
0x247: {  	[hbm4b:s0+s4] =	stream.linear.scatter [tilespmem:s21], [sflag:$0x3], $0x3000, $0x38;
	[tilespmem:$0x1B400] =	vst v63  }
0x248: {  	v3 =	vld [tilespmem:s26+$0x40];
	_ =	sdelay $0x4  }
0x249: {  	v4 =	vshrl.u32 v3, $0x3  }
0x24a: {  	v4 =	vmul.u32 $0x30, v4  }
0x24b: {  	v3 =	vand.u32 $0x7, v3  }
0x24c: {  	v3 =	vor.u32 v3, v4  }
0x24d: {  	v4 =	vperm.xlane v3, v0;
	_ =	sdelay $0x1  }
0x24e: {  	v4 =	vadd.s32 v1, v4;
	_ =	sdelay $0x3  }
0x24f: {  	s0 =	simm.s32 $0x400;
	v3 =	vperm.xlane v3, v2  }
0x250: {  	[tilespmem:s0], [sflag:$0x1] =	stream.indirect_vreg.gather [hbm4b:s2+s4], $0x80, v4, vm0, $0xb8;
	[tilespmem:$0x1B400] =	vst v63  }
0x251: {  	s14 =	simm.s32 $0xC00;
	v3 =	vadd.s32 v1, v3  }
0x252: {  	[tilespmem:s14], [sflag:$0x1] =	stream.indirect_vreg.gather [hbm4b:s9+s4], $0x80, v4, vm0, $0xb8;
	[tilespmem:$0x1B400] =	vst v63  }
0x253: {  	s15 =	simm.s32 $0x1400  }
0x254: {  	[tilespmem:s15], [sflag:$0x1] =	stream.indirect_vreg.gather [hbm4b:s10+s4], $0x80, v4, vm0, $0xb8;
	[tilespmem:$0x1B400] =	vst v63  }
0x255: {  	s16 =	simm.s32 $0x1C00  }
0x256: {  	[tilespmem:s16], [sflag:$0x1] =	stream.indirect_vreg.gather [hbm4b:s2+s4], $0x80, v3, vm0, $0xb8;
	[tilespmem:$0x1B400] =	vst v63  }
0x257: {  	s17 =	simm.s32 $0x2400  }
0x258: {  	[tilespmem:s17], [sflag:$0x1] =	stream.indirect_vreg.gather [hbm4b:s9+s4], $0x80, v3, vm0, $0xb8;
	[tilespmem:$0x1B400] =	vst v63  }
0x259: {  	s18 =	simm.s32 $0x2C00  }
0x25a: {  	[tilespmem:s18], [sflag:$0x1] =	stream.indirect_vreg.gather [hbm4b:s10+s4], $0x80, v3, vm0, $0xb8;
	[tilespmem:$0x1B400] =	vst v63  }
0x25b: {  	v3 =	vld [tilespmem:s26+$0x50];
	_ =	sdelay $0x4  }
0x25c: {  	v61 =	vshrl.u32 v3, $0x3  }
0x25d: {  	v4 =	vmul.u32 $0x30, v61  }
0x25e: {  	v3 =	vand.u32 $0x7, v3  }
0x25f: {  	v3 =	vor.u32 v3, v4  }
0x260: {  	v4 =	vperm.xlane v3, v0;
	_ =	sdelay $0x1  }
0x261: {  	v4 =	vadd.s32 v1, v4;
	_ =	sdelay $0x3  }
0x262: {  	s28 =	simm.s32 $0x3400;
	v3 =	vperm.xlane v3, v2  }
0x263: {  	[tilespmem:s28], [sflag:$0x1] =	stream.indirect_vreg.gather [hbm4b:s2+s4], $0x80, v4, vm0, $0xb8;
	[tilespmem:$0x1B400] =	vst v63  }
0x264: {  	s29 =	simm.s32 $0x3C00;
	v3 =	vadd.s32 v1, v3  }
0x265: {  	[tilespmem:s29], [sflag:$0x1] =	stream.indirect_vreg.gather [hbm4b:s9+s4], $0x80, v4, vm0, $0xb8;
	[tilespmem:$0x1B400] =	vst v63  }
0x266: {  	s30 =	simm.s32 $0x4400  }
0x267: {  	[tilespmem:s30], [sflag:$0x1] =	stream.indirect_vreg.gather [hbm4b:s10+s4], $0x80, v4, vm0, $0xb8;
	[tilespmem:$0x1B400] =	vst v63  }
0x268: {  	s31 =	simm.s32 $0x4C00  }
0x269: {  	[tilespmem:s31], [sflag:$0x1] =	stream.indirect_vreg.gather [hbm4b:s2+s4], $0x80, v3, vm0, $0xb8;
	[tilespmem:$0x1B400] =	vst v63  }
0x26a: {  	s1 =	simm.s32 $0x5400  }
0x26b: {  	[tilespmem:s1], [sflag:$0x1] =	stream.indirect_vreg.gather [hbm4b:s9+s4], $0x80, v3, vm0, $0xb8;
	[tilespmem:$0x1B400] =	vst v63  }
0x26c: {  	s7 =	simm.s32 $0x5C00  }
0x26d: {  	[tilespmem:s7], [sflag:$0x1] =	stream.indirect_vreg.gather [hbm4b:s10+s4], $0x80, v3, vm0, $0xb8;
	[tilespmem:$0x1B400] =	vst v63  }
0x26e: {  	v3 =	vld [tilespmem:s26+$0x240];
	_ =	sdelay $0x4  }
0x26f: {  	v62 =	vshrl.u32 v3, $0x3  }
0x270: {  	v4 =	vmul.u32 $0x30, v62  }
0x271: {  	v3 =	vand.u32 $0x7, v3  }
0x272: {  	v3 =	vor.u32 v3, v4  }
0x273: {  	v4 =	vperm.xlane v3, v0;
	_ =	sdelay $0x1  }
0x274: {  	v4 =	vadd.s32 v1, v4;
	_ =	sdelay $0x3  }
0x275: {  	s8 =	simm.s32 $0x6400;
	v3 =	vperm.xlane v3, v2  }
0x276: {  	[tilespmem:s8], [sflag:$0x1] =	stream.indirect_vreg.gather [hbm4b:s3+s4], $0x80, v4, vm0, $0xb8;
	[tilespmem:$0x1B400] =	vst v63  }
0x277: {  	s13 =	simm.s32 $0x6C00;
	v3 =	vadd.s32 v1, v3  }
0x278: {  	[tilespmem:s13], [sflag:$0x1] =	stream.indirect_vreg.gather [hbm4b:s11+s4], $0x80, v4, vm0, $0xb8;
	[tilespmem:$0x1B400] =	vst v63  }
0x279: {  	s14 =	simm.s32 $0x7400  }
0x27a: {  	[tilespmem:s14], [sflag:$0x1] =	stream.indirect_vreg.gather [hbm4b:s12+s4], $0x80, v4, vm0, $0xb8;
	[tilespmem:$0x1B400] =	vst v63  }
0x27b: {  	s15 =	simm.s32 $0x7C00  }
0x27c: {  	[tilespmem:s15], [sflag:$0x1] =	stream.indirect_vreg.gather [hbm4b:s3+s4], $0x80, v3, vm0, $0xb8;
	[tilespmem:$0x1B400] =	vst v63  }
0x27d: {  	s16 =	simm.s32 $0x8400  }
0x27e: {  	[tilespmem:s16], [sflag:$0x1] =	stream.indirect_vreg.gather [hbm4b:s11+s4], $0x80, v3, vm0, $0xb8;
	[tilespmem:$0x1B400] =	vst v63  }
0x27f: {  	s17 =	simm.s32 $0x8C00  }
0x280: {  	[tilespmem:s17], [sflag:$0x1] =	stream.indirect_vreg.gather [hbm4b:s12+s4], $0x80, v3, vm0, $0xb8;
	[tilespmem:$0x1B400] =	vst v63  }
0x281: {  	v3 =	vld [tilespmem:s26+$0x250];
	_ =	sdelay $0x4  }
0x282: {  	v63 =	vshrl.u32 v3, $0x3  }
0x283: {  	v4 =	vmul.u32 $0x30, v63  }
0x284: {  	v3 =	vand.u32 $0x7, v3  }
0x285: {  	v3 =	vor.u32 v3, v4  }
0x286: {  	v4 =	vperm.xlane v3, v0;
	_ =	sdelay $0x1  }
0x287: {  	v4 =	vadd.s32 v1, v4;
	_ =	sdelay $0x3  }
0x288: {  	s18 =	simm.s32 $0x9400;
	v3 =	vperm.xlane v3, v2  }
0x289: {  	[tilespmem:s18], [sflag:$0x1] =	stream.indirect_vreg.gather [hbm4b:s3+s4], $0x80, v4, vm0, $0xb8;
	[tilespmem:$0x1B400] =	vst v63  }
0x28a: {  	s26 =	simm.s32 $0x9C00;
	v3 =	vadd.s32 v1, v3  }
0x28b: {  	[tilespmem:s26], [sflag:$0x1] =	stream.indirect_vreg.gather [hbm4b:s11+s4], $0x80, v4, vm0, $0xb8;
	[tilespmem:$0x1B400] =	vst v63  }
0x28c: {  	s28 =	simm.s32 $0xA400  }
0x28d: {  	[tilespmem:s28], [sflag:$0x1] =	stream.indirect_vreg.gather [hbm4b:s12+s4], $0x80, v4, vm0, $0xb8;
	[tilespmem:$0x1B400] =	vst v63  }
0x28e: {  	s29 =	simm.s32 $0xAC00  }
0x28f: {  	[tilespmem:s29], [sflag:$0x1] =	stream.indirect_vreg.gather [hbm4b:s3+s4], $0x80, v3, vm0, $0xb8;
	[tilespmem:$0x1B400] =	vst v63  }
0x290: {  	s30 =	simm.s32 $0xB400  }
0x291: {  	[tilespmem:s30], [sflag:$0x1] =	stream.indirect_vreg.gather [hbm4b:s11+s4], $0x80, v3, vm0, $0xb8;
	[tilespmem:$0x1B400] =	vst v63  }
0x292: {  	s31 =	simm.s32 $0xBC00  }
0x293: {  	[tilespmem:s31], [sflag:$0x1] =	stream.indirect_vreg.gather [hbm4b:s12+s4], $0x80, v3, vm0, $0xb8;
	[tilespmem:$0x1B400] =	vst v63  }
.LBB2_6:
0x294: {  	_ =	swait.ge [sflag:s22], $0x6000  }
0x295: {  	[sflag:s22] =	ssyncset.done $0x0  }
0x296: {  	[sflag:s22] =	ssyncadd.s32 $0xFFFFA000  }
0x297: {  	_ =	swait.ge [sflag:s22], $0x6000  }
0x298: {  	[sflag:s22] =	ssyncset.done $0x0  }
0x299: {  	[sflag:s22] =	ssyncadd.s32 $0xFFFFA000  }
0x29a: {  	_ =	swait.ge [sflag:s23], $0x3000  }
0x29b: {  	[sflag:s23] =	ssyncset.done $0x0  }
0x29c: {  	s26 =	simm.s32 $0x0;
	s28 =	simm.s32 $0x0;
	[sflag:s23] =	ssyncadd.s32 $0xFFFFD000  }
.LBB2_7:
0x29d: {  	s1 =	sshrl.u32 s28, $0x2  }
0x29e: {  	s29 =	smul.u32 $0x1800, s1  }
0x29f: {  	s0 =	sand.u32 $0x300, s26  }
0x2a0: {  	s8 =	sor.u32 s0, s29  }
0x2a1: {  	s30 =	sadd.s32 $0xC00, s29;
	v3 =	vld [tilespmem:s8+$0xC400]  }
0x2a2: {  	v4 =	vld [tilespmem:s8+$0x12400];
	s7 =	sor.u32 s0, s30  }
0x2a3: {  	v5 =	vld [tilespmem:s7+$0xC400]  }
0x2a4: {  	v6 =	vld [tilespmem:s7+$0x12400];
	_ =	sdelay $0x3  }
0x2a5: {  	s1 =	smul.u32 $0x3000, s1  }
0x2a6: {  	v3 =	vadd.f32 v4, v3;
	v40 =	vadd.f32 v6, v5  }
0x2a7: {  	s14 =	sshra.s32 s1, $0x2  }
0x2a8: {  	s1 =	sadd.s32 $0x18400, s14;
	v3 =	vshrl.u32 v3, $0x10;
	v4 =	vand.u32 $0xFFFF0000, v40  }
0x2a9: {  	s13 =	sor.u32 s0, s1;
	v3 =	vor.u32 v3, v4  }
0x2aa: {  	[tilespmem:s13+$0x0] =	vst v3  }
0x2ab: {  	v3 =	vld [tilespmem:s8+$0xC410]  }
0x2ac: {  	v41 =	vld [tilespmem:s8+$0x12410]  }
0x2ad: {  	v42 =	vld [tilespmem:s7+$0xC410]  }
0x2ae: {  	v43 =	vld [tilespmem:s7+$0x12410];
	_ =	sdelay $0x4  }
0x2af: {  	v3 =	vadd.f32 v41, v3;
	v44 =	vadd.f32 v43, v42;
	_ =	sdelay $0x1  }
0x2b0: {  	v3 =	vshrl.u32 v3, $0x10;
	v4 =	vand.u32 $0xFFFF0000, v44  }
0x2b1: {  	v3 =	vor.u32 v3, v4  }
0x2b2: {  	[tilespmem:s13+$0x10] =	vst v3  }
0x2b3: {  	v3 =	vld [tilespmem:s8+$0xC420]  }
0x2b4: {  	v45 =	vld [tilespmem:s8+$0x12420]  }
0x2b5: {  	v46 =	vld [tilespmem:s7+$0xC420]  }
0x2b6: {  	v47 =	vld [tilespmem:s7+$0x12420];
	_ =	sdelay $0x4  }
0x2b7: {  	v3 =	vadd.f32 v45, v3;
	v48 =	vadd.f32 v47, v46;
	_ =	sdelay $0x1  }
0x2b8: {  	v3 =	vshrl.u32 v3, $0x10;
	v4 =	vand.u32 $0xFFFF0000, v48  }
0x2b9: {  	v3 =	vor.u32 v3, v4  }
0x2ba: {  	[tilespmem:s13+$0x20] =	vst v3  }
0x2bb: {  	v3 =	vld [tilespmem:s8+$0xC430]  }
0x2bc: {  	v49 =	vld [tilespmem:s8+$0x12430]  }
0x2bd: {  	v50 =	vld [tilespmem:s7+$0xC430]  }
0x2be: {  	v51 =	vld [tilespmem:s7+$0x12430];
	_ =	sdelay $0x4  }
0x2bf: {  	v3 =	vadd.f32 v49, v3;
	v52 =	vadd.f32 v51, v50;
	_ =	sdelay $0x1  }
0x2c0: {  	v3 =	vshrl.u32 v3, $0x10;
	v4 =	vand.u32 $0xFFFF0000, v52  }
0x2c1: {  	v3 =	vor.u32 v3, v4  }
0x2c2: {  	[tilespmem:s13+$0x30] =	vst v3  }
0x2c3: {  	v3 =	vld [tilespmem:s8+$0xC440]  }
0x2c4: {  	v53 =	vld [tilespmem:s8+$0x12440]  }
0x2c5: {  	v54 =	vld [tilespmem:s7+$0xC440]  }
0x2c6: {  	v55 =	vld [tilespmem:s7+$0x12440];
	_ =	sdelay $0x4  }
0x2c7: {  	v3 =	vadd.f32 v53, v3;
	v56 =	vadd.f32 v55, v54;
	_ =	sdelay $0x1  }
0x2c8: {  	v3 =	vshrl.u32 v3, $0x10;
	v4 =	vand.u32 $0xFFFF0000, v56  }
0x2c9: {  	v3 =	vor.u32 v3, v4  }
0x2ca: {  	[tilespmem:s13+$0x40] =	vst v3  }
0x2cb: {  	v3 =	vld [tilespmem:s8+$0xC450]  }
0x2cc: {  	v57 =	vld [tilespmem:s8+$0x12450]  }
0x2cd: {  	v58 =	vld [tilespmem:s7+$0xC450]  }
0x2ce: {  	v59 =	vld [tilespmem:s7+$0x12450];
	_ =	sdelay $0x4  }
0x2cf: {  	v3 =	vadd.f32 v57, v3;
	v60 =	vadd.f32 v59, v58;
	_ =	sdelay $0x1  }
0x2d0: {  	v3 =	vshrl.u32 v3, $0x10;
	v4 =	vand.u32 $0xFFFF0000, v60  }
0x2d1: {  	v3 =	vor.u32 v3, v4  }
0x2d2: {  	[tilespmem:s13+$0x50] =	vst v3  }
0x2d3: {  	v3 =	vld [tilespmem:s8+$0xC460]  }
0x2d4: {  	v61 =	vld [tilespmem:s8+$0x12460]  }
0x2d5: {  	v62 =	vld [tilespmem:s7+$0xC460]  }
0x2d6: {  	v63 =	vld [tilespmem:s7+$0x12460];
	_ =	sdelay $0x4  }
0x2d7: {  	v3 =	vadd.f32 v61, v3;
	v9 =	vadd.f32 v63, v62;
	_ =	sdelay $0x1  }
0x2d8: {  	v3 =	vshrl.u32 v3, $0x10;
	v4 =	vand.u32 $0xFFFF0000, v9  }
0x2d9: {  	v3 =	vor.u32 v3, v4  }
0x2da: {  	[tilespmem:s13+$0x60] =	vst v3  }
0x2db: {  	v3 =	vld [tilespmem:s8+$0xC470]  }
0x2dc: {  	v10 =	vld [tilespmem:s8+$0x12470]  }
0x2dd: {  	v11 =	vld [tilespmem:s7+$0xC470]  }
0x2de: {  	v12 =	vld [tilespmem:s7+$0x12470];
	_ =	sdelay $0x4  }
0x2df: {  	v3 =	vadd.f32 v10, v3;
	v13 =	vadd.f32 v12, v11;
	_ =	sdelay $0x1  }
0x2e0: {  	v3 =	vshrl.u32 v3, $0x10;
	v4 =	vand.u32 $0xFFFF0000, v13  }
0x2e1: {  	v3 =	vor.u32 v3, v4  }
0x2e2: {  	[tilespmem:s13+$0x70] =	vst v3  }
0x2e3: {  	s15 =	sadd.s32 $0x1000, s29;
	v3 =	vld [tilespmem:s8+$0xC800]  }
0x2e4: {  	s31 =	sor.u32 s0, s15;
	v14 =	vld [tilespmem:s8+$0x12800]  }
0x2e5: {  	v15 =	vld [tilespmem:s31+$0xC400]  }
0x2e6: {  	v16 =	vld [tilespmem:s31+$0x12400];
	_ =	sdelay $0x4  }
0x2e7: {  	v3 =	vadd.f32 v14, v3;
	v17 =	vadd.f32 v16, v15;
	_ =	sdelay $0x1  }
0x2e8: {  	s7 =	sadd.s32 $0x18800, s14;
	v3 =	vshrl.u32 v3, $0x10;
	v4 =	vand.u32 $0xFFFF0000, v17  }
0x2e9: {  	s16 =	sor.u32 s0, s7;
	v3 =	vor.u32 v3, v4  }
0x2ea: {  	[tilespmem:s16+$0x0] =	vst v3  }
0x2eb: {  	v3 =	vld [tilespmem:s8+$0xC810]  }
0x2ec: {  	v18 =	vld [tilespmem:s8+$0x12810]  }
0x2ed: {  	v19 =	vld [tilespmem:s31+$0xC410]  }
0x2ee: {  	v20 =	vld [tilespmem:s31+$0x12410];
	_ =	sdelay $0x4  }
0x2ef: {  	v3 =	vadd.f32 v18, v3;
	v21 =	vadd.f32 v20, v19;
	_ =	sdelay $0x1  }
0x2f0: {  	v3 =	vshrl.u32 v3, $0x10;
	v4 =	vand.u32 $0xFFFF0000, v21  }
0x2f1: {  	v3 =	vor.u32 v3, v4  }
0x2f2: {  	[tilespmem:s16+$0x10] =	vst v3  }
0x2f3: {  	v3 =	vld [tilespmem:s8+$0xC820]  }
0x2f4: {  	v22 =	vld [tilespmem:s8+$0x12820]  }
0x2f5: {  	v23 =	vld [tilespmem:s31+$0xC420]  }
0x2f6: {  	v24 =	vld [tilespmem:s31+$0x12420];
	_ =	sdelay $0x4  }
0x2f7: {  	v3 =	vadd.f32 v22, v3;
	v25 =	vadd.f32 v24, v23;
	_ =	sdelay $0x1  }
0x2f8: {  	v3 =	vshrl.u32 v3, $0x10;
	v4 =	vand.u32 $0xFFFF0000, v25  }
0x2f9: {  	v3 =	vor.u32 v3, v4  }
0x2fa: {  	[tilespmem:s16+$0x20] =	vst v3  }
0x2fb: {  	v3 =	vld [tilespmem:s8+$0xC830]  }
0x2fc: {  	v26 =	vld [tilespmem:s8+$0x12830]  }
0x2fd: {  	v27 =	vld [tilespmem:s31+$0xC430]  }
0x2fe: {  	v28 =	vld [tilespmem:s31+$0x12430];
	_ =	sdelay $0x4  }
0x2ff: {  	v3 =	vadd.f32 v26, v3;
	v29 =	vadd.f32 v28, v27;
	_ =	sdelay $0x1  }
0x300: {  	v3 =	vshrl.u32 v3, $0x10;
	v4 =	vand.u32 $0xFFFF0000, v29  }
0x301: {  	v3 =	vor.u32 v3, v4  }
0x302: {  	[tilespmem:s16+$0x30] =	vst v3  }
0x303: {  	v3 =	vld [tilespmem:s8+$0xC840]  }
0x304: {  	v30 =	vld [tilespmem:s8+$0x12840]  }
0x305: {  	v31 =	vld [tilespmem:s31+$0xC440]  }
0x306: {  	v32 =	vld [tilespmem:s31+$0x12440];
	_ =	sdelay $0x4  }
0x307: {  	v3 =	vadd.f32 v30, v3;
	v33 =	vadd.f32 v32, v31;
	_ =	sdelay $0x1  }
0x308: {  	v3 =	vshrl.u32 v3, $0x10;
	v4 =	vand.u32 $0xFFFF0000, v33  }
0x309: {  	v3 =	vor.u32 v3, v4  }
0x30a: {  	[tilespmem:s16+$0x40] =	vst v3  }
0x30b: {  	v3 =	vld [tilespmem:s8+$0xC850]  }
0x30c: {  	v34 =	vld [tilespmem:s8+$0x12850]  }
0x30d: {  	v35 =	vld [tilespmem:s31+$0xC450]  }
0x30e: {  	v36 =	vld [tilespmem:s31+$0x12450];
	_ =	sdelay $0x4  }
0x30f: {  	v3 =	vadd.f32 v34, v3;
	v37 =	vadd.f32 v36, v35;
	_ =	sdelay $0x1  }
0x310: {  	v3 =	vshrl.u32 v3, $0x10;
	v4 =	vand.u32 $0xFFFF0000, v37  }
0x311: {  	v3 =	vor.u32 v3, v4  }
0x312: {  	[tilespmem:s16+$0x50] =	vst v3  }
0x313: {  	v3 =	vld [tilespmem:s8+$0xC860]  }
0x314: {  	v38 =	vld [tilespmem:s8+$0x12860]  }
0x315: {  	v39 =	vld [tilespmem:s31+$0xC460]  }
0x316: {  	v40 =	vld [tilespmem:s31+$0x12460];
	_ =	sdelay $0x4  }
0x317: {  	v3 =	vadd.f32 v38, v3;
	v41 =	vadd.f32 v40, v39;
	_ =	sdelay $0x1  }
0x318: {  	v3 =	vshrl.u32 v3, $0x10;
	v4 =	vand.u32 $0xFFFF0000, v41  }
0x319: {  	v3 =	vor.u32 v3, v4  }
0x31a: {  	[tilespmem:s16+$0x60] =	vst v3  }
0x31b: {  	v3 =	vld [tilespmem:s8+$0xC870]  }
0x31c: {  	v42 =	vld [tilespmem:s8+$0x12870]  }
0x31d: {  	v43 =	vld [tilespmem:s31+$0xC470]  }
0x31e: {  	v44 =	vld [tilespmem:s31+$0x12470];
	_ =	sdelay $0x4  }
0x31f: {  	v3 =	vadd.f32 v42, v3;
	v45 =	vadd.f32 v44, v43;
	_ =	sdelay $0x1  }
0x320: {  	v3 =	vshrl.u32 v3, $0x10;
	v4 =	vand.u32 $0xFFFF0000, v45  }
0x321: {  	s8 =	sadd.s32 $0x800, s29;
	v3 =	vor.u32 v3, v4  }
0x322: {  	s13 =	sor.u32 s0, s8;
	[tilespmem:s16+$0x70] =	vst v3  }
0x323: {  	s31 =	sadd.s32 $0x1400, s29;
	v3 =	vld [tilespmem:s13+$0xC400]  }
0x324: {  	s17 =	sor.u32 s0, s31;
	v46 =	vld [tilespmem:s13+$0x12400]  }
0x325: {  	v47 =	vld [tilespmem:s17+$0xC400]  }
0x326: {  	v48 =	vld [tilespmem:s17+$0x12400];
	_ =	sdelay $0x4  }
0x327: {  	v3 =	vadd.f32 v46, v3;
	v49 =	vadd.f32 v48, v47;
	_ =	sdelay $0x1  }
0x328: {  	s14 =	sadd.s32 $0x18C00, s14;
	v3 =	vshrl.u32 v3, $0x10;
	v4 =	vand.u32 $0xFFFF0000, v49  }
0x329: {  	s18 =	sor.u32 s0, s14;
	v3 =	vor.u32 v3, v4  }
0x32a: {  	[tilespmem:s18+$0x0] =	vst v3  }
0x32b: {  	v3 =	vld [tilespmem:s13+$0xC410]  }
0x32c: {  	v50 =	vld [tilespmem:s13+$0x12410]  }
0x32d: {  	v51 =	vld [tilespmem:s17+$0xC410]  }
0x32e: {  	v52 =	vld [tilespmem:s17+$0x12410];
	_ =	sdelay $0x4  }
0x32f: {  	v3 =	vadd.f32 v50, v3;
	v53 =	vadd.f32 v52, v51;
	_ =	sdelay $0x1  }
0x330: {  	v3 =	vshrl.u32 v3, $0x10;
	v4 =	vand.u32 $0xFFFF0000, v53  }
0x331: {  	v3 =	vor.u32 v3, v4  }
0x332: {  	[tilespmem:s18+$0x10] =	vst v3  }
0x333: {  	v3 =	vld [tilespmem:s13+$0xC420]  }
0x334: {  	v54 =	vld [tilespmem:s13+$0x12420]  }
0x335: {  	v55 =	vld [tilespmem:s17+$0xC420]  }
0x336: {  	v56 =	vld [tilespmem:s17+$0x12420];
	_ =	sdelay $0x4  }
0x337: {  	v3 =	vadd.f32 v54, v3;
	v57 =	vadd.f32 v56, v55;
	_ =	sdelay $0x1  }
0x338: {  	v3 =	vshrl.u32 v3, $0x10;
	v4 =	vand.u32 $0xFFFF0000, v57  }
0x339: {  	v3 =	vor.u32 v3, v4  }
0x33a: {  	[tilespmem:s18+$0x20] =	vst v3  }
0x33b: {  	v3 =	vld [tilespmem:s13+$0xC430]  }
0x33c: {  	v58 =	vld [tilespmem:s13+$0x12430]  }
0x33d: {  	v59 =	vld [tilespmem:s17+$0xC430]  }
0x33e: {  	v60 =	vld [tilespmem:s17+$0x12430];
	_ =	sdelay $0x4  }
0x33f: {  	v3 =	vadd.f32 v58, v3;
	v61 =	vadd.f32 v60, v59;
	_ =	sdelay $0x1  }
0x340: {  	v3 =	vshrl.u32 v3, $0x10;
	v4 =	vand.u32 $0xFFFF0000, v61  }
0x341: {  	v3 =	vor.u32 v3, v4  }
0x342: {  	[tilespmem:s18+$0x30] =	vst v3  }
0x343: {  	v3 =	vld [tilespmem:s13+$0xC440]  }
0x344: {  	v62 =	vld [tilespmem:s13+$0x12440]  }
0x345: {  	v63 =	vld [tilespmem:s17+$0xC440]  }
0x346: {  	v9 =	vld [tilespmem:s17+$0x12440];
	_ =	sdelay $0x4  }
0x347: {  	v3 =	vadd.f32 v62, v3;
	v10 =	vadd.f32 v9, v63;
	_ =	sdelay $0x1  }
0x348: {  	v3 =	vshrl.u32 v3, $0x10;
	v4 =	vand.u32 $0xFFFF0000, v10  }
0x349: {  	v3 =	vor.u32 v3, v4  }
0x34a: {  	[tilespmem:s18+$0x40] =	vst v3  }
0x34b: {  	v3 =	vld [tilespmem:s13+$0xC450]  }
0x34c: {  	v11 =	vld [tilespmem:s13+$0x12450]  }
0x34d: {  	v12 =	vld [tilespmem:s17+$0xC450]  }
0x34e: {  	v13 =	vld [tilespmem:s17+$0x12450];
	_ =	sdelay $0x4  }
0x34f: {  	v3 =	vadd.f32 v11, v3;
	v14 =	vadd.f32 v13, v12;
	_ =	sdelay $0x1  }
0x350: {  	v3 =	vshrl.u32 v3, $0x10;
	v4 =	vand.u32 $0xFFFF0000, v14  }
0x351: {  	v3 =	vor.u32 v3, v4  }
0x352: {  	[tilespmem:s18+$0x50] =	vst v3  }
0x353: {  	v3 =	vld [tilespmem:s13+$0xC460]  }
0x354: {  	v15 =	vld [tilespmem:s13+$0x12460]  }
0x355: {  	v16 =	vld [tilespmem:s17+$0xC460]  }
0x356: {  	v17 =	vld [tilespmem:s17+$0x12460];
	_ =	sdelay $0x4  }
0x357: {  	v3 =	vadd.f32 v15, v3;
	v18 =	vadd.f32 v17, v16;
	_ =	sdelay $0x1  }
0x358: {  	v3 =	vshrl.u32 v3, $0x10;
	v4 =	vand.u32 $0xFFFF0000, v18  }
0x359: {  	v3 =	vor.u32 v3, v4  }
0x35a: {  	[tilespmem:s18+$0x60] =	vst v3  }
0x35b: {  	v3 =	vld [tilespmem:s13+$0xC470]  }
0x35c: {  	v19 =	vld [tilespmem:s13+$0x12470]  }
0x35d: {  	v20 =	vld [tilespmem:s17+$0xC470]  }
0x35e: {  	v21 =	vld [tilespmem:s17+$0x12470];
	_ =	sdelay $0x4  }
0x35f: {  	v3 =	vadd.f32 v19, v3;
	v22 =	vadd.f32 v21, v20;
	_ =	sdelay $0x1  }
0x360: {  	v3 =	vshrl.u32 v3, $0x10;
	v4 =	vand.u32 $0xFFFF0000, v22  }
0x361: {  	s0 =	sor.u32 $0x80, s0;
	v3 =	vor.u32 v3, v4  }
0x362: {  	s29 =	sor.u32 s29, s0;
	[tilespmem:s18+$0x70] =	vst v3  }
0x363: {  	v3 =	vld [tilespmem:s29+$0xC400]  }
0x364: {  	s17 =	sor.u32 s0, s30;
	v23 =	vld [tilespmem:s29+$0x12400]  }
0x365: {  	v24 =	vld [tilespmem:s17+$0xC400]  }
0x366: {  	v25 =	vld [tilespmem:s17+$0x12400];
	_ =	sdelay $0x4  }
0x367: {  	v3 =	vadd.f32 v23, v3;
	v26 =	vadd.f32 v25, v24;
	_ =	sdelay $0x1  }
0x368: {  	v3 =	vshrl.u32 v3, $0x10;
	v4 =	vand.u32 $0xFFFF0000, v26  }
0x369: {  	s1 =	sor.u32 s0, s1;
	v3 =	vor.u32 v3, v4  }
0x36a: {  	[tilespmem:s1+$0x0] =	vst v3  }
0x36b: {  	v3 =	vld [tilespmem:s29+$0xC410]  }
0x36c: {  	v27 =	vld [tilespmem:s29+$0x12410]  }
0x36d: {  	v28 =	vld [tilespmem:s17+$0xC410]  }
0x36e: {  	v29 =	vld [tilespmem:s17+$0x12410];
	_ =	sdelay $0x4  }
0x36f: {  	v3 =	vadd.f32 v27, v3;
	v30 =	vadd.f32 v29, v28;
	_ =	sdelay $0x1  }
0x370: {  	v3 =	vshrl.u32 v3, $0x10;
	v4 =	vand.u32 $0xFFFF0000, v30  }
0x371: {  	v3 =	vor.u32 v3, v4  }
0x372: {  	[tilespmem:s1+$0x10] =	vst v3  }
0x373: {  	v3 =	vld [tilespmem:s29+$0xC420]  }
0x374: {  	v31 =	vld [tilespmem:s29+$0x12420]  }
0x375: {  	v32 =	vld [tilespmem:s17+$0xC420]  }
0x376: {  	v33 =	vld [tilespmem:s17+$0x12420];
	_ =	sdelay $0x4  }
0x377: {  	v3 =	vadd.f32 v31, v3;
	v34 =	vadd.f32 v33, v32;
	_ =	sdelay $0x1  }
0x378: {  	v3 =	vshrl.u32 v3, $0x10;
	v4 =	vand.u32 $0xFFFF0000, v34  }
0x379: {  	v3 =	vor.u32 v3, v4  }
0x37a: {  	[tilespmem:s1+$0x20] =	vst v3  }
0x37b: {  	v3 =	vld [tilespmem:s29+$0xC430]  }
0x37c: {  	v35 =	vld [tilespmem:s29+$0x12430]  }
0x37d: {  	v36 =	vld [tilespmem:s17+$0xC430]  }
0x37e: {  	v37 =	vld [tilespmem:s17+$0x12430];
	_ =	sdelay $0x4  }
0x37f: {  	v3 =	vadd.f32 v35, v3;
	v38 =	vadd.f32 v37, v36;
	_ =	sdelay $0x1  }
0x380: {  	v3 =	vshrl.u32 v3, $0x10;
	v4 =	vand.u32 $0xFFFF0000, v38  }
0x381: {  	v3 =	vor.u32 v3, v4  }
0x382: {  	[tilespmem:s1+$0x30] =	vst v3  }
0x383: {  	v3 =	vld [tilespmem:s29+$0xC440]  }
0x384: {  	v39 =	vld [tilespmem:s29+$0x12440]  }
0x385: {  	v40 =	vld [tilespmem:s17+$0xC440]  }
0x386: {  	v41 =	vld [tilespmem:s17+$0x12440];
	_ =	sdelay $0x4  }
0x387: {  	v3 =	vadd.f32 v39, v3;
	v42 =	vadd.f32 v41, v40;
	_ =	sdelay $0x1  }
0x388: {  	v3 =	vshrl.u32 v3, $0x10;
	v4 =	vand.u32 $0xFFFF0000, v42  }
0x389: {  	v3 =	vor.u32 v3, v4  }
0x38a: {  	[tilespmem:s1+$0x40] =	vst v3  }
0x38b: {  	v3 =	vld [tilespmem:s29+$0xC450]  }
0x38c: {  	v43 =	vld [tilespmem:s29+$0x12450]  }
0x38d: {  	v44 =	vld [tilespmem:s17+$0xC450]  }
0x38e: {  	v45 =	vld [tilespmem:s17+$0x12450];
	_ =	sdelay $0x4  }
0x38f: {  	v3 =	vadd.f32 v43, v3;
	v46 =	vadd.f32 v45, v44;
	_ =	sdelay $0x1  }
0x390: {  	v3 =	vshrl.u32 v3, $0x10;
	v4 =	vand.u32 $0xFFFF0000, v46  }
0x391: {  	v3 =	vor.u32 v3, v4  }
0x392: {  	[tilespmem:s1+$0x50] =	vst v3  }
0x393: {  	v3 =	vld [tilespmem:s29+$0xC460]  }
0x394: {  	v47 =	vld [tilespmem:s29+$0x12460]  }
0x395: {  	v48 =	vld [tilespmem:s17+$0xC460]  }
0x396: {  	v49 =	vld [tilespmem:s17+$0x12460];
	_ =	sdelay $0x4  }
0x397: {  	v3 =	vadd.f32 v47, v3;
	v50 =	vadd.f32 v49, v48;
	_ =	sdelay $0x1  }
0x398: {  	v3 =	vshrl.u32 v3, $0x10;
	v4 =	vand.u32 $0xFFFF0000, v50  }
0x399: {  	v3 =	vor.u32 v3, v4  }
0x39a: {  	[tilespmem:s1+$0x60] =	vst v3  }
0x39b: {  	v3 =	vld [tilespmem:s29+$0xC470]  }
0x39c: {  	v51 =	vld [tilespmem:s29+$0x12470]  }
0x39d: {  	v52 =	vld [tilespmem:s17+$0xC470]  }
0x39e: {  	v53 =	vld [tilespmem:s17+$0x12470];
	_ =	sdelay $0x4  }
0x39f: {  	v3 =	vadd.f32 v51, v3;
	v54 =	vadd.f32 v53, v52;
	_ =	sdelay $0x1  }
0x3a0: {  	v3 =	vshrl.u32 v3, $0x10;
	v4 =	vand.u32 $0xFFFF0000, v54  }
0x3a1: {  	v3 =	vor.u32 v3, v4  }
0x3a2: {  	[tilespmem:s1+$0x70] =	vst v3  }
0x3a3: {  	v3 =	vld [tilespmem:s29+$0xC800]  }
0x3a4: {  	s18 =	sor.u32 s0, s15;
	v55 =	vld [tilespmem:s29+$0x12800]  }
0x3a5: {  	v56 =	vld [tilespmem:s18+$0xC400]  }
0x3a6: {  	v57 =	vld [tilespmem:s18+$0x12400];
	_ =	sdelay $0x4  }
0x3a7: {  	v3 =	vadd.f32 v55, v3;
	v58 =	vadd.f32 v57, v56;
	_ =	sdelay $0x1  }
0x3a8: {  	v3 =	vshrl.u32 v3, $0x10;
	v4 =	vand.u32 $0xFFFF0000, v58  }
0x3a9: {  	s7 =	sor.u32 s0, s7;
	v3 =	vor.u32 v3, v4  }
0x3aa: {  	[tilespmem:s7+$0x0] =	vst v3  }
0x3ab: {  	v3 =	vld [tilespmem:s29+$0xC810]  }
0x3ac: {  	v59 =	vld [tilespmem:s29+$0x12810]  }
0x3ad: {  	v60 =	vld [tilespmem:s18+$0xC410]  }
0x3ae: {  	v61 =	vld [tilespmem:s18+$0x12410];
	_ =	sdelay $0x4  }
0x3af: {  	v3 =	vadd.f32 v59, v3;
	v62 =	vadd.f32 v61, v60;
	_ =	sdelay $0x1  }
0x3b0: {  	v3 =	vshrl.u32 v3, $0x10;
	v4 =	vand.u32 $0xFFFF0000, v62  }
0x3b1: {  	v3 =	vor.u32 v3, v4  }
0x3b2: {  	[tilespmem:s7+$0x10] =	vst v3  }
0x3b3: {  	v3 =	vld [tilespmem:s29+$0xC820]  }
0x3b4: {  	v63 =	vld [tilespmem:s29+$0x12820]  }
0x3b5: {  	v9 =	vld [tilespmem:s18+$0xC420]  }
0x3b6: {  	v10 =	vld [tilespmem:s18+$0x12420];
	_ =	sdelay $0x4  }
0x3b7: {  	v3 =	vadd.f32 v63, v3;
	v11 =	vadd.f32 v10, v9;
	_ =	sdelay $0x1  }
0x3b8: {  	v3 =	vshrl.u32 v3, $0x10;
	v4 =	vand.u32 $0xFFFF0000, v11  }
0x3b9: {  	v3 =	vor.u32 v3, v4  }
0x3ba: {  	[tilespmem:s7+$0x20] =	vst v3  }
0x3bb: {  	v3 =	vld [tilespmem:s29+$0xC830]  }
0x3bc: {  	v12 =	vld [tilespmem:s29+$0x12830]  }
0x3bd: {  	v13 =	vld [tilespmem:s18+$0xC430]  }
0x3be: {  	v14 =	vld [tilespmem:s18+$0x12430];
	_ =	sdelay $0x4  }
0x3bf: {  	v3 =	vadd.f32 v12, v3;
	v15 =	vadd.f32 v14, v13;
	_ =	sdelay $0x1  }
0x3c0: {  	v3 =	vshrl.u32 v3, $0x10;
	v4 =	vand.u32 $0xFFFF0000, v15  }
0x3c1: {  	v3 =	vor.u32 v3, v4  }
0x3c2: {  	[tilespmem:s7+$0x30] =	vst v3  }
0x3c3: {  	v3 =	vld [tilespmem:s29+$0xC840]  }
0x3c4: {  	v16 =	vld [tilespmem:s29+$0x12840]  }
0x3c5: {  	v17 =	vld [tilespmem:s18+$0xC440]  }
0x3c6: {  	v18 =	vld [tilespmem:s18+$0x12440];
	_ =	sdelay $0x4  }
0x3c7: {  	v3 =	vadd.f32 v16, v3;
	v19 =	vadd.f32 v18, v17;
	_ =	sdelay $0x1  }
0x3c8: {  	v3 =	vshrl.u32 v3, $0x10;
	v4 =	vand.u32 $0xFFFF0000, v19  }
0x3c9: {  	v3 =	vor.u32 v3, v4  }
0x3ca: {  	[tilespmem:s7+$0x40] =	vst v3  }
0x3cb: {  	v3 =	vld [tilespmem:s29+$0xC850]  }
0x3cc: {  	v20 =	vld [tilespmem:s29+$0x12850]  }
0x3cd: {  	v21 =	vld [tilespmem:s18+$0xC450]  }
0x3ce: {  	v22 =	vld [tilespmem:s18+$0x12450];
	_ =	sdelay $0x4  }
0x3cf: {  	v3 =	vadd.f32 v20, v3;
	v23 =	vadd.f32 v22, v21;
	_ =	sdelay $0x1  }
0x3d0: {  	v3 =	vshrl.u32 v3, $0x10;
	v4 =	vand.u32 $0xFFFF0000, v23  }
0x3d1: {  	v3 =	vor.u32 v3, v4  }
0x3d2: {  	[tilespmem:s7+$0x50] =	vst v3  }
0x3d3: {  	v3 =	vld [tilespmem:s29+$0xC860]  }
0x3d4: {  	v24 =	vld [tilespmem:s29+$0x12860]  }
0x3d5: {  	v25 =	vld [tilespmem:s18+$0xC460]  }
0x3d6: {  	v26 =	vld [tilespmem:s18+$0x12460];
	_ =	sdelay $0x4  }
0x3d7: {  	v3 =	vadd.f32 v24, v3;
	v27 =	vadd.f32 v26, v25;
	_ =	sdelay $0x1  }
0x3d8: {  	v3 =	vshrl.u32 v3, $0x10;
	v4 =	vand.u32 $0xFFFF0000, v27  }
0x3d9: {  	v3 =	vor.u32 v3, v4  }
0x3da: {  	[tilespmem:s7+$0x60] =	vst v3  }
0x3db: {  	v3 =	vld [tilespmem:s29+$0xC870]  }
0x3dc: {  	v28 =	vld [tilespmem:s29+$0x12870]  }
0x3dd: {  	v29 =	vld [tilespmem:s18+$0xC470]  }
0x3de: {  	v30 =	vld [tilespmem:s18+$0x12470];
	_ =	sdelay $0x4  }
0x3df: {  	v3 =	vadd.f32 v28, v3;
	v31 =	vadd.f32 v30, v29;
	_ =	sdelay $0x1  }
0x3e0: {  	v3 =	vshrl.u32 v3, $0x10;
	v4 =	vand.u32 $0xFFFF0000, v31  }
0x3e1: {  	v3 =	vor.u32 v3, v4  }
0x3e2: {  	s30 =	sor.u32 s0, s8;
	[tilespmem:s7+$0x70] =	vst v3  }
0x3e3: {  	v3 =	vld [tilespmem:s30+$0xC400]  }
0x3e4: {  	s31 =	sor.u32 s0, s31;
	v32 =	vld [tilespmem:s30+$0x12400]  }
0x3e5: {  	v33 =	vld [tilespmem:s31+$0xC400]  }
0x3e6: {  	v34 =	vld [tilespmem:s31+$0x12400];
	_ =	sdelay $0x4  }
0x3e7: {  	v3 =	vadd.f32 v32, v3;
	v35 =	vadd.f32 v34, v33;
	_ =	sdelay $0x1  }
0x3e8: {  	v3 =	vshrl.u32 v3, $0x10;
	v4 =	vand.u32 $0xFFFF0000, v35  }
0x3e9: {  	s0 =	sor.u32 s0, s14;
	v3 =	vor.u32 v3, v4  }
0x3ea: {  	[tilespmem:s0+$0x0] =	vst v3  }
0x3eb: {  	v3 =	vld [tilespmem:s30+$0xC410]  }
0x3ec: {  	v36 =	vld [tilespmem:s30+$0x12410]  }
0x3ed: {  	v37 =	vld [tilespmem:s31+$0xC410]  }
0x3ee: {  	v38 =	vld [tilespmem:s31+$0x12410];
	_ =	sdelay $0x4  }
0x3ef: {  	v3 =	vadd.f32 v36, v3;
	v39 =	vadd.f32 v38, v37;
	_ =	sdelay $0x1  }
0x3f0: {  	v3 =	vshrl.u32 v3, $0x10;
	v4 =	vand.u32 $0xFFFF0000, v39  }
0x3f1: {  	v3 =	vor.u32 v3, v4  }
0x3f2: {  	[tilespmem:s0+$0x10] =	vst v3  }
0x3f3: {  	v3 =	vld [tilespmem:s30+$0xC420]  }
0x3f4: {  	v40 =	vld [tilespmem:s30+$0x12420]  }
0x3f5: {  	v41 =	vld [tilespmem:s31+$0xC420]  }
0x3f6: {  	v42 =	vld [tilespmem:s31+$0x12420];
	_ =	sdelay $0x4  }
0x3f7: {  	v3 =	vadd.f32 v40, v3;
	v43 =	vadd.f32 v42, v41;
	_ =	sdelay $0x1  }
0x3f8: {  	v3 =	vshrl.u32 v3, $0x10;
	v4 =	vand.u32 $0xFFFF0000, v43  }
0x3f9: {  	v3 =	vor.u32 v3, v4  }
0x3fa: {  	[tilespmem:s0+$0x20] =	vst v3  }
0x3fb: {  	v3 =	vld [tilespmem:s30+$0xC430]  }
0x3fc: {  	v44 =	vld [tilespmem:s30+$0x12430]  }
0x3fd: {  	v45 =	vld [tilespmem:s31+$0xC430]  }
0x3fe: {  	v46 =	vld [tilespmem:s31+$0x12430];
	_ =	sdelay $0x4  }
0x3ff: {  	v3 =	vadd.f32 v44, v3;
	v47 =	vadd.f32 v46, v45;
	_ =	sdelay $0x1  }
0x400: {  	v3 =	vshrl.u32 v3, $0x10;
	v4 =	vand.u32 $0xFFFF0000, v47  }
0x401: {  	v3 =	vor.u32 v3, v4  }
0x402: {  	[tilespmem:s0+$0x30] =	vst v3  }
0x403: {  	v3 =	vld [tilespmem:s30+$0xC440]  }
0x404: {  	v48 =	vld [tilespmem:s30+$0x12440]  }
0x405: {  	v49 =	vld [tilespmem:s31+$0xC440]  }
0x406: {  	v50 =	vld [tilespmem:s31+$0x12440];
	_ =	sdelay $0x4  }
0x407: {  	v3 =	vadd.f32 v48, v3;
	v51 =	vadd.f32 v50, v49;
	_ =	sdelay $0x1  }
0x408: {  	v3 =	vshrl.u32 v3, $0x10;
	v4 =	vand.u32 $0xFFFF0000, v51  }
0x409: {  	v3 =	vor.u32 v3, v4  }
0x40a: {  	[tilespmem:s0+$0x40] =	vst v3  }
0x40b: {  	v3 =	vld [tilespmem:s30+$0xC450]  }
0x40c: {  	v52 =	vld [tilespmem:s30+$0x12450]  }
0x40d: {  	v53 =	vld [tilespmem:s31+$0xC450]  }
0x40e: {  	v54 =	vld [tilespmem:s31+$0x12450];
	_ =	sdelay $0x4  }
0x40f: {  	v3 =	vadd.f32 v52, v3;
	v55 =	vadd.f32 v54, v53;
	_ =	sdelay $0x1  }
0x410: {  	v3 =	vshrl.u32 v3, $0x10;
	v4 =	vand.u32 $0xFFFF0000, v55  }
0x411: {  	v3 =	vor.u32 v3, v4  }
0x412: {  	[tilespmem:s0+$0x50] =	vst v3  }
0x413: {  	v3 =	vld [tilespmem:s30+$0xC460]  }
0x414: {  	v56 =	vld [tilespmem:s30+$0x12460]  }
0x415: {  	v57 =	vld [tilespmem:s31+$0xC460]  }
0x416: {  	v58 =	vld [tilespmem:s31+$0x12460];
	_ =	sdelay $0x4  }
0x417: {  	v3 =	vadd.f32 v56, v3;
	v59 =	vadd.f32 v58, v57;
	_ =	sdelay $0x1  }
0x418: {  	v3 =	vshrl.u32 v3, $0x10;
	v4 =	vand.u32 $0xFFFF0000, v59  }
0x419: {  	v3 =	vor.u32 v3, v4  }
0x41a: {  	[tilespmem:s0+$0x60] =	vst v3  }
0x41b: {  	v3 =	vld [tilespmem:s30+$0xC470]  }
0x41c: {  	v60 =	vld [tilespmem:s30+$0x12470]  }
0x41d: {  	v61 =	vld [tilespmem:s31+$0xC470]  }
0x41e: {  	v62 =	vld [tilespmem:s31+$0x12470];
	_ =	sdelay $0x3  }
0x41f: {  	p0 =	sne.s32 s28, $0xF  }
.Ltmp2:
0x420: {  	v3 =	vadd.f32 v60, v3;
	v63 =	vadd.f32 v62, v61;
	(pc) =	sbr.rel @p0 .LBB2_7-.Ltmp2, $4  }
0x421: {  	_ = 	snop  }
0x422: {  	v3 =	vshrl.u32 v3, $0x10;
	v4 =	vand.u32 $0xFFFF0000, v63  }
0x423: {  	v3 =	vor.u32 v3, v4  }
0x424: {  	s26 =	sadd.s32 $0x100, s26;
	s28 =	sadd.s32 $0x1, s28;
	[tilespmem:s0+$0x70] =	vst v3  }
0x425: {  	s24 =	sadd.s32 $0x1, s24  }
0x426: {  	s0 =	sor.u32 s5, s25;
	p0 =	sne.s32 s24, $0x8  }
.Ltmp3:
0x427: {  	s0 =	sshrl.u32 s0, $0x3;
	(pc) =	sbr.rel @p0 .LBB2_2-.Ltmp3, $3  }
0x428: {  	s0 =	smul.u32 $0x180, s0;
	_ =	sdelay $0x1  }
0x429: {  	s0 =	sadd.s32 s6, s0  }
0x42a: {  	[hbm4b:s0+s4] =	stream.linear.scatter [tilespmem:s21], [sflag:$0x3], $0x3000, $0x38;
	[tilespmem:$0x1B400] =	vst v63  }
0x42b: {  	_ =	swait.ge [sflag:s23], $0x3000  }
0x42c: {  	s1 =	rddreg [dreg:$0x8]  }
0x42d: {  	s0 =	rddreg [dreg:$0x7];
	s1 =	sadd.s32 $0x1, s1  }
0x42e: {  	p0 =	sne.s32 s1, s0  }
.Ltmp4:
0x42f: {  	_ = 	snop;
	(pc) =	sbr.rel @p0 .LBB2_1-.Ltmp4, $3  }
0x430: {  	_ =	sdelay $0x1  }
0x431: {  	[sflag:s23] =	ssyncset.done $0x0  }
0x432: {  	[sflag:s23] =	ssyncadd.s32 $0xFFFFD000  }
0x433: {  	_ =	sfence.sel $0x180000  }
0x434: {  	[bflag:$0x0] =	sbarrier.arrive $0xFFFF  }
0x435: {  	_ =	strace $0x90000047  }
0x436: {  	s0 =	stileid.u32;
	[bflag:$0x2] =	sbarrier.arrive $0xFFFF  }
0x437: {  	p0 =	sne.s32 s0, $0x0;
	s0 =	rddreg [dreg:$0x4]  }
0x438: {  	s0 =	sadd.s32 @!p0 $0x100000, s0  }
0x439: {  	[sflag:s0] =	ssyncadd.tile.s32 @!p0 $0x1;
	_ =	shalt  }
.Lfunc_end2:
_tile_overlayer_lowered:
.L_overlay_start_2:
0x43a: {  	(tag) =	ssettag $0x2  }
0x43b: {  	s0 =	rddreg [dreg:$0x0];
	s2 =	stileid.u32  }
0x43c: {  	s1 =	rddreg [dreg:$0x1];
	p0 =	sne.s32 s2, $0x0  }
0x43d: {  	s3 =	rddreg [dreg:$0x2];
	[bflag:$0x3] =	sbarrier.arrive $0xFFFF;
	s2 =	simm.s32 @!p0 $0x1C04  }
0x43e: {  	[timem:s3], [sflag:s2] =	dma.local @!p0 [hbm:s0], s1  }
0x43f: {  	s0 =	simm.s32 @!p0 $0x4  }
0x440: {  	_ =	swait.ge @!p0 [sflag:s0], s1  }
0x441: {  	s1 =	ssub.s32 @!p0 $0x0, s1;
	[sflag:s0] =	ssyncset.done @!p0 $0x0  }
0x442: {  	[sflag:s0] =	ssyncadd.s32 @!p0 s1  }
0x443: {  	[bflag:$0x3] =	sbarrier.arrive $0xFFFF  }
0x444: {  	_ =	shalt  }

</sc_bundles>
